<compile_context>
chip_gen: v7x
topology: tpu7x:2x2x1
jax: 0.10.2.dev20260603
libtpu: 0.0.44.dev20260713+nightly
codegen_flags: <defaults>
</compile_context>

<pallas_src>
import functools

import jax
import jax.numpy as jnp
from jax import lax
from jax.experimental import pallas as pl
from jax.experimental.pallas import tpu as pltpu
from jax.experimental.pallas import tpu_sc as plsc

_N, _E, _D, _ED, _G = 10000, 320000, 128, 16, 64
_H1, _H2, _OUT = 256, 128, 1
_NC, _NS, _L = 2, 16, 16
_NW = _NC * _NS
_EPW = _E // _NW
_CH = 80
_NCHK = _EPW // _CH
_RPT = 624
_ZR = 208
_GCH = 80
_GNC = _EPW // _GCH
_SCH = 40
_SNC = _EPW // _SCH
_SIR = _SCH

_mesh = plsc.VectorSubcoreMesh(core_axis_name="c", subcore_axis_name="s")


_GCH = 40
_GNC = _EPW // _GCH


@functools.partial(
    pl.kernel,
    out_type=(jax.ShapeDtypeStruct((_E, _D), jnp.int32),
              jax.ShapeDtypeStruct((_E, _D), jnp.int32)),
    mesh=_mesh,
    scratch_types=[
        pltpu.VMEM((_GNC, _GCH), jnp.int32),
        pltpu.VMEM((_GNC, _GCH), jnp.int32),
        pltpu.VMEM((_GCH, _D), jnp.int32),
        pltpu.VMEM((_GCH, _D), jnp.int32),
        pltpu.VMEM((_GCH, _D), jnp.int32),
        pltpu.VMEM((_GCH, _D), jnp.int32),
        pltpu.VMEM((_GCH, _D), jnp.int32),
        pltpu.VMEM((_GCH, _D), jnp.int32),
        pltpu.SemaphoreType.DMA,
        pltpu.SemaphoreType.DMA,
        pltpu.SemaphoreType.DMA,
        pltpu.SemaphoreType.DMA,
        pltpu.SemaphoreType.DMA,
        pltpu.SemaphoreType.DMA,
    ],
)
def _sc_gather(pd_hbm, ps_hbm, src3_hbm, dst3_hbm, ad_hbm, as_hbm,
               di2, si2, gd0, gs0, gd1, gs1, gd2, gs2,
               sg0, sg1, sg2, sw0, sw1, sw2):
    c = lax.axis_index("c")
    s = lax.axis_index("s")
    wid = s * _NC + c
    base = wid * _EPW
    gd = (gd0, gd1, gd2)
    gs = (gs0, gs1, gs2)
    sg = (sg0, sg1, sg2)
    sw = (sw0, sw1, sw2)

    pltpu.sync_copy(dst3_hbm.at[wid], di2)
    pltpu.sync_copy(src3_hbm.at[wid], si2)

    def start_g(i, b):
        pltpu.async_copy(pd_hbm.at[di2.at[i]], gd[b], sg[b])
        pltpu.async_copy(ps_hbm.at[si2.at[i]], gs[b], sg[b])

    def wait_g(b):
        pltpu.make_async_copy(pd_hbm.at[di2.at[0]], gd[b], sg[b]).wait()
        pltpu.make_async_copy(ps_hbm.at[si2.at[0]], gs[b], sg[b]).wait()

    def start_wb(i, b):
        sl = pl.ds(base + i * _GCH, _GCH)
        pltpu.async_copy(gd[b], ad_hbm.at[sl, :], sw[b])
        pltpu.async_copy(gs[b], as_hbm.at[sl, :], sw[b])

    def wait_wb(b):
        sl = pl.ds(base, _GCH)
        pltpu.make_async_copy(gd[b], ad_hbm.at[sl, :], sw[b]).wait()
        pltpu.make_async_copy(gs[b], as_hbm.at[sl, :], sw[b]).wait()

    start_g(0, 0)
    start_g(1, 1)

    @pl.loop(0, (_GNC - 1) // 3)
    def _triple(p):
        for b in (0, 1, 2):
            i = 3 * p + b
            wait_g(b)
            start_wb(i, b)
            b2 = (b + 2) % 3
            if b == 0:
                @pl.when(p > 0)
                def _():
                    wait_wb(b2)
                    start_g(i + 2, b2)

                @pl.when(p == 0)
                def _():
                    start_g(i + 2, b2)
            else:
                wait_wb(b2)

                @pl.when(i + 2 < _GNC)
                def _():
                    start_g(i + 2, b2)

    wait_g(0)
    start_wb(_GNC - 1, 0)
    wait_wb(2)
    wait_wb(0)


@functools.partial(
    pl.kernel,
    out_type=jax.ShapeDtypeStruct((_NC, _N, _D), jnp.float32),
    mesh=_mesh,
    scratch_types=[
        pltpu.VMEM((_EPW // _SIR, _SIR), jnp.int32),
        pltpu.VMEM((_SCH, _D), jnp.float32),
        pltpu.VMEM((_SCH, _D), jnp.float32),
        pltpu.VMEM_SHARED((_N, _D), jnp.float32),
        pltpu.SemaphoreType.DMA,
        pltpu.SemaphoreType.DMA,
        pltpu.SemaphoreType.DMA,
        pltpu.SemaphoreType.DMA,
    ],
)
def _sc_scatter(m_hbm, dsts_hbm, zeros_hbm, out_hbm, di2, mb0, mb1, acc,
                sm0, sm1, ssc0, ssc1):
    c = lax.axis_index("c")
    s = lax.axis_index("s")
    wid = s * _NC + c
    base = wid * _EPW
    mb = (mb0, mb1)
    sm = (sm0, sm1)
    ssc = (ssc0, ssc1)

    pltpu.sync_copy(dsts_hbm.at[wid], di2)

    r_base = s * _RPT
    pltpu.sync_copy(zeros_hbm.at[pl.ds(r_base, _RPT), :],
                    acc.at[pl.ds(r_base, _RPT), :])

    @pl.when(s == _NS - 1)
    def _():
        pltpu.sync_copy(zeros_hbm.at[pl.ds(_NS * _RPT, _N - _NS * _RPT), :],
                        acc.at[pl.ds(_NS * _RPT, _N - _NS * _RPT), :])

    plsc.subcore_barrier()

    def start_m(i, b):
        pltpu.async_copy(m_hbm.at[pl.ds(base + i * _SCH, _SCH), :], mb[b], sm[b])

    def wait_m(b):
        pltpu.make_async_copy(m_hbm.at[pl.ds(base, _SCH), :], mb[b], sm[b]).wait()

    def start_sc(i, b):
        pltpu.async_copy(mb[b], acc.at[di2.at[i]], ssc[b], add=True)

    def wait_sc(b):
        pltpu.make_async_copy(mb[b], acc.at[di2.at[0]], ssc[b]).wait()

    start_m(0, 0)
    start_m(1, 1)

    @pl.loop(0, _SNC // 2)
    def _pair(p):
        for b in (0, 1):
            wait_m(b)
            start_sc(2 * p + b, b)
        for b in (0, 1):
            i = 2 * p + b
            wait_sc(b)

            @pl.when(i + 2 < _SNC)
            def _():
                start_m(i + 2, b)

    plsc.subcore_barrier()
    pltpu.sync_copy(acc.at[pl.ds(r_base, _RPT), :],
                    out_hbm.at[c, pl.ds(r_base, _RPT), :])

    @pl.when(s == _NS - 1)
    def _():
        pltpu.sync_copy(acc.at[pl.ds(_NS * _RPT, _N - _NS * _RPT), :],
                        out_hbm.at[c, pl.ds(_NS * _RPT, _N - _NS * _RPT), :])


_BE = 2000


def _unpack_lo(u):
    return lax.bitcast_convert_type(lax.shift_left(u, 16), jnp.float32)


def _unpack_hi(u):
    return lax.bitcast_convert_type(
        lax.bitwise_and(u, jnp.int32(-65536)), jnp.float32)


def _gate_body(ad_ref, as_ref, ea_ref, wef_ref, wes_ref, bf_ref, bs_ref,
               m_ref):
    ud = ad_ref[...]
    us = as_ref[...]
    ea = ea_ref[...]
    zf = _unpack_lo(ud) + _unpack_lo(us) + jnp.dot(
        ea, wef_ref[...], preferred_element_type=jnp.float32) + bf_ref[...]
    zs = _unpack_hi(ud) + _unpack_hi(us) + jnp.dot(
        ea, wes_ref[...], preferred_element_type=jnp.float32) + bs_ref[...]
    m_ref[...] = jax.nn.sigmoid(zf) * jax.nn.softplus(zs)


def _gate(ad, as_, ea, wef, wes, bf, bs):
    grid = (_E // _BE,)
    return pl.pallas_call(
        _gate_body,
        grid=grid,
        in_specs=[
            pl.BlockSpec((_BE, _D), lambda i: (i, 0)),
            pl.BlockSpec((_BE, _D), lambda i: (i, 0)),
            pl.BlockSpec((_BE, _ED), lambda i: (i, 0)),
            pl.BlockSpec((_ED, _D), lambda i: (0, 0)),
            pl.BlockSpec((_ED, _D), lambda i: (0, 0)),
            pl.BlockSpec((1, _D), lambda i: (0, 0)),
            pl.BlockSpec((1, _D), lambda i: (0, 0)),
        ],
        out_specs=pl.BlockSpec((_BE, _D), lambda i: (i, 0)),
        out_shape=jax.ShapeDtypeStruct((_E, _D), jnp.float32),
    )(ad, as_, ea, wef, wes, bf, bs)


_BN_ROWS = 2000


def _pack_bf16_pair(zf, zs):
    uf = lax.bitcast_convert_type(zf, jnp.int32)
    us = lax.bitcast_convert_type(zs, jnp.int32)
    one = jnp.int32(1)
    rf = lax.shift_right_logical(
        uf + jnp.int32(0x7FFF)
        + lax.bitwise_and(lax.shift_right_logical(uf, 16), one), 16)
    rs = lax.shift_right_logical(
        us + jnp.int32(0x7FFF)
        + lax.bitwise_and(lax.shift_right_logical(us, 16), one), 16)
    return lax.bitwise_or(lax.shift_left(rs, 16), rf)


def _proj_body(h_ref, wdf_ref, wds_ref, wsf_ref, wss_ref, pd_ref, ps_ref):
    h = h_ref[...]
    pd_ref[...] = _pack_bf16_pair(
        jnp.dot(h, wdf_ref[...], preferred_element_type=jnp.float32),
        jnp.dot(h, wds_ref[...], preferred_element_type=jnp.float32))
    ps_ref[...] = _pack_bf16_pair(
        jnp.dot(h, wsf_ref[...], preferred_element_type=jnp.float32),
        jnp.dot(h, wss_ref[...], preferred_element_type=jnp.float32))


def _projs(h, wdf, wds, wsf, wss):
    grid = (_N // _BN_ROWS,)
    return pl.pallas_call(
        _proj_body,
        grid=grid,
        in_specs=[
            pl.BlockSpec((_BN_ROWS, _D), lambda i: (i, 0)),
            pl.BlockSpec((_D, _D), lambda i: (0, 0)),
            pl.BlockSpec((_D, _D), lambda i: (0, 0)),
            pl.BlockSpec((_D, _D), lambda i: (0, 0)),
            pl.BlockSpec((_D, _D), lambda i: (0, 0)),
        ],
        out_specs=[
            pl.BlockSpec((_BN_ROWS, _D), lambda i: (i, 0)),
            pl.BlockSpec((_BN_ROWS, _D), lambda i: (i, 0)),
        ],
        out_shape=[
            jax.ShapeDtypeStruct((_N, _D), jnp.int32),
            jax.ShapeDtypeStruct((_N, _D), jnp.int32),
        ],
    )(h, wdf, wds, wsf, wss)


def _bn(h, g, b):
    mu = jnp.mean(h, axis=0, keepdims=True)
    var = jnp.mean((h - mu) * (h - mu), axis=0, keepdims=True)
    return (h - mu) / jnp.sqrt(var + 1e-5) * g + b


def _bnproj_body(p_ref, h_ref, g_ref, b_ref, wdf_ref, wds_ref, wsf_ref,
                 wss_ref, hn_ref, pd_ref, ps_ref):
    agg = p_ref[0] + p_ref[1]
    hn = _bn(agg, g_ref[...], b_ref[...]) + h_ref[...]
    hn_ref[...] = hn
    pd_ref[...] = _pack_bf16_pair(
        jnp.dot(hn, wdf_ref[...], preferred_element_type=jnp.float32),
        jnp.dot(hn, wds_ref[...], preferred_element_type=jnp.float32))
    ps_ref[...] = _pack_bf16_pair(
        jnp.dot(hn, wsf_ref[...], preferred_element_type=jnp.float32),
        jnp.dot(hn, wss_ref[...], preferred_element_type=jnp.float32))


def _bnproj(parts, h, g, b, wdf, wds, wsf, wss):
    return pl.pallas_call(
        _bnproj_body,
        in_specs=[
            pl.BlockSpec((2, _N, _D), lambda: (0, 0, 0)),
            pl.BlockSpec((_N, _D), lambda: (0, 0)),
            pl.BlockSpec((1, _D), lambda: (0, 0)),
            pl.BlockSpec((1, _D), lambda: (0, 0)),
            pl.BlockSpec((_D, _D), lambda: (0, 0)),
            pl.BlockSpec((_D, _D), lambda: (0, 0)),
            pl.BlockSpec((_D, _D), lambda: (0, 0)),
            pl.BlockSpec((_D, _D), lambda: (0, 0)),
        ],
        out_specs=[
            pl.BlockSpec((_N, _D), lambda: (0, 0)),
            pl.BlockSpec((_N, _D), lambda: (0, 0)),
            pl.BlockSpec((_N, _D), lambda: (0, 0)),
        ],
        out_shape=[
            jax.ShapeDtypeStruct((_N, _D), jnp.float32),
            jax.ShapeDtypeStruct((_N, _D), jnp.int32),
            jax.ShapeDtypeStruct((_N, _D), jnp.int32),
        ],
    )(parts, h, g, b, wdf, wds, wsf, wss)


def _head_body(p_ref, h_ref, g_ref, b_ref, batch_ref,
               w1_ref, b1_ref, g1_ref, be1_ref,
               w2_ref, b2_ref, g2_ref, be2_ref,
               w3_ref, b3_ref, out_ref):
    agg = p_ref[0] + p_ref[1]
    h4 = _bn(agg, g_ref[...], b_ref[...]) + h_ref[...]
    bvec = batch_ref[...]
    gids = lax.broadcasted_iota(jnp.int32, (_G, 1), 0)
    onehot = (bvec == gids).astype(jnp.float32)
    sums = jnp.dot(onehot, h4, preferred_element_type=jnp.float32, precision=lax.Precision.HIGHEST)
    cnt = jnp.sum(onehot, axis=1, keepdims=True)
    pooled = sums / jnp.maximum(cnt, 1.0)
    z1 = jnp.dot(pooled, w1_ref[...], preferred_element_type=jnp.float32, precision=lax.Precision.HIGHEST) + b1_ref[...]
    a1 = jnp.maximum(_bn(z1, g1_ref[...], be1_ref[...]), 0.0)
    z2 = jnp.dot(a1, w2_ref[...], preferred_element_type=jnp.float32, precision=lax.Precision.HIGHEST) + b2_ref[...]
    a2 = jnp.maximum(_bn(z2, g2_ref[...], be2_ref[...]), 0.0)
    out_ref[...] = jnp.dot(a2, w3_ref[...], preferred_element_type=jnp.float32, precision=lax.Precision.HIGHEST) + b3_ref[...]


def _head(parts, h, g, b, batch2d, w1, b1, g1, be1, w2, b2, g2, be2, w3, b3):
    full = lambda s: pl.BlockSpec(s, lambda: tuple(0 for _ in s))
    return pl.pallas_call(
        _head_body,
        in_specs=[
            pl.BlockSpec((2, _N, _D), lambda: (0, 0, 0)),
            full((_N, _D)), full((1, _D)), full((1, _D)), full((1, _N)),
            full((_D, _H1)), full((1, _H1)), full((1, _H1)), full((1, _H1)),
            full((_H1, _H2)), full((1, _H2)), full((1, _H2)), full((1, _H2)),
            full((_H2, _OUT)), full((1, _OUT)),
        ],
        out_specs=full((_G, _OUT)),
        out_shape=jax.ShapeDtypeStruct((_G, _OUT), jnp.float32),
    )(parts, h, g, b,
      batch2d, w1, b1, g1, be1, w2, b2, g2, be2, w3, b3)


def kernel(x, edge_index, edge_attr, batch, Wf, bf, Ws, bs, bng, bnb,
           W1, b1, g1, be1, W2, b2, g2, be2, W3, b3):
    src3 = edge_index[0].reshape(_NW, _GNC, _GCH)
    dst3 = edge_index[1].reshape(_NW, _GNC, _GCH)
    dsts = edge_index[1].reshape(_NW, _EPW // _SIR, _SIR)
    zeros = jnp.zeros((_N, _D), jnp.float32)
    batch2d = batch.reshape(1, _N)

    wdf = [Wf[i, :_D] for i in range(4)]
    wds = [Ws[i, :_D] for i in range(4)]
    wsf = [Wf[i, _D:2 * _D] for i in range(4)]
    wss = [Ws[i, _D:2 * _D] for i in range(4)]
    wef = [Wf[i, 2 * _D:] for i in range(4)]
    wes = [Ws[i, 2 * _D:] for i in range(4)]
    bf2 = [bf[i].reshape(1, _D) for i in range(4)]
    bs2 = [bs[i].reshape(1, _D) for i in range(4)]
    g2d = [bng[i].reshape(1, _D) for i in range(4)]
    b2d = [bnb[i].reshape(1, _D) for i in range(4)]

    h = x
    pd, ps = _projs(x, wdf[0], wds[0], wsf[0], wss[0])
    out = None
    for i in range(4):
        ad, as_ = _sc_gather(pd, ps, src3, dst3)
        m = _gate(ad, as_, edge_attr, wef[i], wes[i], bf2[i], bs2[i])
        parts = _sc_scatter(m, dsts, zeros)
        if i < 3:
            h, pd, ps = _bnproj(parts, h, g2d[i], b2d[i],
                                wdf[i + 1], wds[i + 1], wsf[i + 1], wss[i + 1])
        else:
            out = _head(parts, h, g2d[i], b2d[i], batch2d,
                        W1, b1.reshape(1, _H1), g1.reshape(1, _H1),
                        be1.reshape(1, _H1),
                        W2, b2.reshape(1, _H2), g2.reshape(1, _H2),
                        be2.reshape(1, _H2),
                        W3, b3.reshape(1, _OUT))
    return out

# --- scband reference (transcript-rebuilt; emitter-appended) ---
"""Pipeline reference for scband-gnn-12678743458254 (READ-ONLY COPY).

The authoritative reference and input builder live on the scoring server;
editing this copy changes nothing except your own understanding.
"""

import jax, jax.numpy as jnp
import numpy as np


def _bn(h, g, b):
    mu = h.mean(0)
    var = h.var(0)
    return (h - mu) / jnp.sqrt(var + 1e-5) * g + b


def _cgconv(x, src, dst, ea, Wf, bf, Ws, bs, g, b):
    # CGConv (PyG): z = cat([x_i, x_j, edge_attr]); x_i = dst/target, x_j = src/source
    z = jnp.concatenate([x[dst], x[src], ea], axis=-1)
    m = jax.nn.sigmoid(z @ Wf + bf) * jax.nn.softplus(z @ Ws + bs)
    agg = jax.ops.segment_sum(m, dst, num_segments=x.shape[0])
    return _bn(agg, g, b) + x


def setup_inputs(seed: int = 0):
    key = jax.random.key(seed)
    ks = jax.random.split(key, 12)
    N, E, D, ED = 10000, 320000, 128, 16
    H1, H2, OUT, G = 256, 128, 1, 64
    scale = 0.05
    x = jax.random.normal(ks[0], (N, D), dtype=jnp.float32)
    edge_index = jax.random.randint(ks[1], (2, E), 0, N, dtype=jnp.int32)
    edge_attr = jax.random.uniform(ks[2], (E, ED), dtype=jnp.float32)
    batch = jnp.sort(jax.random.randint(ks[3], (N,), 0, G, dtype=jnp.int32))
    Wf = jax.random.normal(ks[4], (4, 2 * D + ED, D), dtype=jnp.float32) * scale
    bf = jnp.zeros((4, D), dtype=jnp.float32)
    Ws = jax.random.normal(ks[5], (4, 2 * D + ED, D), dtype=jnp.float32) * scale
    bs = jnp.zeros((4, D), dtype=jnp.float32)
    bng = jnp.ones((4, D), dtype=jnp.float32)
    bnb = jnp.zeros((4, D), dtype=jnp.float32)
    W1 = jax.random.normal(ks[6], (D, H1), dtype=jnp.float32) * scale
    b1 = jnp.zeros((H1,), dtype=jnp.float32)
    g1 = jnp.ones((H1,), dtype=jnp.float32)
    be1 = jnp.zeros((H1,), dtype=jnp.float32)
    W2 = jax.random.normal(ks[7], (H1, H2), dtype=jnp.float32) * scale
    b2 = jnp.zeros((H2,), dtype=jnp.float32)
    g2 = jnp.ones((H2,), dtype=jnp.float32)
    be2 = jnp.zeros((H2,), dtype=jnp.float32)
    W3 = jax.random.normal(ks[8], (H2, OUT), dtype=jnp.float32) * scale
    b3 = jnp.zeros((OUT,), dtype=jnp.float32)
    return {"x": x, "edge_index": edge_index, "edge_attr": edge_attr, "batch": batch,
            "Wf": Wf, "bf": bf, "Ws": Ws, "bs": bs, "bng": bng, "bnb": bnb,
            "W1": W1, "b1": b1, "g1": g1, "be1": be1,
            "W2": W2, "b2": b2, "g2": g2, "be2": be2,
            "W3": W3, "b3": b3}


def reference(x, edge_index, edge_attr, batch, Wf, bf, Ws, bs, bng, bnb,
              W1, b1, g1, be1, W2, b2, g2, be2, W3, b3):
    src, dst = edge_index[0], edge_index[1]
    h = x
    for i in range(4):
        h = _cgconv(h, src, dst, edge_attr, Wf[i], bf[i], Ws[i], bs[i], bng[i], bnb[i])
    G = 64
    sums = jax.ops.segment_sum(h, batch, num_segments=G)
    cnt = jax.ops.segment_sum(jnp.ones((h.shape[0], 1), dtype=h.dtype), batch, num_segments=G)
    pooled = sums / jnp.maximum(cnt, 1.0)
    h = jax.nn.relu(_bn(pooled @ W1 + b1, g1, be1))
    h = jax.nn.relu(_bn(h @ W2 + b2, g2, be2))
    return h @ W3 + b3

if __name__ == "__main__":
    import jax
    _d = setup_inputs()
    print(jax.jit(kernel)(*tuple(_d.values())))

</pallas_src>

<mosaic_0001>
#map = affine_map<(d0, d1) -> (0, 0)>
#map1 = affine_map<(d0, d1) -> (0, 0, 0)>
module attributes {stable_mosaic.version = 14 : i64} {
  func.func @_sc_scatter(%arg0: i32, %arg1: i32, %arg2: memref<320000x128xf32, #tpu.memory_space<hbm>>, %arg3: memref<32x250x40xi32, #tpu.memory_space<hbm>>, %arg4: memref<10000x128xf32, #tpu.memory_space<hbm>>, %arg5: memref<2x10000x128xf32, #tpu.memory_space<hbm>>, %arg6: memref<250x40xi32, #tpu.memory_space<vmem>>, %arg7: memref<40x128xf32, #tpu.memory_space<vmem>>, %arg8: memref<40x128xf32, #tpu.memory_space<vmem>>, %arg9: memref<10000x128xf32, #tpu.memory_space<vmem_shared>>, %arg10: memref<!tpu.dma_semaphore, #tpu.memory_space<semaphore_mem>>, %arg11: memref<!tpu.dma_semaphore, #tpu.memory_space<semaphore_mem>>, %arg12: memref<!tpu.dma_semaphore, #tpu.memory_space<semaphore_mem>>, %arg13: memref<!tpu.dma_semaphore, #tpu.memory_space<semaphore_mem>>) attributes {dimension_semantics = [#tpu.dimension_semantics<core_parallel>, #tpu.dimension_semantics<subcore_parallel>], iteration_bounds = array<i64: 2, 16>, scalar_prefetch = 0 : i64, scratch_operands = 8 : i64, tpu.core_type = #tpu.core_type<sc_vector_subcore>, window_params = [{transform_indices = #map}, {transform_indices = #map1}, {transform_indices = #map}, {transform_indices = #map1}]} {
    %mul3A = arith.constant 2 : i32
    %mul3A_0 = arith.muli %arg1, %mul3A : i32
    %add3A = arith.addi %mul3A_0, %arg0 : i32
    %mul3A_1 = arith.constant 10000 : i32
    %mul3A_2 = arith.muli %add3A, %mul3A_1 : i32
    "tpu.region"() ({
      %run_scoped3A = tpu.sem_alloc : memref<!tpu.dma_semaphore, #tpu.memory_space<semaphore_mem>>
      %dma_start3A_28 = arith.constant 0 : i32
      %dma_start3A_29 = arith.constant 0 : i32
      %dma_start3A_30 = tpu.memref_slice %arg3[%add3A, %dma_start3A_28, %dma_start3A_29] : memref<32x250x40xi32, #tpu.memory_space<hbm>> -> memref<1x250x40xi32, #tpu.memory_space<hbm>>
      %dma_start3A_31 = tpu.memref_squeeze %dma_start3A_30 : memref<1x250x40xi32, #tpu.memory_space<hbm>> -> memref<250x40xi32, #tpu.memory_space<hbm>>
      %dma_start3A_32 = arith.constant 0 : i32
      %dma_start3A_33 = arith.constant 0 : i32
      %dma_start3A_34 = tpu.memref_slice %arg3[%add3A, %dma_start3A_32, %dma_start3A_33] : memref<32x250x40xi32, #tpu.memory_space<hbm>> -> memref<1x250x40xi32, #tpu.memory_space<hbm>>
      %dma_start3A_35 = tpu.memref_squeeze %dma_start3A_34 : memref<1x250x40xi32, #tpu.memory_space<hbm>> -> memref<250x40xi32, #tpu.memory_space<hbm>>
      tpu.enqueue_dma source(%dma_start3A_35 : memref<250x40xi32, #tpu.memory_space<hbm>>) target(%arg6 : memref<250x40xi32, #tpu.memory_space<vmem>>) target_semaphore(%run_scoped3A : memref<!tpu.dma_semaphore, #tpu.memory_space<semaphore_mem>>)
      %dma_wait3A = arith.constant 0 : i32
      %dma_wait3A_36 = arith.constant 0 : i32
      %dma_wait3A_37 = tpu.memref_slice %arg3[%add3A, %dma_wait3A, %dma_wait3A_36] : memref<32x250x40xi32, #tpu.memory_space<hbm>> -> memref<1x250x40xi32, #tpu.memory_space<hbm>>
      %dma_wait3A_38 = tpu.memref_squeeze %dma_wait3A_37 : memref<1x250x40xi32, #tpu.memory_space<hbm>> -> memref<250x40xi32, #tpu.memory_space<hbm>>
      %dma_wait3A_39 = arith.constant 0 : i32
      %dma_wait3A_40 = arith.constant 0 : i32
      %dma_wait3A_41 = tpu.memref_slice %arg3[%add3A, %dma_wait3A_39, %dma_wait3A_40] : memref<32x250x40xi32, #tpu.memory_space<hbm>> -> memref<1x250x40xi32, #tpu.memory_space<hbm>>
      %dma_wait3A_42 = tpu.memref_squeeze %dma_wait3A_41 : memref<1x250x40xi32, #tpu.memory_space<hbm>> -> memref<250x40xi32, #tpu.memory_space<hbm>>
      tpu.wait_dma2 semaphore(%run_scoped3A : memref<!tpu.dma_semaphore, #tpu.memory_space<semaphore_mem>>) src(%dma_wait3A_42 : memref<250x40xi32, #tpu.memory_space<hbm>>) dst(%arg6 : memref<250x40xi32, #tpu.memory_space<vmem>>)
      tpu.yield
    }) : () -> ()
    %mul3A_3 = arith.constant 624 : i32
    %mul3A_4 = arith.muli %arg1, %mul3A_3 : i32
    "tpu.region"() ({
      %run_scoped3A = tpu.sem_alloc : memref<!tpu.dma_semaphore, #tpu.memory_space<semaphore_mem>>
      %dma_start3A_28 = arith.constant 0 : i32
      %dma_start3A_29 = tpu.memref_slice %arg9[%mul3A_4, %dma_start3A_28] : memref<10000x128xf32, #tpu.memory_space<vmem_shared>> -> memref<624x128xf32, #tpu.memory_space<vmem_shared>>
      %dma_start3A_30 = arith.constant 0 : i32
      %dma_start3A_31 = tpu.memref_slice %arg4[%mul3A_4, %dma_start3A_30] : memref<10000x128xf32, #tpu.memory_space<hbm>> -> memref<624x128xf32, #tpu.memory_space<hbm>>
      tpu.enqueue_dma source(%dma_start3A_31 : memref<624x128xf32, #tpu.memory_space<hbm>>) target(%dma_start3A_29 : memref<624x128xf32, #tpu.memory_space<vmem_shared>>) target_semaphore(%run_scoped3A : memref<!tpu.dma_semaphore, #tpu.memory_space<semaphore_mem>>)
      %dma_wait3A = arith.constant 0 : i32
      %dma_wait3A_32 = tpu.memref_slice %arg9[%mul3A_4, %dma_wait3A] : memref<10000x128xf32, #tpu.memory_space<vmem_shared>> -> memref<624x128xf32, #tpu.memory_space<vmem_shared>>
      %dma_wait3A_33 = arith.constant 0 : i32
      %dma_wait3A_34 = tpu.memref_slice %arg4[%mul3A_4, %dma_wait3A_33] : memref<10000x128xf32, #tpu.memory_space<hbm>> -> memref<624x128xf32, #tpu.memory_space<hbm>>
      tpu.wait_dma2 semaphore(%run_scoped3A : memref<!tpu.dma_semaphore, #tpu.memory_space<semaphore_mem>>) src(%dma_wait3A_34 : memref<624x128xf32, #tpu.memory_space<hbm>>) dst(%dma_wait3A_32 : memref<624x128xf32, #tpu.memory_space<vmem_shared>>)
      tpu.yield
    }) : () -> ()
    %eq3A = arith.constant 15 : i32
    %eq3A_5 = arith.cmpi eq, %arg1, %eq3A : i32
    %convert_element_type3A = arith.extui %eq3A_5 : i1 to i32
    %cond3A = arith.constant 0 : i32
    %cond3A_6 = arith.cmpi ne, %convert_element_type3A, %cond3A : i32
    scf.if %cond3A_6 {
      "tpu.region"() ({
        %run_scoped3A = tpu.sem_alloc : memref<!tpu.dma_semaphore, #tpu.memory_space<semaphore_mem>>
        %dma_start3A_28 = arith.constant 9984 : i32
        %dma_start3A_29 = arith.constant 0 : i32
        %dma_start3A_30 = tpu.memref_slice %arg9[%dma_start3A_28, %dma_start3A_29] : memref<10000x128xf32, #tpu.memory_space<vmem_shared>> -> memref<16x128xf32, #tpu.memory_space<vmem_shared>>
        %dma_start3A_31 = arith.constant 9984 : i32
        %dma_start3A_32 = arith.constant 0 : i32
        %dma_start3A_33 = tpu.memref_slice %arg4[%dma_start3A_31, %dma_start3A_32] : memref<10000x128xf32, #tpu.memory_space<hbm>> -> memref<16x128xf32, #tpu.memory_space<hbm>>
        tpu.enqueue_dma source(%dma_start3A_33 : memref<16x128xf32, #tpu.memory_space<hbm>>) target(%dma_start3A_30 : memref<16x128xf32, #tpu.memory_space<vmem_shared>>) target_semaphore(%run_scoped3A : memref<!tpu.dma_semaphore, #tpu.memory_space<semaphore_mem>>)
        %dma_wait3A = arith.constant 9984 : i32
        %dma_wait3A_34 = arith.constant 0 : i32
        %dma_wait3A_35 = tpu.memref_slice %arg9[%dma_wait3A, %dma_wait3A_34] : memref<10000x128xf32, #tpu.memory_space<vmem_shared>> -> memref<16x128xf32, #tpu.memory_space<vmem_shared>>
        %dma_wait3A_36 = arith.constant 9984 : i32
        %dma_wait3A_37 = arith.constant 0 : i32
        %dma_wait3A_38 = tpu.memref_slice %arg4[%dma_wait3A_36, %dma_wait3A_37] : memref<10000x128xf32, #tpu.memory_space<hbm>> -> memref<16x128xf32, #tpu.memory_space<hbm>>
        tpu.wait_dma2 semaphore(%run_scoped3A : memref<!tpu.dma_semaphore, #tpu.memory_space<semaphore_mem>>) src(%dma_wait3A_38 : memref<16x128xf32, #tpu.memory_space<hbm>>) dst(%dma_wait3A_35 : memref<16x128xf32, #tpu.memory_space<vmem_shared>>)
        tpu.yield
      }) : () -> ()
    } else {
    }
    %barrier3A = arith.constant 0 : index
    tpu.barrier barrier_id(%barrier3A)
    %add3A_7 = arith.constant 0 : i32
    %add3A_8 = arith.addi %mul3A_2, %add3A_7 : i32
    %dma_start3A = arith.constant 0 : i32
    %dma_start3A_9 = tpu.memref_slice %arg2[%add3A_8, %dma_start3A] : memref<320000x128xf32, #tpu.memory_space<hbm>> -> memref<40x128xf32, #tpu.memory_space<hbm>>
    %dma_start3A_10 = arith.constant 0 : i32
    %dma_start3A_11 = tpu.memref_slice %arg2[%add3A_8, %dma_start3A_10] : memref<320000x128xf32, #tpu.memory_space<hbm>> -> memref<40x128xf32, #tpu.memory_space<hbm>>
    tpu.enqueue_dma source(%dma_start3A_11 : memref<40x128xf32, #tpu.memory_space<hbm>>) target(%arg7 : memref<40x128xf32, #tpu.memory_space<vmem>>) target_semaphore(%arg10 : memref<!tpu.dma_semaphore, #tpu.memory_space<semaphore_mem>>)
    %add3A_12 = arith.constant 40 : i32
    %add3A_13 = arith.addi %mul3A_2, %add3A_12 : i32
    %dma_start3A_14 = arith.constant 0 : i32
    %dma_start3A_15 = tpu.memref_slice %arg2[%add3A_13, %dma_start3A_14] : memref<320000x128xf32, #tpu.memory_space<hbm>> -> memref<40x128xf32, #tpu.memory_space<hbm>>
    %dma_start3A_16 = arith.constant 0 : i32
    %dma_start3A_17 = tpu.memref_slice %arg2[%add3A_13, %dma_start3A_16] : memref<320000x128xf32, #tpu.memory_space<hbm>> -> memref<40x128xf32, #tpu.memory_space<hbm>>
    tpu.enqueue_dma source(%dma_start3A_17 : memref<40x128xf32, #tpu.memory_space<hbm>>) target(%arg8 : memref<40x128xf32, #tpu.memory_space<vmem>>) target_semaphore(%arg11 : memref<!tpu.dma_semaphore, #tpu.memory_space<semaphore_mem>>)
    %scan3A = arith.constant 0 : i32
    %scan3A_18 = arith.constant 125 : i32
    %scan3A_19 = arith.addi %scan3A, %scan3A_18 : i32
    %scan3A_20 = arith.constant 1 : i32
    scf.for %scan3A_28 = %scan3A to %scan3A_19 step %scan3A_20  : i32 {
      %mul3A_29 = arith.constant 1 : i32
      %mul3A_30 = arith.muli %scan3A_28, %mul3A_29 : i32
      %add3A_31 = arith.constant 0 : i32
      %add3A_32 = arith.addi %add3A_31, %mul3A_30 : i32
      %dma_wait3A = arith.constant 0 : i32
      %dma_wait3A_33 = tpu.memref_slice %arg2[%mul3A_2, %dma_wait3A] : memref<320000x128xf32, #tpu.memory_space<hbm>> -> memref<40x128xf32, #tpu.memory_space<hbm>>
      %dma_wait3A_34 = arith.constant 0 : i32
      %dma_wait3A_35 = tpu.memref_slice %arg2[%mul3A_2, %dma_wait3A_34] : memref<320000x128xf32, #tpu.memory_space<hbm>> -> memref<40x128xf32, #tpu.memory_space<hbm>>
      tpu.wait_dma2 semaphore(%arg10 : memref<!tpu.dma_semaphore, #tpu.memory_space<semaphore_mem>>) src(%dma_wait3A_35 : memref<40x128xf32, #tpu.memory_space<hbm>>) dst(%arg7 : memref<40x128xf32, #tpu.memory_space<vmem>>)
      %mul3A_36 = arith.constant 2 : i32
      %mul3A_37 = arith.muli %mul3A_36, %add3A_32 : i32
      %add3A_38 = arith.constant 0 : i32
      %add3A_39 = arith.addi %mul3A_37, %add3A_38 : i32
      %dma_start3A_40 = arith.constant 0 : i32
      %dma_start3A_41 = tpu.memref_slice %arg6[%add3A_39, %dma_start3A_40] : memref<250x40xi32, #tpu.memory_space<vmem>> -> memref<1x40xi32, #tpu.memory_space<vmem>>
      %dma_start3A_42 = tpu.memref_squeeze %dma_start3A_41 : memref<1x40xi32, #tpu.memory_space<vmem>> -> memref<40xi32, #tpu.memory_space<vmem>>
      %dma_start3A_43 = arith.constant 0 : i32
      %dma_start3A_44 = arith.constant 0 : i32
      %dma_start3A_45 = tpu.memref_slice %arg9[%dma_start3A_43, %dma_start3A_44] : memref<10000x128xf32, #tpu.memory_space<vmem_shared>> -> memref<10000x128xf32, #tpu.memory_space<vmem_shared>>
      tpu.enqueue_indirect_dma source(%arg7 : memref<40x128xf32, #tpu.memory_space<vmem>>) target(%dma_start3A_45 : memref<10000x128xf32, #tpu.memory_space<vmem_shared>>) offsets(%dma_start3A_42 : memref<40xi32, #tpu.memory_space<vmem>>) semaphore(%arg12 : memref<!tpu.dma_semaphore, #tpu.memory_space<semaphore_mem>>) {add = true}
      %dma_wait3A_46 = arith.constant 0 : i32
      %dma_wait3A_47 = tpu.memref_slice %arg2[%mul3A_2, %dma_wait3A_46] : memref<320000x128xf32, #tpu.memory_space<hbm>> -> memref<40x128xf32, #tpu.memory_space<hbm>>
      %dma_wait3A_48 = arith.constant 0 : i32
      %dma_wait3A_49 = tpu.memref_slice %arg2[%mul3A_2, %dma_wait3A_48] : memref<320000x128xf32, #tpu.memory_space<hbm>> -> memref<40x128xf32, #tpu.memory_space<hbm>>
      tpu.wait_dma2 semaphore(%arg11 : memref<!tpu.dma_semaphore, #tpu.memory_space<semaphore_mem>>) src(%dma_wait3A_49 : memref<40x128xf32, #tpu.memory_space<hbm>>) dst(%arg8 : memref<40x128xf32, #tpu.memory_space<vmem>>)
      %mul3A_50 = arith.constant 2 : i32
      %mul3A_51 = arith.muli %mul3A_50, %add3A_32 : i32
      %add3A_52 = arith.constant 1 : i32
      %add3A_53 = arith.addi %mul3A_51, %add3A_52 : i32
      %dma_start3A_54 = arith.constant 0 : i32
      %dma_start3A_55 = tpu.memref_slice %arg6[%add3A_53, %dma_start3A_54] : memref<250x40xi32, #tpu.memory_space<vmem>> -> memref<1x40xi32, #tpu.memory_space<vmem>>
      %dma_start3A_56 = tpu.memref_squeeze %dma_start3A_55 : memref<1x40xi32, #tpu.memory_space<vmem>> -> memref<40xi32, #tpu.memory_space<vmem>>
      %dma_start3A_57 = arith.constant 0 : i32
      %dma_start3A_58 = arith.constant 0 : i32
      %dma_start3A_59 = tpu.memref_slice %arg9[%dma_start3A_57, %dma_start3A_58] : memref<10000x128xf32, #tpu.memory_space<vmem_shared>> -> memref<10000x128xf32, #tpu.memory_space<vmem_shared>>
      tpu.enqueue_indirect_dma source(%arg8 : memref<40x128xf32, #tpu.memory_space<vmem>>) target(%dma_start3A_59 : memref<10000x128xf32, #tpu.memory_space<vmem_shared>>) offsets(%dma_start3A_56 : memref<40xi32, #tpu.memory_space<vmem>>) semaphore(%arg13 : memref<!tpu.dma_semaphore, #tpu.memory_space<semaphore_mem>>) {add = true}
      %mul3A_60 = arith.constant 2 : i32
      %mul3A_61 = arith.muli %mul3A_60, %add3A_32 : i32
      %add3A_62 = arith.constant 0 : i32
      %add3A_63 = arith.addi %mul3A_61, %add3A_62 : i32
      %dma_wait3A_64 = arith.constant 0 : i32
      %dma_wait3A_65 = arith.constant 0 : i32
      %dma_wait3A_66 = tpu.memref_slice %arg6[%dma_wait3A_64, %dma_wait3A_65] : memref<250x40xi32, #tpu.memory_space<vmem>> -> memref<1x40xi32, #tpu.memory_space<vmem>>
      %dma_wait3A_67 = tpu.memref_squeeze %dma_wait3A_66 : memref<1x40xi32, #tpu.memory_space<vmem>> -> memref<40xi32, #tpu.memory_space<vmem>>
      %dma_wait3A_68 = arith.constant 0 : i32
      %dma_wait3A_69 = arith.constant 0 : i32
      %dma_wait3A_70 = tpu.memref_slice %arg9[%dma_wait3A_68, %dma_wait3A_69] : memref<10000x128xf32, #tpu.memory_space<vmem_shared>> -> memref<10000x128xf32, #tpu.memory_space<vmem_shared>>
      tpu.wait_indirect_dma semaphore(%arg12 : memref<!tpu.dma_semaphore, #tpu.memory_space<semaphore_mem>>) src(%arg7 : memref<40x128xf32, #tpu.memory_space<vmem>>) dst(%dma_wait3A_70 : memref<10000x128xf32, #tpu.memory_space<vmem_shared>>)
      %add3A_71 = arith.constant 2 : i32
      %add3A_72 = arith.addi %add3A_63, %add3A_71 : i32
      %lt3A = arith.constant 250 : i32
      %lt3A_73 = arith.cmpi slt, %add3A_72, %lt3A : i32
      %convert_element_type3A_74 = arith.extui %lt3A_73 : i1 to i32
      %cond3A_75 = arith.constant 0 : i32
      %cond3A_76 = arith.cmpi ne, %convert_element_type3A_74, %cond3A_75 : i32
      scf.if %cond3A_76 {
        %add3A_95 = arith.constant 2 : i32
        %add3A_96 = arith.addi %add3A_63, %add3A_95 : i32
        %mul3A_97 = arith.constant 40 : i32
        %mul3A_98 = arith.muli %add3A_96, %mul3A_97 : i32
        %add3A_99 = arith.addi %mul3A_2, %mul3A_98 : i32
        %dma_start3A_100 = arith.constant 0 : i32
        %dma_start3A_101 = tpu.memref_slice %arg2[%add3A_99, %dma_start3A_100] : memref<320000x128xf32, #tpu.memory_space<hbm>> -> memref<40x128xf32, #tpu.memory_space<hbm>>
        %dma_start3A_102 = arith.constant 0 : i32
        %dma_start3A_103 = tpu.memref_slice %arg2[%add3A_99, %dma_start3A_102] : memref<320000x128xf32, #tpu.memory_space<hbm>> -> memref<40x128xf32, #tpu.memory_space<hbm>>
        tpu.enqueue_dma source(%dma_start3A_103 : memref<40x128xf32, #tpu.memory_space<hbm>>) target(%arg7 : memref<40x128xf32, #tpu.memory_space<vmem>>) target_semaphore(%arg10 : memref<!tpu.dma_semaphore, #tpu.memory_space<semaphore_mem>>)
      } else {
      }
      %mul3A_77 = arith.constant 2 : i32
      %mul3A_78 = arith.muli %mul3A_77, %add3A_32 : i32
      %add3A_79 = arith.constant 1 : i32
      %add3A_80 = arith.addi %mul3A_78, %add3A_79 : i32
      %dma_wait3A_81 = arith.constant 0 : i32
      %dma_wait3A_82 = arith.constant 0 : i32
      %dma_wait3A_83 = tpu.memref_slice %arg6[%dma_wait3A_81, %dma_wait3A_82] : memref<250x40xi32, #tpu.memory_space<vmem>> -> memref<1x40xi32, #tpu.memory_space<vmem>>
      %dma_wait3A_84 = tpu.memref_squeeze %dma_wait3A_83 : memref<1x40xi32, #tpu.memory_space<vmem>> -> memref<40xi32, #tpu.memory_space<vmem>>
      %dma_wait3A_85 = arith.constant 0 : i32
      %dma_wait3A_86 = arith.constant 0 : i32
      %dma_wait3A_87 = tpu.memref_slice %arg9[%dma_wait3A_85, %dma_wait3A_86] : memref<10000x128xf32, #tpu.memory_space<vmem_shared>> -> memref<10000x128xf32, #tpu.memory_space<vmem_shared>>
      tpu.wait_indirect_dma semaphore(%arg13 : memref<!tpu.dma_semaphore, #tpu.memory_space<semaphore_mem>>) src(%arg8 : memref<40x128xf32, #tpu.memory_space<vmem>>) dst(%dma_wait3A_87 : memref<10000x128xf32, #tpu.memory_space<vmem_shared>>)
      %add3A_88 = arith.constant 2 : i32
      %add3A_89 = arith.addi %add3A_80, %add3A_88 : i32
      %lt3A_90 = arith.constant 250 : i32
      %lt3A_91 = arith.cmpi slt, %add3A_89, %lt3A_90 : i32
      %convert_element_type3A_92 = arith.extui %lt3A_91 : i1 to i32
      %cond3A_93 = arith.constant 0 : i32
      %cond3A_94 = arith.cmpi ne, %convert_element_type3A_92, %cond3A_93 : i32
      scf.if %cond3A_94 {
        %add3A_95 = arith.constant 2 : i32
        %add3A_96 = arith.addi %add3A_80, %add3A_95 : i32
        %mul3A_97 = arith.constant 40 : i32
        %mul3A_98 = arith.muli %add3A_96, %mul3A_97 : i32
        %add3A_99 = arith.addi %mul3A_2, %mul3A_98 : i32
        %dma_start3A_100 = arith.constant 0 : i32
        %dma_start3A_101 = tpu.memref_slice %arg2[%add3A_99, %dma_start3A_100] : memref<320000x128xf32, #tpu.memory_space<hbm>> -> memref<40x128xf32, #tpu.memory_space<hbm>>
        %dma_start3A_102 = arith.constant 0 : i32
        %dma_start3A_103 = tpu.memref_slice %arg2[%add3A_99, %dma_start3A_102] : memref<320000x128xf32, #tpu.memory_space<hbm>> -> memref<40x128xf32, #tpu.memory_space<hbm>>
        tpu.enqueue_dma source(%dma_start3A_103 : memref<40x128xf32, #tpu.memory_space<hbm>>) target(%arg8 : memref<40x128xf32, #tpu.memory_space<vmem>>) target_semaphore(%arg11 : memref<!tpu.dma_semaphore, #tpu.memory_space<semaphore_mem>>)
      } else {
      }
    }
    %scan3A_21 = arith.constant 125 : i32
    %barrier3A_22 = arith.constant 0 : index
    tpu.barrier barrier_id(%barrier3A_22)
    "tpu.region"() ({
      %run_scoped3A = tpu.sem_alloc : memref<!tpu.dma_semaphore, #tpu.memory_space<semaphore_mem>>
      %dma_start3A_28 = arith.constant 0 : i32
      %dma_start3A_29 = tpu.memref_slice %arg5[%arg0, %mul3A_4, %dma_start3A_28] : memref<2x10000x128xf32, #tpu.memory_space<hbm>> -> memref<1x624x128xf32, #tpu.memory_space<hbm>>
      %dma_start3A_30 = tpu.memref_squeeze %dma_start3A_29 : memref<1x624x128xf32, #tpu.memory_space<hbm>> -> memref<624x128xf32, #tpu.memory_space<hbm>>
      %dma_start3A_31 = arith.constant 0 : i32
      %dma_start3A_32 = tpu.memref_slice %arg9[%mul3A_4, %dma_start3A_31] : memref<10000x128xf32, #tpu.memory_space<vmem_shared>> -> memref<624x128xf32, #tpu.memory_space<vmem_shared>>
      tpu.enqueue_dma source(%dma_start3A_32 : memref<624x128xf32, #tpu.memory_space<vmem_shared>>) target(%dma_start3A_30 : memref<624x128xf32, #tpu.memory_space<hbm>>) target_semaphore(%run_scoped3A : memref<!tpu.dma_semaphore, #tpu.memory_space<semaphore_mem>>)
      %dma_wait3A = arith.constant 0 : i32
      %dma_wait3A_33 = tpu.memref_slice %arg5[%arg0, %mul3A_4, %dma_wait3A] : memref<2x10000x128xf32, #tpu.memory_space<hbm>> -> memref<1x624x128xf32, #tpu.memory_space<hbm>>
      %dma_wait3A_34 = tpu.memref_squeeze %dma_wait3A_33 : memref<1x624x128xf32, #tpu.memory_space<hbm>> -> memref<624x128xf32, #tpu.memory_space<hbm>>
      %dma_wait3A_35 = arith.constant 0 : i32
      %dma_wait3A_36 = tpu.memref_slice %arg9[%mul3A_4, %dma_wait3A_35] : memref<10000x128xf32, #tpu.memory_space<vmem_shared>> -> memref<624x128xf32, #tpu.memory_space<vmem_shared>>
      tpu.wait_dma2 semaphore(%run_scoped3A : memref<!tpu.dma_semaphore, #tpu.memory_space<semaphore_mem>>) src(%dma_wait3A_36 : memref<624x128xf32, #tpu.memory_space<vmem_shared>>) dst(%dma_wait3A_34 : memref<624x128xf32, #tpu.memory_space<hbm>>)
      tpu.yield
    }) : () -> ()
    %eq3A_23 = arith.constant 15 : i32
    %eq3A_24 = arith.cmpi eq, %arg1, %eq3A_23 : i32
    %convert_element_type3A_25 = arith.extui %eq3A_24 : i1 to i32
    %cond3A_26 = arith.constant 0 : i32
    %cond3A_27 = arith.cmpi ne, %convert_element_type3A_25, %cond3A_26 : i32
    scf.if %cond3A_27 {
      "tpu.region"() ({
        %run_scoped3A = tpu.sem_alloc : memref<!tpu.dma_semaphore, #tpu.memory_space<semaphore_mem>>
        %dma_start3A_28 = arith.constant 9984 : i32
        %dma_start3A_29 = arith.constant 0 : i32
        %dma_start3A_30 = tpu.memref_slice %arg5[%arg0, %dma_start3A_28, %dma_start3A_29] : memref<2x10000x128xf32, #tpu.memory_space<hbm>> -> memref<1x16x128xf32, #tpu.memory_space<hbm>>
        %dma_start3A_31 = tpu.memref_squeeze %dma_start3A_30 : memref<1x16x128xf32, #tpu.memory_space<hbm>> -> memref<16x128xf32, #tpu.memory_space<hbm>>
        %dma_start3A_32 = arith.constant 9984 : i32
        %dma_start3A_33 = arith.constant 0 : i32
        %dma_start3A_34 = tpu.memref_slice %arg9[%dma_start3A_32, %dma_start3A_33] : memref<10000x128xf32, #tpu.memory_space<vmem_shared>> -> memref<16x128xf32, #tpu.memory_space<vmem_shared>>
        tpu.enqueue_dma source(%dma_start3A_34 : memref<16x128xf32, #tpu.memory_space<vmem_shared>>) target(%dma_start3A_31 : memref<16x128xf32, #tpu.memory_space<hbm>>) target_semaphore(%run_scoped3A : memref<!tpu.dma_semaphore, #tpu.memory_space<semaphore_mem>>)
        %dma_wait3A = arith.constant 9984 : i32
        %dma_wait3A_35 = arith.constant 0 : i32
        %dma_wait3A_36 = tpu.memref_slice %arg5[%arg0, %dma_wait3A, %dma_wait3A_35] : memref<2x10000x128xf32, #tpu.memory_space<hbm>> -> memref<1x16x128xf32, #tpu.memory_space<hbm>>
        %dma_wait3A_37 = tpu.memref_squeeze %dma_wait3A_36 : memref<1x16x128xf32, #tpu.memory_space<hbm>> -> memref<16x128xf32, #tpu.memory_space<hbm>>
        %dma_wait3A_38 = arith.constant 9984 : i32
        %dma_wait3A_39 = arith.constant 0 : i32
        %dma_wait3A_40 = tpu.memref_slice %arg9[%dma_wait3A_38, %dma_wait3A_39] : memref<10000x128xf32, #tpu.memory_space<vmem_shared>> -> memref<16x128xf32, #tpu.memory_space<vmem_shared>>
        tpu.wait_dma2 semaphore(%run_scoped3A : memref<!tpu.dma_semaphore, #tpu.memory_space<semaphore_mem>>) src(%dma_wait3A_40 : memref<16x128xf32, #tpu.memory_space<vmem_shared>>) dst(%dma_wait3A_37 : memref<16x128xf32, #tpu.memory_space<hbm>>)
        tpu.yield
      }) : () -> ()
    } else {
    }
    return
  }
}

#map = affine_map<(d0, d1) -> (0, 0)>
#map1 = affine_map<(d0, d1) -> (0, 0, 0)>
module attributes {stable_mosaic.version = 14 : i64} {
  func.func @_sc_gather(%arg0: i32, %arg1: i32, %arg2: memref<10000x128xi32, #tpu.memory_space<hbm>>, %arg3: memref<10000x128xi32, #tpu.memory_space<hbm>>, %arg4: memref<32x250x40xi32, #tpu.memory_space<hbm>>, %arg5: memref<32x250x40xi32, #tpu.memory_space<hbm>>, %arg6: memref<320000x128xi32, #tpu.memory_space<hbm>>, %arg7: memref<320000x128xi32, #tpu.memory_space<hbm>>, %arg8: memref<250x40xi32, #tpu.memory_space<vmem>>, %arg9: memref<250x40xi32, #tpu.memory_space<vmem>>, %arg10: memref<40x128xi32, #tpu.memory_space<vmem>>, %arg11: memref<40x128xi32, #tpu.memory_space<vmem>>, %arg12: memref<40x128xi32, #tpu.memory_space<vmem>>, %arg13: memref<40x128xi32, #tpu.memory_space<vmem>>, %arg14: memref<40x128xi32, #tpu.memory_space<vmem>>, %arg15: memref<40x128xi32, #tpu.memory_space<vmem>>, %arg16: memref<!tpu.dma_semaphore, #tpu.memory_space<semaphore_mem>>, %arg17: memref<!tpu.dma_semaphore, #tpu.memory_space<semaphore_mem>>, %arg18: memref<!tpu.dma_semaphore, #tpu.memory_space<semaphore_mem>>, %arg19: memref<!tpu.dma_semaphore, #tpu.memory_space<semaphore_mem>>, %arg20: memref<!tpu.dma_semaphore, #tpu.memory_space<semaphore_mem>>, %arg21: memref<!tpu.dma_semaphore, #tpu.memory_space<semaphore_mem>>) attributes {dimension_semantics = [#tpu.dimension_semantics<core_parallel>, #tpu.dimension_semantics<subcore_parallel>], iteration_bounds = array<i64: 2, 16>, scalar_prefetch = 0 : i64, scratch_operands = 14 : i64, tpu.core_type = #tpu.core_type<sc_vector_subcore>, window_params = [{transform_indices = #map}, {transform_indices = #map}, {transform_indices = #map1}, {transform_indices = #map1}, {transform_indices = #map}, {transform_indices = #map}]} {
    %mul3A = arith.constant 2 : i32
    %mul3A_0 = arith.muli %arg1, %mul3A : i32
    %add3A = arith.addi %mul3A_0, %arg0 : i32
    %mul3A_1 = arith.constant 10000 : i32
    %mul3A_2 = arith.muli %add3A, %mul3A_1 : i32
    "tpu.region"() ({
      %run_scoped3A = tpu.sem_alloc : memref<!tpu.dma_semaphore, #tpu.memory_space<semaphore_mem>>
      %dma_start3A_73 = arith.constant 0 : i32
      %dma_start3A_74 = arith.constant 0 : i32
      %dma_start3A_75 = tpu.memref_slice %arg5[%add3A, %dma_start3A_73, %dma_start3A_74] : memref<32x250x40xi32, #tpu.memory_space<hbm>> -> memref<1x250x40xi32, #tpu.memory_space<hbm>>
      %dma_start3A_76 = tpu.memref_squeeze %dma_start3A_75 : memref<1x250x40xi32, #tpu.memory_space<hbm>> -> memref<250x40xi32, #tpu.memory_space<hbm>>
      %dma_start3A_77 = arith.constant 0 : i32
      %dma_start3A_78 = arith.constant 0 : i32
      %dma_start3A_79 = tpu.memref_slice %arg5[%add3A, %dma_start3A_77, %dma_start3A_78] : memref<32x250x40xi32, #tpu.memory_space<hbm>> -> memref<1x250x40xi32, #tpu.memory_space<hbm>>
      %dma_start3A_80 = tpu.memref_squeeze %dma_start3A_79 : memref<1x250x40xi32, #tpu.memory_space<hbm>> -> memref<250x40xi32, #tpu.memory_space<hbm>>
      tpu.enqueue_dma source(%dma_start3A_80 : memref<250x40xi32, #tpu.memory_space<hbm>>) target(%arg8 : memref<250x40xi32, #tpu.memory_space<vmem>>) target_semaphore(%run_scoped3A : memref<!tpu.dma_semaphore, #tpu.memory_space<semaphore_mem>>)
      %dma_wait3A_81 = arith.constant 0 : i32
      %dma_wait3A_82 = arith.constant 0 : i32
      %dma_wait3A_83 = tpu.memref_slice %arg5[%add3A, %dma_wait3A_81, %dma_wait3A_82] : memref<32x250x40xi32, #tpu.memory_space<hbm>> -> memref<1x250x40xi32, #tpu.memory_space<hbm>>
      %dma_wait3A_84 = tpu.memref_squeeze %dma_wait3A_83 : memref<1x250x40xi32, #tpu.memory_space<hbm>> -> memref<250x40xi32, #tpu.memory_space<hbm>>
      %dma_wait3A_85 = arith.constant 0 : i32
      %dma_wait3A_86 = arith.constant 0 : i32
      %dma_wait3A_87 = tpu.memref_slice %arg5[%add3A, %dma_wait3A_85, %dma_wait3A_86] : memref<32x250x40xi32, #tpu.memory_space<hbm>> -> memref<1x250x40xi32, #tpu.memory_space<hbm>>
      %dma_wait3A_88 = tpu.memref_squeeze %dma_wait3A_87 : memref<1x250x40xi32, #tpu.memory_space<hbm>> -> memref<250x40xi32, #tpu.memory_space<hbm>>
      tpu.wait_dma2 semaphore(%run_scoped3A : memref<!tpu.dma_semaphore, #tpu.memory_space<semaphore_mem>>) src(%dma_wait3A_88 : memref<250x40xi32, #tpu.memory_space<hbm>>) dst(%arg8 : memref<250x40xi32, #tpu.memory_space<vmem>>)
      tpu.yield
    }) : () -> ()
    "tpu.region"() ({
      %run_scoped3A = tpu.sem_alloc : memref<!tpu.dma_semaphore, #tpu.memory_space<semaphore_mem>>
      %dma_start3A_73 = arith.constant 0 : i32
      %dma_start3A_74 = arith.constant 0 : i32
      %dma_start3A_75 = tpu.memref_slice %arg4[%add3A, %dma_start3A_73, %dma_start3A_74] : memref<32x250x40xi32, #tpu.memory_space<hbm>> -> memref<1x250x40xi32, #tpu.memory_space<hbm>>
      %dma_start3A_76 = tpu.memref_squeeze %dma_start3A_75 : memref<1x250x40xi32, #tpu.memory_space<hbm>> -> memref<250x40xi32, #tpu.memory_space<hbm>>
      %dma_start3A_77 = arith.constant 0 : i32
      %dma_start3A_78 = arith.constant 0 : i32
      %dma_start3A_79 = tpu.memref_slice %arg4[%add3A, %dma_start3A_77, %dma_start3A_78] : memref<32x250x40xi32, #tpu.memory_space<hbm>> -> memref<1x250x40xi32, #tpu.memory_space<hbm>>
      %dma_start3A_80 = tpu.memref_squeeze %dma_start3A_79 : memref<1x250x40xi32, #tpu.memory_space<hbm>> -> memref<250x40xi32, #tpu.memory_space<hbm>>
      tpu.enqueue_dma source(%dma_start3A_80 : memref<250x40xi32, #tpu.memory_space<hbm>>) target(%arg9 : memref<250x40xi32, #tpu.memory_space<vmem>>) target_semaphore(%run_scoped3A : memref<!tpu.dma_semaphore, #tpu.memory_space<semaphore_mem>>)
      %dma_wait3A_81 = arith.constant 0 : i32
      %dma_wait3A_82 = arith.constant 0 : i32
      %dma_wait3A_83 = tpu.memref_slice %arg4[%add3A, %dma_wait3A_81, %dma_wait3A_82] : memref<32x250x40xi32, #tpu.memory_space<hbm>> -> memref<1x250x40xi32, #tpu.memory_space<hbm>>
      %dma_wait3A_84 = tpu.memref_squeeze %dma_wait3A_83 : memref<1x250x40xi32, #tpu.memory_space<hbm>> -> memref<250x40xi32, #tpu.memory_space<hbm>>
      %dma_wait3A_85 = arith.constant 0 : i32
      %dma_wait3A_86 = arith.constant 0 : i32
      %dma_wait3A_87 = tpu.memref_slice %arg4[%add3A, %dma_wait3A_85, %dma_wait3A_86] : memref<32x250x40xi32, #tpu.memory_space<hbm>> -> memref<1x250x40xi32, #tpu.memory_space<hbm>>
      %dma_wait3A_88 = tpu.memref_squeeze %dma_wait3A_87 : memref<1x250x40xi32, #tpu.memory_space<hbm>> -> memref<250x40xi32, #tpu.memory_space<hbm>>
      tpu.wait_dma2 semaphore(%run_scoped3A : memref<!tpu.dma_semaphore, #tpu.memory_space<semaphore_mem>>) src(%dma_wait3A_88 : memref<250x40xi32, #tpu.memory_space<hbm>>) dst(%arg9 : memref<250x40xi32, #tpu.memory_space<vmem>>)
      tpu.yield
    }) : () -> ()
    %dma_start3A = arith.constant 0 : i32
    %dma_start3A_3 = arith.constant 0 : i32
    %dma_start3A_4 = tpu.memref_slice %arg8[%dma_start3A, %dma_start3A_3] : memref<250x40xi32, #tpu.memory_space<vmem>> -> memref<1x40xi32, #tpu.memory_space<vmem>>
    %dma_start3A_5 = tpu.memref_squeeze %dma_start3A_4 : memref<1x40xi32, #tpu.memory_space<vmem>> -> memref<40xi32, #tpu.memory_space<vmem>>
    %dma_start3A_6 = arith.constant 0 : i32
    %dma_start3A_7 = arith.constant 0 : i32
    %dma_start3A_8 = tpu.memref_slice %arg2[%dma_start3A_6, %dma_start3A_7] : memref<10000x128xi32, #tpu.memory_space<hbm>> -> memref<10000x128xi32, #tpu.memory_space<hbm>>
    tpu.enqueue_indirect_dma source(%dma_start3A_8 : memref<10000x128xi32, #tpu.memory_space<hbm>>) target(%arg10 : memref<40x128xi32, #tpu.memory_space<vmem>>) offsets(%dma_start3A_5 : memref<40xi32, #tpu.memory_space<vmem>>) semaphore(%arg16 : memref<!tpu.dma_semaphore, #tpu.memory_space<semaphore_mem>>)
    %dma_start3A_9 = arith.constant 0 : i32
    %dma_start3A_10 = arith.constant 0 : i32
    %dma_start3A_11 = tpu.memref_slice %arg9[%dma_start3A_9, %dma_start3A_10] : memref<250x40xi32, #tpu.memory_space<vmem>> -> memref<1x40xi32, #tpu.memory_space<vmem>>
    %dma_start3A_12 = tpu.memref_squeeze %dma_start3A_11 : memref<1x40xi32, #tpu.memory_space<vmem>> -> memref<40xi32, #tpu.memory_space<vmem>>
    %dma_start3A_13 = arith.constant 0 : i32
    %dma_start3A_14 = arith.constant 0 : i32
    %dma_start3A_15 = tpu.memref_slice %arg3[%dma_start3A_13, %dma_start3A_14] : memref<10000x128xi32, #tpu.memory_space<hbm>> -> memref<10000x128xi32, #tpu.memory_space<hbm>>
    tpu.enqueue_indirect_dma source(%dma_start3A_15 : memref<10000x128xi32, #tpu.memory_space<hbm>>) target(%arg11 : memref<40x128xi32, #tpu.memory_space<vmem>>) offsets(%dma_start3A_12 : memref<40xi32, #tpu.memory_space<vmem>>) semaphore(%arg16 : memref<!tpu.dma_semaphore, #tpu.memory_space<semaphore_mem>>)
    %dma_start3A_16 = arith.constant 1 : i32
    %dma_start3A_17 = arith.constant 0 : i32
    %dma_start3A_18 = tpu.memref_slice %arg8[%dma_start3A_16, %dma_start3A_17] : memref<250x40xi32, #tpu.memory_space<vmem>> -> memref<1x40xi32, #tpu.memory_space<vmem>>
    %dma_start3A_19 = tpu.memref_squeeze %dma_start3A_18 : memref<1x40xi32, #tpu.memory_space<vmem>> -> memref<40xi32, #tpu.memory_space<vmem>>
    %dma_start3A_20 = arith.constant 0 : i32
    %dma_start3A_21 = arith.constant 0 : i32
    %dma_start3A_22 = tpu.memref_slice %arg2[%dma_start3A_20, %dma_start3A_21] : memref<10000x128xi32, #tpu.memory_space<hbm>> -> memref<10000x128xi32, #tpu.memory_space<hbm>>
    tpu.enqueue_indirect_dma source(%dma_start3A_22 : memref<10000x128xi32, #tpu.memory_space<hbm>>) target(%arg12 : memref<40x128xi32, #tpu.memory_space<vmem>>) offsets(%dma_start3A_19 : memref<40xi32, #tpu.memory_space<vmem>>) semaphore(%arg17 : memref<!tpu.dma_semaphore, #tpu.memory_space<semaphore_mem>>)
    %dma_start3A_23 = arith.constant 1 : i32
    %dma_start3A_24 = arith.constant 0 : i32
    %dma_start3A_25 = tpu.memref_slice %arg9[%dma_start3A_23, %dma_start3A_24] : memref<250x40xi32, #tpu.memory_space<vmem>> -> memref<1x40xi32, #tpu.memory_space<vmem>>
    %dma_start3A_26 = tpu.memref_squeeze %dma_start3A_25 : memref<1x40xi32, #tpu.memory_space<vmem>> -> memref<40xi32, #tpu.memory_space<vmem>>
    %dma_start3A_27 = arith.constant 0 : i32
    %dma_start3A_28 = arith.constant 0 : i32
    %dma_start3A_29 = tpu.memref_slice %arg3[%dma_start3A_27, %dma_start3A_28] : memref<10000x128xi32, #tpu.memory_space<hbm>> -> memref<10000x128xi32, #tpu.memory_space<hbm>>
    tpu.enqueue_indirect_dma source(%dma_start3A_29 : memref<10000x128xi32, #tpu.memory_space<hbm>>) target(%arg13 : memref<40x128xi32, #tpu.memory_space<vmem>>) offsets(%dma_start3A_26 : memref<40xi32, #tpu.memory_space<vmem>>) semaphore(%arg17 : memref<!tpu.dma_semaphore, #tpu.memory_space<semaphore_mem>>)
    %scan3A = arith.constant 0 : i32
    %scan3A_30 = arith.constant 83 : i32
    %scan3A_31 = arith.addi %scan3A, %scan3A_30 : i32
    %scan3A_32 = arith.constant 1 : i32
    scf.for %scan3A_73 = %scan3A to %scan3A_31 step %scan3A_32  : i32 {
      %mul3A_74 = arith.constant 1 : i32
      %mul3A_75 = arith.muli %scan3A_73, %mul3A_74 : i32
      %add3A_76 = arith.constant 0 : i32
      %add3A_77 = arith.addi %add3A_76, %mul3A_75 : i32
      %mul3A_78 = arith.constant 3 : i32
      %mul3A_79 = arith.muli %mul3A_78, %add3A_77 : i32
      %add3A_80 = arith.constant 0 : i32
      %add3A_81 = arith.addi %mul3A_79, %add3A_80 : i32
      %dma_wait3A_82 = arith.constant 0 : i32
      %dma_wait3A_83 = arith.constant 0 : i32
      %dma_wait3A_84 = tpu.memref_slice %arg8[%dma_wait3A_82, %dma_wait3A_83] : memref<250x40xi32, #tpu.memory_space<vmem>> -> memref<1x40xi32, #tpu.memory_space<vmem>>
      %dma_wait3A_85 = tpu.memref_squeeze %dma_wait3A_84 : memref<1x40xi32, #tpu.memory_space<vmem>> -> memref<40xi32, #tpu.memory_space<vmem>>
      %dma_wait3A_86 = arith.constant 0 : i32
      %dma_wait3A_87 = arith.constant 0 : i32
      %dma_wait3A_88 = tpu.memref_slice %arg2[%dma_wait3A_86, %dma_wait3A_87] : memref<10000x128xi32, #tpu.memory_space<hbm>> -> memref<10000x128xi32, #tpu.memory_space<hbm>>
      tpu.wait_indirect_dma semaphore(%arg16 : memref<!tpu.dma_semaphore, #tpu.memory_space<semaphore_mem>>) src(%dma_wait3A_88 : memref<10000x128xi32, #tpu.memory_space<hbm>>) dst(%arg10 : memref<40x128xi32, #tpu.memory_space<vmem>>)
      %dma_wait3A_89 = arith.constant 0 : i32
      %dma_wait3A_90 = arith.constant 0 : i32
      %dma_wait3A_91 = tpu.memref_slice %arg9[%dma_wait3A_89, %dma_wait3A_90] : memref<250x40xi32, #tpu.memory_space<vmem>> -> memref<1x40xi32, #tpu.memory_space<vmem>>
      %dma_wait3A_92 = tpu.memref_squeeze %dma_wait3A_91 : memref<1x40xi32, #tpu.memory_space<vmem>> -> memref<40xi32, #tpu.memory_space<vmem>>
      %dma_wait3A_93 = arith.constant 0 : i32
      %dma_wait3A_94 = arith.constant 0 : i32
      %dma_wait3A_95 = tpu.memref_slice %arg3[%dma_wait3A_93, %dma_wait3A_94] : memref<10000x128xi32, #tpu.memory_space<hbm>> -> memref<10000x128xi32, #tpu.memory_space<hbm>>
      tpu.wait_indirect_dma semaphore(%arg16 : memref<!tpu.dma_semaphore, #tpu.memory_space<semaphore_mem>>) src(%dma_wait3A_95 : memref<10000x128xi32, #tpu.memory_space<hbm>>) dst(%arg11 : memref<40x128xi32, #tpu.memory_space<vmem>>)
      %mul3A_96 = arith.constant 40 : i32
      %mul3A_97 = arith.muli %add3A_81, %mul3A_96 : i32
      %add3A_98 = arith.addi %mul3A_2, %mul3A_97 : i32
      %dma_start3A_99 = arith.constant 0 : i32
      %dma_start3A_100 = tpu.memref_slice %arg6[%add3A_98, %dma_start3A_99] : memref<320000x128xi32, #tpu.memory_space<hbm>> -> memref<40x128xi32, #tpu.memory_space<hbm>>
      %dma_start3A_101 = arith.constant 0 : i32
      %dma_start3A_102 = tpu.memref_slice %arg6[%add3A_98, %dma_start3A_101] : memref<320000x128xi32, #tpu.memory_space<hbm>> -> memref<40x128xi32, #tpu.memory_space<hbm>>
      tpu.enqueue_dma source(%arg10 : memref<40x128xi32, #tpu.memory_space<vmem>>) target(%dma_start3A_102 : memref<40x128xi32, #tpu.memory_space<hbm>>) target_semaphore(%arg19 : memref<!tpu.dma_semaphore, #tpu.memory_space<semaphore_mem>>)
      %dma_start3A_103 = arith.constant 0 : i32
      %dma_start3A_104 = tpu.memref_slice %arg7[%add3A_98, %dma_start3A_103] : memref<320000x128xi32, #tpu.memory_space<hbm>> -> memref<40x128xi32, #tpu.memory_space<hbm>>
      %dma_start3A_105 = arith.constant 0 : i32
      %dma_start3A_106 = tpu.memref_slice %arg7[%add3A_98, %dma_start3A_105] : memref<320000x128xi32, #tpu.memory_space<hbm>> -> memref<40x128xi32, #tpu.memory_space<hbm>>
      tpu.enqueue_dma source(%arg11 : memref<40x128xi32, #tpu.memory_space<vmem>>) target(%dma_start3A_106 : memref<40x128xi32, #tpu.memory_space<hbm>>) target_semaphore(%arg19 : memref<!tpu.dma_semaphore, #tpu.memory_space<semaphore_mem>>)
      %gt3A = arith.constant 0 : i32
      %gt3A_107 = arith.cmpi sgt, %add3A_77, %gt3A : i32
      %convert_element_type3A = arith.extui %gt3A_107 : i1 to i32
      %cond3A = arith.constant 0 : i32
      %cond3A_108 = arith.cmpi ne, %convert_element_type3A, %cond3A : i32
      scf.if %cond3A_108 {
        %dma_wait3A_200 = arith.constant 0 : i32
        %dma_wait3A_201 = tpu.memref_slice %arg6[%mul3A_2, %dma_wait3A_200] : memref<320000x128xi32, #tpu.memory_space<hbm>> -> memref<40x128xi32, #tpu.memory_space<hbm>>
        %dma_wait3A_202 = arith.constant 0 : i32
        %dma_wait3A_203 = tpu.memref_slice %arg6[%mul3A_2, %dma_wait3A_202] : memref<320000x128xi32, #tpu.memory_space<hbm>> -> memref<40x128xi32, #tpu.memory_space<hbm>>
        tpu.wait_dma2 semaphore(%arg21 : memref<!tpu.dma_semaphore, #tpu.memory_space<semaphore_mem>>) src(%arg14 : memref<40x128xi32, #tpu.memory_space<vmem>>) dst(%dma_wait3A_203 : memref<40x128xi32, #tpu.memory_space<hbm>>)
        %dma_wait3A_204 = arith.constant 0 : i32
        %dma_wait3A_205 = tpu.memref_slice %arg7[%mul3A_2, %dma_wait3A_204] : memref<320000x128xi32, #tpu.memory_space<hbm>> -> memref<40x128xi32, #tpu.memory_space<hbm>>
        %dma_wait3A_206 = arith.constant 0 : i32
        %dma_wait3A_207 = tpu.memref_slice %arg7[%mul3A_2, %dma_wait3A_206] : memref<320000x128xi32, #tpu.memory_space<hbm>> -> memref<40x128xi32, #tpu.memory_space<hbm>>
        tpu.wait_dma2 semaphore(%arg21 : memref<!tpu.dma_semaphore, #tpu.memory_space<semaphore_mem>>) src(%arg15 : memref<40x128xi32, #tpu.memory_space<vmem>>) dst(%dma_wait3A_207 : memref<40x128xi32, #tpu.memory_space<hbm>>)
        %add3A_208 = arith.constant 2 : i32
        %add3A_209 = arith.addi %add3A_81, %add3A_208 : i32
        %dma_start3A_210 = arith.constant 0 : i32
        %dma_start3A_211 = tpu.memref_slice %arg8[%add3A_209, %dma_start3A_210] : memref<250x40xi32, #tpu.memory_space<vmem>> -> memref<1x40xi32, #tpu.memory_space<vmem>>
        %dma_start3A_212 = tpu.memref_squeeze %dma_start3A_211 : memref<1x40xi32, #tpu.memory_space<vmem>> -> memref<40xi32, #tpu.memory_space<vmem>>
        %dma_start3A_213 = arith.constant 0 : i32
        %dma_start3A_214 = arith.constant 0 : i32
        %dma_start3A_215 = tpu.memref_slice %arg2[%dma_start3A_213, %dma_start3A_214] : memref<10000x128xi32, #tpu.memory_space<hbm>> -> memref<10000x128xi32, #tpu.memory_space<hbm>>
        tpu.enqueue_indirect_dma source(%dma_start3A_215 : memref<10000x128xi32, #tpu.memory_space<hbm>>) target(%arg14 : memref<40x128xi32, #tpu.memory_space<vmem>>) offsets(%dma_start3A_212 : memref<40xi32, #tpu.memory_space<vmem>>) semaphore(%arg18 : memref<!tpu.dma_semaphore, #tpu.memory_space<semaphore_mem>>)
        %dma_start3A_216 = arith.constant 0 : i32
        %dma_start3A_217 = tpu.memref_slice %arg9[%add3A_209, %dma_start3A_216] : memref<250x40xi32, #tpu.memory_space<vmem>> -> memref<1x40xi32, #tpu.memory_space<vmem>>
        %dma_start3A_218 = tpu.memref_squeeze %dma_start3A_217 : memref<1x40xi32, #tpu.memory_space<vmem>> -> memref<40xi32, #tpu.memory_space<vmem>>
        %dma_start3A_219 = arith.constant 0 : i32
        %dma_start3A_220 = arith.constant 0 : i32
        %dma_start3A_221 = tpu.memref_slice %arg3[%dma_start3A_219, %dma_start3A_220] : memref<10000x128xi32, #tpu.memory_space<hbm>> -> memref<10000x128xi32, #tpu.memory_space<hbm>>
        tpu.enqueue_indirect_dma source(%dma_start3A_221 : memref<10000x128xi32, #tpu.memory_space<hbm>>) target(%arg15 : memref<40x128xi32, #tpu.memory_space<vmem>>) offsets(%dma_start3A_218 : memref<40xi32, #tpu.memory_space<vmem>>) semaphore(%arg18 : memref<!tpu.dma_semaphore, #tpu.memory_space<semaphore_mem>>)
      } else {
      }
      %eq3A = arith.constant 0 : i32
      %eq3A_109 = arith.cmpi eq, %add3A_77, %eq3A : i32
      %convert_element_type3A_110 = arith.extui %eq3A_109 : i1 to i32
      %cond3A_111 = arith.constant 0 : i32
      %cond3A_112 = arith.cmpi ne, %convert_element_type3A_110, %cond3A_111 : i32
      scf.if %cond3A_112 {
        %add3A_200 = arith.constant 2 : i32
        %add3A_201 = arith.addi %add3A_81, %add3A_200 : i32
        %dma_start3A_202 = arith.constant 0 : i32
        %dma_start3A_203 = tpu.memref_slice %arg8[%add3A_201, %dma_start3A_202] : memref<250x40xi32, #tpu.memory_space<vmem>> -> memref<1x40xi32, #tpu.memory_space<vmem>>
        %dma_start3A_204 = tpu.memref_squeeze %dma_start3A_203 : memref<1x40xi32, #tpu.memory_space<vmem>> -> memref<40xi32, #tpu.memory_space<vmem>>
        %dma_start3A_205 = arith.constant 0 : i32
        %dma_start3A_206 = arith.constant 0 : i32
        %dma_start3A_207 = tpu.memref_slice %arg2[%dma_start3A_205, %dma_start3A_206] : memref<10000x128xi32, #tpu.memory_space<hbm>> -> memref<10000x128xi32, #tpu.memory_space<hbm>>
        tpu.enqueue_indirect_dma source(%dma_start3A_207 : memref<10000x128xi32, #tpu.memory_space<hbm>>) target(%arg14 : memref<40x128xi32, #tpu.memory_space<vmem>>) offsets(%dma_start3A_204 : memref<40xi32, #tpu.memory_space<vmem>>) semaphore(%arg18 : memref<!tpu.dma_semaphore, #tpu.memory_space<semaphore_mem>>)
        %dma_start3A_208 = arith.constant 0 : i32
        %dma_start3A_209 = tpu.memref_slice %arg9[%add3A_201, %dma_start3A_208] : memref<250x40xi32, #tpu.memory_space<vmem>> -> memref<1x40xi32, #tpu.memory_space<vmem>>
        %dma_start3A_210 = tpu.memref_squeeze %dma_start3A_209 : memref<1x40xi32, #tpu.memory_space<vmem>> -> memref<40xi32, #tpu.memory_space<vmem>>
        %dma_start3A_211 = arith.constant 0 : i32
        %dma_start3A_212 = arith.constant 0 : i32
        %dma_start3A_213 = tpu.memref_slice %arg3[%dma_start3A_211, %dma_start3A_212] : memref<10000x128xi32, #tpu.memory_space<hbm>> -> memref<10000x128xi32, #tpu.memory_space<hbm>>
        tpu.enqueue_indirect_dma source(%dma_start3A_213 : memref<10000x128xi32, #tpu.memory_space<hbm>>) target(%arg15 : memref<40x128xi32, #tpu.memory_space<vmem>>) offsets(%dma_start3A_210 : memref<40xi32, #tpu.memory_space<vmem>>) semaphore(%arg18 : memref<!tpu.dma_semaphore, #tpu.memory_space<semaphore_mem>>)
      } else {
      }
      %mul3A_113 = arith.constant 3 : i32
      %mul3A_114 = arith.muli %mul3A_113, %add3A_77 : i32
      %add3A_115 = arith.constant 1 : i32
      %add3A_116 = arith.addi %mul3A_114, %add3A_115 : i32
      %dma_wait3A_117 = arith.constant 0 : i32
      %dma_wait3A_118 = arith.constant 0 : i32
      %dma_wait3A_119 = tpu.memref_slice %arg8[%dma_wait3A_117, %dma_wait3A_118] : memref<250x40xi32, #tpu.memory_space<vmem>> -> memref<1x40xi32, #tpu.memory_space<vmem>>
      %dma_wait3A_120 = tpu.memref_squeeze %dma_wait3A_119 : memref<1x40xi32, #tpu.memory_space<vmem>> -> memref<40xi32, #tpu.memory_space<vmem>>
      %dma_wait3A_121 = arith.constant 0 : i32
      %dma_wait3A_122 = arith.constant 0 : i32
      %dma_wait3A_123 = tpu.memref_slice %arg2[%dma_wait3A_121, %dma_wait3A_122] : memref<10000x128xi32, #tpu.memory_space<hbm>> -> memref<10000x128xi32, #tpu.memory_space<hbm>>
      tpu.wait_indirect_dma semaphore(%arg17 : memref<!tpu.dma_semaphore, #tpu.memory_space<semaphore_mem>>) src(%dma_wait3A_123 : memref<10000x128xi32, #tpu.memory_space<hbm>>) dst(%arg12 : memref<40x128xi32, #tpu.memory_space<vmem>>)
      %dma_wait3A_124 = arith.constant 0 : i32
      %dma_wait3A_125 = arith.constant 0 : i32
      %dma_wait3A_126 = tpu.memref_slice %arg9[%dma_wait3A_124, %dma_wait3A_125] : memref<250x40xi32, #tpu.memory_space<vmem>> -> memref<1x40xi32, #tpu.memory_space<vmem>>
      %dma_wait3A_127 = tpu.memref_squeeze %dma_wait3A_126 : memref<1x40xi32, #tpu.memory_space<vmem>> -> memref<40xi32, #tpu.memory_space<vmem>>
      %dma_wait3A_128 = arith.constant 0 : i32
      %dma_wait3A_129 = arith.constant 0 : i32
      %dma_wait3A_130 = tpu.memref_slice %arg3[%dma_wait3A_128, %dma_wait3A_129] : memref<10000x128xi32, #tpu.memory_space<hbm>> -> memref<10000x128xi32, #tpu.memory_space<hbm>>
      tpu.wait_indirect_dma semaphore(%arg17 : memref<!tpu.dma_semaphore, #tpu.memory_space<semaphore_mem>>) src(%dma_wait3A_130 : memref<10000x128xi32, #tpu.memory_space<hbm>>) dst(%arg13 : memref<40x128xi32, #tpu.memory_space<vmem>>)
      %mul3A_131 = arith.constant 40 : i32
      %mul3A_132 = arith.muli %add3A_116, %mul3A_131 : i32
      %add3A_133 = arith.addi %mul3A_2, %mul3A_132 : i32
      %dma_start3A_134 = arith.constant 0 : i32
      %dma_start3A_135 = tpu.memref_slice %arg6[%add3A_133, %dma_start3A_134] : memref<320000x128xi32, #tpu.memory_space<hbm>> -> memref<40x128xi32, #tpu.memory_space<hbm>>
      %dma_start3A_136 = arith.constant 0 : i32
      %dma_start3A_137 = tpu.memref_slice %arg6[%add3A_133, %dma_start3A_136] : memref<320000x128xi32, #tpu.memory_space<hbm>> -> memref<40x128xi32, #tpu.memory_space<hbm>>
      tpu.enqueue_dma source(%arg12 : memref<40x128xi32, #tpu.memory_space<vmem>>) target(%dma_start3A_137 : memref<40x128xi32, #tpu.memory_space<hbm>>) target_semaphore(%arg20 : memref<!tpu.dma_semaphore, #tpu.memory_space<semaphore_mem>>)
      %dma_start3A_138 = arith.constant 0 : i32
      %dma_start3A_139 = tpu.memref_slice %arg7[%add3A_133, %dma_start3A_138] : memref<320000x128xi32, #tpu.memory_space<hbm>> -> memref<40x128xi32, #tpu.memory_space<hbm>>
      %dma_start3A_140 = arith.constant 0 : i32
      %dma_start3A_141 = tpu.memref_slice %arg7[%add3A_133, %dma_start3A_140] : memref<320000x128xi32, #tpu.memory_space<hbm>> -> memref<40x128xi32, #tpu.memory_space<hbm>>
      tpu.enqueue_dma source(%arg13 : memref<40x128xi32, #tpu.memory_space<vmem>>) target(%dma_start3A_141 : memref<40x128xi32, #tpu.memory_space<hbm>>) target_semaphore(%arg20 : memref<!tpu.dma_semaphore, #tpu.memory_space<semaphore_mem>>)
      %dma_wait3A_142 = arith.constant 0 : i32
      %dma_wait3A_143 = tpu.memref_slice %arg6[%mul3A_2, %dma_wait3A_142] : memref<320000x128xi32, #tpu.memory_space<hbm>> -> memref<40x128xi32, #tpu.memory_space<hbm>>
      %dma_wait3A_144 = arith.constant 0 : i32
      %dma_wait3A_145 = tpu.memref_slice %arg6[%mul3A_2, %dma_wait3A_144] : memref<320000x128xi32, #tpu.memory_space<hbm>> -> memref<40x128xi32, #tpu.memory_space<hbm>>
      tpu.wait_dma2 semaphore(%arg19 : memref<!tpu.dma_semaphore, #tpu.memory_space<semaphore_mem>>) src(%arg10 : memref<40x128xi32, #tpu.memory_space<vmem>>) dst(%dma_wait3A_145 : memref<40x128xi32, #tpu.memory_space<hbm>>)
      %dma_wait3A_146 = arith.constant 0 : i32
      %dma_wait3A_147 = tpu.memref_slice %arg7[%mul3A_2, %dma_wait3A_146] : memref<320000x128xi32, #tpu.memory_space<hbm>> -> memref<40x128xi32, #tpu.memory_space<hbm>>
      %dma_wait3A_148 = arith.constant 0 : i32
      %dma_wait3A_149 = tpu.memref_slice %arg7[%mul3A_2, %dma_wait3A_148] : memref<320000x128xi32, #tpu.memory_space<hbm>> -> memref<40x128xi32, #tpu.memory_space<hbm>>
      tpu.wait_dma2 semaphore(%arg19 : memref<!tpu.dma_semaphore, #tpu.memory_space<semaphore_mem>>) src(%arg11 : memref<40x128xi32, #tpu.memory_space<vmem>>) dst(%dma_wait3A_149 : memref<40x128xi32, #tpu.memory_space<hbm>>)
      %add3A_150 = arith.constant 2 : i32
      %add3A_151 = arith.addi %add3A_116, %add3A_150 : i32
      %lt3A = arith.constant 250 : i32
      %lt3A_152 = arith.cmpi slt, %add3A_151, %lt3A : i32
      %convert_element_type3A_153 = arith.extui %lt3A_152 : i1 to i32
      %cond3A_154 = arith.constant 0 : i32
      %cond3A_155 = arith.cmpi ne, %convert_element_type3A_153, %cond3A_154 : i32
      scf.if %cond3A_155 {
        %add3A_200 = arith.constant 2 : i32
        %add3A_201 = arith.addi %add3A_116, %add3A_200 : i32
        %dma_start3A_202 = arith.constant 0 : i32
        %dma_start3A_203 = tpu.memref_slice %arg8[%add3A_201, %dma_start3A_202] : memref<250x40xi32, #tpu.memory_space<vmem>> -> memref<1x40xi32, #tpu.memory_space<vmem>>
        %dma_start3A_204 = tpu.memref_squeeze %dma_start3A_203 : memref<1x40xi32, #tpu.memory_space<vmem>> -> memref<40xi32, #tpu.memory_space<vmem>>
        %dma_start3A_205 = arith.constant 0 : i32
        %dma_start3A_206 = arith.constant 0 : i32
        %dma_start3A_207 = tpu.memref_slice %arg2[%dma_start3A_205, %dma_start3A_206] : memref<10000x128xi32, #tpu.memory_space<hbm>> -> memref<10000x128xi32, #tpu.memory_space<hbm>>
        tpu.enqueue_indirect_dma source(%dma_start3A_207 : memref<10000x128xi32, #tpu.memory_space<hbm>>) target(%arg10 : memref<40x128xi32, #tpu.memory_space<vmem>>) offsets(%dma_start3A_204 : memref<40xi32, #tpu.memory_space<vmem>>) semaphore(%arg16 : memref<!tpu.dma_semaphore, #tpu.memory_space<semaphore_mem>>)
        %dma_start3A_208 = arith.constant 0 : i32
        %dma_start3A_209 = tpu.memref_slice %arg9[%add3A_201, %dma_start3A_208] : memref<250x40xi32, #tpu.memory_space<vmem>> -> memref<1x40xi32, #tpu.memory_space<vmem>>
        %dma_start3A_210 = tpu.memref_squeeze %dma_start3A_209 : memref<1x40xi32, #tpu.memory_space<vmem>> -> memref<40xi32, #tpu.memory_space<vmem>>
        %dma_start3A_211 = arith.constant 0 : i32
        %dma_start3A_212 = arith.constant 0 : i32
        %dma_start3A_213 = tpu.memref_slice %arg3[%dma_start3A_211, %dma_start3A_212] : memref<10000x128xi32, #tpu.memory_space<hbm>> -> memref<10000x128xi32, #tpu.memory_space<hbm>>
        tpu.enqueue_indirect_dma source(%dma_start3A_213 : memref<10000x128xi32, #tpu.memory_space<hbm>>) target(%arg11 : memref<40x128xi32, #tpu.memory_space<vmem>>) offsets(%dma_start3A_210 : memref<40xi32, #tpu.memory_space<vmem>>) semaphore(%arg16 : memref<!tpu.dma_semaphore, #tpu.memory_space<semaphore_mem>>)
      } else {
      }
      %mul3A_156 = arith.constant 3 : i32
      %mul3A_157 = arith.muli %mul3A_156, %add3A_77 : i32
      %add3A_158 = arith.constant 2 : i32
      %add3A_159 = arith.addi %mul3A_157, %add3A_158 : i32
      %dma_wait3A_160 = arith.constant 0 : i32
      %dma_wait3A_161 = arith.constant 0 : i32
      %dma_wait3A_162 = tpu.memref_slice %arg8[%dma_wait3A_160, %dma_wait3A_161] : memref<250x40xi32, #tpu.memory_space<vmem>> -> memref<1x40xi32, #tpu.memory_space<vmem>>
      %dma_wait3A_163 = tpu.memref_squeeze %dma_wait3A_162 : memref<1x40xi32, #tpu.memory_space<vmem>> -> memref<40xi32, #tpu.memory_space<vmem>>
      %dma_wait3A_164 = arith.constant 0 : i32
      %dma_wait3A_165 = arith.constant 0 : i32
      %dma_wait3A_166 = tpu.memref_slice %arg2[%dma_wait3A_164, %dma_wait3A_165] : memref<10000x128xi32, #tpu.memory_space<hbm>> -> memref<10000x128xi32, #tpu.memory_space<hbm>>
      tpu.wait_indirect_dma semaphore(%arg18 : memref<!tpu.dma_semaphore, #tpu.memory_space<semaphore_mem>>) src(%dma_wait3A_166 : memref<10000x128xi32, #tpu.memory_space<hbm>>) dst(%arg14 : memref<40x128xi32, #tpu.memory_space<vmem>>)
      %dma_wait3A_167 = arith.constant 0 : i32
      %dma_wait3A_168 = arith.constant 0 : i32
      %dma_wait3A_169 = tpu.memref_slice %arg9[%dma_wait3A_167, %dma_wait3A_168] : memref<250x40xi32, #tpu.memory_space<vmem>> -> memref<1x40xi32, #tpu.memory_space<vmem>>
      %dma_wait3A_170 = tpu.memref_squeeze %dma_wait3A_169 : memref<1x40xi32, #tpu.memory_space<vmem>> -> memref<40xi32, #tpu.memory_space<vmem>>
      %dma_wait3A_171 = arith.constant 0 : i32
      %dma_wait3A_172 = arith.constant 0 : i32
      %dma_wait3A_173 = tpu.memref_slice %arg3[%dma_wait3A_171, %dma_wait3A_172] : memref<10000x128xi32, #tpu.memory_space<hbm>> -> memref<10000x128xi32, #tpu.memory_space<hbm>>
      tpu.wait_indirect_dma semaphore(%arg18 : memref<!tpu.dma_semaphore, #tpu.memory_space<semaphore_mem>>) src(%dma_wait3A_173 : memref<10000x128xi32, #tpu.memory_space<hbm>>) dst(%arg15 : memref<40x128xi32, #tpu.memory_space<vmem>>)
      %mul3A_174 = arith.constant 40 : i32
      %mul3A_175 = arith.muli %add3A_159, %mul3A_174 : i32
      %add3A_176 = arith.addi %mul3A_2, %mul3A_175 : i32
      %dma_start3A_177 = arith.constant 0 : i32
      %dma_start3A_178 = tpu.memref_slice %arg6[%add3A_176, %dma_start3A_177] : memref<320000x128xi32, #tpu.memory_space<hbm>> -> memref<40x128xi32, #tpu.memory_space<hbm>>
      %dma_start3A_179 = arith.constant 0 : i32
      %dma_start3A_180 = tpu.memref_slice %arg6[%add3A_176, %dma_start3A_179] : memref<320000x128xi32, #tpu.memory_space<hbm>> -> memref<40x128xi32, #tpu.memory_space<hbm>>
      tpu.enqueue_dma source(%arg14 : memref<40x128xi32, #tpu.memory_space<vmem>>) target(%dma_start3A_180 : memref<40x128xi32, #tpu.memory_space<hbm>>) target_semaphore(%arg21 : memref<!tpu.dma_semaphore, #tpu.memory_space<semaphore_mem>>)
      %dma_start3A_181 = arith.constant 0 : i32
      %dma_start3A_182 = tpu.memref_slice %arg7[%add3A_176, %dma_start3A_181] : memref<320000x128xi32, #tpu.memory_space<hbm>> -> memref<40x128xi32, #tpu.memory_space<hbm>>
      %dma_start3A_183 = arith.constant 0 : i32
      %dma_start3A_184 = tpu.memref_slice %arg7[%add3A_176, %dma_start3A_183] : memref<320000x128xi32, #tpu.memory_space<hbm>> -> memref<40x128xi32, #tpu.memory_space<hbm>>
      tpu.enqueue_dma source(%arg15 : memref<40x128xi32, #tpu.memory_space<vmem>>) target(%dma_start3A_184 : memref<40x128xi32, #tpu.memory_space<hbm>>) target_semaphore(%arg21 : memref<!tpu.dma_semaphore, #tpu.memory_space<semaphore_mem>>)
      %dma_wait3A_185 = arith.constant 0 : i32
      %dma_wait3A_186 = tpu.memref_slice %arg6[%mul3A_2, %dma_wait3A_185] : memref<320000x128xi32, #tpu.memory_space<hbm>> -> memref<40x128xi32, #tpu.memory_space<hbm>>
      %dma_wait3A_187 = arith.constant 0 : i32
      %dma_wait3A_188 = tpu.memref_slice %arg6[%mul3A_2, %dma_wait3A_187] : memref<320000x128xi32, #tpu.memory_space<hbm>> -> memref<40x128xi32, #tpu.memory_space<hbm>>
      tpu.wait_dma2 semaphore(%arg20 : memref<!tpu.dma_semaphore, #tpu.memory_space<semaphore_mem>>) src(%arg12 : memref<40x128xi32, #tpu.memory_space<vmem>>) dst(%dma_wait3A_188 : memref<40x128xi32, #tpu.memory_space<hbm>>)
      %dma_wait3A_189 = arith.constant 0 : i32
      %dma_wait3A_190 = tpu.memref_slice %arg7[%mul3A_2, %dma_wait3A_189] : memref<320000x128xi32, #tpu.memory_space<hbm>> -> memref<40x128xi32, #tpu.memory_space<hbm>>
      %dma_wait3A_191 = arith.constant 0 : i32
      %dma_wait3A_192 = tpu.memref_slice %arg7[%mul3A_2, %dma_wait3A_191] : memref<320000x128xi32, #tpu.memory_space<hbm>> -> memref<40x128xi32, #tpu.memory_space<hbm>>
      tpu.wait_dma2 semaphore(%arg20 : memref<!tpu.dma_semaphore, #tpu.memory_space<semaphore_mem>>) src(%arg13 : memref<40x128xi32, #tpu.memory_space<vmem>>) dst(%dma_wait3A_192 : memref<40x128xi32, #tpu.memory_space<hbm>>)
      %add3A_193 = arith.constant 2 : i32
      %add3A_194 = arith.addi %add3A_159, %add3A_193 : i32
      %lt3A_195 = arith.constant 250 : i32
      %lt3A_196 = arith.cmpi slt, %add3A_194, %lt3A_195 : i32
      %convert_element_type3A_197 = arith.extui %lt3A_196 : i1 to i32
      %cond3A_198 = arith.constant 0 : i32
      %cond3A_199 = arith.cmpi ne, %convert_element_type3A_197, %cond3A_198 : i32
      scf.if %cond3A_199 {
        %add3A_200 = arith.constant 2 : i32
        %add3A_201 = arith.addi %add3A_159, %add3A_200 : i32
        %dma_start3A_202 = arith.constant 0 : i32
        %dma_start3A_203 = tpu.memref_slice %arg8[%add3A_201, %dma_start3A_202] : memref<250x40xi32, #tpu.memory_space<vmem>> -> memref<1x40xi32, #tpu.memory_space<vmem>>
        %dma_start3A_204 = tpu.memref_squeeze %dma_start3A_203 : memref<1x40xi32, #tpu.memory_space<vmem>> -> memref<40xi32, #tpu.memory_space<vmem>>
        %dma_start3A_205 = arith.constant 0 : i32
        %dma_start3A_206 = arith.constant 0 : i32
        %dma_start3A_207 = tpu.memref_slice %arg2[%dma_start3A_205, %dma_start3A_206] : memref<10000x128xi32, #tpu.memory_space<hbm>> -> memref<10000x128xi32, #tpu.memory_space<hbm>>
        tpu.enqueue_indirect_dma source(%dma_start3A_207 : memref<10000x128xi32, #tpu.memory_space<hbm>>) target(%arg12 : memref<40x128xi32, #tpu.memory_space<vmem>>) offsets(%dma_start3A_204 : memref<40xi32, #tpu.memory_space<vmem>>) semaphore(%arg17 : memref<!tpu.dma_semaphore, #tpu.memory_space<semaphore_mem>>)
        %dma_start3A_208 = arith.constant 0 : i32
        %dma_start3A_209 = tpu.memref_slice %arg9[%add3A_201, %dma_start3A_208] : memref<250x40xi32, #tpu.memory_space<vmem>> -> memref<1x40xi32, #tpu.memory_space<vmem>>
        %dma_start3A_210 = tpu.memref_squeeze %dma_start3A_209 : memref<1x40xi32, #tpu.memory_space<vmem>> -> memref<40xi32, #tpu.memory_space<vmem>>
        %dma_start3A_211 = arith.constant 0 : i32
        %dma_start3A_212 = arith.constant 0 : i32
        %dma_start3A_213 = tpu.memref_slice %arg3[%dma_start3A_211, %dma_start3A_212] : memref<10000x128xi32, #tpu.memory_space<hbm>> -> memref<10000x128xi32, #tpu.memory_space<hbm>>
        tpu.enqueue_indirect_dma source(%dma_start3A_213 : memref<10000x128xi32, #tpu.memory_space<hbm>>) target(%arg13 : memref<40x128xi32, #tpu.memory_space<vmem>>) offsets(%dma_start3A_210 : memref<40xi32, #tpu.memory_space<vmem>>) semaphore(%arg17 : memref<!tpu.dma_semaphore, #tpu.memory_space<semaphore_mem>>)
      } else {
      }
    }
    %scan3A_33 = arith.constant 83 : i32
    %dma_wait3A = arith.constant 0 : i32
    %dma_wait3A_34 = arith.constant 0 : i32
    %dma_wait3A_35 = tpu.memref_slice %arg8[%dma_wait3A, %dma_wait3A_34] : memref<250x40xi32, #tpu.memory_space<vmem>> -> memref<1x40xi32, #tpu.memory_space<vmem>>
    %dma_wait3A_36 = tpu.memref_squeeze %dma_wait3A_35 : memref<1x40xi32, #tpu.memory_space<vmem>> -> memref<40xi32, #tpu.memory_space<vmem>>
    %dma_wait3A_37 = arith.constant 0 : i32
    %dma_wait3A_38 = arith.constant 0 : i32
    %dma_wait3A_39 = tpu.memref_slice %arg2[%dma_wait3A_37, %dma_wait3A_38] : memref<10000x128xi32, #tpu.memory_space<hbm>> -> memref<10000x128xi32, #tpu.memory_space<hbm>>
    tpu.wait_indirect_dma semaphore(%arg16 : memref<!tpu.dma_semaphore, #tpu.memory_space<semaphore_mem>>) src(%dma_wait3A_39 : memref<10000x128xi32, #tpu.memory_space<hbm>>) dst(%arg10 : memref<40x128xi32, #tpu.memory_space<vmem>>)
    %dma_wait3A_40 = arith.constant 0 : i32
    %dma_wait3A_41 = arith.constant 0 : i32
    %dma_wait3A_42 = tpu.memref_slice %arg9[%dma_wait3A_40, %dma_wait3A_41] : memref<250x40xi32, #tpu.memory_space<vmem>> -> memref<1x40xi32, #tpu.memory_space<vmem>>
    %dma_wait3A_43 = tpu.memref_squeeze %dma_wait3A_42 : memref<1x40xi32, #tpu.memory_space<vmem>> -> memref<40xi32, #tpu.memory_space<vmem>>
    %dma_wait3A_44 = arith.constant 0 : i32
    %dma_wait3A_45 = arith.constant 0 : i32
    %dma_wait3A_46 = tpu.memref_slice %arg3[%dma_wait3A_44, %dma_wait3A_45] : memref<10000x128xi32, #tpu.memory_space<hbm>> -> memref<10000x128xi32, #tpu.memory_space<hbm>>
    tpu.wait_indirect_dma semaphore(%arg16 : memref<!tpu.dma_semaphore, #tpu.memory_space<semaphore_mem>>) src(%dma_wait3A_46 : memref<10000x128xi32, #tpu.memory_space<hbm>>) dst(%arg11 : memref<40x128xi32, #tpu.memory_space<vmem>>)
    %add3A_47 = arith.constant 9960 : i32
    %add3A_48 = arith.addi %mul3A_2, %add3A_47 : i32
    %dma_start3A_49 = arith.constant 0 : i32
    %dma_start3A_50 = tpu.memref_slice %arg6[%add3A_48, %dma_start3A_49] : memref<320000x128xi32, #tpu.memory_space<hbm>> -> memref<40x128xi32, #tpu.memory_space<hbm>>
    %dma_start3A_51 = arith.constant 0 : i32
    %dma_start3A_52 = tpu.memref_slice %arg6[%add3A_48, %dma_start3A_51] : memref<320000x128xi32, #tpu.memory_space<hbm>> -> memref<40x128xi32, #tpu.memory_space<hbm>>
    tpu.enqueue_dma source(%arg10 : memref<40x128xi32, #tpu.memory_space<vmem>>) target(%dma_start3A_52 : memref<40x128xi32, #tpu.memory_space<hbm>>) target_semaphore(%arg19 : memref<!tpu.dma_semaphore, #tpu.memory_space<semaphore_mem>>)
    %dma_start3A_53 = arith.constant 0 : i32
    %dma_start3A_54 = tpu.memref_slice %arg7[%add3A_48, %dma_start3A_53] : memref<320000x128xi32, #tpu.memory_space<hbm>> -> memref<40x128xi32, #tpu.memory_space<hbm>>
    %dma_start3A_55 = arith.constant 0 : i32
    %dma_start3A_56 = tpu.memref_slice %arg7[%add3A_48, %dma_start3A_55] : memref<320000x128xi32, #tpu.memory_space<hbm>> -> memref<40x128xi32, #tpu.memory_space<hbm>>
    tpu.enqueue_dma source(%arg11 : memref<40x128xi32, #tpu.memory_space<vmem>>) target(%dma_start3A_56 : memref<40x128xi32, #tpu.memory_space<hbm>>) target_semaphore(%arg19 : memref<!tpu.dma_semaphore, #tpu.memory_space<semaphore_mem>>)
    %dma_wait3A_57 = arith.constant 0 : i32
    %dma_wait3A_58 = tpu.memref_slice %arg6[%mul3A_2, %dma_wait3A_57] : memref<320000x128xi32, #tpu.memory_space<hbm>> -> memref<40x128xi32, #tpu.memory_space<hbm>>
    %dma_wait3A_59 = arith.constant 0 : i32
    %dma_wait3A_60 = tpu.memref_slice %arg6[%mul3A_2, %dma_wait3A_59] : memref<320000x128xi32, #tpu.memory_space<hbm>> -> memref<40x128xi32, #tpu.memory_space<hbm>>
    tpu.wait_dma2 semaphore(%arg21 : memref<!tpu.dma_semaphore, #tpu.memory_space<semaphore_mem>>) src(%arg14 : memref<40x128xi32, #tpu.memory_space<vmem>>) dst(%dma_wait3A_60 : memref<40x128xi32, #tpu.memory_space<hbm>>)
    %dma_wait3A_61 = arith.constant 0 : i32
    %dma_wait3A_62 = tpu.memref_slice %arg7[%mul3A_2, %dma_wait3A_61] : memref<320000x128xi32, #tpu.memory_space<hbm>> -> memref<40x128xi32, #tpu.memory_space<hbm>>
    %dma_wait3A_63 = arith.constant 0 : i32
    %dma_wait3A_64 = tpu.memref_slice %arg7[%mul3A_2, %dma_wait3A_63] : memref<320000x128xi32, #tpu.memory_space<hbm>> -> memref<40x128xi32, #tpu.memory_space<hbm>>
    tpu.wait_dma2 semaphore(%arg21 : memref<!tpu.dma_semaphore, #tpu.memory_space<semaphore_mem>>) src(%arg15 : memref<40x128xi32, #tpu.memory_space<vmem>>) dst(%dma_wait3A_64 : memref<40x128xi32, #tpu.memory_space<hbm>>)
    %dma_wait3A_65 = arith.constant 0 : i32
    %dma_wait3A_66 = tpu.memref_slice %arg6[%mul3A_2, %dma_wait3A_65] : memref<320000x128xi32, #tpu.memory_space<hbm>> -> memref<40x128xi32, #tpu.memory_space<hbm>>
    %dma_wait3A_67 = arith.constant 0 : i32
    %dma_wait3A_68 = tpu.memref_slice %arg6[%mul3A_2, %dma_wait3A_67] : memref<320000x128xi32, #tpu.memory_space<hbm>> -> memref<40x128xi32, #tpu.memory_space<hbm>>
    tpu.wait_dma2 semaphore(%arg19 : memref<!tpu.dma_semaphore, #tpu.memory_space<semaphore_mem>>) src(%arg10 : memref<40x128xi32, #tpu.memory_space<vmem>>) dst(%dma_wait3A_68 : memref<40x128xi32, #tpu.memory_space<hbm>>)
    %dma_wait3A_69 = arith.constant 0 : i32
    %dma_wait3A_70 = tpu.memref_slice %arg7[%mul3A_2, %dma_wait3A_69] : memref<320000x128xi32, #tpu.memory_space<hbm>> -> memref<40x128xi32, #tpu.memory_space<hbm>>
    %dma_wait3A_71 = arith.constant 0 : i32
    %dma_wait3A_72 = tpu.memref_slice %arg7[%mul3A_2, %dma_wait3A_71] : memref<320000x128xi32, #tpu.memory_space<hbm>> -> memref<40x128xi32, #tpu.memory_space<hbm>>
    tpu.wait_dma2 semaphore(%arg19 : memref<!tpu.dma_semaphore, #tpu.memory_space<semaphore_mem>>) src(%arg11 : memref<40x128xi32, #tpu.memory_space<vmem>>) dst(%dma_wait3A_72 : memref<40x128xi32, #tpu.memory_space<hbm>>)
    return
  }
}

#map = affine_map<(d0, d1) -> (0, 0)>
#map1 = affine_map<(d0, d1) -> (0, 0, 0)>
module attributes {stable_mosaic.version = 14 : i64} {
  func.func @_sc_gather(%arg0: i32, %arg1: i32, %arg2: memref<10000x128xi32, #tpu.memory_space<hbm>>, %arg3: memref<10000x128xi32, #tpu.memory_space<hbm>>, %arg4: memref<32x250x40xi32, #tpu.memory_space<hbm>>, %arg5: memref<32x250x40xi32, #tpu.memory_space<hbm>>, %arg6: memref<320000x128xi32, #tpu.memory_space<hbm>>, %arg7: memref<320000x128xi32, #tpu.memory_space<hbm>>, %arg8: memref<250x40xi32, #tpu.memory_space<vmem>>, %arg9: memref<250x40xi32, #tpu.memory_space<vmem>>, %arg10: memref<40x128xi32, #tpu.memory_space<vmem>>, %arg11: memref<40x128xi32, #tpu.memory_space<vmem>>, %arg12: memref<40x128xi32, #tpu.memory_space<vmem>>, %arg13: memref<40x128xi32, #tpu.memory_space<vmem>>, %arg14: memref<40x128xi32, #tpu.memory_space<vmem>>, %arg15: memref<40x128xi32, #tpu.memory_space<vmem>>, %arg16: memref<!tpu.dma_semaphore, #tpu.memory_space<semaphore_mem>>, %arg17: memref<!tpu.dma_semaphore, #tpu.memory_space<semaphore_mem>>, %arg18: memref<!tpu.dma_semaphore, #tpu.memory_space<semaphore_mem>>, %arg19: memref<!tpu.dma_semaphore, #tpu.memory_space<semaphore_mem>>, %arg20: memref<!tpu.dma_semaphore, #tpu.memory_space<semaphore_mem>>, %arg21: memref<!tpu.dma_semaphore, #tpu.memory_space<semaphore_mem>>) attributes {dimension_semantics = [#tpu.dimension_semantics<core_parallel>, #tpu.dimension_semantics<subcore_parallel>], iteration_bounds = array<i64: 2, 16>, scalar_prefetch = 0 : i64, scratch_operands = 14 : i64, tpu.core_type = #tpu.core_type<sc_vector_subcore>, window_params = [{transform_indices = #map}, {transform_indices = #map}, {transform_indices = #map1}, {transform_indices = #map1}, {transform_indices = #map}, {transform_indices = #map}]} {
    %mul3A = arith.constant 2 : i32
    %mul3A_0 = arith.muli %arg1, %mul3A : i32
    %add3A = arith.addi %mul3A_0, %arg0 : i32
    %mul3A_1 = arith.constant 10000 : i32
    %mul3A_2 = arith.muli %add3A, %mul3A_1 : i32
    "tpu.region"() ({
      %run_scoped3A = tpu.sem_alloc : memref<!tpu.dma_semaphore, #tpu.memory_space<semaphore_mem>>
      %dma_start3A_73 = arith.constant 0 : i32
      %dma_start3A_74 = arith.constant 0 : i32
      %dma_start3A_75 = tpu.memref_slice %arg5[%add3A, %dma_start3A_73, %dma_start3A_74] : memref<32x250x40xi32, #tpu.memory_space<hbm>> -> memref<1x250x40xi32, #tpu.memory_space<hbm>>
      %dma_start3A_76 = tpu.memref_squeeze %dma_start3A_75 : memref<1x250x40xi32, #tpu.memory_space<hbm>> -> memref<250x40xi32, #tpu.memory_space<hbm>>
      %dma_start3A_77 = arith.constant 0 : i32
      %dma_start3A_78 = arith.constant 0 : i32
      %dma_start3A_79 = tpu.memref_slice %arg5[%add3A, %dma_start3A_77, %dma_start3A_78] : memref<32x250x40xi32, #tpu.memory_space<hbm>> -> memref<1x250x40xi32, #tpu.memory_space<hbm>>
      %dma_start3A_80 = tpu.memref_squeeze %dma_start3A_79 : memref<1x250x40xi32, #tpu.memory_space<hbm>> -> memref<250x40xi32, #tpu.memory_space<hbm>>
      tpu.enqueue_dma source(%dma_start3A_80 : memref<250x40xi32, #tpu.memory_space<hbm>>) target(%arg8 : memref<250x40xi32, #tpu.memory_space<vmem>>) target_semaphore(%run_scoped3A : memref<!tpu.dma_semaphore, #tpu.memory_space<semaphore_mem>>)
      %dma_wait3A_81 = arith.constant 0 : i32
      %dma_wait3A_82 = arith.constant 0 : i32
      %dma_wait3A_83 = tpu.memref_slice %arg5[%add3A, %dma_wait3A_81, %dma_wait3A_82] : memref<32x250x40xi32, #tpu.memory_space<hbm>> -> memref<1x250x40xi32, #tpu.memory_space<hbm>>
      %dma_wait3A_84 = tpu.memref_squeeze %dma_wait3A_83 : memref<1x250x40xi32, #tpu.memory_space<hbm>> -> memref<250x40xi32, #tpu.memory_space<hbm>>
      %dma_wait3A_85 = arith.constant 0 : i32
      %dma_wait3A_86 = arith.constant 0 : i32
      %dma_wait3A_87 = tpu.memref_slice %arg5[%add3A, %dma_wait3A_85, %dma_wait3A_86] : memref<32x250x40xi32, #tpu.memory_space<hbm>> -> memref<1x250x40xi32, #tpu.memory_space<hbm>>
      %dma_wait3A_88 = tpu.memref_squeeze %dma_wait3A_87 : memref<1x250x40xi32, #tpu.memory_space<hbm>> -> memref<250x40xi32, #tpu.memory_space<hbm>>
      tpu.wait_dma2 semaphore(%run_scoped3A : memref<!tpu.dma_semaphore, #tpu.memory_space<semaphore_mem>>) src(%dma_wait3A_88 : memref<250x40xi32, #tpu.memory_space<hbm>>) dst(%arg8 : memref<250x40xi32, #tpu.memory_space<vmem>>)
      tpu.yield
    }) : () -> ()
    "tpu.region"() ({
      %run_scoped3A = tpu.sem_alloc : memref<!tpu.dma_semaphore, #tpu.memory_space<semaphore_mem>>
      %dma_start3A_73 = arith.constant 0 : i32
      %dma_start3A_74 = arith.constant 0 : i32
      %dma_start3A_75 = tpu.memref_slice %arg4[%add3A, %dma_start3A_73, %dma_start3A_74] : memref<32x250x40xi32, #tpu.memory_space<hbm>> -> memref<1x250x40xi32, #tpu.memory_space<hbm>>
      %dma_start3A_76 = tpu.memref_squeeze %dma_start3A_75 : memref<1x250x40xi32, #tpu.memory_space<hbm>> -> memref<250x40xi32, #tpu.memory_space<hbm>>
      %dma_start3A_77 = arith.constant 0 : i32
      %dma_start3A_78 = arith.constant 0 : i32
      %dma_start3A_79 = tpu.memref_slice %arg4[%add3A, %dma_start3A_77, %dma_start3A_78] : memref<32x250x40xi32, #tpu.memory_space<hbm>> -> memref<1x250x40xi32, #tpu.memory_space<hbm>>
      %dma_start3A_80 = tpu.memref_squeeze %dma_start3A_79 : memref<1x250x40xi32, #tpu.memory_space<hbm>> -> memref<250x40xi32, #tpu.memory_space<hbm>>
      tpu.enqueue_dma source(%dma_start3A_80 : memref<250x40xi32, #tpu.memory_space<hbm>>) target(%arg9 : memref<250x40xi32, #tpu.memory_space<vmem>>) target_semaphore(%run_scoped3A : memref<!tpu.dma_semaphore, #tpu.memory_space<semaphore_mem>>)
      %dma_wait3A_81 = arith.constant 0 : i32
      %dma_wait3A_82 = arith.constant 0 : i32
      %dma_wait3A_83 = tpu.memref_slice %arg4[%add3A, %dma_wait3A_81, %dma_wait3A_82] : memref<32x250x40xi32, #tpu.memory_space<hbm>> -> memref<1x250x40xi32, #tpu.memory_space<hbm>>
      %dma_wait3A_84 = tpu.memref_squeeze %dma_wait3A_83 : memref<1x250x40xi32, #tpu.memory_space<hbm>> -> memref<250x40xi32, #tpu.memory_space<hbm>>
      %dma_wait3A_85 = arith.constant 0 : i32
      %dma_wait3A_86 = arith.constant 0 : i32
      %dma_wait3A_87 = tpu.memref_slice %arg4[%add3A, %dma_wait3A_85, %dma_wait3A_86] : memref<32x250x40xi32, #tpu.memory_space<hbm>> -> memref<1x250x40xi32, #tpu.memory_space<hbm>>
      %dma_wait3A_88 = tpu.memref_squeeze %dma_wait3A_87 : memref<1x250x40xi32, #tpu.memory_space<hbm>> -> memref<250x40xi32, #tpu.memory_space<hbm>>
      tpu.wait_dma2 semaphore(%run_scoped3A : memref<!tpu.dma_semaphore, #tpu.memory_space<semaphore_mem>>) src(%dma_wait3A_88 : memref<250x40xi32, #tpu.memory_space<hbm>>) dst(%arg9 : memref<250x40xi32, #tpu.memory_space<vmem>>)
      tpu.yield
    }) : () -> ()
    %dma_start3A = arith.constant 0 : i32
    %dma_start3A_3 = arith.constant 0 : i32
    %dma_start3A_4 = tpu.memref_slice %arg8[%dma_start3A, %dma_start3A_3] : memref<250x40xi32, #tpu.memory_space<vmem>> -> memref<1x40xi32, #tpu.memory_space<vmem>>
    %dma_start3A_5 = tpu.memref_squeeze %dma_start3A_4 : memref<1x40xi32, #tpu.memory_space<vmem>> -> memref<40xi32, #tpu.memory_space<vmem>>
    %dma_start3A_6 = arith.constant 0 : i32
    %dma_start3A_7 = arith.constant 0 : i32
    %dma_start3A_8 = tpu.memref_slice %arg2[%dma_start3A_6, %dma_start3A_7] : memref<10000x128xi32, #tpu.memory_space<hbm>> -> memref<10000x128xi32, #tpu.memory_space<hbm>>
    tpu.enqueue_indirect_dma source(%dma_start3A_8 : memref<10000x128xi32, #tpu.memory_space<hbm>>) target(%arg10 : memref<40x128xi32, #tpu.memory_space<vmem>>) offsets(%dma_start3A_5 : memref<40xi32, #tpu.memory_space<vmem>>) semaphore(%arg16 : memref<!tpu.dma_semaphore, #tpu.memory_space<semaphore_mem>>)
    %dma_start3A_9 = arith.constant 0 : i32
    %dma_start3A_10 = arith.constant 0 : i32
    %dma_start3A_11 = tpu.memref_slice %arg9[%dma_start3A_9, %dma_start3A_10] : memref<250x40xi32, #tpu.memory_space<vmem>> -> memref<1x40xi32, #tpu.memory_space<vmem>>
    %dma_start3A_12 = tpu.memref_squeeze %dma_start3A_11 : memref<1x40xi32, #tpu.memory_space<vmem>> -> memref<40xi32, #tpu.memory_space<vmem>>
    %dma_start3A_13 = arith.constant 0 : i32
    %dma_start3A_14 = arith.constant 0 : i32
    %dma_start3A_15 = tpu.memref_slice %arg3[%dma_start3A_13, %dma_start3A_14] : memref<10000x128xi32, #tpu.memory_space<hbm>> -> memref<10000x128xi32, #tpu.memory_space<hbm>>
    tpu.enqueue_indirect_dma source(%dma_start3A_15 : memref<10000x128xi32, #tpu.memory_space<hbm>>) target(%arg11 : memref<40x128xi32, #tpu.memory_space<vmem>>) offsets(%dma_start3A_12 : memref<40xi32, #tpu.memory_space<vmem>>) semaphore(%arg16 : memref<!tpu.dma_semaphore, #tpu.memory_space<semaphore_mem>>)
    %dma_start3A_16 = arith.constant 1 : i32
    %dma_start3A_17 = arith.constant 0 : i32
    %dma_start3A_18 = tpu.memref_slice %arg8[%dma_start3A_16, %dma_start3A_17] : memref<250x40xi32, #tpu.memory_space<vmem>> -> memref<1x40xi32, #tpu.memory_space<vmem>>
    %dma_start3A_19 = tpu.memref_squeeze %dma_start3A_18 : memref<1x40xi32, #tpu.memory_space<vmem>> -> memref<40xi32, #tpu.memory_space<vmem>>
    %dma_start3A_20 = arith.constant 0 : i32
    %dma_start3A_21 = arith.constant 0 : i32
    %dma_start3A_22 = tpu.memref_slice %arg2[%dma_start3A_20, %dma_start3A_21] : memref<10000x128xi32, #tpu.memory_space<hbm>> -> memref<10000x128xi32, #tpu.memory_space<hbm>>
    tpu.enqueue_indirect_dma source(%dma_start3A_22 : memref<10000x128xi32, #tpu.memory_space<hbm>>) target(%arg12 : memref<40x128xi32, #tpu.memory_space<vmem>>) offsets(%dma_start3A_19 : memref<40xi32, #tpu.memory_space<vmem>>) semaphore(%arg17 : memref<!tpu.dma_semaphore, #tpu.memory_space<semaphore_mem>>)
    %dma_start3A_23 = arith.constant 1 : i32
    %dma_start3A_24 = arith.constant 0 : i32
    %dma_start3A_25 = tpu.memref_slice %arg9[%dma_start3A_23, %dma_start3A_24] : memref<250x40xi32, #tpu.memory_space<vmem>> -> memref<1x40xi32, #tpu.memory_space<vmem>>
    %dma_start3A_26 = tpu.memref_squeeze %dma_start3A_25 : memref<1x40xi32, #tpu.memory_space<vmem>> -> memref<40xi32, #tpu.memory_space<vmem>>
    %dma_start3A_27 = arith.constant 0 : i32
    %dma_start3A_28 = arith.constant 0 : i32
    %dma_start3A_29 = tpu.memref_slice %arg3[%dma_start3A_27, %dma_start3A_28] : memref<10000x128xi32, #tpu.memory_space<hbm>> -> memref<10000x128xi32, #tpu.memory_space<hbm>>
    tpu.enqueue_indirect_dma source(%dma_start3A_29 : memref<10000x128xi32, #tpu.memory_space<hbm>>) target(%arg13 : memref<40x128xi32, #tpu.memory_space<vmem>>) offsets(%dma_start3A_26 : memref<40xi32, #tpu.memory_space<vmem>>) semaphore(%arg17 : memref<!tpu.dma_semaphore, #tpu.memory_space<semaphore_mem>>)
    %scan3A = arith.constant 0 : i32
    %scan3A_30 = arith.constant 83 : i32
    %scan3A_31 = arith.addi %scan3A, %scan3A_30 : i32
    %scan3A_32 = arith.constant 1 : i32
    scf.for %scan3A_73 = %scan3A to %scan3A_31 step %scan3A_32  : i32 {
      %mul3A_74 = arith.constant 1 : i32
      %mul3A_75 = arith.muli %scan3A_73, %mul3A_74 : i32
      %add3A_76 = arith.constant 0 : i32
      %add3A_77 = arith.addi %add3A_76, %mul3A_75 : i32
      %mul3A_78 = arith.constant 3 : i32
      %mul3A_79 = arith.muli %mul3A_78, %add3A_77 : i32
      %add3A_80 = arith.constant 0 : i32
      %add3A_81 = arith.addi %mul3A_79, %add3A_80 : i32
      %dma_wait3A_82 = arith.constant 0 : i32
      %dma_wait3A_83 = arith.constant 0 : i32
      %dma_wait3A_84 = tpu.memref_slice %arg8[%dma_wait3A_82, %dma_wait3A_83] : memref<250x40xi32, #tpu.memory_space<vmem>> -> memref<1x40xi32, #tpu.memory_space<vmem>>
      %dma_wait3A_85 = tpu.memref_squeeze %dma_wait3A_84 : memref<1x40xi32, #tpu.memory_space<vmem>> -> memref<40xi32, #tpu.memory_space<vmem>>
      %dma_wait3A_86 = arith.constant 0 : i32
      %dma_wait3A_87 = arith.constant 0 : i32
      %dma_wait3A_88 = tpu.memref_slice %arg2[%dma_wait3A_86, %dma_wait3A_87] : memref<10000x128xi32, #tpu.memory_space<hbm>> -> memref<10000x128xi32, #tpu.memory_space<hbm>>
      tpu.wait_indirect_dma semaphore(%arg16 : memref<!tpu.dma_semaphore, #tpu.memory_space<semaphore_mem>>) src(%dma_wait3A_88 : memref<10000x128xi32, #tpu.memory_space<hbm>>) dst(%arg10 : memref<40x128xi32, #tpu.memory_space<vmem>>)
      %dma_wait3A_89 = arith.constant 0 : i32
      %dma_wait3A_90 = arith.constant 0 : i32
      %dma_wait3A_91 = tpu.memref_slice %arg9[%dma_wait3A_89, %dma_wait3A_90] : memref<250x40xi32, #tpu.memory_space<vmem>> -> memref<1x40xi32, #tpu.memory_space<vmem>>
      %dma_wait3A_92 = tpu.memref_squeeze %dma_wait3A_91 : memref<1x40xi32, #tpu.memory_space<vmem>> -> memref<40xi32, #tpu.memory_space<vmem>>
      %dma_wait3A_93 = arith.constant 0 : i32
      %dma_wait3A_94 = arith.constant 0 : i32
      %dma_wait3A_95 = tpu.memref_slice %arg3[%dma_wait3A_93, %dma_wait3A_94] : memref<10000x128xi32, #tpu.memory_space<hbm>> -> memref<10000x128xi32, #tpu.memory_space<hbm>>
      tpu.wait_indirect_dma semaphore(%arg16 : memref<!tpu.dma_semaphore, #tpu.memory_space<semaphore_mem>>) src(%dma_wait3A_95 : memref<10000x128xi32, #tpu.memory_space<hbm>>) dst(%arg11 : memref<40x128xi32, #tpu.memory_space<vmem>>)
      %mul3A_96 = arith.constant 40 : i32
      %mul3A_97 = arith.muli %add3A_81, %mul3A_96 : i32
      %add3A_98 = arith.addi %mul3A_2, %mul3A_97 : i32
      %dma_start3A_99 = arith.constant 0 : i32
      %dma_start3A_100 = tpu.memref_slice %arg6[%add3A_98, %dma_start3A_99] : memref<320000x128xi32, #tpu.memory_space<hbm>> -> memref<40x128xi32, #tpu.memory_space<hbm>>
      %dma_start3A_101 = arith.constant 0 : i32
      %dma_start3A_102 = tpu.memref_slice %arg6[%add3A_98, %dma_start3A_101] : memref<320000x128xi32, #tpu.memory_space<hbm>> -> memref<40x128xi32, #tpu.memory_space<hbm>>
      tpu.enqueue_dma source(%arg10 : memref<40x128xi32, #tpu.memory_space<vmem>>) target(%dma_start3A_102 : memref<40x128xi32, #tpu.memory_space<hbm>>) target_semaphore(%arg19 : memref<!tpu.dma_semaphore, #tpu.memory_space<semaphore_mem>>)
      %dma_start3A_103 = arith.constant 0 : i32
      %dma_start3A_104 = tpu.memref_slice %arg7[%add3A_98, %dma_start3A_103] : memref<320000x128xi32, #tpu.memory_space<hbm>> -> memref<40x128xi32, #tpu.memory_space<hbm>>
      %dma_start3A_105 = arith.constant 0 : i32
      %dma_start3A_106 = tpu.memref_slice %arg7[%add3A_98, %dma_start3A_105] : memref<320000x128xi32, #tpu.memory_space<hbm>> -> memref<40x128xi32, #tpu.memory_space<hbm>>
      tpu.enqueue_dma source(%arg11 : memref<40x128xi32, #tpu.memory_space<vmem>>) target(%dma_start3A_106 : memref<40x128xi32, #tpu.memory_space<hbm>>) target_semaphore(%arg19 : memref<!tpu.dma_semaphore, #tpu.memory_space<semaphore_mem>>)
      %gt3A = arith.constant 0 : i32
      %gt3A_107 = arith.cmpi sgt, %add3A_77, %gt3A : i32
      %convert_element_type3A = arith.extui %gt3A_107 : i1 to i32
      %cond3A = arith.constant 0 : i32
      %cond3A_108 = arith.cmpi ne, %convert_element_type3A, %cond3A : i32
      scf.if %cond3A_108 {
        %dma_wait3A_200 = arith.constant 0 : i32
        %dma_wait3A_201 = tpu.memref_slice %arg6[%mul3A_2, %dma_wait3A_200] : memref<320000x128xi32, #tpu.memory_space<hbm>> -> memref<40x128xi32, #tpu.memory_space<hbm>>
        %dma_wait3A_202 = arith.constant 0 : i32
        %dma_wait3A_203 = tpu.memref_slice %arg6[%mul3A_2, %dma_wait3A_202] : memref<320000x128xi32, #tpu.memory_space<hbm>> -> memref<40x128xi32, #tpu.memory_space<hbm>>
        tpu.wait_dma2 semaphore(%arg21 : memref<!tpu.dma_semaphore, #tpu.memory_space<semaphore_mem>>) src(%arg14 : memref<40x128xi32, #tpu.memory_space<vmem>>) dst(%dma_wait3A_203 : memref<40x128xi32, #tpu.memory_space<hbm>>)
        %dma_wait3A_204 = arith.constant 0 : i32
        %dma_wait3A_205 = tpu.memref_slice %arg7[%mul3A_2, %dma_wait3A_204] : memref<320000x128xi32, #tpu.memory_space<hbm>> -> memref<40x128xi32, #tpu.memory_space<hbm>>
        %dma_wait3A_206 = arith.constant 0 : i32
        %dma_wait3A_207 = tpu.memref_slice %arg7[%mul3A_2, %dma_wait3A_206] : memref<320000x128xi32, #tpu.memory_space<hbm>> -> memref<40x128xi32, #tpu.memory_space<hbm>>
        tpu.wait_dma2 semaphore(%arg21 : memref<!tpu.dma_semaphore, #tpu.memory_space<semaphore_mem>>) src(%arg15 : memref<40x128xi32, #tpu.memory_space<vmem>>) dst(%dma_wait3A_207 : memref<40x128xi32, #tpu.memory_space<hbm>>)
        %add3A_208 = arith.constant 2 : i32
        %add3A_209 = arith.addi %add3A_81, %add3A_208 : i32
        %dma_start3A_210 = arith.constant 0 : i32
        %dma_start3A_211 = tpu.memref_slice %arg8[%add3A_209, %dma_start3A_210] : memref<250x40xi32, #tpu.memory_space<vmem>> -> memref<1x40xi32, #tpu.memory_space<vmem>>
        %dma_start3A_212 = tpu.memref_squeeze %dma_start3A_211 : memref<1x40xi32, #tpu.memory_space<vmem>> -> memref<40xi32, #tpu.memory_space<vmem>>
        %dma_start3A_213 = arith.constant 0 : i32
        %dma_start3A_214 = arith.constant 0 : i32
        %dma_start3A_215 = tpu.memref_slice %arg2[%dma_start3A_213, %dma_start3A_214] : memref<10000x128xi32, #tpu.memory_space<hbm>> -> memref<10000x128xi32, #tpu.memory_space<hbm>>
        tpu.enqueue_indirect_dma source(%dma_start3A_215 : memref<10000x128xi32, #tpu.memory_space<hbm>>) target(%arg14 : memref<40x128xi32, #tpu.memory_space<vmem>>) offsets(%dma_start3A_212 : memref<40xi32, #tpu.memory_space<vmem>>) semaphore(%arg18 : memref<!tpu.dma_semaphore, #tpu.memory_space<semaphore_mem>>)
        %dma_start3A_216 = arith.constant 0 : i32
        %dma_start3A_217 = tpu.memref_slice %arg9[%add3A_209, %dma_start3A_216] : memref<250x40xi32, #tpu.memory_space<vmem>> -> memref<1x40xi32, #tpu.memory_space<vmem>>
        %dma_start3A_218 = tpu.memref_squeeze %dma_start3A_217 : memref<1x40xi32, #tpu.memory_space<vmem>> -> memref<40xi32, #tpu.memory_space<vmem>>
        %dma_start3A_219 = arith.constant 0 : i32
        %dma_start3A_220 = arith.constant 0 : i32
        %dma_start3A_221 = tpu.memref_slice %arg3[%dma_start3A_219, %dma_start3A_220] : memref<10000x128xi32, #tpu.memory_space<hbm>> -> memref<10000x128xi32, #tpu.memory_space<hbm>>
        tpu.enqueue_indirect_dma source(%dma_start3A_221 : memref<10000x128xi32, #tpu.memory_space<hbm>>) target(%arg15 : memref<40x128xi32, #tpu.memory_space<vmem>>) offsets(%dma_start3A_218 : memref<40xi32, #tpu.memory_space<vmem>>) semaphore(%arg18 : memref<!tpu.dma_semaphore, #tpu.memory_space<semaphore_mem>>)
      } else {
      }
      %eq3A = arith.constant 0 : i32
      %eq3A_109 = arith.cmpi eq, %add3A_77, %eq3A : i32
      %convert_element_type3A_110 = arith.extui %eq3A_109 : i1 to i32
      %cond3A_111 = arith.constant 0 : i32
      %cond3A_112 = arith.cmpi ne, %convert_element_type3A_110, %cond3A_111 : i32
      scf.if %cond3A_112 {
        %add3A_200 = arith.constant 2 : i32
        %add3A_201 = arith.addi %add3A_81, %add3A_200 : i32
        %dma_start3A_202 = arith.constant 0 : i32
        %dma_start3A_203 = tpu.memref_slice %arg8[%add3A_201, %dma_start3A_202] : memref<250x40xi32, #tpu.memory_space<vmem>> -> memref<1x40xi32, #tpu.memory_space<vmem>>
        %dma_start3A_204 = tpu.memref_squeeze %dma_start3A_203 : memref<1x40xi32, #tpu.memory_space<vmem>> -> memref<40xi32, #tpu.memory_space<vmem>>
        %dma_start3A_205 = arith.constant 0 : i32
        %dma_start3A_206 = arith.constant 0 : i32
        %dma_start3A_207 = tpu.memref_slice %arg2[%dma_start3A_205, %dma_start3A_206] : memref<10000x128xi32, #tpu.memory_space<hbm>> -> memref<10000x128xi32, #tpu.memory_space<hbm>>
        tpu.enqueue_indirect_dma source(%dma_start3A_207 : memref<10000x128xi32, #tpu.memory_space<hbm>>) target(%arg14 : memref<40x128xi32, #tpu.memory_space<vmem>>) offsets(%dma_start3A_204 : memref<40xi32, #tpu.memory_space<vmem>>) semaphore(%arg18 : memref<!tpu.dma_semaphore, #tpu.memory_space<semaphore_mem>>)
        %dma_start3A_208 = arith.constant 0 : i32
        %dma_start3A_209 = tpu.memref_slice %arg9[%add3A_201, %dma_start3A_208] : memref<250x40xi32, #tpu.memory_space<vmem>> -> memref<1x40xi32, #tpu.memory_space<vmem>>
        %dma_start3A_210 = tpu.memref_squeeze %dma_start3A_209 : memref<1x40xi32, #tpu.memory_space<vmem>> -> memref<40xi32, #tpu.memory_space<vmem>>
        %dma_start3A_211 = arith.constant 0 : i32
        %dma_start3A_212 = arith.constant 0 : i32
        %dma_start3A_213 = tpu.memref_slice %arg3[%dma_start3A_211, %dma_start3A_212] : memref<10000x128xi32, #tpu.memory_space<hbm>> -> memref<10000x128xi32, #tpu.memory_space<hbm>>
        tpu.enqueue_indirect_dma source(%dma_start3A_213 : memref<10000x128xi32, #tpu.memory_space<hbm>>) target(%arg15 : memref<40x128xi32, #tpu.memory_space<vmem>>) offsets(%dma_start3A_210 : memref<40xi32, #tpu.memory_space<vmem>>) semaphore(%arg18 : memref<!tpu.dma_semaphore, #tpu.memory_space<semaphore_mem>>)
      } else {
      }
      %mul3A_113 = arith.constant 3 : i32
      %mul3A_114 = arith.muli %mul3A_113, %add3A_77 : i32
      %add3A_115 = arith.constant 1 : i32
      %add3A_116 = arith.addi %mul3A_114, %add3A_115 : i32
      %dma_wait3A_117 = arith.constant 0 : i32
      %dma_wait3A_118 = arith.constant 0 : i32
      %dma_wait3A_119 = tpu.memref_slice %arg8[%dma_wait3A_117, %dma_wait3A_118] : memref<250x40xi32, #tpu.memory_space<vmem>> -> memref<1x40xi32, #tpu.memory_space<vmem>>
      %dma_wait3A_120 = tpu.memref_squeeze %dma_wait3A_119 : memref<1x40xi32, #tpu.memory_space<vmem>> -> memref<40xi32, #tpu.memory_space<vmem>>
      %dma_wait3A_121 = arith.constant 0 : i32
      %dma_wait3A_122 = arith.constant 0 : i32
      %dma_wait3A_123 = tpu.memref_slice %arg2[%dma_wait3A_121, %dma_wait3A_122] : memref<10000x128xi32, #tpu.memory_space<hbm>> -> memref<10000x128xi32, #tpu.memory_space<hbm>>
      tpu.wait_indirect_dma semaphore(%arg17 : memref<!tpu.dma_semaphore, #tpu.memory_space<semaphore_mem>>) src(%dma_wait3A_123 : memref<10000x128xi32, #tpu.memory_space<hbm>>) dst(%arg12 : memref<40x128xi32, #tpu.memory_space<vmem>>)
      %dma_wait3A_124 = arith.constant 0 : i32
      %dma_wait3A_125 = arith.constant 0 : i32
      %dma_wait3A_126 = tpu.memref_slice %arg9[%dma_wait3A_124, %dma_wait3A_125] : memref<250x40xi32, #tpu.memory_space<vmem>> -> memref<1x40xi32, #tpu.memory_space<vmem>>
      %dma_wait3A_127 = tpu.memref_squeeze %dma_wait3A_126 : memref<1x40xi32, #tpu.memory_space<vmem>> -> memref<40xi32, #tpu.memory_space<vmem>>
      %dma_wait3A_128 = arith.constant 0 : i32
      %dma_wait3A_129 = arith.constant 0 : i32
      %dma_wait3A_130 = tpu.memref_slice %arg3[%dma_wait3A_128, %dma_wait3A_129] : memref<10000x128xi32, #tpu.memory_space<hbm>> -> memref<10000x128xi32, #tpu.memory_space<hbm>>
      tpu.wait_indirect_dma semaphore(%arg17 : memref<!tpu.dma_semaphore, #tpu.memory_space<semaphore_mem>>) src(%dma_wait3A_130 : memref<10000x128xi32, #tpu.memory_space<hbm>>) dst(%arg13 : memref<40x128xi32, #tpu.memory_space<vmem>>)
      %mul3A_131 = arith.constant 40 : i32
      %mul3A_132 = arith.muli %add3A_116, %mul3A_131 : i32
      %add3A_133 = arith.addi %mul3A_2, %mul3A_132 : i32
      %dma_start3A_134 = arith.constant 0 : i32
      %dma_start3A_135 = tpu.memref_slice %arg6[%add3A_133, %dma_start3A_134] : memref<320000x128xi32, #tpu.memory_space<hbm>> -> memref<40x128xi32, #tpu.memory_space<hbm>>
      %dma_start3A_136 = arith.constant 0 : i32
      %dma_start3A_137 = tpu.memref_slice %arg6[%add3A_133, %dma_start3A_136] : memref<320000x128xi32, #tpu.memory_space<hbm>> -> memref<40x128xi32, #tpu.memory_space<hbm>>
      tpu.enqueue_dma source(%arg12 : memref<40x128xi32, #tpu.memory_space<vmem>>) target(%dma_start3A_137 : memref<40x128xi32, #tpu.memory_space<hbm>>) target_semaphore(%arg20 : memref<!tpu.dma_semaphore, #tpu.memory_space<semaphore_mem>>)
      %dma_start3A_138 = arith.constant 0 : i32
      %dma_start3A_139 = tpu.memref_slice %arg7[%add3A_133, %dma_start3A_138] : memref<320000x128xi32, #tpu.memory_space<hbm>> -> memref<40x128xi32, #tpu.memory_space<hbm>>
      %dma_start3A_140 = arith.constant 0 : i32
      %dma_start3A_141 = tpu.memref_slice %arg7[%add3A_133, %dma_start3A_140] : memref<320000x128xi32, #tpu.memory_space<hbm>> -> memref<40x128xi32, #tpu.memory_space<hbm>>
      tpu.enqueue_dma source(%arg13 : memref<40x128xi32, #tpu.memory_space<vmem>>) target(%dma_start3A_141 : memref<40x128xi32, #tpu.memory_space<hbm>>) target_semaphore(%arg20 : memref<!tpu.dma_semaphore, #tpu.memory_space<semaphore_mem>>)
      %dma_wait3A_142 = arith.constant 0 : i32
      %dma_wait3A_143 = tpu.memref_slice %arg6[%mul3A_2, %dma_wait3A_142] : memref<320000x128xi32, #tpu.memory_space<hbm>> -> memref<40x128xi32, #tpu.memory_space<hbm>>
      %dma_wait3A_144 = arith.constant 0 : i32
      %dma_wait3A_145 = tpu.memref_slice %arg6[%mul3A_2, %dma_wait3A_144] : memref<320000x128xi32, #tpu.memory_space<hbm>> -> memref<40x128xi32, #tpu.memory_space<hbm>>
      tpu.wait_dma2 semaphore(%arg19 : memref<!tpu.dma_semaphore, #tpu.memory_space<semaphore_mem>>) src(%arg10 : memref<40x128xi32, #tpu.memory_space<vmem>>) dst(%dma_wait3A_145 : memref<40x128xi32, #tpu.memory_space<hbm>>)
      %dma_wait3A_146 = arith.constant 0 : i32
      %dma_wait3A_147 = tpu.memref_slice %arg7[%mul3A_2, %dma_wait3A_146] : memref<320000x128xi32, #tpu.memory_space<hbm>> -> memref<40x128xi32, #tpu.memory_space<hbm>>
      %dma_wait3A_148 = arith.constant 0 : i32
      %dma_wait3A_149 = tpu.memref_slice %arg7[%mul3A_2, %dma_wait3A_148] : memref<320000x128xi32, #tpu.memory_space<hbm>> -> memref<40x128xi32, #tpu.memory_space<hbm>>
      tpu.wait_dma2 semaphore(%arg19 : memref<!tpu.dma_semaphore, #tpu.memory_space<semaphore_mem>>) src(%arg11 : memref<40x128xi32, #tpu.memory_space<vmem>>) dst(%dma_wait3A_149 : memref<40x128xi32, #tpu.memory_space<hbm>>)
      %add3A_150 = arith.constant 2 : i32
      %add3A_151 = arith.addi %add3A_116, %add3A_150 : i32
      %lt3A = arith.constant 250 : i32
      %lt3A_152 = arith.cmpi slt, %add3A_151, %lt3A : i32
      %convert_element_type3A_153 = arith.extui %lt3A_152 : i1 to i32
      %cond3A_154 = arith.constant 0 : i32
      %cond3A_155 = arith.cmpi ne, %convert_element_type3A_153, %cond3A_154 : i32
      scf.if %cond3A_155 {
        %add3A_200 = arith.constant 2 : i32
        %add3A_201 = arith.addi %add3A_116, %add3A_200 : i32
        %dma_start3A_202 = arith.constant 0 : i32
        %dma_start3A_203 = tpu.memref_slice %arg8[%add3A_201, %dma_start3A_202] : memref<250x40xi32, #tpu.memory_space<vmem>> -> memref<1x40xi32, #tpu.memory_space<vmem>>
        %dma_start3A_204 = tpu.memref_squeeze %dma_start3A_203 : memref<1x40xi32, #tpu.memory_space<vmem>> -> memref<40xi32, #tpu.memory_space<vmem>>
        %dma_start3A_205 = arith.constant 0 : i32
        %dma_start3A_206 = arith.constant 0 : i32
        %dma_start3A_207 = tpu.memref_slice %arg2[%dma_start3A_205, %dma_start3A_206] : memref<10000x128xi32, #tpu.memory_space<hbm>> -> memref<10000x128xi32, #tpu.memory_space<hbm>>
        tpu.enqueue_indirect_dma source(%dma_start3A_207 : memref<10000x128xi32, #tpu.memory_space<hbm>>) target(%arg10 : memref<40x128xi32, #tpu.memory_space<vmem>>) offsets(%dma_start3A_204 : memref<40xi32, #tpu.memory_space<vmem>>) semaphore(%arg16 : memref<!tpu.dma_semaphore, #tpu.memory_space<semaphore_mem>>)
        %dma_start3A_208 = arith.constant 0 : i32
        %dma_start3A_209 = tpu.memref_slice %arg9[%add3A_201, %dma_start3A_208] : memref<250x40xi32, #tpu.memory_space<vmem>> -> memref<1x40xi32, #tpu.memory_space<vmem>>
        %dma_start3A_210 = tpu.memref_squeeze %dma_start3A_209 : memref<1x40xi32, #tpu.memory_space<vmem>> -> memref<40xi32, #tpu.memory_space<vmem>>
        %dma_start3A_211 = arith.constant 0 : i32
        %dma_start3A_212 = arith.constant 0 : i32
        %dma_start3A_213 = tpu.memref_slice %arg3[%dma_start3A_211, %dma_start3A_212] : memref<10000x128xi32, #tpu.memory_space<hbm>> -> memref<10000x128xi32, #tpu.memory_space<hbm>>
        tpu.enqueue_indirect_dma source(%dma_start3A_213 : memref<10000x128xi32, #tpu.memory_space<hbm>>) target(%arg11 : memref<40x128xi32, #tpu.memory_space<vmem>>) offsets(%dma_start3A_210 : memref<40xi32, #tpu.memory_space<vmem>>) semaphore(%arg16 : memref<!tpu.dma_semaphore, #tpu.memory_space<semaphore_mem>>)
      } else {
      }
      %mul3A_156 = arith.constant 3 : i32
      %mul3A_157 = arith.muli %mul3A_156, %add3A_77 : i32
      %add3A_158 = arith.constant 2 : i32
      %add3A_159 = arith.addi %mul3A_157, %add3A_158 : i32
      %dma_wait3A_160 = arith.constant 0 : i32
      %dma_wait3A_161 = arith.constant 0 : i32
      %dma_wait3A_162 = tpu.memref_slice %arg8[%dma_wait3A_160, %dma_wait3A_161] : memref<250x40xi32, #tpu.memory_space<vmem>> -> memref<1x40xi32, #tpu.memory_space<vmem>>
      %dma_wait3A_163 = tpu.memref_squeeze %dma_wait3A_162 : memref<1x40xi32, #tpu.memory_space<vmem>> -> memref<40xi32, #tpu.memory_space<vmem>>
      %dma_wait3A_164 = arith.constant 0 : i32
      %dma_wait3A_165 = arith.constant 0 : i32
      %dma_wait3A_166 = tpu.memref_slice %arg2[%dma_wait3A_164, %dma_wait3A_165] : memref<10000x128xi32, #tpu.memory_space<hbm>> -> memref<10000x128xi32, #tpu.memory_space<hbm>>
      tpu.wait_indirect_dma semaphore(%arg18 : memref<!tpu.dma_semaphore, #tpu.memory_space<semaphore_mem>>) src(%dma_wait3A_166 : memref<10000x128xi32, #tpu.memory_space<hbm>>) dst(%arg14 : memref<40x128xi32, #tpu.memory_space<vmem>>)
      %dma_wait3A_167 = arith.constant 0 : i32
      %dma_wait3A_168 = arith.constant 0 : i32
      %dma_wait3A_169 = tpu.memref_slice %arg9[%dma_wait3A_167, %dma_wait3A_168] : memref<250x40xi32, #tpu.memory_space<vmem>> -> memref<1x40xi32, #tpu.memory_space<vmem>>
      %dma_wait3A_170 = tpu.memref_squeeze %dma_wait3A_169 : memref<1x40xi32, #tpu.memory_space<vmem>> -> memref<40xi32, #tpu.memory_space<vmem>>
      %dma_wait3A_171 = arith.constant 0 : i32
      %dma_wait3A_172 = arith.constant 0 : i32
      %dma_wait3A_173 = tpu.memref_slice %arg3[%dma_wait3A_171, %dma_wait3A_172] : memref<10000x128xi32, #tpu.memory_space<hbm>> -> memref<10000x128xi32, #tpu.memory_space<hbm>>
      tpu.wait_indirect_dma semaphore(%arg18 : memref<!tpu.dma_semaphore, #tpu.memory_space<semaphore_mem>>) src(%dma_wait3A_173 : memref<10000x128xi32, #tpu.memory_space<hbm>>) dst(%arg15 : memref<40x128xi32, #tpu.memory_space<vmem>>)
      %mul3A_174 = arith.constant 40 : i32
      %mul3A_175 = arith.muli %add3A_159, %mul3A_174 : i32
      %add3A_176 = arith.addi %mul3A_2, %mul3A_175 : i32
      %dma_start3A_177 = arith.constant 0 : i32
      %dma_start3A_178 = tpu.memref_slice %arg6[%add3A_176, %dma_start3A_177] : memref<320000x128xi32, #tpu.memory_space<hbm>> -> memref<40x128xi32, #tpu.memory_space<hbm>>
      %dma_start3A_179 = arith.constant 0 : i32
      %dma_start3A_180 = tpu.memref_slice %arg6[%add3A_176, %dma_start3A_179] : memref<320000x128xi32, #tpu.memory_space<hbm>> -> memref<40x128xi32, #tpu.memory_space<hbm>>
      tpu.enqueue_dma source(%arg14 : memref<40x128xi32, #tpu.memory_space<vmem>>) target(%dma_start3A_180 : memref<40x128xi32, #tpu.memory_space<hbm>>) target_semaphore(%arg21 : memref<!tpu.dma_semaphore, #tpu.memory_space<semaphore_mem>>)
      %dma_start3A_181 = arith.constant 0 : i32
      %dma_start3A_182 = tpu.memref_slice %arg7[%add3A_176, %dma_start3A_181] : memref<320000x128xi32, #tpu.memory_space<hbm>> -> memref<40x128xi32, #tpu.memory_space<hbm>>
      %dma_start3A_183 = arith.constant 0 : i32
      %dma_start3A_184 = tpu.memref_slice %arg7[%add3A_176, %dma_start3A_183] : memref<320000x128xi32, #tpu.memory_space<hbm>> -> memref<40x128xi32, #tpu.memory_space<hbm>>
      tpu.enqueue_dma source(%arg15 : memref<40x128xi32, #tpu.memory_space<vmem>>) target(%dma_start3A_184 : memref<40x128xi32, #tpu.memory_space<hbm>>) target_semaphore(%arg21 : memref<!tpu.dma_semaphore, #tpu.memory_space<semaphore_mem>>)
      %dma_wait3A_185 = arith.constant 0 : i32
      %dma_wait3A_186 = tpu.memref_slice %arg6[%mul3A_2, %dma_wait3A_185] : memref<320000x128xi32, #tpu.memory_space<hbm>> -> memref<40x128xi32, #tpu.memory_space<hbm>>
      %dma_wait3A_187 = arith.constant 0 : i32
      %dma_wait3A_188 = tpu.memref_slice %arg6[%mul3A_2, %dma_wait3A_187] : memref<320000x128xi32, #tpu.memory_space<hbm>> -> memref<40x128xi32, #tpu.memory_space<hbm>>
      tpu.wait_dma2 semaphore(%arg20 : memref<!tpu.dma_semaphore, #tpu.memory_space<semaphore_mem>>) src(%arg12 : memref<40x128xi32, #tpu.memory_space<vmem>>) dst(%dma_wait3A_188 : memref<40x128xi32, #tpu.memory_space<hbm>>)
      %dma_wait3A_189 = arith.constant 0 : i32
      %dma_wait3A_190 = tpu.memref_slice %arg7[%mul3A_2, %dma_wait3A_189] : memref<320000x128xi32, #tpu.memory_space<hbm>> -> memref<40x128xi32, #tpu.memory_space<hbm>>
      %dma_wait3A_191 = arith.constant 0 : i32
      %dma_wait3A_192 = tpu.memref_slice %arg7[%mul3A_2, %dma_wait3A_191] : memref<320000x128xi32, #tpu.memory_space<hbm>> -> memref<40x128xi32, #tpu.memory_space<hbm>>
      tpu.wait_dma2 semaphore(%arg20 : memref<!tpu.dma_semaphore, #tpu.memory_space<semaphore_mem>>) src(%arg13 : memref<40x128xi32, #tpu.memory_space<vmem>>) dst(%dma_wait3A_192 : memref<40x128xi32, #tpu.memory_space<hbm>>)
      %add3A_193 = arith.constant 2 : i32
      %add3A_194 = arith.addi %add3A_159, %add3A_193 : i32
      %lt3A_195 = arith.constant 250 : i32
      %lt3A_196 = arith.cmpi slt, %add3A_194, %lt3A_195 : i32
      %convert_element_type3A_197 = arith.extui %lt3A_196 : i1 to i32
      %cond3A_198 = arith.constant 0 : i32
      %cond3A_199 = arith.cmpi ne, %convert_element_type3A_197, %cond3A_198 : i32
      scf.if %cond3A_199 {
        %add3A_200 = arith.constant 2 : i32
        %add3A_201 = arith.addi %add3A_159, %add3A_200 : i32
        %dma_start3A_202 = arith.constant 0 : i32
        %dma_start3A_203 = tpu.memref_slice %arg8[%add3A_201, %dma_start3A_202] : memref<250x40xi32, #tpu.memory_space<vmem>> -> memref<1x40xi32, #tpu.memory_space<vmem>>
        %dma_start3A_204 = tpu.memref_squeeze %dma_start3A_203 : memref<1x40xi32, #tpu.memory_space<vmem>> -> memref<40xi32, #tpu.memory_space<vmem>>
        %dma_start3A_205 = arith.constant 0 : i32
        %dma_start3A_206 = arith.constant 0 : i32
        %dma_start3A_207 = tpu.memref_slice %arg2[%dma_start3A_205, %dma_start3A_206] : memref<10000x128xi32, #tpu.memory_space<hbm>> -> memref<10000x128xi32, #tpu.memory_space<hbm>>
        tpu.enqueue_indirect_dma source(%dma_start3A_207 : memref<10000x128xi32, #tpu.memory_space<hbm>>) target(%arg12 : memref<40x128xi32, #tpu.memory_space<vmem>>) offsets(%dma_start3A_204 : memref<40xi32, #tpu.memory_space<vmem>>) semaphore(%arg17 : memref<!tpu.dma_semaphore, #tpu.memory_space<semaphore_mem>>)
        %dma_start3A_208 = arith.constant 0 : i32
        %dma_start3A_209 = tpu.memref_slice %arg9[%add3A_201, %dma_start3A_208] : memref<250x40xi32, #tpu.memory_space<vmem>> -> memref<1x40xi32, #tpu.memory_space<vmem>>
        %dma_start3A_210 = tpu.memref_squeeze %dma_start3A_209 : memref<1x40xi32, #tpu.memory_space<vmem>> -> memref<40xi32, #tpu.memory_space<vmem>>
        %dma_start3A_211 = arith.constant 0 : i32
        %dma_start3A_212 = arith.constant 0 : i32
        %dma_start3A_213 = tpu.memref_slice %arg3[%dma_start3A_211, %dma_start3A_212] : memref<10000x128xi32, #tpu.memory_space<hbm>> -> memref<10000x128xi32, #tpu.memory_space<hbm>>
        tpu.enqueue_indirect_dma source(%dma_start3A_213 : memref<10000x128xi32, #tpu.memory_space<hbm>>) target(%arg13 : memref<40x128xi32, #tpu.memory_space<vmem>>) offsets(%dma_start3A_210 : memref<40xi32, #tpu.memory_space<vmem>>) semaphore(%arg17 : memref<!tpu.dma_semaphore, #tpu.memory_space<semaphore_mem>>)
      } else {
      }
    }
    %scan3A_33 = arith.constant 83 : i32
    %dma_wait3A = arith.constant 0 : i32
    %dma_wait3A_34 = arith.constant 0 : i32
    %dma_wait3A_35 = tpu.memref_slice %arg8[%dma_wait3A, %dma_wait3A_34] : memref<250x40xi32, #tpu.memory_space<vmem>> -> memref<1x40xi32, #tpu.memory_space<vmem>>
    %dma_wait3A_36 = tpu.memref_squeeze %dma_wait3A_35 : memref<1x40xi32, #tpu.memory_space<vmem>> -> memref<40xi32, #tpu.memory_space<vmem>>
    %dma_wait3A_37 = arith.constant 0 : i32
    %dma_wait3A_38 = arith.constant 0 : i32
    %dma_wait3A_39 = tpu.memref_slice %arg2[%dma_wait3A_37, %dma_wait3A_38] : memref<10000x128xi32, #tpu.memory_space<hbm>> -> memref<10000x128xi32, #tpu.memory_space<hbm>>
    tpu.wait_indirect_dma semaphore(%arg16 : memref<!tpu.dma_semaphore, #tpu.memory_space<semaphore_mem>>) src(%dma_wait3A_39 : memref<10000x128xi32, #tpu.memory_space<hbm>>) dst(%arg10 : memref<40x128xi32, #tpu.memory_space<vmem>>)
    %dma_wait3A_40 = arith.constant 0 : i32
    %dma_wait3A_41 = arith.constant 0 : i32
    %dma_wait3A_42 = tpu.memref_slice %arg9[%dma_wait3A_40, %dma_wait3A_41] : memref<250x40xi32, #tpu.memory_space<vmem>> -> memref<1x40xi32, #tpu.memory_space<vmem>>
    %dma_wait3A_43 = tpu.memref_squeeze %dma_wait3A_42 : memref<1x40xi32, #tpu.memory_space<vmem>> -> memref<40xi32, #tpu.memory_space<vmem>>
    %dma_wait3A_44 = arith.constant 0 : i32
    %dma_wait3A_45 = arith.constant 0 : i32
    %dma_wait3A_46 = tpu.memref_slice %arg3[%dma_wait3A_44, %dma_wait3A_45] : memref<10000x128xi32, #tpu.memory_space<hbm>> -> memref<10000x128xi32, #tpu.memory_space<hbm>>
    tpu.wait_indirect_dma semaphore(%arg16 : memref<!tpu.dma_semaphore, #tpu.memory_space<semaphore_mem>>) src(%dma_wait3A_46 : memref<10000x128xi32, #tpu.memory_space<hbm>>) dst(%arg11 : memref<40x128xi32, #tpu.memory_space<vmem>>)
    %add3A_47 = arith.constant 9960 : i32
    %add3A_48 = arith.addi %mul3A_2, %add3A_47 : i32
    %dma_start3A_49 = arith.constant 0 : i32
    %dma_start3A_50 = tpu.memref_slice %arg6[%add3A_48, %dma_start3A_49] : memref<320000x128xi32, #tpu.memory_space<hbm>> -> memref<40x128xi32, #tpu.memory_space<hbm>>
    %dma_start3A_51 = arith.constant 0 : i32
    %dma_start3A_52 = tpu.memref_slice %arg6[%add3A_48, %dma_start3A_51] : memref<320000x128xi32, #tpu.memory_space<hbm>> -> memref<40x128xi32, #tpu.memory_space<hbm>>
    tpu.enqueue_dma source(%arg10 : memref<40x128xi32, #tpu.memory_space<vmem>>) target(%dma_start3A_52 : memref<40x128xi32, #tpu.memory_space<hbm>>) target_semaphore(%arg19 : memref<!tpu.dma_semaphore, #tpu.memory_space<semaphore_mem>>)
    %dma_start3A_53 = arith.constant 0 : i32
    %dma_start3A_54 = tpu.memref_slice %arg7[%add3A_48, %dma_start3A_53] : memref<320000x128xi32, #tpu.memory_space<hbm>> -> memref<40x128xi32, #tpu.memory_space<hbm>>
    %dma_start3A_55 = arith.constant 0 : i32
    %dma_start3A_56 = tpu.memref_slice %arg7[%add3A_48, %dma_start3A_55] : memref<320000x128xi32, #tpu.memory_space<hbm>> -> memref<40x128xi32, #tpu.memory_space<hbm>>
    tpu.enqueue_dma source(%arg11 : memref<40x128xi32, #tpu.memory_space<vmem>>) target(%dma_start3A_56 : memref<40x128xi32, #tpu.memory_space<hbm>>) target_semaphore(%arg19 : memref<!tpu.dma_semaphore, #tpu.memory_space<semaphore_mem>>)
    %dma_wait3A_57 = arith.constant 0 : i32
    %dma_wait3A_58 = tpu.memref_slice %arg6[%mul3A_2, %dma_wait3A_57] : memref<320000x128xi32, #tpu.memory_space<hbm>> -> memref<40x128xi32, #tpu.memory_space<hbm>>
    %dma_wait3A_59 = arith.constant 0 : i32
    %dma_wait3A_60 = tpu.memref_slice %arg6[%mul3A_2, %dma_wait3A_59] : memref<320000x128xi32, #tpu.memory_space<hbm>> -> memref<40x128xi32, #tpu.memory_space<hbm>>
    tpu.wait_dma2 semaphore(%arg21 : memref<!tpu.dma_semaphore, #tpu.memory_space<semaphore_mem>>) src(%arg14 : memref<40x128xi32, #tpu.memory_space<vmem>>) dst(%dma_wait3A_60 : memref<40x128xi32, #tpu.memory_space<hbm>>)
    %dma_wait3A_61 = arith.constant 0 : i32
    %dma_wait3A_62 = tpu.memref_slice %arg7[%mul3A_2, %dma_wait3A_61] : memref<320000x128xi32, #tpu.memory_space<hbm>> -> memref<40x128xi32, #tpu.memory_space<hbm>>
    %dma_wait3A_63 = arith.constant 0 : i32
    %dma_wait3A_64 = tpu.memref_slice %arg7[%mul3A_2, %dma_wait3A_63] : memref<320000x128xi32, #tpu.memory_space<hbm>> -> memref<40x128xi32, #tpu.memory_space<hbm>>
    tpu.wait_dma2 semaphore(%arg21 : memref<!tpu.dma_semaphore, #tpu.memory_space<semaphore_mem>>) src(%arg15 : memref<40x128xi32, #tpu.memory_space<vmem>>) dst(%dma_wait3A_64 : memref<40x128xi32, #tpu.memory_space<hbm>>)
    %dma_wait3A_65 = arith.constant 0 : i32
    %dma_wait3A_66 = tpu.memref_slice %arg6[%mul3A_2, %dma_wait3A_65] : memref<320000x128xi32, #tpu.memory_space<hbm>> -> memref<40x128xi32, #tpu.memory_space<hbm>>
    %dma_wait3A_67 = arith.constant 0 : i32
    %dma_wait3A_68 = tpu.memref_slice %arg6[%mul3A_2, %dma_wait3A_67] : memref<320000x128xi32, #tpu.memory_space<hbm>> -> memref<40x128xi32, #tpu.memory_space<hbm>>
    tpu.wait_dma2 semaphore(%arg19 : memref<!tpu.dma_semaphore, #tpu.memory_space<semaphore_mem>>) src(%arg10 : memref<40x128xi32, #tpu.memory_space<vmem>>) dst(%dma_wait3A_68 : memref<40x128xi32, #tpu.memory_space<hbm>>)
    %dma_wait3A_69 = arith.constant 0 : i32
    %dma_wait3A_70 = tpu.memref_slice %arg7[%mul3A_2, %dma_wait3A_69] : memref<320000x128xi32, #tpu.memory_space<hbm>> -> memref<40x128xi32, #tpu.memory_space<hbm>>
    %dma_wait3A_71 = arith.constant 0 : i32
    %dma_wait3A_72 = tpu.memref_slice %arg7[%mul3A_2, %dma_wait3A_71] : memref<320000x128xi32, #tpu.memory_space<hbm>> -> memref<40x128xi32, #tpu.memory_space<hbm>>
    tpu.wait_dma2 semaphore(%arg19 : memref<!tpu.dma_semaphore, #tpu.memory_space<semaphore_mem>>) src(%arg11 : memref<40x128xi32, #tpu.memory_space<vmem>>) dst(%dma_wait3A_72 : memref<40x128xi32, #tpu.memory_space<hbm>>)
    return
  }
}

#map = affine_map<(d0, d1) -> (0, 0)>
#map1 = affine_map<(d0, d1) -> (0, 0, 0)>
module attributes {stable_mosaic.version = 14 : i64} {
  func.func @_sc_scatter(%arg0: i32, %arg1: i32, %arg2: memref<320000x128xf32, #tpu.memory_space<hbm>>, %arg3: memref<32x250x40xi32, #tpu.memory_space<hbm>>, %arg4: memref<10000x128xf32, #tpu.memory_space<hbm>>, %arg5: memref<2x10000x128xf32, #tpu.memory_space<hbm>>, %arg6: memref<250x40xi32, #tpu.memory_space<vmem>>, %arg7: memref<40x128xf32, #tpu.memory_space<vmem>>, %arg8: memref<40x128xf32, #tpu.memory_space<vmem>>, %arg9: memref<10000x128xf32, #tpu.memory_space<vmem_shared>>, %arg10: memref<!tpu.dma_semaphore, #tpu.memory_space<semaphore_mem>>, %arg11: memref<!tpu.dma_semaphore, #tpu.memory_space<semaphore_mem>>, %arg12: memref<!tpu.dma_semaphore, #tpu.memory_space<semaphore_mem>>, %arg13: memref<!tpu.dma_semaphore, #tpu.memory_space<semaphore_mem>>) attributes {dimension_semantics = [#tpu.dimension_semantics<core_parallel>, #tpu.dimension_semantics<subcore_parallel>], iteration_bounds = array<i64: 2, 16>, scalar_prefetch = 0 : i64, scratch_operands = 8 : i64, tpu.core_type = #tpu.core_type<sc_vector_subcore>, window_params = [{transform_indices = #map}, {transform_indices = #map1}, {transform_indices = #map}, {transform_indices = #map1}]} {
    %mul3A = arith.constant 2 : i32
    %mul3A_0 = arith.muli %arg1, %mul3A : i32
    %add3A = arith.addi %mul3A_0, %arg0 : i32
    %mul3A_1 = arith.constant 10000 : i32
    %mul3A_2 = arith.muli %add3A, %mul3A_1 : i32
    "tpu.region"() ({
      %run_scoped3A = tpu.sem_alloc : memref<!tpu.dma_semaphore, #tpu.memory_space<semaphore_mem>>
      %dma_start3A_28 = arith.constant 0 : i32
      %dma_start3A_29 = arith.constant 0 : i32
      %dma_start3A_30 = tpu.memref_slice %arg3[%add3A, %dma_start3A_28, %dma_start3A_29] : memref<32x250x40xi32, #tpu.memory_space<hbm>> -> memref<1x250x40xi32, #tpu.memory_space<hbm>>
      %dma_start3A_31 = tpu.memref_squeeze %dma_start3A_30 : memref<1x250x40xi32, #tpu.memory_space<hbm>> -> memref<250x40xi32, #tpu.memory_space<hbm>>
      %dma_start3A_32 = arith.constant 0 : i32
      %dma_start3A_33 = arith.constant 0 : i32
      %dma_start3A_34 = tpu.memref_slice %arg3[%add3A, %dma_start3A_32, %dma_start3A_33] : memref<32x250x40xi32, #tpu.memory_space<hbm>> -> memref<1x250x40xi32, #tpu.memory_space<hbm>>
      %dma_start3A_35 = tpu.memref_squeeze %dma_start3A_34 : memref<1x250x40xi32, #tpu.memory_space<hbm>> -> memref<250x40xi32, #tpu.memory_space<hbm>>
      tpu.enqueue_dma source(%dma_start3A_35 : memref<250x40xi32, #tpu.memory_space<hbm>>) target(%arg6 : memref<250x40xi32, #tpu.memory_space<vmem>>) target_semaphore(%run_scoped3A : memref<!tpu.dma_semaphore, #tpu.memory_space<semaphore_mem>>)
      %dma_wait3A = arith.constant 0 : i32
      %dma_wait3A_36 = arith.constant 0 : i32
      %dma_wait3A_37 = tpu.memref_slice %arg3[%add3A, %dma_wait3A, %dma_wait3A_36] : memref<32x250x40xi32, #tpu.memory_space<hbm>> -> memref<1x250x40xi32, #tpu.memory_space<hbm>>
      %dma_wait3A_38 = tpu.memref_squeeze %dma_wait3A_37 : memref<1x250x40xi32, #tpu.memory_space<hbm>> -> memref<250x40xi32, #tpu.memory_space<hbm>>
      %dma_wait3A_39 = arith.constant 0 : i32
      %dma_wait3A_40 = arith.constant 0 : i32
      %dma_wait3A_41 = tpu.memref_slice %arg3[%add3A, %dma_wait3A_39, %dma_wait3A_40] : memref<32x250x40xi32, #tpu.memory_space<hbm>> -> memref<1x250x40xi32, #tpu.memory_space<hbm>>
      %dma_wait3A_42 = tpu.memref_squeeze %dma_wait3A_41 : memref<1x250x40xi32, #tpu.memory_space<hbm>> -> memref<250x40xi32, #tpu.memory_space<hbm>>
      tpu.wait_dma2 semaphore(%run_scoped3A : memref<!tpu.dma_semaphore, #tpu.memory_space<semaphore_mem>>) src(%dma_wait3A_42 : memref<250x40xi32, #tpu.memory_space<hbm>>) dst(%arg6 : memref<250x40xi32, #tpu.memory_space<vmem>>)
      tpu.yield
    }) : () -> ()
    %mul3A_3 = arith.constant 624 : i32
    %mul3A_4 = arith.muli %arg1, %mul3A_3 : i32
    "tpu.region"() ({
      %run_scoped3A = tpu.sem_alloc : memref<!tpu.dma_semaphore, #tpu.memory_space<semaphore_mem>>
      %dma_start3A_28 = arith.constant 0 : i32
      %dma_start3A_29 = tpu.memref_slice %arg9[%mul3A_4, %dma_start3A_28] : memref<10000x128xf32, #tpu.memory_space<vmem_shared>> -> memref<624x128xf32, #tpu.memory_space<vmem_shared>>
      %dma_start3A_30 = arith.constant 0 : i32
      %dma_start3A_31 = tpu.memref_slice %arg4[%mul3A_4, %dma_start3A_30] : memref<10000x128xf32, #tpu.memory_space<hbm>> -> memref<624x128xf32, #tpu.memory_space<hbm>>
      tpu.enqueue_dma source(%dma_start3A_31 : memref<624x128xf32, #tpu.memory_space<hbm>>) target(%dma_start3A_29 : memref<624x128xf32, #tpu.memory_space<vmem_shared>>) target_semaphore(%run_scoped3A : memref<!tpu.dma_semaphore, #tpu.memory_space<semaphore_mem>>)
      %dma_wait3A = arith.constant 0 : i32
      %dma_wait3A_32 = tpu.memref_slice %arg9[%mul3A_4, %dma_wait3A] : memref<10000x128xf32, #tpu.memory_space<vmem_shared>> -> memref<624x128xf32, #tpu.memory_space<vmem_shared>>
      %dma_wait3A_33 = arith.constant 0 : i32
      %dma_wait3A_34 = tpu.memref_slice %arg4[%mul3A_4, %dma_wait3A_33] : memref<10000x128xf32, #tpu.memory_space<hbm>> -> memref<624x128xf32, #tpu.memory_space<hbm>>
      tpu.wait_dma2 semaphore(%run_scoped3A : memref<!tpu.dma_semaphore, #tpu.memory_space<semaphore_mem>>) src(%dma_wait3A_34 : memref<624x128xf32, #tpu.memory_space<hbm>>) dst(%dma_wait3A_32 : memref<624x128xf32, #tpu.memory_space<vmem_shared>>)
      tpu.yield
    }) : () -> ()
    %eq3A = arith.constant 15 : i32
    %eq3A_5 = arith.cmpi eq, %arg1, %eq3A : i32
    %convert_element_type3A = arith.extui %eq3A_5 : i1 to i32
    %cond3A = arith.constant 0 : i32
    %cond3A_6 = arith.cmpi ne, %convert_element_type3A, %cond3A : i32
    scf.if %cond3A_6 {
      "tpu.region"() ({
        %run_scoped3A = tpu.sem_alloc : memref<!tpu.dma_semaphore, #tpu.memory_space<semaphore_mem>>
        %dma_start3A_28 = arith.constant 9984 : i32
        %dma_start3A_29 = arith.constant 0 : i32
        %dma_start3A_30 = tpu.memref_slice %arg9[%dma_start3A_28, %dma_start3A_29] : memref<10000x128xf32, #tpu.memory_space<vmem_shared>> -> memref<16x128xf32, #tpu.memory_space<vmem_shared>>
        %dma_start3A_31 = arith.constant 9984 : i32
        %dma_start3A_32 = arith.constant 0 : i32
        %dma_start3A_33 = tpu.memref_slice %arg4[%dma_start3A_31, %dma_start3A_32] : memref<10000x128xf32, #tpu.memory_space<hbm>> -> memref<16x128xf32, #tpu.memory_space<hbm>>
        tpu.enqueue_dma source(%dma_start3A_33 : memref<16x128xf32, #tpu.memory_space<hbm>>) target(%dma_start3A_30 : memref<16x128xf32, #tpu.memory_space<vmem_shared>>) target_semaphore(%run_scoped3A : memref<!tpu.dma_semaphore, #tpu.memory_space<semaphore_mem>>)
        %dma_wait3A = arith.constant 9984 : i32
        %dma_wait3A_34 = arith.constant 0 : i32
        %dma_wait3A_35 = tpu.memref_slice %arg9[%dma_wait3A, %dma_wait3A_34] : memref<10000x128xf32, #tpu.memory_space<vmem_shared>> -> memref<16x128xf32, #tpu.memory_space<vmem_shared>>
        %dma_wait3A_36 = arith.constant 9984 : i32
        %dma_wait3A_37 = arith.constant 0 : i32
        %dma_wait3A_38 = tpu.memref_slice %arg4[%dma_wait3A_36, %dma_wait3A_37] : memref<10000x128xf32, #tpu.memory_space<hbm>> -> memref<16x128xf32, #tpu.memory_space<hbm>>
        tpu.wait_dma2 semaphore(%run_scoped3A : memref<!tpu.dma_semaphore, #tpu.memory_space<semaphore_mem>>) src(%dma_wait3A_38 : memref<16x128xf32, #tpu.memory_space<hbm>>) dst(%dma_wait3A_35 : memref<16x128xf32, #tpu.memory_space<vmem_shared>>)
        tpu.yield
      }) : () -> ()
    } else {
    }
    %barrier3A = arith.constant 0 : index
    tpu.barrier barrier_id(%barrier3A)
    %add3A_7 = arith.constant 0 : i32
    %add3A_8 = arith.addi %mul3A_2, %add3A_7 : i32
    %dma_start3A = arith.constant 0 : i32
    %dma_start3A_9 = tpu.memref_slice %arg2[%add3A_8, %dma_start3A] : memref<320000x128xf32, #tpu.memory_space<hbm>> -> memref<40x128xf32, #tpu.memory_space<hbm>>
    %dma_start3A_10 = arith.constant 0 : i32
    %dma_start3A_11 = tpu.memref_slice %arg2[%add3A_8, %dma_start3A_10] : memref<320000x128xf32, #tpu.memory_space<hbm>> -> memref<40x128xf32, #tpu.memory_space<hbm>>
    tpu.enqueue_dma source(%dma_start3A_11 : memref<40x128xf32, #tpu.memory_space<hbm>>) target(%arg7 : memref<40x128xf32, #tpu.memory_space<vmem>>) target_semaphore(%arg10 : memref<!tpu.dma_semaphore, #tpu.memory_space<semaphore_mem>>)
    %add3A_12 = arith.constant 40 : i32
    %add3A_13 = arith.addi %mul3A_2, %add3A_12 : i32
    %dma_start3A_14 = arith.constant 0 : i32
    %dma_start3A_15 = tpu.memref_slice %arg2[%add3A_13, %dma_start3A_14] : memref<320000x128xf32, #tpu.memory_space<hbm>> -> memref<40x128xf32, #tpu.memory_space<hbm>>
    %dma_start3A_16 = arith.constant 0 : i32
    %dma_start3A_17 = tpu.memref_slice %arg2[%add3A_13, %dma_start3A_16] : memref<320000x128xf32, #tpu.memory_space<hbm>> -> memref<40x128xf32, #tpu.memory_space<hbm>>
    tpu.enqueue_dma source(%dma_start3A_17 : memref<40x128xf32, #tpu.memory_space<hbm>>) target(%arg8 : memref<40x128xf32, #tpu.memory_space<vmem>>) target_semaphore(%arg11 : memref<!tpu.dma_semaphore, #tpu.memory_space<semaphore_mem>>)
    %scan3A = arith.constant 0 : i32
    %scan3A_18 = arith.constant 125 : i32
    %scan3A_19 = arith.addi %scan3A, %scan3A_18 : i32
    %scan3A_20 = arith.constant 1 : i32
    scf.for %scan3A_28 = %scan3A to %scan3A_19 step %scan3A_20  : i32 {
      %mul3A_29 = arith.constant 1 : i32
      %mul3A_30 = arith.muli %scan3A_28, %mul3A_29 : i32
      %add3A_31 = arith.constant 0 : i32
      %add3A_32 = arith.addi %add3A_31, %mul3A_30 : i32
      %dma_wait3A = arith.constant 0 : i32
      %dma_wait3A_33 = tpu.memref_slice %arg2[%mul3A_2, %dma_wait3A] : memref<320000x128xf32, #tpu.memory_space<hbm>> -> memref<40x128xf32, #tpu.memory_space<hbm>>
      %dma_wait3A_34 = arith.constant 0 : i32
      %dma_wait3A_35 = tpu.memref_slice %arg2[%mul3A_2, %dma_wait3A_34] : memref<320000x128xf32, #tpu.memory_space<hbm>> -> memref<40x128xf32, #tpu.memory_space<hbm>>
      tpu.wait_dma2 semaphore(%arg10 : memref<!tpu.dma_semaphore, #tpu.memory_space<semaphore_mem>>) src(%dma_wait3A_35 : memref<40x128xf32, #tpu.memory_space<hbm>>) dst(%arg7 : memref<40x128xf32, #tpu.memory_space<vmem>>)
      %mul3A_36 = arith.constant 2 : i32
      %mul3A_37 = arith.muli %mul3A_36, %add3A_32 : i32
      %add3A_38 = arith.constant 0 : i32
      %add3A_39 = arith.addi %mul3A_37, %add3A_38 : i32
      %dma_start3A_40 = arith.constant 0 : i32
      %dma_start3A_41 = tpu.memref_slice %arg6[%add3A_39, %dma_start3A_40] : memref<250x40xi32, #tpu.memory_space<vmem>> -> memref<1x40xi32, #tpu.memory_space<vmem>>
      %dma_start3A_42 = tpu.memref_squeeze %dma_start3A_41 : memref<1x40xi32, #tpu.memory_space<vmem>> -> memref<40xi32, #tpu.memory_space<vmem>>
      %dma_start3A_43 = arith.constant 0 : i32
      %dma_start3A_44 = arith.constant 0 : i32
      %dma_start3A_45 = tpu.memref_slice %arg9[%dma_start3A_43, %dma_start3A_44] : memref<10000x128xf32, #tpu.memory_space<vmem_shared>> -> memref<10000x128xf32, #tpu.memory_space<vmem_shared>>
      tpu.enqueue_indirect_dma source(%arg7 : memref<40x128xf32, #tpu.memory_space<vmem>>) target(%dma_start3A_45 : memref<10000x128xf32, #tpu.memory_space<vmem_shared>>) offsets(%dma_start3A_42 : memref<40xi32, #tpu.memory_space<vmem>>) semaphore(%arg12 : memref<!tpu.dma_semaphore, #tpu.memory_space<semaphore_mem>>) {add = true}
      %dma_wait3A_46 = arith.constant 0 : i32
      %dma_wait3A_47 = tpu.memref_slice %arg2[%mul3A_2, %dma_wait3A_46] : memref<320000x128xf32, #tpu.memory_space<hbm>> -> memref<40x128xf32, #tpu.memory_space<hbm>>
      %dma_wait3A_48 = arith.constant 0 : i32
      %dma_wait3A_49 = tpu.memref_slice %arg2[%mul3A_2, %dma_wait3A_48] : memref<320000x128xf32, #tpu.memory_space<hbm>> -> memref<40x128xf32, #tpu.memory_space<hbm>>
      tpu.wait_dma2 semaphore(%arg11 : memref<!tpu.dma_semaphore, #tpu.memory_space<semaphore_mem>>) src(%dma_wait3A_49 : memref<40x128xf32, #tpu.memory_space<hbm>>) dst(%arg8 : memref<40x128xf32, #tpu.memory_space<vmem>>)
      %mul3A_50 = arith.constant 2 : i32
      %mul3A_51 = arith.muli %mul3A_50, %add3A_32 : i32
      %add3A_52 = arith.constant 1 : i32
      %add3A_53 = arith.addi %mul3A_51, %add3A_52 : i32
      %dma_start3A_54 = arith.constant 0 : i32
      %dma_start3A_55 = tpu.memref_slice %arg6[%add3A_53, %dma_start3A_54] : memref<250x40xi32, #tpu.memory_space<vmem>> -> memref<1x40xi32, #tpu.memory_space<vmem>>
      %dma_start3A_56 = tpu.memref_squeeze %dma_start3A_55 : memref<1x40xi32, #tpu.memory_space<vmem>> -> memref<40xi32, #tpu.memory_space<vmem>>
      %dma_start3A_57 = arith.constant 0 : i32
      %dma_start3A_58 = arith.constant 0 : i32
      %dma_start3A_59 = tpu.memref_slice %arg9[%dma_start3A_57, %dma_start3A_58] : memref<10000x128xf32, #tpu.memory_space<vmem_shared>> -> memref<10000x128xf32, #tpu.memory_space<vmem_shared>>
      tpu.enqueue_indirect_dma source(%arg8 : memref<40x128xf32, #tpu.memory_space<vmem>>) target(%dma_start3A_59 : memref<10000x128xf32, #tpu.memory_space<vmem_shared>>) offsets(%dma_start3A_56 : memref<40xi32, #tpu.memory_space<vmem>>) semaphore(%arg13 : memref<!tpu.dma_semaphore, #tpu.memory_space<semaphore_mem>>) {add = true}
      %mul3A_60 = arith.constant 2 : i32
      %mul3A_61 = arith.muli %mul3A_60, %add3A_32 : i32
      %add3A_62 = arith.constant 0 : i32
      %add3A_63 = arith.addi %mul3A_61, %add3A_62 : i32
      %dma_wait3A_64 = arith.constant 0 : i32
      %dma_wait3A_65 = arith.constant 0 : i32
      %dma_wait3A_66 = tpu.memref_slice %arg6[%dma_wait3A_64, %dma_wait3A_65] : memref<250x40xi32, #tpu.memory_space<vmem>> -> memref<1x40xi32, #tpu.memory_space<vmem>>
      %dma_wait3A_67 = tpu.memref_squeeze %dma_wait3A_66 : memref<1x40xi32, #tpu.memory_space<vmem>> -> memref<40xi32, #tpu.memory_space<vmem>>
      %dma_wait3A_68 = arith.constant 0 : i32
      %dma_wait3A_69 = arith.constant 0 : i32
      %dma_wait3A_70 = tpu.memref_slice %arg9[%dma_wait3A_68, %dma_wait3A_69] : memref<10000x128xf32, #tpu.memory_space<vmem_shared>> -> memref<10000x128xf32, #tpu.memory_space<vmem_shared>>
      tpu.wait_indirect_dma semaphore(%arg12 : memref<!tpu.dma_semaphore, #tpu.memory_space<semaphore_mem>>) src(%arg7 : memref<40x128xf32, #tpu.memory_space<vmem>>) dst(%dma_wait3A_70 : memref<10000x128xf32, #tpu.memory_space<vmem_shared>>)
      %add3A_71 = arith.constant 2 : i32
      %add3A_72 = arith.addi %add3A_63, %add3A_71 : i32
      %lt3A = arith.constant 250 : i32
      %lt3A_73 = arith.cmpi slt, %add3A_72, %lt3A : i32
      %convert_element_type3A_74 = arith.extui %lt3A_73 : i1 to i32
      %cond3A_75 = arith.constant 0 : i32
      %cond3A_76 = arith.cmpi ne, %convert_element_type3A_74, %cond3A_75 : i32
      scf.if %cond3A_76 {
        %add3A_95 = arith.constant 2 : i32
        %add3A_96 = arith.addi %add3A_63, %add3A_95 : i32
        %mul3A_97 = arith.constant 40 : i32
        %mul3A_98 = arith.muli %add3A_96, %mul3A_97 : i32
        %add3A_99 = arith.addi %mul3A_2, %mul3A_98 : i32
        %dma_start3A_100 = arith.constant 0 : i32
        %dma_start3A_101 = tpu.memref_slice %arg2[%add3A_99, %dma_start3A_100] : memref<320000x128xf32, #tpu.memory_space<hbm>> -> memref<40x128xf32, #tpu.memory_space<hbm>>
        %dma_start3A_102 = arith.constant 0 : i32
        %dma_start3A_103 = tpu.memref_slice %arg2[%add3A_99, %dma_start3A_102] : memref<320000x128xf32, #tpu.memory_space<hbm>> -> memref<40x128xf32, #tpu.memory_space<hbm>>
        tpu.enqueue_dma source(%dma_start3A_103 : memref<40x128xf32, #tpu.memory_space<hbm>>) target(%arg7 : memref<40x128xf32, #tpu.memory_space<vmem>>) target_semaphore(%arg10 : memref<!tpu.dma_semaphore, #tpu.memory_space<semaphore_mem>>)
      } else {
      }
      %mul3A_77 = arith.constant 2 : i32
      %mul3A_78 = arith.muli %mul3A_77, %add3A_32 : i32
      %add3A_79 = arith.constant 1 : i32
      %add3A_80 = arith.addi %mul3A_78, %add3A_79 : i32
      %dma_wait3A_81 = arith.constant 0 : i32
      %dma_wait3A_82 = arith.constant 0 : i32
      %dma_wait3A_83 = tpu.memref_slice %arg6[%dma_wait3A_81, %dma_wait3A_82] : memref<250x40xi32, #tpu.memory_space<vmem>> -> memref<1x40xi32, #tpu.memory_space<vmem>>
      %dma_wait3A_84 = tpu.memref_squeeze %dma_wait3A_83 : memref<1x40xi32, #tpu.memory_space<vmem>> -> memref<40xi32, #tpu.memory_space<vmem>>
      %dma_wait3A_85 = arith.constant 0 : i32
      %dma_wait3A_86 = arith.constant 0 : i32
      %dma_wait3A_87 = tpu.memref_slice %arg9[%dma_wait3A_85, %dma_wait3A_86] : memref<10000x128xf32, #tpu.memory_space<vmem_shared>> -> memref<10000x128xf32, #tpu.memory_space<vmem_shared>>
      tpu.wait_indirect_dma semaphore(%arg13 : memref<!tpu.dma_semaphore, #tpu.memory_space<semaphore_mem>>) src(%arg8 : memref<40x128xf32, #tpu.memory_space<vmem>>) dst(%dma_wait3A_87 : memref<10000x128xf32, #tpu.memory_space<vmem_shared>>)
      %add3A_88 = arith.constant 2 : i32
      %add3A_89 = arith.addi %add3A_80, %add3A_88 : i32
      %lt3A_90 = arith.constant 250 : i32
      %lt3A_91 = arith.cmpi slt, %add3A_89, %lt3A_90 : i32
      %convert_element_type3A_92 = arith.extui %lt3A_91 : i1 to i32
      %cond3A_93 = arith.constant 0 : i32
      %cond3A_94 = arith.cmpi ne, %convert_element_type3A_92, %cond3A_93 : i32
      scf.if %cond3A_94 {
        %add3A_95 = arith.constant 2 : i32
        %add3A_96 = arith.addi %add3A_80, %add3A_95 : i32
        %mul3A_97 = arith.constant 40 : i32
        %mul3A_98 = arith.muli %add3A_96, %mul3A_97 : i32
        %add3A_99 = arith.addi %mul3A_2, %mul3A_98 : i32
        %dma_start3A_100 = arith.constant 0 : i32
        %dma_start3A_101 = tpu.memref_slice %arg2[%add3A_99, %dma_start3A_100] : memref<320000x128xf32, #tpu.memory_space<hbm>> -> memref<40x128xf32, #tpu.memory_space<hbm>>
        %dma_start3A_102 = arith.constant 0 : i32
        %dma_start3A_103 = tpu.memref_slice %arg2[%add3A_99, %dma_start3A_102] : memref<320000x128xf32, #tpu.memory_space<hbm>> -> memref<40x128xf32, #tpu.memory_space<hbm>>
        tpu.enqueue_dma source(%dma_start3A_103 : memref<40x128xf32, #tpu.memory_space<hbm>>) target(%arg8 : memref<40x128xf32, #tpu.memory_space<vmem>>) target_semaphore(%arg11 : memref<!tpu.dma_semaphore, #tpu.memory_space<semaphore_mem>>)
      } else {
      }
    }
    %scan3A_21 = arith.constant 125 : i32
    %barrier3A_22 = arith.constant 0 : index
    tpu.barrier barrier_id(%barrier3A_22)
    "tpu.region"() ({
      %run_scoped3A = tpu.sem_alloc : memref<!tpu.dma_semaphore, #tpu.memory_space<semaphore_mem>>
      %dma_start3A_28 = arith.constant 0 : i32
      %dma_start3A_29 = tpu.memref_slice %arg5[%arg0, %mul3A_4, %dma_start3A_28] : memref<2x10000x128xf32, #tpu.memory_space<hbm>> -> memref<1x624x128xf32, #tpu.memory_space<hbm>>
      %dma_start3A_30 = tpu.memref_squeeze %dma_start3A_29 : memref<1x624x128xf32, #tpu.memory_space<hbm>> -> memref<624x128xf32, #tpu.memory_space<hbm>>
      %dma_start3A_31 = arith.constant 0 : i32
      %dma_start3A_32 = tpu.memref_slice %arg9[%mul3A_4, %dma_start3A_31] : memref<10000x128xf32, #tpu.memory_space<vmem_shared>> -> memref<624x128xf32, #tpu.memory_space<vmem_shared>>
      tpu.enqueue_dma source(%dma_start3A_32 : memref<624x128xf32, #tpu.memory_space<vmem_shared>>) target(%dma_start3A_30 : memref<624x128xf32, #tpu.memory_space<hbm>>) target_semaphore(%run_scoped3A : memref<!tpu.dma_semaphore, #tpu.memory_space<semaphore_mem>>)
      %dma_wait3A = arith.constant 0 : i32
      %dma_wait3A_33 = tpu.memref_slice %arg5[%arg0, %mul3A_4, %dma_wait3A] : memref<2x10000x128xf32, #tpu.memory_space<hbm>> -> memref<1x624x128xf32, #tpu.memory_space<hbm>>
      %dma_wait3A_34 = tpu.memref_squeeze %dma_wait3A_33 : memref<1x624x128xf32, #tpu.memory_space<hbm>> -> memref<624x128xf32, #tpu.memory_space<hbm>>
      %dma_wait3A_35 = arith.constant 0 : i32
      %dma_wait3A_36 = tpu.memref_slice %arg9[%mul3A_4, %dma_wait3A_35] : memref<10000x128xf32, #tpu.memory_space<vmem_shared>> -> memref<624x128xf32, #tpu.memory_space<vmem_shared>>
      tpu.wait_dma2 semaphore(%run_scoped3A : memref<!tpu.dma_semaphore, #tpu.memory_space<semaphore_mem>>) src(%dma_wait3A_36 : memref<624x128xf32, #tpu.memory_space<vmem_shared>>) dst(%dma_wait3A_34 : memref<624x128xf32, #tpu.memory_space<hbm>>)
      tpu.yield
    }) : () -> ()
    %eq3A_23 = arith.constant 15 : i32
    %eq3A_24 = arith.cmpi eq, %arg1, %eq3A_23 : i32
    %convert_element_type3A_25 = arith.extui %eq3A_24 : i1 to i32
    %cond3A_26 = arith.constant 0 : i32
    %cond3A_27 = arith.cmpi ne, %convert_element_type3A_25, %cond3A_26 : i32
    scf.if %cond3A_27 {
      "tpu.region"() ({
        %run_scoped3A = tpu.sem_alloc : memref<!tpu.dma_semaphore, #tpu.memory_space<semaphore_mem>>
        %dma_start3A_28 = arith.constant 9984 : i32
        %dma_start3A_29 = arith.constant 0 : i32
        %dma_start3A_30 = tpu.memref_slice %arg5[%arg0, %dma_start3A_28, %dma_start3A_29] : memref<2x10000x128xf32, #tpu.memory_space<hbm>> -> memref<1x16x128xf32, #tpu.memory_space<hbm>>
        %dma_start3A_31 = tpu.memref_squeeze %dma_start3A_30 : memref<1x16x128xf32, #tpu.memory_space<hbm>> -> memref<16x128xf32, #tpu.memory_space<hbm>>
        %dma_start3A_32 = arith.constant 9984 : i32
        %dma_start3A_33 = arith.constant 0 : i32
        %dma_start3A_34 = tpu.memref_slice %arg9[%dma_start3A_32, %dma_start3A_33] : memref<10000x128xf32, #tpu.memory_space<vmem_shared>> -> memref<16x128xf32, #tpu.memory_space<vmem_shared>>
        tpu.enqueue_dma source(%dma_start3A_34 : memref<16x128xf32, #tpu.memory_space<vmem_shared>>) target(%dma_start3A_31 : memref<16x128xf32, #tpu.memory_space<hbm>>) target_semaphore(%run_scoped3A : memref<!tpu.dma_semaphore, #tpu.memory_space<semaphore_mem>>)
        %dma_wait3A = arith.constant 9984 : i32
        %dma_wait3A_35 = arith.constant 0 : i32
        %dma_wait3A_36 = tpu.memref_slice %arg5[%arg0, %dma_wait3A, %dma_wait3A_35] : memref<2x10000x128xf32, #tpu.memory_space<hbm>> -> memref<1x16x128xf32, #tpu.memory_space<hbm>>
        %dma_wait3A_37 = tpu.memref_squeeze %dma_wait3A_36 : memref<1x16x128xf32, #tpu.memory_space<hbm>> -> memref<16x128xf32, #tpu.memory_space<hbm>>
        %dma_wait3A_38 = arith.constant 9984 : i32
        %dma_wait3A_39 = arith.constant 0 : i32
        %dma_wait3A_40 = tpu.memref_slice %arg9[%dma_wait3A_38, %dma_wait3A_39] : memref<10000x128xf32, #tpu.memory_space<vmem_shared>> -> memref<16x128xf32, #tpu.memory_space<vmem_shared>>
        tpu.wait_dma2 semaphore(%run_scoped3A : memref<!tpu.dma_semaphore, #tpu.memory_space<semaphore_mem>>) src(%dma_wait3A_40 : memref<16x128xf32, #tpu.memory_space<vmem_shared>>) dst(%dma_wait3A_37 : memref<16x128xf32, #tpu.memory_space<hbm>>)
        tpu.yield
      }) : () -> ()
    } else {
    }
    return
  }
}

#map = affine_map<(d0, d1) -> (0, 0)>
#map1 = affine_map<(d0, d1) -> (0, 0, 0)>
module attributes {stable_mosaic.version = 14 : i64} {
  func.func @_sc_gather(%arg0: i32, %arg1: i32, %arg2: memref<10000x128xi32, #tpu.memory_space<hbm>>, %arg3: memref<10000x128xi32, #tpu.memory_space<hbm>>, %arg4: memref<32x250x40xi32, #tpu.memory_space<hbm>>, %arg5: memref<32x250x40xi32, #tpu.memory_space<hbm>>, %arg6: memref<320000x128xi32, #tpu.memory_space<hbm>>, %arg7: memref<320000x128xi32, #tpu.memory_space<hbm>>, %arg8: memref<250x40xi32, #tpu.memory_space<vmem>>, %arg9: memref<250x40xi32, #tpu.memory_space<vmem>>, %arg10: memref<40x128xi32, #tpu.memory_space<vmem>>, %arg11: memref<40x128xi32, #tpu.memory_space<vmem>>, %arg12: memref<40x128xi32, #tpu.memory_space<vmem>>, %arg13: memref<40x128xi32, #tpu.memory_space<vmem>>, %arg14: memref<40x128xi32, #tpu.memory_space<vmem>>, %arg15: memref<40x128xi32, #tpu.memory_space<vmem>>, %arg16: memref<!tpu.dma_semaphore, #tpu.memory_space<semaphore_mem>>, %arg17: memref<!tpu.dma_semaphore, #tpu.memory_space<semaphore_mem>>, %arg18: memref<!tpu.dma_semaphore, #tpu.memory_space<semaphore_mem>>, %arg19: memref<!tpu.dma_semaphore, #tpu.memory_space<semaphore_mem>>, %arg20: memref<!tpu.dma_semaphore, #tpu.memory_space<semaphore_mem>>, %arg21: memref<!tpu.dma_semaphore, #tpu.memory_space<semaphore_mem>>) attributes {dimension_semantics = [#tpu.dimension_semantics<core_parallel>, #tpu.dimension_semantics<subcore_parallel>], iteration_bounds = array<i64: 2, 16>, scalar_prefetch = 0 : i64, scratch_operands = 14 : i64, tpu.core_type = #tpu.core_type<sc_vector_subcore>, window_params = [{transform_indices = #map}, {transform_indices = #map}, {transform_indices = #map1}, {transform_indices = #map1}, {transform_indices = #map}, {transform_indices = #map}]} {
    %mul3A = arith.constant 2 : i32
    %mul3A_0 = arith.muli %arg1, %mul3A : i32
    %add3A = arith.addi %mul3A_0, %arg0 : i32
    %mul3A_1 = arith.constant 10000 : i32
    %mul3A_2 = arith.muli %add3A, %mul3A_1 : i32
    "tpu.region"() ({
      %run_scoped3A = tpu.sem_alloc : memref<!tpu.dma_semaphore, #tpu.memory_space<semaphore_mem>>
      %dma_start3A_73 = arith.constant 0 : i32
      %dma_start3A_74 = arith.constant 0 : i32
      %dma_start3A_75 = tpu.memref_slice %arg5[%add3A, %dma_start3A_73, %dma_start3A_74] : memref<32x250x40xi32, #tpu.memory_space<hbm>> -> memref<1x250x40xi32, #tpu.memory_space<hbm>>
      %dma_start3A_76 = tpu.memref_squeeze %dma_start3A_75 : memref<1x250x40xi32, #tpu.memory_space<hbm>> -> memref<250x40xi32, #tpu.memory_space<hbm>>
      %dma_start3A_77 = arith.constant 0 : i32
      %dma_start3A_78 = arith.constant 0 : i32
      %dma_start3A_79 = tpu.memref_slice %arg5[%add3A, %dma_start3A_77, %dma_start3A_78] : memref<32x250x40xi32, #tpu.memory_space<hbm>> -> memref<1x250x40xi32, #tpu.memory_space<hbm>>
      %dma_start3A_80 = tpu.memref_squeeze %dma_start3A_79 : memref<1x250x40xi32, #tpu.memory_space<hbm>> -> memref<250x40xi32, #tpu.memory_space<hbm>>
      tpu.enqueue_dma source(%dma_start3A_80 : memref<250x40xi32, #tpu.memory_space<hbm>>) target(%arg8 : memref<250x40xi32, #tpu.memory_space<vmem>>) target_semaphore(%run_scoped3A : memref<!tpu.dma_semaphore, #tpu.memory_space<semaphore_mem>>)
      %dma_wait3A_81 = arith.constant 0 : i32
      %dma_wait3A_82 = arith.constant 0 : i32
      %dma_wait3A_83 = tpu.memref_slice %arg5[%add3A, %dma_wait3A_81, %dma_wait3A_82] : memref<32x250x40xi32, #tpu.memory_space<hbm>> -> memref<1x250x40xi32, #tpu.memory_space<hbm>>
      %dma_wait3A_84 = tpu.memref_squeeze %dma_wait3A_83 : memref<1x250x40xi32, #tpu.memory_space<hbm>> -> memref<250x40xi32, #tpu.memory_space<hbm>>
      %dma_wait3A_85 = arith.constant 0 : i32
      %dma_wait3A_86 = arith.constant 0 : i32
      %dma_wait3A_87 = tpu.memref_slice %arg5[%add3A, %dma_wait3A_85, %dma_wait3A_86] : memref<32x250x40xi32, #tpu.memory_space<hbm>> -> memref<1x250x40xi32, #tpu.memory_space<hbm>>
      %dma_wait3A_88 = tpu.memref_squeeze %dma_wait3A_87 : memref<1x250x40xi32, #tpu.memory_space<hbm>> -> memref<250x40xi32, #tpu.memory_space<hbm>>
      tpu.wait_dma2 semaphore(%run_scoped3A : memref<!tpu.dma_semaphore, #tpu.memory_space<semaphore_mem>>) src(%dma_wait3A_88 : memref<250x40xi32, #tpu.memory_space<hbm>>) dst(%arg8 : memref<250x40xi32, #tpu.memory_space<vmem>>)
      tpu.yield
    }) : () -> ()
    "tpu.region"() ({
      %run_scoped3A = tpu.sem_alloc : memref<!tpu.dma_semaphore, #tpu.memory_space<semaphore_mem>>
      %dma_start3A_73 = arith.constant 0 : i32
      %dma_start3A_74 = arith.constant 0 : i32
      %dma_start3A_75 = tpu.memref_slice %arg4[%add3A, %dma_start3A_73, %dma_start3A_74] : memref<32x250x40xi32, #tpu.memory_space<hbm>> -> memref<1x250x40xi32, #tpu.memory_space<hbm>>
      %dma_start3A_76 = tpu.memref_squeeze %dma_start3A_75 : memref<1x250x40xi32, #tpu.memory_space<hbm>> -> memref<250x40xi32, #tpu.memory_space<hbm>>
      %dma_start3A_77 = arith.constant 0 : i32
      %dma_start3A_78 = arith.constant 0 : i32
      %dma_start3A_79 = tpu.memref_slice %arg4[%add3A, %dma_start3A_77, %dma_start3A_78] : memref<32x250x40xi32, #tpu.memory_space<hbm>> -> memref<1x250x40xi32, #tpu.memory_space<hbm>>
      %dma_start3A_80 = tpu.memref_squeeze %dma_start3A_79 : memref<1x250x40xi32, #tpu.memory_space<hbm>> -> memref<250x40xi32, #tpu.memory_space<hbm>>
      tpu.enqueue_dma source(%dma_start3A_80 : memref<250x40xi32, #tpu.memory_space<hbm>>) target(%arg9 : memref<250x40xi32, #tpu.memory_space<vmem>>) target_semaphore(%run_scoped3A : memref<!tpu.dma_semaphore, #tpu.memory_space<semaphore_mem>>)
      %dma_wait3A_81 = arith.constant 0 : i32
      %dma_wait3A_82 = arith.constant 0 : i32
      %dma_wait3A_83 = tpu.memref_slice %arg4[%add3A, %dma_wait3A_81, %dma_wait3A_82] : memref<32x250x40xi32, #tpu.memory_space<hbm>> -> memref<1x250x40xi32, #tpu.memory_space<hbm>>
      %dma_wait3A_84 = tpu.memref_squeeze %dma_wait3A_83 : memref<1x250x40xi32, #tpu.memory_space<hbm>> -> memref<250x40xi32, #tpu.memory_space<hbm>>
      %dma_wait3A_85 = arith.constant 0 : i32
      %dma_wait3A_86 = arith.constant 0 : i32
      %dma_wait3A_87 = tpu.memref_slice %arg4[%add3A, %dma_wait3A_85, %dma_wait3A_86] : memref<32x250x40xi32, #tpu.memory_space<hbm>> -> memref<1x250x40xi32, #tpu.memory_space<hbm>>
      %dma_wait3A_88 = tpu.memref_squeeze %dma_wait3A_87 : memref<1x250x40xi32, #tpu.memory_space<hbm>> -> memref<250x40xi32, #tpu.memory_space<hbm>>
      tpu.wait_dma2 semaphore(%run_scoped3A : memref<!tpu.dma_semaphore, #tpu.memory_space<semaphore_mem>>) src(%dma_wait3A_88 : memref<250x40xi32, #tpu.memory_space<hbm>>) dst(%arg9 : memref<250x40xi32, #tpu.memory_space<vmem>>)
      tpu.yield
    }) : () -> ()
    %dma_start3A = arith.constant 0 : i32
    %dma_start3A_3 = arith.constant 0 : i32
    %dma_start3A_4 = tpu.memref_slice %arg8[%dma_start3A, %dma_start3A_3] : memref<250x40xi32, #tpu.memory_space<vmem>> -> memref<1x40xi32, #tpu.memory_space<vmem>>
    %dma_start3A_5 = tpu.memref_squeeze %dma_start3A_4 : memref<1x40xi32, #tpu.memory_space<vmem>> -> memref<40xi32, #tpu.memory_space<vmem>>
    %dma_start3A_6 = arith.constant 0 : i32
    %dma_start3A_7 = arith.constant 0 : i32
    %dma_start3A_8 = tpu.memref_slice %arg2[%dma_start3A_6, %dma_start3A_7] : memref<10000x128xi32, #tpu.memory_space<hbm>> -> memref<10000x128xi32, #tpu.memory_space<hbm>>
    tpu.enqueue_indirect_dma source(%dma_start3A_8 : memref<10000x128xi32, #tpu.memory_space<hbm>>) target(%arg10 : memref<40x128xi32, #tpu.memory_space<vmem>>) offsets(%dma_start3A_5 : memref<40xi32, #tpu.memory_space<vmem>>) semaphore(%arg16 : memref<!tpu.dma_semaphore, #tpu.memory_space<semaphore_mem>>)
    %dma_start3A_9 = arith.constant 0 : i32
    %dma_start3A_10 = arith.constant 0 : i32
    %dma_start3A_11 = tpu.memref_slice %arg9[%dma_start3A_9, %dma_start3A_10] : memref<250x40xi32, #tpu.memory_space<vmem>> -> memref<1x40xi32, #tpu.memory_space<vmem>>
    %dma_start3A_12 = tpu.memref_squeeze %dma_start3A_11 : memref<1x40xi32, #tpu.memory_space<vmem>> -> memref<40xi32, #tpu.memory_space<vmem>>
    %dma_start3A_13 = arith.constant 0 : i32
    %dma_start3A_14 = arith.constant 0 : i32
    %dma_start3A_15 = tpu.memref_slice %arg3[%dma_start3A_13, %dma_start3A_14] : memref<10000x128xi32, #tpu.memory_space<hbm>> -> memref<10000x128xi32, #tpu.memory_space<hbm>>
    tpu.enqueue_indirect_dma source(%dma_start3A_15 : memref<10000x128xi32, #tpu.memory_space<hbm>>) target(%arg11 : memref<40x128xi32, #tpu.memory_space<vmem>>) offsets(%dma_start3A_12 : memref<40xi32, #tpu.memory_space<vmem>>) semaphore(%arg16 : memref<!tpu.dma_semaphore, #tpu.memory_space<semaphore_mem>>)
    %dma_start3A_16 = arith.constant 1 : i32
    %dma_start3A_17 = arith.constant 0 : i32
    %dma_start3A_18 = tpu.memref_slice %arg8[%dma_start3A_16, %dma_start3A_17] : memref<250x40xi32, #tpu.memory_space<vmem>> -> memref<1x40xi32, #tpu.memory_space<vmem>>
    %dma_start3A_19 = tpu.memref_squeeze %dma_start3A_18 : memref<1x40xi32, #tpu.memory_space<vmem>> -> memref<40xi32, #tpu.memory_space<vmem>>
    %dma_start3A_20 = arith.constant 0 : i32
    %dma_start3A_21 = arith.constant 0 : i32
    %dma_start3A_22 = tpu.memref_slice %arg2[%dma_start3A_20, %dma_start3A_21] : memref<10000x128xi32, #tpu.memory_space<hbm>> -> memref<10000x128xi32, #tpu.memory_space<hbm>>
    tpu.enqueue_indirect_dma source(%dma_start3A_22 : memref<10000x128xi32, #tpu.memory_space<hbm>>) target(%arg12 : memref<40x128xi32, #tpu.memory_space<vmem>>) offsets(%dma_start3A_19 : memref<40xi32, #tpu.memory_space<vmem>>) semaphore(%arg17 : memref<!tpu.dma_semaphore, #tpu.memory_space<semaphore_mem>>)
    %dma_start3A_23 = arith.constant 1 : i32
    %dma_start3A_24 = arith.constant 0 : i32
    %dma_start3A_25 = tpu.memref_slice %arg9[%dma_start3A_23, %dma_start3A_24] : memref<250x40xi32, #tpu.memory_space<vmem>> -> memref<1x40xi32, #tpu.memory_space<vmem>>
    %dma_start3A_26 = tpu.memref_squeeze %dma_start3A_25 : memref<1x40xi32, #tpu.memory_space<vmem>> -> memref<40xi32, #tpu.memory_space<vmem>>
    %dma_start3A_27 = arith.constant 0 : i32
    %dma_start3A_28 = arith.constant 0 : i32
    %dma_start3A_29 = tpu.memref_slice %arg3[%dma_start3A_27, %dma_start3A_28] : memref<10000x128xi32, #tpu.memory_space<hbm>> -> memref<10000x128xi32, #tpu.memory_space<hbm>>
    tpu.enqueue_indirect_dma source(%dma_start3A_29 : memref<10000x128xi32, #tpu.memory_space<hbm>>) target(%arg13 : memref<40x128xi32, #tpu.memory_space<vmem>>) offsets(%dma_start3A_26 : memref<40xi32, #tpu.memory_space<vmem>>) semaphore(%arg17 : memref<!tpu.dma_semaphore, #tpu.memory_space<semaphore_mem>>)
    %scan3A = arith.constant 0 : i32
    %scan3A_30 = arith.constant 83 : i32
    %scan3A_31 = arith.addi %scan3A, %scan3A_30 : i32
    %scan3A_32 = arith.constant 1 : i32
    scf.for %scan3A_73 = %scan3A to %scan3A_31 step %scan3A_32  : i32 {
      %mul3A_74 = arith.constant 1 : i32
      %mul3A_75 = arith.muli %scan3A_73, %mul3A_74 : i32
      %add3A_76 = arith.constant 0 : i32
      %add3A_77 = arith.addi %add3A_76, %mul3A_75 : i32
      %mul3A_78 = arith.constant 3 : i32
      %mul3A_79 = arith.muli %mul3A_78, %add3A_77 : i32
      %add3A_80 = arith.constant 0 : i32
      %add3A_81 = arith.addi %mul3A_79, %add3A_80 : i32
      %dma_wait3A_82 = arith.constant 0 : i32
      %dma_wait3A_83 = arith.constant 0 : i32
      %dma_wait3A_84 = tpu.memref_slice %arg8[%dma_wait3A_82, %dma_wait3A_83] : memref<250x40xi32, #tpu.memory_space<vmem>> -> memref<1x40xi32, #tpu.memory_space<vmem>>
      %dma_wait3A_85 = tpu.memref_squeeze %dma_wait3A_84 : memref<1x40xi32, #tpu.memory_space<vmem>> -> memref<40xi32, #tpu.memory_space<vmem>>
      %dma_wait3A_86 = arith.constant 0 : i32
      %dma_wait3A_87 = arith.constant 0 : i32
      %dma_wait3A_88 = tpu.memref_slice %arg2[%dma_wait3A_86, %dma_wait3A_87] : memref<10000x128xi32, #tpu.memory_space<hbm>> -> memref<10000x128xi32, #tpu.memory_space<hbm>>
      tpu.wait_indirect_dma semaphore(%arg16 : memref<!tpu.dma_semaphore, #tpu.memory_space<semaphore_mem>>) src(%dma_wait3A_88 : memref<10000x128xi32, #tpu.memory_space<hbm>>) dst(%arg10 : memref<40x128xi32, #tpu.memory_space<vmem>>)
      %dma_wait3A_89 = arith.constant 0 : i32
      %dma_wait3A_90 = arith.constant 0 : i32
      %dma_wait3A_91 = tpu.memref_slice %arg9[%dma_wait3A_89, %dma_wait3A_90] : memref<250x40xi32, #tpu.memory_space<vmem>> -> memref<1x40xi32, #tpu.memory_space<vmem>>
      %dma_wait3A_92 = tpu.memref_squeeze %dma_wait3A_91 : memref<1x40xi32, #tpu.memory_space<vmem>> -> memref<40xi32, #tpu.memory_space<vmem>>
      %dma_wait3A_93 = arith.constant 0 : i32
      %dma_wait3A_94 = arith.constant 0 : i32
      %dma_wait3A_95 = tpu.memref_slice %arg3[%dma_wait3A_93, %dma_wait3A_94] : memref<10000x128xi32, #tpu.memory_space<hbm>> -> memref<10000x128xi32, #tpu.memory_space<hbm>>
      tpu.wait_indirect_dma semaphore(%arg16 : memref<!tpu.dma_semaphore, #tpu.memory_space<semaphore_mem>>) src(%dma_wait3A_95 : memref<10000x128xi32, #tpu.memory_space<hbm>>) dst(%arg11 : memref<40x128xi32, #tpu.memory_space<vmem>>)
      %mul3A_96 = arith.constant 40 : i32
      %mul3A_97 = arith.muli %add3A_81, %mul3A_96 : i32
      %add3A_98 = arith.addi %mul3A_2, %mul3A_97 : i32
      %dma_start3A_99 = arith.constant 0 : i32
      %dma_start3A_100 = tpu.memref_slice %arg6[%add3A_98, %dma_start3A_99] : memref<320000x128xi32, #tpu.memory_space<hbm>> -> memref<40x128xi32, #tpu.memory_space<hbm>>
      %dma_start3A_101 = arith.constant 0 : i32
      %dma_start3A_102 = tpu.memref_slice %arg6[%add3A_98, %dma_start3A_101] : memref<320000x128xi32, #tpu.memory_space<hbm>> -> memref<40x128xi32, #tpu.memory_space<hbm>>
      tpu.enqueue_dma source(%arg10 : memref<40x128xi32, #tpu.memory_space<vmem>>) target(%dma_start3A_102 : memref<40x128xi32, #tpu.memory_space<hbm>>) target_semaphore(%arg19 : memref<!tpu.dma_semaphore, #tpu.memory_space<semaphore_mem>>)
      %dma_start3A_103 = arith.constant 0 : i32
      %dma_start3A_104 = tpu.memref_slice %arg7[%add3A_98, %dma_start3A_103] : memref<320000x128xi32, #tpu.memory_space<hbm>> -> memref<40x128xi32, #tpu.memory_space<hbm>>
      %dma_start3A_105 = arith.constant 0 : i32
      %dma_start3A_106 = tpu.memref_slice %arg7[%add3A_98, %dma_start3A_105] : memref<320000x128xi32, #tpu.memory_space<hbm>> -> memref<40x128xi32, #tpu.memory_space<hbm>>
      tpu.enqueue_dma source(%arg11 : memref<40x128xi32, #tpu.memory_space<vmem>>) target(%dma_start3A_106 : memref<40x128xi32, #tpu.memory_space<hbm>>) target_semaphore(%arg19 : memref<!tpu.dma_semaphore, #tpu.memory_space<semaphore_mem>>)
      %gt3A = arith.constant 0 : i32
      %gt3A_107 = arith.cmpi sgt, %add3A_77, %gt3A : i32
      %convert_element_type3A = arith.extui %gt3A_107 : i1 to i32
      %cond3A = arith.constant 0 : i32
      %cond3A_108 = arith.cmpi ne, %convert_element_type3A, %cond3A : i32
      scf.if %cond3A_108 {
        %dma_wait3A_200 = arith.constant 0 : i32
        %dma_wait3A_201 = tpu.memref_slice %arg6[%mul3A_2, %dma_wait3A_200] : memref<320000x128xi32, #tpu.memory_space<hbm>> -> memref<40x128xi32, #tpu.memory_space<hbm>>
        %dma_wait3A_202 = arith.constant 0 : i32
        %dma_wait3A_203 = tpu.memref_slice %arg6[%mul3A_2, %dma_wait3A_202] : memref<320000x128xi32, #tpu.memory_space<hbm>> -> memref<40x128xi32, #tpu.memory_space<hbm>>
        tpu.wait_dma2 semaphore(%arg21 : memref<!tpu.dma_semaphore, #tpu.memory_space<semaphore_mem>>) src(%arg14 : memref<40x128xi32, #tpu.memory_space<vmem>>) dst(%dma_wait3A_203 : memref<40x128xi32, #tpu.memory_space<hbm>>)
        %dma_wait3A_204 = arith.constant 0 : i32
        %dma_wait3A_205 = tpu.memref_slice %arg7[%mul3A_2, %dma_wait3A_204] : memref<320000x128xi32, #tpu.memory_space<hbm>> -> memref<40x128xi32, #tpu.memory_space<hbm>>
        %dma_wait3A_206 = arith.constant 0 : i32
        %dma_wait3A_207 = tpu.memref_slice %arg7[%mul3A_2, %dma_wait3A_206] : memref<320000x128xi32, #tpu.memory_space<hbm>> -> memref<40x128xi32, #tpu.memory_space<hbm>>
        tpu.wait_dma2 semaphore(%arg21 : memref<!tpu.dma_semaphore, #tpu.memory_space<semaphore_mem>>) src(%arg15 : memref<40x128xi32, #tpu.memory_space<vmem>>) dst(%dma_wait3A_207 : memref<40x128xi32, #tpu.memory_space<hbm>>)
        %add3A_208 = arith.constant 2 : i32
        %add3A_209 = arith.addi %add3A_81, %add3A_208 : i32
        %dma_start3A_210 = arith.constant 0 : i32
        %dma_start3A_211 = tpu.memref_slice %arg8[%add3A_209, %dma_start3A_210] : memref<250x40xi32, #tpu.memory_space<vmem>> -> memref<1x40xi32, #tpu.memory_space<vmem>>
        %dma_start3A_212 = tpu.memref_squeeze %dma_start3A_211 : memref<1x40xi32, #tpu.memory_space<vmem>> -> memref<40xi32, #tpu.memory_space<vmem>>
        %dma_start3A_213 = arith.constant 0 : i32
        %dma_start3A_214 = arith.constant 0 : i32
        %dma_start3A_215 = tpu.memref_slice %arg2[%dma_start3A_213, %dma_start3A_214] : memref<10000x128xi32, #tpu.memory_space<hbm>> -> memref<10000x128xi32, #tpu.memory_space<hbm>>
        tpu.enqueue_indirect_dma source(%dma_start3A_215 : memref<10000x128xi32, #tpu.memory_space<hbm>>) target(%arg14 : memref<40x128xi32, #tpu.memory_space<vmem>>) offsets(%dma_start3A_212 : memref<40xi32, #tpu.memory_space<vmem>>) semaphore(%arg18 : memref<!tpu.dma_semaphore, #tpu.memory_space<semaphore_mem>>)
        %dma_start3A_216 = arith.constant 0 : i32
        %dma_start3A_217 = tpu.memref_slice %arg9[%add3A_209, %dma_start3A_216] : memref<250x40xi32, #tpu.memory_space<vmem>> -> memref<1x40xi32, #tpu.memory_space<vmem>>
        %dma_start3A_218 = tpu.memref_squeeze %dma_start3A_217 : memref<1x40xi32, #tpu.memory_space<vmem>> -> memref<40xi32, #tpu.memory_space<vmem>>
        %dma_start3A_219 = arith.constant 0 : i32
        %dma_start3A_220 = arith.constant 0 : i32
        %dma_start3A_221 = tpu.memref_slice %arg3[%dma_start3A_219, %dma_start3A_220] : memref<10000x128xi32, #tpu.memory_space<hbm>> -> memref<10000x128xi32, #tpu.memory_space<hbm>>
        tpu.enqueue_indirect_dma source(%dma_start3A_221 : memref<10000x128xi32, #tpu.memory_space<hbm>>) target(%arg15 : memref<40x128xi32, #tpu.memory_space<vmem>>) offsets(%dma_start3A_218 : memref<40xi32, #tpu.memory_space<vmem>>) semaphore(%arg18 : memref<!tpu.dma_semaphore, #tpu.memory_space<semaphore_mem>>)
      } else {
      }
      %eq3A = arith.constant 0 : i32
      %eq3A_109 = arith.cmpi eq, %add3A_77, %eq3A : i32
      %convert_element_type3A_110 = arith.extui %eq3A_109 : i1 to i32
      %cond3A_111 = arith.constant 0 : i32
      %cond3A_112 = arith.cmpi ne, %convert_element_type3A_110, %cond3A_111 : i32
      scf.if %cond3A_112 {
        %add3A_200 = arith.constant 2 : i32
        %add3A_201 = arith.addi %add3A_81, %add3A_200 : i32
        %dma_start3A_202 = arith.constant 0 : i32
        %dma_start3A_203 = tpu.memref_slice %arg8[%add3A_201, %dma_start3A_202] : memref<250x40xi32, #tpu.memory_space<vmem>> -> memref<1x40xi32, #tpu.memory_space<vmem>>
        %dma_start3A_204 = tpu.memref_squeeze %dma_start3A_203 : memref<1x40xi32, #tpu.memory_space<vmem>> -> memref<40xi32, #tpu.memory_space<vmem>>
        %dma_start3A_205 = arith.constant 0 : i32
        %dma_start3A_206 = arith.constant 0 : i32
        %dma_start3A_207 = tpu.memref_slice %arg2[%dma_start3A_205, %dma_start3A_206] : memref<10000x128xi32, #tpu.memory_space<hbm>> -> memref<10000x128xi32, #tpu.memory_space<hbm>>
        tpu.enqueue_indirect_dma source(%dma_start3A_207 : memref<10000x128xi32, #tpu.memory_space<hbm>>) target(%arg14 : memref<40x128xi32, #tpu.memory_space<vmem>>) offsets(%dma_start3A_204 : memref<40xi32, #tpu.memory_space<vmem>>) semaphore(%arg18 : memref<!tpu.dma_semaphore, #tpu.memory_space<semaphore_mem>>)
        %dma_start3A_208 = arith.constant 0 : i32
        %dma_start3A_209 = tpu.memref_slice %arg9[%add3A_201, %dma_start3A_208] : memref<250x40xi32, #tpu.memory_space<vmem>> -> memref<1x40xi32, #tpu.memory_space<vmem>>
        %dma_start3A_210 = tpu.memref_squeeze %dma_start3A_209 : memref<1x40xi32, #tpu.memory_space<vmem>> -> memref<40xi32, #tpu.memory_space<vmem>>
        %dma_start3A_211 = arith.constant 0 : i32
        %dma_start3A_212 = arith.constant 0 : i32
        %dma_start3A_213 = tpu.memref_slice %arg3[%dma_start3A_211, %dma_start3A_212] : memref<10000x128xi32, #tpu.memory_space<hbm>> -> memref<10000x128xi32, #tpu.memory_space<hbm>>
        tpu.enqueue_indirect_dma source(%dma_start3A_213 : memref<10000x128xi32, #tpu.memory_space<hbm>>) target(%arg15 : memref<40x128xi32, #tpu.memory_space<vmem>>) offsets(%dma_start3A_210 : memref<40xi32, #tpu.memory_space<vmem>>) semaphore(%arg18 : memref<!tpu.dma_semaphore, #tpu.memory_space<semaphore_mem>>)
      } else {
      }
      %mul3A_113 = arith.constant 3 : i32
      %mul3A_114 = arith.muli %mul3A_113, %add3A_77 : i32
      %add3A_115 = arith.constant 1 : i32
      %add3A_116 = arith.addi %mul3A_114, %add3A_115 : i32
      %dma_wait3A_117 = arith.constant 0 : i32
      %dma_wait3A_118 = arith.constant 0 : i32
      %dma_wait3A_119 = tpu.memref_slice %arg8[%dma_wait3A_117, %dma_wait3A_118] : memref<250x40xi32, #tpu.memory_space<vmem>> -> memref<1x40xi32, #tpu.memory_space<vmem>>
      %dma_wait3A_120 = tpu.memref_squeeze %dma_wait3A_119 : memref<1x40xi32, #tpu.memory_space<vmem>> -> memref<40xi32, #tpu.memory_space<vmem>>
      %dma_wait3A_121 = arith.constant 0 : i32
      %dma_wait3A_122 = arith.constant 0 : i32
      %dma_wait3A_123 = tpu.memref_slice %arg2[%dma_wait3A_121, %dma_wait3A_122] : memref<10000x128xi32, #tpu.memory_space<hbm>> -> memref<10000x128xi32, #tpu.memory_space<hbm>>
      tpu.wait_indirect_dma semaphore(%arg17 : memref<!tpu.dma_semaphore, #tpu.memory_space<semaphore_mem>>) src(%dma_wait3A_123 : memref<10000x128xi32, #tpu.memory_space<hbm>>) dst(%arg12 : memref<40x128xi32, #tpu.memory_space<vmem>>)
      %dma_wait3A_124 = arith.constant 0 : i32
      %dma_wait3A_125 = arith.constant 0 : i32
      %dma_wait3A_126 = tpu.memref_slice %arg9[%dma_wait3A_124, %dma_wait3A_125] : memref<250x40xi32, #tpu.memory_space<vmem>> -> memref<1x40xi32, #tpu.memory_space<vmem>>
      %dma_wait3A_127 = tpu.memref_squeeze %dma_wait3A_126 : memref<1x40xi32, #tpu.memory_space<vmem>> -> memref<40xi32, #tpu.memory_space<vmem>>
      %dma_wait3A_128 = arith.constant 0 : i32
      %dma_wait3A_129 = arith.constant 0 : i32
      %dma_wait3A_130 = tpu.memref_slice %arg3[%dma_wait3A_128, %dma_wait3A_129] : memref<10000x128xi32, #tpu.memory_space<hbm>> -> memref<10000x128xi32, #tpu.memory_space<hbm>>
      tpu.wait_indirect_dma semaphore(%arg17 : memref<!tpu.dma_semaphore, #tpu.memory_space<semaphore_mem>>) src(%dma_wait3A_130 : memref<10000x128xi32, #tpu.memory_space<hbm>>) dst(%arg13 : memref<40x128xi32, #tpu.memory_space<vmem>>)
      %mul3A_131 = arith.constant 40 : i32
      %mul3A_132 = arith.muli %add3A_116, %mul3A_131 : i32
      %add3A_133 = arith.addi %mul3A_2, %mul3A_132 : i32
      %dma_start3A_134 = arith.constant 0 : i32
      %dma_start3A_135 = tpu.memref_slice %arg6[%add3A_133, %dma_start3A_134] : memref<320000x128xi32, #tpu.memory_space<hbm>> -> memref<40x128xi32, #tpu.memory_space<hbm>>
      %dma_start3A_136 = arith.constant 0 : i32
      %dma_start3A_137 = tpu.memref_slice %arg6[%add3A_133, %dma_start3A_136] : memref<320000x128xi32, #tpu.memory_space<hbm>> -> memref<40x128xi32, #tpu.memory_space<hbm>>
      tpu.enqueue_dma source(%arg12 : memref<40x128xi32, #tpu.memory_space<vmem>>) target(%dma_start3A_137 : memref<40x128xi32, #tpu.memory_space<hbm>>) target_semaphore(%arg20 : memref<!tpu.dma_semaphore, #tpu.memory_space<semaphore_mem>>)
      %dma_start3A_138 = arith.constant 0 : i32
      %dma_start3A_139 = tpu.memref_slice %arg7[%add3A_133, %dma_start3A_138] : memref<320000x128xi32, #tpu.memory_space<hbm>> -> memref<40x128xi32, #tpu.memory_space<hbm>>
      %dma_start3A_140 = arith.constant 0 : i32
      %dma_start3A_141 = tpu.memref_slice %arg7[%add3A_133, %dma_start3A_140] : memref<320000x128xi32, #tpu.memory_space<hbm>> -> memref<40x128xi32, #tpu.memory_space<hbm>>
      tpu.enqueue_dma source(%arg13 : memref<40x128xi32, #tpu.memory_space<vmem>>) target(%dma_start3A_141 : memref<40x128xi32, #tpu.memory_space<hbm>>) target_semaphore(%arg20 : memref<!tpu.dma_semaphore, #tpu.memory_space<semaphore_mem>>)
      %dma_wait3A_142 = arith.constant 0 : i32
      %dma_wait3A_143 = tpu.memref_slice %arg6[%mul3A_2, %dma_wait3A_142] : memref<320000x128xi32, #tpu.memory_space<hbm>> -> memref<40x128xi32, #tpu.memory_space<hbm>>
      %dma_wait3A_144 = arith.constant 0 : i32
      %dma_wait3A_145 = tpu.memref_slice %arg6[%mul3A_2, %dma_wait3A_144] : memref<320000x128xi32, #tpu.memory_space<hbm>> -> memref<40x128xi32, #tpu.memory_space<hbm>>
      tpu.wait_dma2 semaphore(%arg19 : memref<!tpu.dma_semaphore, #tpu.memory_space<semaphore_mem>>) src(%arg10 : memref<40x128xi32, #tpu.memory_space<vmem>>) dst(%dma_wait3A_145 : memref<40x128xi32, #tpu.memory_space<hbm>>)
      %dma_wait3A_146 = arith.constant 0 : i32
      %dma_wait3A_147 = tpu.memref_slice %arg7[%mul3A_2, %dma_wait3A_146] : memref<320000x128xi32, #tpu.memory_space<hbm>> -> memref<40x128xi32, #tpu.memory_space<hbm>>
      %dma_wait3A_148 = arith.constant 0 : i32
      %dma_wait3A_149 = tpu.memref_slice %arg7[%mul3A_2, %dma_wait3A_148] : memref<320000x128xi32, #tpu.memory_space<hbm>> -> memref<40x128xi32, #tpu.memory_space<hbm>>
      tpu.wait_dma2 semaphore(%arg19 : memref<!tpu.dma_semaphore, #tpu.memory_space<semaphore_mem>>) src(%arg11 : memref<40x128xi32, #tpu.memory_space<vmem>>) dst(%dma_wait3A_149 : memref<40x128xi32, #tpu.memory_space<hbm>>)
      %add3A_150 = arith.constant 2 : i32
      %add3A_151 = arith.addi %add3A_116, %add3A_150 : i32
      %lt3A = arith.constant 250 : i32
      %lt3A_152 = arith.cmpi slt, %add3A_151, %lt3A : i32
      %convert_element_type3A_153 = arith.extui %lt3A_152 : i1 to i32
      %cond3A_154 = arith.constant 0 : i32
      %cond3A_155 = arith.cmpi ne, %convert_element_type3A_153, %cond3A_154 : i32
      scf.if %cond3A_155 {
        %add3A_200 = arith.constant 2 : i32
        %add3A_201 = arith.addi %add3A_116, %add3A_200 : i32
        %dma_start3A_202 = arith.constant 0 : i32
        %dma_start3A_203 = tpu.memref_slice %arg8[%add3A_201, %dma_start3A_202] : memref<250x40xi32, #tpu.memory_space<vmem>> -> memref<1x40xi32, #tpu.memory_space<vmem>>
        %dma_start3A_204 = tpu.memref_squeeze %dma_start3A_203 : memref<1x40xi32, #tpu.memory_space<vmem>> -> memref<40xi32, #tpu.memory_space<vmem>>
        %dma_start3A_205 = arith.constant 0 : i32
        %dma_start3A_206 = arith.constant 0 : i32
        %dma_start3A_207 = tpu.memref_slice %arg2[%dma_start3A_205, %dma_start3A_206] : memref<10000x128xi32, #tpu.memory_space<hbm>> -> memref<10000x128xi32, #tpu.memory_space<hbm>>
        tpu.enqueue_indirect_dma source(%dma_start3A_207 : memref<10000x128xi32, #tpu.memory_space<hbm>>) target(%arg10 : memref<40x128xi32, #tpu.memory_space<vmem>>) offsets(%dma_start3A_204 : memref<40xi32, #tpu.memory_space<vmem>>) semaphore(%arg16 : memref<!tpu.dma_semaphore, #tpu.memory_space<semaphore_mem>>)
        %dma_start3A_208 = arith.constant 0 : i32
        %dma_start3A_209 = tpu.memref_slice %arg9[%add3A_201, %dma_start3A_208] : memref<250x40xi32, #tpu.memory_space<vmem>> -> memref<1x40xi32, #tpu.memory_space<vmem>>
        %dma_start3A_210 = tpu.memref_squeeze %dma_start3A_209 : memref<1x40xi32, #tpu.memory_space<vmem>> -> memref<40xi32, #tpu.memory_space<vmem>>
        %dma_start3A_211 = arith.constant 0 : i32
        %dma_start3A_212 = arith.constant 0 : i32
        %dma_start3A_213 = tpu.memref_slice %arg3[%dma_start3A_211, %dma_start3A_212] : memref<10000x128xi32, #tpu.memory_space<hbm>> -> memref<10000x128xi32, #tpu.memory_space<hbm>>
        tpu.enqueue_indirect_dma source(%dma_start3A_213 : memref<10000x128xi32, #tpu.memory_space<hbm>>) target(%arg11 : memref<40x128xi32, #tpu.memory_space<vmem>>) offsets(%dma_start3A_210 : memref<40xi32, #tpu.memory_space<vmem>>) semaphore(%arg16 : memref<!tpu.dma_semaphore, #tpu.memory_space<semaphore_mem>>)
      } else {
      }
      %mul3A_156 = arith.constant 3 : i32
      %mul3A_157 = arith.muli %mul3A_156, %add3A_77 : i32
      %add3A_158 = arith.constant 2 : i32
      %add3A_159 = arith.addi %mul3A_157, %add3A_158 : i32
      %dma_wait3A_160 = arith.constant 0 : i32
      %dma_wait3A_161 = arith.constant 0 : i32
      %dma_wait3A_162 = tpu.memref_slice %arg8[%dma_wait3A_160, %dma_wait3A_161] : memref<250x40xi32, #tpu.memory_space<vmem>> -> memref<1x40xi32, #tpu.memory_space<vmem>>
      %dma_wait3A_163 = tpu.memref_squeeze %dma_wait3A_162 : memref<1x40xi32, #tpu.memory_space<vmem>> -> memref<40xi32, #tpu.memory_space<vmem>>
      %dma_wait3A_164 = arith.constant 0 : i32
      %dma_wait3A_165 = arith.constant 0 : i32
      %dma_wait3A_166 = tpu.memref_slice %arg2[%dma_wait3A_164, %dma_wait3A_165] : memref<10000x128xi32, #tpu.memory_space<hbm>> -> memref<10000x128xi32, #tpu.memory_space<hbm>>
      tpu.wait_indirect_dma semaphore(%arg18 : memref<!tpu.dma_semaphore, #tpu.memory_space<semaphore_mem>>) src(%dma_wait3A_166 : memref<10000x128xi32, #tpu.memory_space<hbm>>) dst(%arg14 : memref<40x128xi32, #tpu.memory_space<vmem>>)
      %dma_wait3A_167 = arith.constant 0 : i32
      %dma_wait3A_168 = arith.constant 0 : i32
      %dma_wait3A_169 = tpu.memref_slice %arg9[%dma_wait3A_167, %dma_wait3A_168] : memref<250x40xi32, #tpu.memory_space<vmem>> -> memref<1x40xi32, #tpu.memory_space<vmem>>
      %dma_wait3A_170 = tpu.memref_squeeze %dma_wait3A_169 : memref<1x40xi32, #tpu.memory_space<vmem>> -> memref<40xi32, #tpu.memory_space<vmem>>
      %dma_wait3A_171 = arith.constant 0 : i32
      %dma_wait3A_172 = arith.constant 0 : i32
      %dma_wait3A_173 = tpu.memref_slice %arg3[%dma_wait3A_171, %dma_wait3A_172] : memref<10000x128xi32, #tpu.memory_space<hbm>> -> memref<10000x128xi32, #tpu.memory_space<hbm>>
      tpu.wait_indirect_dma semaphore(%arg18 : memref<!tpu.dma_semaphore, #tpu.memory_space<semaphore_mem>>) src(%dma_wait3A_173 : memref<10000x128xi32, #tpu.memory_space<hbm>>) dst(%arg15 : memref<40x128xi32, #tpu.memory_space<vmem>>)
      %mul3A_174 = arith.constant 40 : i32
      %mul3A_175 = arith.muli %add3A_159, %mul3A_174 : i32
      %add3A_176 = arith.addi %mul3A_2, %mul3A_175 : i32
      %dma_start3A_177 = arith.constant 0 : i32
      %dma_start3A_178 = tpu.memref_slice %arg6[%add3A_176, %dma_start3A_177] : memref<320000x128xi32, #tpu.memory_space<hbm>> -> memref<40x128xi32, #tpu.memory_space<hbm>>
      %dma_start3A_179 = arith.constant 0 : i32
      %dma_start3A_180 = tpu.memref_slice %arg6[%add3A_176, %dma_start3A_179] : memref<320000x128xi32, #tpu.memory_space<hbm>> -> memref<40x128xi32, #tpu.memory_space<hbm>>
      tpu.enqueue_dma source(%arg14 : memref<40x128xi32, #tpu.memory_space<vmem>>) target(%dma_start3A_180 : memref<40x128xi32, #tpu.memory_space<hbm>>) target_semaphore(%arg21 : memref<!tpu.dma_semaphore, #tpu.memory_space<semaphore_mem>>)
      %dma_start3A_181 = arith.constant 0 : i32
      %dma_start3A_182 = tpu.memref_slice %arg7[%add3A_176, %dma_start3A_181] : memref<320000x128xi32, #tpu.memory_space<hbm>> -> memref<40x128xi32, #tpu.memory_space<hbm>>
      %dma_start3A_183 = arith.constant 0 : i32
      %dma_start3A_184 = tpu.memref_slice %arg7[%add3A_176, %dma_start3A_183] : memref<320000x128xi32, #tpu.memory_space<hbm>> -> memref<40x128xi32, #tpu.memory_space<hbm>>
      tpu.enqueue_dma source(%arg15 : memref<40x128xi32, #tpu.memory_space<vmem>>) target(%dma_start3A_184 : memref<40x128xi32, #tpu.memory_space<hbm>>) target_semaphore(%arg21 : memref<!tpu.dma_semaphore, #tpu.memory_space<semaphore_mem>>)
      %dma_wait3A_185 = arith.constant 0 : i32
      %dma_wait3A_186 = tpu.memref_slice %arg6[%mul3A_2, %dma_wait3A_185] : memref<320000x128xi32, #tpu.memory_space<hbm>> -> memref<40x128xi32, #tpu.memory_space<hbm>>
      %dma_wait3A_187 = arith.constant 0 : i32
      %dma_wait3A_188 = tpu.memref_slice %arg6[%mul3A_2, %dma_wait3A_187] : memref<320000x128xi32, #tpu.memory_space<hbm>> -> memref<40x128xi32, #tpu.memory_space<hbm>>
      tpu.wait_dma2 semaphore(%arg20 : memref<!tpu.dma_semaphore, #tpu.memory_space<semaphore_mem>>) src(%arg12 : memref<40x128xi32, #tpu.memory_space<vmem>>) dst(%dma_wait3A_188 : memref<40x128xi32, #tpu.memory_space<hbm>>)
      %dma_wait3A_189 = arith.constant 0 : i32
      %dma_wait3A_190 = tpu.memref_slice %arg7[%mul3A_2, %dma_wait3A_189] : memref<320000x128xi32, #tpu.memory_space<hbm>> -> memref<40x128xi32, #tpu.memory_space<hbm>>
      %dma_wait3A_191 = arith.constant 0 : i32
      %dma_wait3A_192 = tpu.memref_slice %arg7[%mul3A_2, %dma_wait3A_191] : memref<320000x128xi32, #tpu.memory_space<hbm>> -> memref<40x128xi32, #tpu.memory_space<hbm>>
      tpu.wait_dma2 semaphore(%arg20 : memref<!tpu.dma_semaphore, #tpu.memory_space<semaphore_mem>>) src(%arg13 : memref<40x128xi32, #tpu.memory_space<vmem>>) dst(%dma_wait3A_192 : memref<40x128xi32, #tpu.memory_space<hbm>>)
      %add3A_193 = arith.constant 2 : i32
      %add3A_194 = arith.addi %add3A_159, %add3A_193 : i32
      %lt3A_195 = arith.constant 250 : i32
      %lt3A_196 = arith.cmpi slt, %add3A_194, %lt3A_195 : i32
      %convert_element_type3A_197 = arith.extui %lt3A_196 : i1 to i32
      %cond3A_198 = arith.constant 0 : i32
      %cond3A_199 = arith.cmpi ne, %convert_element_type3A_197, %cond3A_198 : i32
      scf.if %cond3A_199 {
        %add3A_200 = arith.constant 2 : i32
        %add3A_201 = arith.addi %add3A_159, %add3A_200 : i32
        %dma_start3A_202 = arith.constant 0 : i32
        %dma_start3A_203 = tpu.memref_slice %arg8[%add3A_201, %dma_start3A_202] : memref<250x40xi32, #tpu.memory_space<vmem>> -> memref<1x40xi32, #tpu.memory_space<vmem>>
        %dma_start3A_204 = tpu.memref_squeeze %dma_start3A_203 : memref<1x40xi32, #tpu.memory_space<vmem>> -> memref<40xi32, #tpu.memory_space<vmem>>
        %dma_start3A_205 = arith.constant 0 : i32
        %dma_start3A_206 = arith.constant 0 : i32
        %dma_start3A_207 = tpu.memref_slice %arg2[%dma_start3A_205, %dma_start3A_206] : memref<10000x128xi32, #tpu.memory_space<hbm>> -> memref<10000x128xi32, #tpu.memory_space<hbm>>
        tpu.enqueue_indirect_dma source(%dma_start3A_207 : memref<10000x128xi32, #tpu.memory_space<hbm>>) target(%arg12 : memref<40x128xi32, #tpu.memory_space<vmem>>) offsets(%dma_start3A_204 : memref<40xi32, #tpu.memory_space<vmem>>) semaphore(%arg17 : memref<!tpu.dma_semaphore, #tpu.memory_space<semaphore_mem>>)
        %dma_start3A_208 = arith.constant 0 : i32
        %dma_start3A_209 = tpu.memref_slice %arg9[%add3A_201, %dma_start3A_208] : memref<250x40xi32, #tpu.memory_space<vmem>> -> memref<1x40xi32, #tpu.memory_space<vmem>>
        %dma_start3A_210 = tpu.memref_squeeze %dma_start3A_209 : memref<1x40xi32, #tpu.memory_space<vmem>> -> memref<40xi32, #tpu.memory_space<vmem>>
        %dma_start3A_211 = arith.constant 0 : i32
        %dma_start3A_212 = arith.constant 0 : i32
        %dma_start3A_213 = tpu.memref_slice %arg3[%dma_start3A_211, %dma_start3A_212] : memref<10000x128xi32, #tpu.memory_space<hbm>> -> memref<10000x128xi32, #tpu.memory_space<hbm>>
        tpu.enqueue_indirect_dma source(%dma_start3A_213 : memref<10000x128xi32, #tpu.memory_space<hbm>>) target(%arg13 : memref<40x128xi32, #tpu.memory_space<vmem>>) offsets(%dma_start3A_210 : memref<40xi32, #tpu.memory_space<vmem>>) semaphore(%arg17 : memref<!tpu.dma_semaphore, #tpu.memory_space<semaphore_mem>>)
      } else {
      }
    }
    %scan3A_33 = arith.constant 83 : i32
    %dma_wait3A = arith.constant 0 : i32
    %dma_wait3A_34 = arith.constant 0 : i32
    %dma_wait3A_35 = tpu.memref_slice %arg8[%dma_wait3A, %dma_wait3A_34] : memref<250x40xi32, #tpu.memory_space<vmem>> -> memref<1x40xi32, #tpu.memory_space<vmem>>
    %dma_wait3A_36 = tpu.memref_squeeze %dma_wait3A_35 : memref<1x40xi32, #tpu.memory_space<vmem>> -> memref<40xi32, #tpu.memory_space<vmem>>
    %dma_wait3A_37 = arith.constant 0 : i32
    %dma_wait3A_38 = arith.constant 0 : i32
    %dma_wait3A_39 = tpu.memref_slice %arg2[%dma_wait3A_37, %dma_wait3A_38] : memref<10000x128xi32, #tpu.memory_space<hbm>> -> memref<10000x128xi32, #tpu.memory_space<hbm>>
    tpu.wait_indirect_dma semaphore(%arg16 : memref<!tpu.dma_semaphore, #tpu.memory_space<semaphore_mem>>) src(%dma_wait3A_39 : memref<10000x128xi32, #tpu.memory_space<hbm>>) dst(%arg10 : memref<40x128xi32, #tpu.memory_space<vmem>>)
    %dma_wait3A_40 = arith.constant 0 : i32
    %dma_wait3A_41 = arith.constant 0 : i32
    %dma_wait3A_42 = tpu.memref_slice %arg9[%dma_wait3A_40, %dma_wait3A_41] : memref<250x40xi32, #tpu.memory_space<vmem>> -> memref<1x40xi32, #tpu.memory_space<vmem>>
    %dma_wait3A_43 = tpu.memref_squeeze %dma_wait3A_42 : memref<1x40xi32, #tpu.memory_space<vmem>> -> memref<40xi32, #tpu.memory_space<vmem>>
    %dma_wait3A_44 = arith.constant 0 : i32
    %dma_wait3A_45 = arith.constant 0 : i32
    %dma_wait3A_46 = tpu.memref_slice %arg3[%dma_wait3A_44, %dma_wait3A_45] : memref<10000x128xi32, #tpu.memory_space<hbm>> -> memref<10000x128xi32, #tpu.memory_space<hbm>>
    tpu.wait_indirect_dma semaphore(%arg16 : memref<!tpu.dma_semaphore, #tpu.memory_space<semaphore_mem>>) src(%dma_wait3A_46 : memref<10000x128xi32, #tpu.memory_space<hbm>>) dst(%arg11 : memref<40x128xi32, #tpu.memory_space<vmem>>)
    %add3A_47 = arith.constant 9960 : i32
    %add3A_48 = arith.addi %mul3A_2, %add3A_47 : i32
    %dma_start3A_49 = arith.constant 0 : i32
    %dma_start3A_50 = tpu.memref_slice %arg6[%add3A_48, %dma_start3A_49] : memref<320000x128xi32, #tpu.memory_space<hbm>> -> memref<40x128xi32, #tpu.memory_space<hbm>>
    %dma_start3A_51 = arith.constant 0 : i32
    %dma_start3A_52 = tpu.memref_slice %arg6[%add3A_48, %dma_start3A_51] : memref<320000x128xi32, #tpu.memory_space<hbm>> -> memref<40x128xi32, #tpu.memory_space<hbm>>
    tpu.enqueue_dma source(%arg10 : memref<40x128xi32, #tpu.memory_space<vmem>>) target(%dma_start3A_52 : memref<40x128xi32, #tpu.memory_space<hbm>>) target_semaphore(%arg19 : memref<!tpu.dma_semaphore, #tpu.memory_space<semaphore_mem>>)
    %dma_start3A_53 = arith.constant 0 : i32
    %dma_start3A_54 = tpu.memref_slice %arg7[%add3A_48, %dma_start3A_53] : memref<320000x128xi32, #tpu.memory_space<hbm>> -> memref<40x128xi32, #tpu.memory_space<hbm>>
    %dma_start3A_55 = arith.constant 0 : i32
    %dma_start3A_56 = tpu.memref_slice %arg7[%add3A_48, %dma_start3A_55] : memref<320000x128xi32, #tpu.memory_space<hbm>> -> memref<40x128xi32, #tpu.memory_space<hbm>>
    tpu.enqueue_dma source(%arg11 : memref<40x128xi32, #tpu.memory_space<vmem>>) target(%dma_start3A_56 : memref<40x128xi32, #tpu.memory_space<hbm>>) target_semaphore(%arg19 : memref<!tpu.dma_semaphore, #tpu.memory_space<semaphore_mem>>)
    %dma_wait3A_57 = arith.constant 0 : i32
    %dma_wait3A_58 = tpu.memref_slice %arg6[%mul3A_2, %dma_wait3A_57] : memref<320000x128xi32, #tpu.memory_space<hbm>> -> memref<40x128xi32, #tpu.memory_space<hbm>>
    %dma_wait3A_59 = arith.constant 0 : i32
    %dma_wait3A_60 = tpu.memref_slice %arg6[%mul3A_2, %dma_wait3A_59] : memref<320000x128xi32, #tpu.memory_space<hbm>> -> memref<40x128xi32, #tpu.memory_space<hbm>>
    tpu.wait_dma2 semaphore(%arg21 : memref<!tpu.dma_semaphore, #tpu.memory_space<semaphore_mem>>) src(%arg14 : memref<40x128xi32, #tpu.memory_space<vmem>>) dst(%dma_wait3A_60 : memref<40x128xi32, #tpu.memory_space<hbm>>)
    %dma_wait3A_61 = arith.constant 0 : i32
    %dma_wait3A_62 = tpu.memref_slice %arg7[%mul3A_2, %dma_wait3A_61] : memref<320000x128xi32, #tpu.memory_space<hbm>> -> memref<40x128xi32, #tpu.memory_space<hbm>>
    %dma_wait3A_63 = arith.constant 0 : i32
    %dma_wait3A_64 = tpu.memref_slice %arg7[%mul3A_2, %dma_wait3A_63] : memref<320000x128xi32, #tpu.memory_space<hbm>> -> memref<40x128xi32, #tpu.memory_space<hbm>>
    tpu.wait_dma2 semaphore(%arg21 : memref<!tpu.dma_semaphore, #tpu.memory_space<semaphore_mem>>) src(%arg15 : memref<40x128xi32, #tpu.memory_space<vmem>>) dst(%dma_wait3A_64 : memref<40x128xi32, #tpu.memory_space<hbm>>)
    %dma_wait3A_65 = arith.constant 0 : i32
    %dma_wait3A_66 = tpu.memref_slice %arg6[%mul3A_2, %dma_wait3A_65] : memref<320000x128xi32, #tpu.memory_space<hbm>> -> memref<40x128xi32, #tpu.memory_space<hbm>>
    %dma_wait3A_67 = arith.constant 0 : i32
    %dma_wait3A_68 = tpu.memref_slice %arg6[%mul3A_2, %dma_wait3A_67] : memref<320000x128xi32, #tpu.memory_space<hbm>> -> memref<40x128xi32, #tpu.memory_space<hbm>>
    tpu.wait_dma2 semaphore(%arg19 : memref<!tpu.dma_semaphore, #tpu.memory_space<semaphore_mem>>) src(%arg10 : memref<40x128xi32, #tpu.memory_space<vmem>>) dst(%dma_wait3A_68 : memref<40x128xi32, #tpu.memory_space<hbm>>)
    %dma_wait3A_69 = arith.constant 0 : i32
    %dma_wait3A_70 = tpu.memref_slice %arg7[%mul3A_2, %dma_wait3A_69] : memref<320000x128xi32, #tpu.memory_space<hbm>> -> memref<40x128xi32, #tpu.memory_space<hbm>>
    %dma_wait3A_71 = arith.constant 0 : i32
    %dma_wait3A_72 = tpu.memref_slice %arg7[%mul3A_2, %dma_wait3A_71] : memref<320000x128xi32, #tpu.memory_space<hbm>> -> memref<40x128xi32, #tpu.memory_space<hbm>>
    tpu.wait_dma2 semaphore(%arg19 : memref<!tpu.dma_semaphore, #tpu.memory_space<semaphore_mem>>) src(%arg11 : memref<40x128xi32, #tpu.memory_space<vmem>>) dst(%dma_wait3A_72 : memref<40x128xi32, #tpu.memory_space<hbm>>)
    return
  }
}

#map = affine_map<(d0, d1) -> (0, 0)>
#map1 = affine_map<(d0, d1) -> (0, 0, 0)>
module attributes {stable_mosaic.version = 14 : i64} {
  func.func @_sc_scatter(%arg0: i32, %arg1: i32, %arg2: memref<320000x128xf32, #tpu.memory_space<hbm>>, %arg3: memref<32x250x40xi32, #tpu.memory_space<hbm>>, %arg4: memref<10000x128xf32, #tpu.memory_space<hbm>>, %arg5: memref<2x10000x128xf32, #tpu.memory_space<hbm>>, %arg6: memref<250x40xi32, #tpu.memory_space<vmem>>, %arg7: memref<40x128xf32, #tpu.memory_space<vmem>>, %arg8: memref<40x128xf32, #tpu.memory_space<vmem>>, %arg9: memref<10000x128xf32, #tpu.memory_space<vmem_shared>>, %arg10: memref<!tpu.dma_semaphore, #tpu.memory_space<semaphore_mem>>, %arg11: memref<!tpu.dma_semaphore, #tpu.memory_space<semaphore_mem>>, %arg12: memref<!tpu.dma_semaphore, #tpu.memory_space<semaphore_mem>>, %arg13: memref<!tpu.dma_semaphore, #tpu.memory_space<semaphore_mem>>) attributes {dimension_semantics = [#tpu.dimension_semantics<core_parallel>, #tpu.dimension_semantics<subcore_parallel>], iteration_bounds = array<i64: 2, 16>, scalar_prefetch = 0 : i64, scratch_operands = 8 : i64, tpu.core_type = #tpu.core_type<sc_vector_subcore>, window_params = [{transform_indices = #map}, {transform_indices = #map1}, {transform_indices = #map}, {transform_indices = #map1}]} {
    %mul3A = arith.constant 2 : i32
    %mul3A_0 = arith.muli %arg1, %mul3A : i32
    %add3A = arith.addi %mul3A_0, %arg0 : i32
    %mul3A_1 = arith.constant 10000 : i32
    %mul3A_2 = arith.muli %add3A, %mul3A_1 : i32
    "tpu.region"() ({
      %run_scoped3A = tpu.sem_alloc : memref<!tpu.dma_semaphore, #tpu.memory_space<semaphore_mem>>
      %dma_start3A_28 = arith.constant 0 : i32
      %dma_start3A_29 = arith.constant 0 : i32
      %dma_start3A_30 = tpu.memref_slice %arg3[%add3A, %dma_start3A_28, %dma_start3A_29] : memref<32x250x40xi32, #tpu.memory_space<hbm>> -> memref<1x250x40xi32, #tpu.memory_space<hbm>>
      %dma_start3A_31 = tpu.memref_squeeze %dma_start3A_30 : memref<1x250x40xi32, #tpu.memory_space<hbm>> -> memref<250x40xi32, #tpu.memory_space<hbm>>
      %dma_start3A_32 = arith.constant 0 : i32
      %dma_start3A_33 = arith.constant 0 : i32
      %dma_start3A_34 = tpu.memref_slice %arg3[%add3A, %dma_start3A_32, %dma_start3A_33] : memref<32x250x40xi32, #tpu.memory_space<hbm>> -> memref<1x250x40xi32, #tpu.memory_space<hbm>>
      %dma_start3A_35 = tpu.memref_squeeze %dma_start3A_34 : memref<1x250x40xi32, #tpu.memory_space<hbm>> -> memref<250x40xi32, #tpu.memory_space<hbm>>
      tpu.enqueue_dma source(%dma_start3A_35 : memref<250x40xi32, #tpu.memory_space<hbm>>) target(%arg6 : memref<250x40xi32, #tpu.memory_space<vmem>>) target_semaphore(%run_scoped3A : memref<!tpu.dma_semaphore, #tpu.memory_space<semaphore_mem>>)
      %dma_wait3A = arith.constant 0 : i32
      %dma_wait3A_36 = arith.constant 0 : i32
      %dma_wait3A_37 = tpu.memref_slice %arg3[%add3A, %dma_wait3A, %dma_wait3A_36] : memref<32x250x40xi32, #tpu.memory_space<hbm>> -> memref<1x250x40xi32, #tpu.memory_space<hbm>>
      %dma_wait3A_38 = tpu.memref_squeeze %dma_wait3A_37 : memref<1x250x40xi32, #tpu.memory_space<hbm>> -> memref<250x40xi32, #tpu.memory_space<hbm>>
      %dma_wait3A_39 = arith.constant 0 : i32
      %dma_wait3A_40 = arith.constant 0 : i32
      %dma_wait3A_41 = tpu.memref_slice %arg3[%add3A, %dma_wait3A_39, %dma_wait3A_40] : memref<32x250x40xi32, #tpu.memory_space<hbm>> -> memref<1x250x40xi32, #tpu.memory_space<hbm>>
      %dma_wait3A_42 = tpu.memref_squeeze %dma_wait3A_41 : memref<1x250x40xi32, #tpu.memory_space<hbm>> -> memref<250x40xi32, #tpu.memory_space<hbm>>
      tpu.wait_dma2 semaphore(%run_scoped3A : memref<!tpu.dma_semaphore, #tpu.memory_space<semaphore_mem>>) src(%dma_wait3A_42 : memref<250x40xi32, #tpu.memory_space<hbm>>) dst(%arg6 : memref<250x40xi32, #tpu.memory_space<vmem>>)
      tpu.yield
    }) : () -> ()
    %mul3A_3 = arith.constant 624 : i32
    %mul3A_4 = arith.muli %arg1, %mul3A_3 : i32
    "tpu.region"() ({
      %run_scoped3A = tpu.sem_alloc : memref<!tpu.dma_semaphore, #tpu.memory_space<semaphore_mem>>
      %dma_start3A_28 = arith.constant 0 : i32
      %dma_start3A_29 = tpu.memref_slice %arg9[%mul3A_4, %dma_start3A_28] : memref<10000x128xf32, #tpu.memory_space<vmem_shared>> -> memref<624x128xf32, #tpu.memory_space<vmem_shared>>
      %dma_start3A_30 = arith.constant 0 : i32
      %dma_start3A_31 = tpu.memref_slice %arg4[%mul3A_4, %dma_start3A_30] : memref<10000x128xf32, #tpu.memory_space<hbm>> -> memref<624x128xf32, #tpu.memory_space<hbm>>
      tpu.enqueue_dma source(%dma_start3A_31 : memref<624x128xf32, #tpu.memory_space<hbm>>) target(%dma_start3A_29 : memref<624x128xf32, #tpu.memory_space<vmem_shared>>) target_semaphore(%run_scoped3A : memref<!tpu.dma_semaphore, #tpu.memory_space<semaphore_mem>>)
      %dma_wait3A = arith.constant 0 : i32
      %dma_wait3A_32 = tpu.memref_slice %arg9[%mul3A_4, %dma_wait3A] : memref<10000x128xf32, #tpu.memory_space<vmem_shared>> -> memref<624x128xf32, #tpu.memory_space<vmem_shared>>
      %dma_wait3A_33 = arith.constant 0 : i32
      %dma_wait3A_34 = tpu.memref_slice %arg4[%mul3A_4, %dma_wait3A_33] : memref<10000x128xf32, #tpu.memory_space<hbm>> -> memref<624x128xf32, #tpu.memory_space<hbm>>
      tpu.wait_dma2 semaphore(%run_scoped3A : memref<!tpu.dma_semaphore, #tpu.memory_space<semaphore_mem>>) src(%dma_wait3A_34 : memref<624x128xf32, #tpu.memory_space<hbm>>) dst(%dma_wait3A_32 : memref<624x128xf32, #tpu.memory_space<vmem_shared>>)
      tpu.yield
    }) : () -> ()
    %eq3A = arith.constant 15 : i32
    %eq3A_5 = arith.cmpi eq, %arg1, %eq3A : i32
    %convert_element_type3A = arith.extui %eq3A_5 : i1 to i32
    %cond3A = arith.constant 0 : i32
    %cond3A_6 = arith.cmpi ne, %convert_element_type3A, %cond3A : i32
    scf.if %cond3A_6 {
      "tpu.region"() ({
        %run_scoped3A = tpu.sem_alloc : memref<!tpu.dma_semaphore, #tpu.memory_space<semaphore_mem>>
        %dma_start3A_28 = arith.constant 9984 : i32
        %dma_start3A_29 = arith.constant 0 : i32
        %dma_start3A_30 = tpu.memref_slice %arg9[%dma_start3A_28, %dma_start3A_29] : memref<10000x128xf32, #tpu.memory_space<vmem_shared>> -> memref<16x128xf32, #tpu.memory_space<vmem_shared>>
        %dma_start3A_31 = arith.constant 9984 : i32
        %dma_start3A_32 = arith.constant 0 : i32
        %dma_start3A_33 = tpu.memref_slice %arg4[%dma_start3A_31, %dma_start3A_32] : memref<10000x128xf32, #tpu.memory_space<hbm>> -> memref<16x128xf32, #tpu.memory_space<hbm>>
        tpu.enqueue_dma source(%dma_start3A_33 : memref<16x128xf32, #tpu.memory_space<hbm>>) target(%dma_start3A_30 : memref<16x128xf32, #tpu.memory_space<vmem_shared>>) target_semaphore(%run_scoped3A : memref<!tpu.dma_semaphore, #tpu.memory_space<semaphore_mem>>)
        %dma_wait3A = arith.constant 9984 : i32
        %dma_wait3A_34 = arith.constant 0 : i32
        %dma_wait3A_35 = tpu.memref_slice %arg9[%dma_wait3A, %dma_wait3A_34] : memref<10000x128xf32, #tpu.memory_space<vmem_shared>> -> memref<16x128xf32, #tpu.memory_space<vmem_shared>>
        %dma_wait3A_36 = arith.constant 9984 : i32
        %dma_wait3A_37 = arith.constant 0 : i32
        %dma_wait3A_38 = tpu.memref_slice %arg4[%dma_wait3A_36, %dma_wait3A_37] : memref<10000x128xf32, #tpu.memory_space<hbm>> -> memref<16x128xf32, #tpu.memory_space<hbm>>
        tpu.wait_dma2 semaphore(%run_scoped3A : memref<!tpu.dma_semaphore, #tpu.memory_space<semaphore_mem>>) src(%dma_wait3A_38 : memref<16x128xf32, #tpu.memory_space<hbm>>) dst(%dma_wait3A_35 : memref<16x128xf32, #tpu.memory_space<vmem_shared>>)
        tpu.yield
      }) : () -> ()
    } else {
    }
    %barrier3A = arith.constant 0 : index
    tpu.barrier barrier_id(%barrier3A)
    %add3A_7 = arith.constant 0 : i32
    %add3A_8 = arith.addi %mul3A_2, %add3A_7 : i32
    %dma_start3A = arith.constant 0 : i32
    %dma_start3A_9 = tpu.memref_slice %arg2[%add3A_8, %dma_start3A] : memref<320000x128xf32, #tpu.memory_space<hbm>> -> memref<40x128xf32, #tpu.memory_space<hbm>>
    %dma_start3A_10 = arith.constant 0 : i32
    %dma_start3A_11 = tpu.memref_slice %arg2[%add3A_8, %dma_start3A_10] : memref<320000x128xf32, #tpu.memory_space<hbm>> -> memref<40x128xf32, #tpu.memory_space<hbm>>
    tpu.enqueue_dma source(%dma_start3A_11 : memref<40x128xf32, #tpu.memory_space<hbm>>) target(%arg7 : memref<40x128xf32, #tpu.memory_space<vmem>>) target_semaphore(%arg10 : memref<!tpu.dma_semaphore, #tpu.memory_space<semaphore_mem>>)
    %add3A_12 = arith.constant 40 : i32
    %add3A_13 = arith.addi %mul3A_2, %add3A_12 : i32
    %dma_start3A_14 = arith.constant 0 : i32
    %dma_start3A_15 = tpu.memref_slice %arg2[%add3A_13, %dma_start3A_14] : memref<320000x128xf32, #tpu.memory_space<hbm>> -> memref<40x128xf32, #tpu.memory_space<hbm>>
    %dma_start3A_16 = arith.constant 0 : i32
    %dma_start3A_17 = tpu.memref_slice %arg2[%add3A_13, %dma_start3A_16] : memref<320000x128xf32, #tpu.memory_space<hbm>> -> memref<40x128xf32, #tpu.memory_space<hbm>>
    tpu.enqueue_dma source(%dma_start3A_17 : memref<40x128xf32, #tpu.memory_space<hbm>>) target(%arg8 : memref<40x128xf32, #tpu.memory_space<vmem>>) target_semaphore(%arg11 : memref<!tpu.dma_semaphore, #tpu.memory_space<semaphore_mem>>)
    %scan3A = arith.constant 0 : i32
    %scan3A_18 = arith.constant 125 : i32
    %scan3A_19 = arith.addi %scan3A, %scan3A_18 : i32
    %scan3A_20 = arith.constant 1 : i32
    scf.for %scan3A_28 = %scan3A to %scan3A_19 step %scan3A_20  : i32 {
      %mul3A_29 = arith.constant 1 : i32
      %mul3A_30 = arith.muli %scan3A_28, %mul3A_29 : i32
      %add3A_31 = arith.constant 0 : i32
      %add3A_32 = arith.addi %add3A_31, %mul3A_30 : i32
      %dma_wait3A = arith.constant 0 : i32
      %dma_wait3A_33 = tpu.memref_slice %arg2[%mul3A_2, %dma_wait3A] : memref<320000x128xf32, #tpu.memory_space<hbm>> -> memref<40x128xf32, #tpu.memory_space<hbm>>
      %dma_wait3A_34 = arith.constant 0 : i32
      %dma_wait3A_35 = tpu.memref_slice %arg2[%mul3A_2, %dma_wait3A_34] : memref<320000x128xf32, #tpu.memory_space<hbm>> -> memref<40x128xf32, #tpu.memory_space<hbm>>
      tpu.wait_dma2 semaphore(%arg10 : memref<!tpu.dma_semaphore, #tpu.memory_space<semaphore_mem>>) src(%dma_wait3A_35 : memref<40x128xf32, #tpu.memory_space<hbm>>) dst(%arg7 : memref<40x128xf32, #tpu.memory_space<vmem>>)
      %mul3A_36 = arith.constant 2 : i32
      %mul3A_37 = arith.muli %mul3A_36, %add3A_32 : i32
      %add3A_38 = arith.constant 0 : i32
      %add3A_39 = arith.addi %mul3A_37, %add3A_38 : i32
      %dma_start3A_40 = arith.constant 0 : i32
      %dma_start3A_41 = tpu.memref_slice %arg6[%add3A_39, %dma_start3A_40] : memref<250x40xi32, #tpu.memory_space<vmem>> -> memref<1x40xi32, #tpu.memory_space<vmem>>
      %dma_start3A_42 = tpu.memref_squeeze %dma_start3A_41 : memref<1x40xi32, #tpu.memory_space<vmem>> -> memref<40xi32, #tpu.memory_space<vmem>>
      %dma_start3A_43 = arith.constant 0 : i32
      %dma_start3A_44 = arith.constant 0 : i32
      %dma_start3A_45 = tpu.memref_slice %arg9[%dma_start3A_43, %dma_start3A_44] : memref<10000x128xf32, #tpu.memory_space<vmem_shared>> -> memref<10000x128xf32, #tpu.memory_space<vmem_shared>>
      tpu.enqueue_indirect_dma source(%arg7 : memref<40x128xf32, #tpu.memory_space<vmem>>) target(%dma_start3A_45 : memref<10000x128xf32, #tpu.memory_space<vmem_shared>>) offsets(%dma_start3A_42 : memref<40xi32, #tpu.memory_space<vmem>>) semaphore(%arg12 : memref<!tpu.dma_semaphore, #tpu.memory_space<semaphore_mem>>) {add = true}
      %dma_wait3A_46 = arith.constant 0 : i32
      %dma_wait3A_47 = tpu.memref_slice %arg2[%mul3A_2, %dma_wait3A_46] : memref<320000x128xf32, #tpu.memory_space<hbm>> -> memref<40x128xf32, #tpu.memory_space<hbm>>
      %dma_wait3A_48 = arith.constant 0 : i32
      %dma_wait3A_49 = tpu.memref_slice %arg2[%mul3A_2, %dma_wait3A_48] : memref<320000x128xf32, #tpu.memory_space<hbm>> -> memref<40x128xf32, #tpu.memory_space<hbm>>
      tpu.wait_dma2 semaphore(%arg11 : memref<!tpu.dma_semaphore, #tpu.memory_space<semaphore_mem>>) src(%dma_wait3A_49 : memref<40x128xf32, #tpu.memory_space<hbm>>) dst(%arg8 : memref<40x128xf32, #tpu.memory_space<vmem>>)
      %mul3A_50 = arith.constant 2 : i32
      %mul3A_51 = arith.muli %mul3A_50, %add3A_32 : i32
      %add3A_52 = arith.constant 1 : i32
      %add3A_53 = arith.addi %mul3A_51, %add3A_52 : i32
      %dma_start3A_54 = arith.constant 0 : i32
      %dma_start3A_55 = tpu.memref_slice %arg6[%add3A_53, %dma_start3A_54] : memref<250x40xi32, #tpu.memory_space<vmem>> -> memref<1x40xi32, #tpu.memory_space<vmem>>
      %dma_start3A_56 = tpu.memref_squeeze %dma_start3A_55 : memref<1x40xi32, #tpu.memory_space<vmem>> -> memref<40xi32, #tpu.memory_space<vmem>>
      %dma_start3A_57 = arith.constant 0 : i32
      %dma_start3A_58 = arith.constant 0 : i32
      %dma_start3A_59 = tpu.memref_slice %arg9[%dma_start3A_57, %dma_start3A_58] : memref<10000x128xf32, #tpu.memory_space<vmem_shared>> -> memref<10000x128xf32, #tpu.memory_space<vmem_shared>>
      tpu.enqueue_indirect_dma source(%arg8 : memref<40x128xf32, #tpu.memory_space<vmem>>) target(%dma_start3A_59 : memref<10000x128xf32, #tpu.memory_space<vmem_shared>>) offsets(%dma_start3A_56 : memref<40xi32, #tpu.memory_space<vmem>>) semaphore(%arg13 : memref<!tpu.dma_semaphore, #tpu.memory_space<semaphore_mem>>) {add = true}
      %mul3A_60 = arith.constant 2 : i32
      %mul3A_61 = arith.muli %mul3A_60, %add3A_32 : i32
      %add3A_62 = arith.constant 0 : i32
      %add3A_63 = arith.addi %mul3A_61, %add3A_62 : i32
      %dma_wait3A_64 = arith.constant 0 : i32
      %dma_wait3A_65 = arith.constant 0 : i32
      %dma_wait3A_66 = tpu.memref_slice %arg6[%dma_wait3A_64, %dma_wait3A_65] : memref<250x40xi32, #tpu.memory_space<vmem>> -> memref<1x40xi32, #tpu.memory_space<vmem>>
      %dma_wait3A_67 = tpu.memref_squeeze %dma_wait3A_66 : memref<1x40xi32, #tpu.memory_space<vmem>> -> memref<40xi32, #tpu.memory_space<vmem>>
      %dma_wait3A_68 = arith.constant 0 : i32
      %dma_wait3A_69 = arith.constant 0 : i32
      %dma_wait3A_70 = tpu.memref_slice %arg9[%dma_wait3A_68, %dma_wait3A_69] : memref<10000x128xf32, #tpu.memory_space<vmem_shared>> -> memref<10000x128xf32, #tpu.memory_space<vmem_shared>>
      tpu.wait_indirect_dma semaphore(%arg12 : memref<!tpu.dma_semaphore, #tpu.memory_space<semaphore_mem>>) src(%arg7 : memref<40x128xf32, #tpu.memory_space<vmem>>) dst(%dma_wait3A_70 : memref<10000x128xf32, #tpu.memory_space<vmem_shared>>)
      %add3A_71 = arith.constant 2 : i32
      %add3A_72 = arith.addi %add3A_63, %add3A_71 : i32
      %lt3A = arith.constant 250 : i32
      %lt3A_73 = arith.cmpi slt, %add3A_72, %lt3A : i32
      %convert_element_type3A_74 = arith.extui %lt3A_73 : i1 to i32
      %cond3A_75 = arith.constant 0 : i32
      %cond3A_76 = arith.cmpi ne, %convert_element_type3A_74, %cond3A_75 : i32
      scf.if %cond3A_76 {
        %add3A_95 = arith.constant 2 : i32
        %add3A_96 = arith.addi %add3A_63, %add3A_95 : i32
        %mul3A_97 = arith.constant 40 : i32
        %mul3A_98 = arith.muli %add3A_96, %mul3A_97 : i32
        %add3A_99 = arith.addi %mul3A_2, %mul3A_98 : i32
        %dma_start3A_100 = arith.constant 0 : i32
        %dma_start3A_101 = tpu.memref_slice %arg2[%add3A_99, %dma_start3A_100] : memref<320000x128xf32, #tpu.memory_space<hbm>> -> memref<40x128xf32, #tpu.memory_space<hbm>>
        %dma_start3A_102 = arith.constant 0 : i32
        %dma_start3A_103 = tpu.memref_slice %arg2[%add3A_99, %dma_start3A_102] : memref<320000x128xf32, #tpu.memory_space<hbm>> -> memref<40x128xf32, #tpu.memory_space<hbm>>
        tpu.enqueue_dma source(%dma_start3A_103 : memref<40x128xf32, #tpu.memory_space<hbm>>) target(%arg7 : memref<40x128xf32, #tpu.memory_space<vmem>>) target_semaphore(%arg10 : memref<!tpu.dma_semaphore, #tpu.memory_space<semaphore_mem>>)
      } else {
      }
      %mul3A_77 = arith.constant 2 : i32
      %mul3A_78 = arith.muli %mul3A_77, %add3A_32 : i32
      %add3A_79 = arith.constant 1 : i32
      %add3A_80 = arith.addi %mul3A_78, %add3A_79 : i32
      %dma_wait3A_81 = arith.constant 0 : i32
      %dma_wait3A_82 = arith.constant 0 : i32
      %dma_wait3A_83 = tpu.memref_slice %arg6[%dma_wait3A_81, %dma_wait3A_82] : memref<250x40xi32, #tpu.memory_space<vmem>> -> memref<1x40xi32, #tpu.memory_space<vmem>>
      %dma_wait3A_84 = tpu.memref_squeeze %dma_wait3A_83 : memref<1x40xi32, #tpu.memory_space<vmem>> -> memref<40xi32, #tpu.memory_space<vmem>>
      %dma_wait3A_85 = arith.constant 0 : i32
      %dma_wait3A_86 = arith.constant 0 : i32
      %dma_wait3A_87 = tpu.memref_slice %arg9[%dma_wait3A_85, %dma_wait3A_86] : memref<10000x128xf32, #tpu.memory_space<vmem_shared>> -> memref<10000x128xf32, #tpu.memory_space<vmem_shared>>
      tpu.wait_indirect_dma semaphore(%arg13 : memref<!tpu.dma_semaphore, #tpu.memory_space<semaphore_mem>>) src(%arg8 : memref<40x128xf32, #tpu.memory_space<vmem>>) dst(%dma_wait3A_87 : memref<10000x128xf32, #tpu.memory_space<vmem_shared>>)
      %add3A_88 = arith.constant 2 : i32
      %add3A_89 = arith.addi %add3A_80, %add3A_88 : i32
      %lt3A_90 = arith.constant 250 : i32
      %lt3A_91 = arith.cmpi slt, %add3A_89, %lt3A_90 : i32
      %convert_element_type3A_92 = arith.extui %lt3A_91 : i1 to i32
      %cond3A_93 = arith.constant 0 : i32
      %cond3A_94 = arith.cmpi ne, %convert_element_type3A_92, %cond3A_93 : i32
      scf.if %cond3A_94 {
        %add3A_95 = arith.constant 2 : i32
        %add3A_96 = arith.addi %add3A_80, %add3A_95 : i32
        %mul3A_97 = arith.constant 40 : i32
        %mul3A_98 = arith.muli %add3A_96, %mul3A_97 : i32
        %add3A_99 = arith.addi %mul3A_2, %mul3A_98 : i32
        %dma_start3A_100 = arith.constant 0 : i32
        %dma_start3A_101 = tpu.memref_slice %arg2[%add3A_99, %dma_start3A_100] : memref<320000x128xf32, #tpu.memory_space<hbm>> -> memref<40x128xf32, #tpu.memory_space<hbm>>
        %dma_start3A_102 = arith.constant 0 : i32
        %dma_start3A_103 = tpu.memref_slice %arg2[%add3A_99, %dma_start3A_102] : memref<320000x128xf32, #tpu.memory_space<hbm>> -> memref<40x128xf32, #tpu.memory_space<hbm>>
        tpu.enqueue_dma source(%dma_start3A_103 : memref<40x128xf32, #tpu.memory_space<hbm>>) target(%arg8 : memref<40x128xf32, #tpu.memory_space<vmem>>) target_semaphore(%arg11 : memref<!tpu.dma_semaphore, #tpu.memory_space<semaphore_mem>>)
      } else {
      }
    }
    %scan3A_21 = arith.constant 125 : i32
    %barrier3A_22 = arith.constant 0 : index
    tpu.barrier barrier_id(%barrier3A_22)
    "tpu.region"() ({
      %run_scoped3A = tpu.sem_alloc : memref<!tpu.dma_semaphore, #tpu.memory_space<semaphore_mem>>
      %dma_start3A_28 = arith.constant 0 : i32
      %dma_start3A_29 = tpu.memref_slice %arg5[%arg0, %mul3A_4, %dma_start3A_28] : memref<2x10000x128xf32, #tpu.memory_space<hbm>> -> memref<1x624x128xf32, #tpu.memory_space<hbm>>
      %dma_start3A_30 = tpu.memref_squeeze %dma_start3A_29 : memref<1x624x128xf32, #tpu.memory_space<hbm>> -> memref<624x128xf32, #tpu.memory_space<hbm>>
      %dma_start3A_31 = arith.constant 0 : i32
      %dma_start3A_32 = tpu.memref_slice %arg9[%mul3A_4, %dma_start3A_31] : memref<10000x128xf32, #tpu.memory_space<vmem_shared>> -> memref<624x128xf32, #tpu.memory_space<vmem_shared>>
      tpu.enqueue_dma source(%dma_start3A_32 : memref<624x128xf32, #tpu.memory_space<vmem_shared>>) target(%dma_start3A_30 : memref<624x128xf32, #tpu.memory_space<hbm>>) target_semaphore(%run_scoped3A : memref<!tpu.dma_semaphore, #tpu.memory_space<semaphore_mem>>)
      %dma_wait3A = arith.constant 0 : i32
      %dma_wait3A_33 = tpu.memref_slice %arg5[%arg0, %mul3A_4, %dma_wait3A] : memref<2x10000x128xf32, #tpu.memory_space<hbm>> -> memref<1x624x128xf32, #tpu.memory_space<hbm>>
      %dma_wait3A_34 = tpu.memref_squeeze %dma_wait3A_33 : memref<1x624x128xf32, #tpu.memory_space<hbm>> -> memref<624x128xf32, #tpu.memory_space<hbm>>
      %dma_wait3A_35 = arith.constant 0 : i32
      %dma_wait3A_36 = tpu.memref_slice %arg9[%mul3A_4, %dma_wait3A_35] : memref<10000x128xf32, #tpu.memory_space<vmem_shared>> -> memref<624x128xf32, #tpu.memory_space<vmem_shared>>
      tpu.wait_dma2 semaphore(%run_scoped3A : memref<!tpu.dma_semaphore, #tpu.memory_space<semaphore_mem>>) src(%dma_wait3A_36 : memref<624x128xf32, #tpu.memory_space<vmem_shared>>) dst(%dma_wait3A_34 : memref<624x128xf32, #tpu.memory_space<hbm>>)
      tpu.yield
    }) : () -> ()
    %eq3A_23 = arith.constant 15 : i32
    %eq3A_24 = arith.cmpi eq, %arg1, %eq3A_23 : i32
    %convert_element_type3A_25 = arith.extui %eq3A_24 : i1 to i32
    %cond3A_26 = arith.constant 0 : i32
    %cond3A_27 = arith.cmpi ne, %convert_element_type3A_25, %cond3A_26 : i32
    scf.if %cond3A_27 {
      "tpu.region"() ({
        %run_scoped3A = tpu.sem_alloc : memref<!tpu.dma_semaphore, #tpu.memory_space<semaphore_mem>>
        %dma_start3A_28 = arith.constant 9984 : i32
        %dma_start3A_29 = arith.constant 0 : i32
        %dma_start3A_30 = tpu.memref_slice %arg5[%arg0, %dma_start3A_28, %dma_start3A_29] : memref<2x10000x128xf32, #tpu.memory_space<hbm>> -> memref<1x16x128xf32, #tpu.memory_space<hbm>>
        %dma_start3A_31 = tpu.memref_squeeze %dma_start3A_30 : memref<1x16x128xf32, #tpu.memory_space<hbm>> -> memref<16x128xf32, #tpu.memory_space<hbm>>
        %dma_start3A_32 = arith.constant 9984 : i32
        %dma_start3A_33 = arith.constant 0 : i32
        %dma_start3A_34 = tpu.memref_slice %arg9[%dma_start3A_32, %dma_start3A_33] : memref<10000x128xf32, #tpu.memory_space<vmem_shared>> -> memref<16x128xf32, #tpu.memory_space<vmem_shared>>
        tpu.enqueue_dma source(%dma_start3A_34 : memref<16x128xf32, #tpu.memory_space<vmem_shared>>) target(%dma_start3A_31 : memref<16x128xf32, #tpu.memory_space<hbm>>) target_semaphore(%run_scoped3A : memref<!tpu.dma_semaphore, #tpu.memory_space<semaphore_mem>>)
        %dma_wait3A = arith.constant 9984 : i32
        %dma_wait3A_35 = arith.constant 0 : i32
        %dma_wait3A_36 = tpu.memref_slice %arg5[%arg0, %dma_wait3A, %dma_wait3A_35] : memref<2x10000x128xf32, #tpu.memory_space<hbm>> -> memref<1x16x128xf32, #tpu.memory_space<hbm>>
        %dma_wait3A_37 = tpu.memref_squeeze %dma_wait3A_36 : memref<1x16x128xf32, #tpu.memory_space<hbm>> -> memref<16x128xf32, #tpu.memory_space<hbm>>
        %dma_wait3A_38 = arith.constant 9984 : i32
        %dma_wait3A_39 = arith.constant 0 : i32
        %dma_wait3A_40 = tpu.memref_slice %arg9[%dma_wait3A_38, %dma_wait3A_39] : memref<10000x128xf32, #tpu.memory_space<vmem_shared>> -> memref<16x128xf32, #tpu.memory_space<vmem_shared>>
        tpu.wait_dma2 semaphore(%run_scoped3A : memref<!tpu.dma_semaphore, #tpu.memory_space<semaphore_mem>>) src(%dma_wait3A_40 : memref<16x128xf32, #tpu.memory_space<vmem_shared>>) dst(%dma_wait3A_37 : memref<16x128xf32, #tpu.memory_space<hbm>>)
        tpu.yield
      }) : () -> ()
    } else {
    }
    return
  }
}

#map = affine_map<(d0, d1) -> (0, 0)>
#map1 = affine_map<(d0, d1) -> (0, 0, 0)>
module attributes {stable_mosaic.version = 14 : i64} {
  func.func @_sc_gather(%arg0: i32, %arg1: i32, %arg2: memref<10000x128xi32, #tpu.memory_space<hbm>>, %arg3: memref<10000x128xi32, #tpu.memory_space<hbm>>, %arg4: memref<32x250x40xi32, #tpu.memory_space<hbm>>, %arg5: memref<32x250x40xi32, #tpu.memory_space<hbm>>, %arg6: memref<320000x128xi32, #tpu.memory_space<hbm>>, %arg7: memref<320000x128xi32, #tpu.memory_space<hbm>>, %arg8: memref<250x40xi32, #tpu.memory_space<vmem>>, %arg9: memref<250x40xi32, #tpu.memory_space<vmem>>, %arg10: memref<40x128xi32, #tpu.memory_space<vmem>>, %arg11: memref<40x128xi32, #tpu.memory_space<vmem>>, %arg12: memref<40x128xi32, #tpu.memory_space<vmem>>, %arg13: memref<40x128xi32, #tpu.memory_space<vmem>>, %arg14: memref<40x128xi32, #tpu.memory_space<vmem>>, %arg15: memref<40x128xi32, #tpu.memory_space<vmem>>, %arg16: memref<!tpu.dma_semaphore, #tpu.memory_space<semaphore_mem>>, %arg17: memref<!tpu.dma_semaphore, #tpu.memory_space<semaphore_mem>>, %arg18: memref<!tpu.dma_semaphore, #tpu.memory_space<semaphore_mem>>, %arg19: memref<!tpu.dma_semaphore, #tpu.memory_space<semaphore_mem>>, %arg20: memref<!tpu.dma_semaphore, #tpu.memory_space<semaphore_mem>>, %arg21: memref<!tpu.dma_semaphore, #tpu.memory_space<semaphore_mem>>) attributes {dimension_semantics = [#tpu.dimension_semantics<core_parallel>, #tpu.dimension_semantics<subcore_parallel>], iteration_bounds = array<i64: 2, 16>, scalar_prefetch = 0 : i64, scratch_operands = 14 : i64, tpu.core_type = #tpu.core_type<sc_vector_subcore>, window_params = [{transform_indices = #map}, {transform_indices = #map}, {transform_indices = #map1}, {transform_indices = #map1}, {transform_indices = #map}, {transform_indices = #map}]} {
    %mul3A = arith.constant 2 : i32
    %mul3A_0 = arith.muli %arg1, %mul3A : i32
    %add3A = arith.addi %mul3A_0, %arg0 : i32
    %mul3A_1 = arith.constant 10000 : i32
    %mul3A_2 = arith.muli %add3A, %mul3A_1 : i32
    "tpu.region"() ({
      %run_scoped3A = tpu.sem_alloc : memref<!tpu.dma_semaphore, #tpu.memory_space<semaphore_mem>>
      %dma_start3A_73 = arith.constant 0 : i32
      %dma_start3A_74 = arith.constant 0 : i32
      %dma_start3A_75 = tpu.memref_slice %arg5[%add3A, %dma_start3A_73, %dma_start3A_74] : memref<32x250x40xi32, #tpu.memory_space<hbm>> -> memref<1x250x40xi32, #tpu.memory_space<hbm>>
      %dma_start3A_76 = tpu.memref_squeeze %dma_start3A_75 : memref<1x250x40xi32, #tpu.memory_space<hbm>> -> memref<250x40xi32, #tpu.memory_space<hbm>>
      %dma_start3A_77 = arith.constant 0 : i32
      %dma_start3A_78 = arith.constant 0 : i32
      %dma_start3A_79 = tpu.memref_slice %arg5[%add3A, %dma_start3A_77, %dma_start3A_78] : memref<32x250x40xi32, #tpu.memory_space<hbm>> -> memref<1x250x40xi32, #tpu.memory_space<hbm>>
      %dma_start3A_80 = tpu.memref_squeeze %dma_start3A_79 : memref<1x250x40xi32, #tpu.memory_space<hbm>> -> memref<250x40xi32, #tpu.memory_space<hbm>>
      tpu.enqueue_dma source(%dma_start3A_80 : memref<250x40xi32, #tpu.memory_space<hbm>>) target(%arg8 : memref<250x40xi32, #tpu.memory_space<vmem>>) target_semaphore(%run_scoped3A : memref<!tpu.dma_semaphore, #tpu.memory_space<semaphore_mem>>)
      %dma_wait3A_81 = arith.constant 0 : i32
      %dma_wait3A_82 = arith.constant 0 : i32
      %dma_wait3A_83 = tpu.memref_slice %arg5[%add3A, %dma_wait3A_81, %dma_wait3A_82] : memref<32x250x40xi32, #tpu.memory_space<hbm>> -> memref<1x250x40xi32, #tpu.memory_space<hbm>>
      %dma_wait3A_84 = tpu.memref_squeeze %dma_wait3A_83 : memref<1x250x40xi32, #tpu.memory_space<hbm>> -> memref<250x40xi32, #tpu.memory_space<hbm>>
      %dma_wait3A_85 = arith.constant 0 : i32
      %dma_wait3A_86 = arith.constant 0 : i32
      %dma_wait3A_87 = tpu.memref_slice %arg5[%add3A, %dma_wait3A_85, %dma_wait3A_86] : memref<32x250x40xi32, #tpu.memory_space<hbm>> -> memref<1x250x40xi32, #tpu.memory_space<hbm>>
      %dma_wait3A_88 = tpu.memref_squeeze %dma_wait3A_87 : memref<1x250x40xi32, #tpu.memory_space<hbm>> -> memref<250x40xi32, #tpu.memory_space<hbm>>
      tpu.wait_dma2 semaphore(%run_scoped3A : memref<!tpu.dma_semaphore, #tpu.memory_space<semaphore_mem>>) src(%dma_wait3A_88 : memref<250x40xi32, #tpu.memory_space<hbm>>) dst(%arg8 : memref<250x40xi32, #tpu.memory_space<vmem>>)
      tpu.yield
    }) : () -> ()
    "tpu.region"() ({
      %run_scoped3A = tpu.sem_alloc : memref<!tpu.dma_semaphore, #tpu.memory_space<semaphore_mem>>
      %dma_start3A_73 = arith.constant 0 : i32
      %dma_start3A_74 = arith.constant 0 : i32
      %dma_start3A_75 = tpu.memref_slice %arg4[%add3A, %dma_start3A_73, %dma_start3A_74] : memref<32x250x40xi32, #tpu.memory_space<hbm>> -> memref<1x250x40xi32, #tpu.memory_space<hbm>>
      %dma_start3A_76 = tpu.memref_squeeze %dma_start3A_75 : memref<1x250x40xi32, #tpu.memory_space<hbm>> -> memref<250x40xi32, #tpu.memory_space<hbm>>
      %dma_start3A_77 = arith.constant 0 : i32
      %dma_start3A_78 = arith.constant 0 : i32
      %dma_start3A_79 = tpu.memref_slice %arg4[%add3A, %dma_start3A_77, %dma_start3A_78] : memref<32x250x40xi32, #tpu.memory_space<hbm>> -> memref<1x250x40xi32, #tpu.memory_space<hbm>>
      %dma_start3A_80 = tpu.memref_squeeze %dma_start3A_79 : memref<1x250x40xi32, #tpu.memory_space<hbm>> -> memref<250x40xi32, #tpu.memory_space<hbm>>
      tpu.enqueue_dma source(%dma_start3A_80 : memref<250x40xi32, #tpu.memory_space<hbm>>) target(%arg9 : memref<250x40xi32, #tpu.memory_space<vmem>>) target_semaphore(%run_scoped3A : memref<!tpu.dma_semaphore, #tpu.memory_space<semaphore_mem>>)
      %dma_wait3A_81 = arith.constant 0 : i32
      %dma_wait3A_82 = arith.constant 0 : i32
      %dma_wait3A_83 = tpu.memref_slice %arg4[%add3A, %dma_wait3A_81, %dma_wait3A_82] : memref<32x250x40xi32, #tpu.memory_space<hbm>> -> memref<1x250x40xi32, #tpu.memory_space<hbm>>
      %dma_wait3A_84 = tpu.memref_squeeze %dma_wait3A_83 : memref<1x250x40xi32, #tpu.memory_space<hbm>> -> memref<250x40xi32, #tpu.memory_space<hbm>>
      %dma_wait3A_85 = arith.constant 0 : i32
      %dma_wait3A_86 = arith.constant 0 : i32
      %dma_wait3A_87 = tpu.memref_slice %arg4[%add3A, %dma_wait3A_85, %dma_wait3A_86] : memref<32x250x40xi32, #tpu.memory_space<hbm>> -> memref<1x250x40xi32, #tpu.memory_space<hbm>>
      %dma_wait3A_88 = tpu.memref_squeeze %dma_wait3A_87 : memref<1x250x40xi32, #tpu.memory_space<hbm>> -> memref<250x40xi32, #tpu.memory_space<hbm>>
      tpu.wait_dma2 semaphore(%run_scoped3A : memref<!tpu.dma_semaphore, #tpu.memory_space<semaphore_mem>>) src(%dma_wait3A_88 : memref<250x40xi32, #tpu.memory_space<hbm>>) dst(%arg9 : memref<250x40xi32, #tpu.memory_space<vmem>>)
      tpu.yield
    }) : () -> ()
    %dma_start3A = arith.constant 0 : i32
    %dma_start3A_3 = arith.constant 0 : i32
    %dma_start3A_4 = tpu.memref_slice %arg8[%dma_start3A, %dma_start3A_3] : memref<250x40xi32, #tpu.memory_space<vmem>> -> memref<1x40xi32, #tpu.memory_space<vmem>>
    %dma_start3A_5 = tpu.memref_squeeze %dma_start3A_4 : memref<1x40xi32, #tpu.memory_space<vmem>> -> memref<40xi32, #tpu.memory_space<vmem>>
    %dma_start3A_6 = arith.constant 0 : i32
    %dma_start3A_7 = arith.constant 0 : i32
    %dma_start3A_8 = tpu.memref_slice %arg2[%dma_start3A_6, %dma_start3A_7] : memref<10000x128xi32, #tpu.memory_space<hbm>> -> memref<10000x128xi32, #tpu.memory_space<hbm>>
    tpu.enqueue_indirect_dma source(%dma_start3A_8 : memref<10000x128xi32, #tpu.memory_space<hbm>>) target(%arg10 : memref<40x128xi32, #tpu.memory_space<vmem>>) offsets(%dma_start3A_5 : memref<40xi32, #tpu.memory_space<vmem>>) semaphore(%arg16 : memref<!tpu.dma_semaphore, #tpu.memory_space<semaphore_mem>>)
    %dma_start3A_9 = arith.constant 0 : i32
    %dma_start3A_10 = arith.constant 0 : i32
    %dma_start3A_11 = tpu.memref_slice %arg9[%dma_start3A_9, %dma_start3A_10] : memref<250x40xi32, #tpu.memory_space<vmem>> -> memref<1x40xi32, #tpu.memory_space<vmem>>
    %dma_start3A_12 = tpu.memref_squeeze %dma_start3A_11 : memref<1x40xi32, #tpu.memory_space<vmem>> -> memref<40xi32, #tpu.memory_space<vmem>>
    %dma_start3A_13 = arith.constant 0 : i32
    %dma_start3A_14 = arith.constant 0 : i32
    %dma_start3A_15 = tpu.memref_slice %arg3[%dma_start3A_13, %dma_start3A_14] : memref<10000x128xi32, #tpu.memory_space<hbm>> -> memref<10000x128xi32, #tpu.memory_space<hbm>>
    tpu.enqueue_indirect_dma source(%dma_start3A_15 : memref<10000x128xi32, #tpu.memory_space<hbm>>) target(%arg11 : memref<40x128xi32, #tpu.memory_space<vmem>>) offsets(%dma_start3A_12 : memref<40xi32, #tpu.memory_space<vmem>>) semaphore(%arg16 : memref<!tpu.dma_semaphore, #tpu.memory_space<semaphore_mem>>)
    %dma_start3A_16 = arith.constant 1 : i32
    %dma_start3A_17 = arith.constant 0 : i32
    %dma_start3A_18 = tpu.memref_slice %arg8[%dma_start3A_16, %dma_start3A_17] : memref<250x40xi32, #tpu.memory_space<vmem>> -> memref<1x40xi32, #tpu.memory_space<vmem>>
    %dma_start3A_19 = tpu.memref_squeeze %dma_start3A_18 : memref<1x40xi32, #tpu.memory_space<vmem>> -> memref<40xi32, #tpu.memory_space<vmem>>
    %dma_start3A_20 = arith.constant 0 : i32
    %dma_start3A_21 = arith.constant 0 : i32
    %dma_start3A_22 = tpu.memref_slice %arg2[%dma_start3A_20, %dma_start3A_21] : memref<10000x128xi32, #tpu.memory_space<hbm>> -> memref<10000x128xi32, #tpu.memory_space<hbm>>
    tpu.enqueue_indirect_dma source(%dma_start3A_22 : memref<10000x128xi32, #tpu.memory_space<hbm>>) target(%arg12 : memref<40x128xi32, #tpu.memory_space<vmem>>) offsets(%dma_start3A_19 : memref<40xi32, #tpu.memory_space<vmem>>) semaphore(%arg17 : memref<!tpu.dma_semaphore, #tpu.memory_space<semaphore_mem>>)
    %dma_start3A_23 = arith.constant 1 : i32
    %dma_start3A_24 = arith.constant 0 : i32
    %dma_start3A_25 = tpu.memref_slice %arg9[%dma_start3A_23, %dma_start3A_24] : memref<250x40xi32, #tpu.memory_space<vmem>> -> memref<1x40xi32, #tpu.memory_space<vmem>>
    %dma_start3A_26 = tpu.memref_squeeze %dma_start3A_25 : memref<1x40xi32, #tpu.memory_space<vmem>> -> memref<40xi32, #tpu.memory_space<vmem>>
    %dma_start3A_27 = arith.constant 0 : i32
    %dma_start3A_28 = arith.constant 0 : i32
    %dma_start3A_29 = tpu.memref_slice %arg3[%dma_start3A_27, %dma_start3A_28] : memref<10000x128xi32, #tpu.memory_space<hbm>> -> memref<10000x128xi32, #tpu.memory_space<hbm>>
    tpu.enqueue_indirect_dma source(%dma_start3A_29 : memref<10000x128xi32, #tpu.memory_space<hbm>>) target(%arg13 : memref<40x128xi32, #tpu.memory_space<vmem>>) offsets(%dma_start3A_26 : memref<40xi32, #tpu.memory_space<vmem>>) semaphore(%arg17 : memref<!tpu.dma_semaphore, #tpu.memory_space<semaphore_mem>>)
    %scan3A = arith.constant 0 : i32
    %scan3A_30 = arith.constant 83 : i32
    %scan3A_31 = arith.addi %scan3A, %scan3A_30 : i32
    %scan3A_32 = arith.constant 1 : i32
    scf.for %scan3A_73 = %scan3A to %scan3A_31 step %scan3A_32  : i32 {
      %mul3A_74 = arith.constant 1 : i32
      %mul3A_75 = arith.muli %scan3A_73, %mul3A_74 : i32
      %add3A_76 = arith.constant 0 : i32
      %add3A_77 = arith.addi %add3A_76, %mul3A_75 : i32
      %mul3A_78 = arith.constant 3 : i32
      %mul3A_79 = arith.muli %mul3A_78, %add3A_77 : i32
      %add3A_80 = arith.constant 0 : i32
      %add3A_81 = arith.addi %mul3A_79, %add3A_80 : i32
      %dma_wait3A_82 = arith.constant 0 : i32
      %dma_wait3A_83 = arith.constant 0 : i32
      %dma_wait3A_84 = tpu.memref_slice %arg8[%dma_wait3A_82, %dma_wait3A_83] : memref<250x40xi32, #tpu.memory_space<vmem>> -> memref<1x40xi32, #tpu.memory_space<vmem>>
      %dma_wait3A_85 = tpu.memref_squeeze %dma_wait3A_84 : memref<1x40xi32, #tpu.memory_space<vmem>> -> memref<40xi32, #tpu.memory_space<vmem>>
      %dma_wait3A_86 = arith.constant 0 : i32
      %dma_wait3A_87 = arith.constant 0 : i32
      %dma_wait3A_88 = tpu.memref_slice %arg2[%dma_wait3A_86, %dma_wait3A_87] : memref<10000x128xi32, #tpu.memory_space<hbm>> -> memref<10000x128xi32, #tpu.memory_space<hbm>>
      tpu.wait_indirect_dma semaphore(%arg16 : memref<!tpu.dma_semaphore, #tpu.memory_space<semaphore_mem>>) src(%dma_wait3A_88 : memref<10000x128xi32, #tpu.memory_space<hbm>>) dst(%arg10 : memref<40x128xi32, #tpu.memory_space<vmem>>)
      %dma_wait3A_89 = arith.constant 0 : i32
      %dma_wait3A_90 = arith.constant 0 : i32
      %dma_wait3A_91 = tpu.memref_slice %arg9[%dma_wait3A_89, %dma_wait3A_90] : memref<250x40xi32, #tpu.memory_space<vmem>> -> memref<1x40xi32, #tpu.memory_space<vmem>>
      %dma_wait3A_92 = tpu.memref_squeeze %dma_wait3A_91 : memref<1x40xi32, #tpu.memory_space<vmem>> -> memref<40xi32, #tpu.memory_space<vmem>>
      %dma_wait3A_93 = arith.constant 0 : i32
      %dma_wait3A_94 = arith.constant 0 : i32
      %dma_wait3A_95 = tpu.memref_slice %arg3[%dma_wait3A_93, %dma_wait3A_94] : memref<10000x128xi32, #tpu.memory_space<hbm>> -> memref<10000x128xi32, #tpu.memory_space<hbm>>
      tpu.wait_indirect_dma semaphore(%arg16 : memref<!tpu.dma_semaphore, #tpu.memory_space<semaphore_mem>>) src(%dma_wait3A_95 : memref<10000x128xi32, #tpu.memory_space<hbm>>) dst(%arg11 : memref<40x128xi32, #tpu.memory_space<vmem>>)
      %mul3A_96 = arith.constant 40 : i32
      %mul3A_97 = arith.muli %add3A_81, %mul3A_96 : i32
      %add3A_98 = arith.addi %mul3A_2, %mul3A_97 : i32
      %dma_start3A_99 = arith.constant 0 : i32
      %dma_start3A_100 = tpu.memref_slice %arg6[%add3A_98, %dma_start3A_99] : memref<320000x128xi32, #tpu.memory_space<hbm>> -> memref<40x128xi32, #tpu.memory_space<hbm>>
      %dma_start3A_101 = arith.constant 0 : i32
      %dma_start3A_102 = tpu.memref_slice %arg6[%add3A_98, %dma_start3A_101] : memref<320000x128xi32, #tpu.memory_space<hbm>> -> memref<40x128xi32, #tpu.memory_space<hbm>>
      tpu.enqueue_dma source(%arg10 : memref<40x128xi32, #tpu.memory_space<vmem>>) target(%dma_start3A_102 : memref<40x128xi32, #tpu.memory_space<hbm>>) target_semaphore(%arg19 : memref<!tpu.dma_semaphore, #tpu.memory_space<semaphore_mem>>)
      %dma_start3A_103 = arith.constant 0 : i32
      %dma_start3A_104 = tpu.memref_slice %arg7[%add3A_98, %dma_start3A_103] : memref<320000x128xi32, #tpu.memory_space<hbm>> -> memref<40x128xi32, #tpu.memory_space<hbm>>
      %dma_start3A_105 = arith.constant 0 : i32
      %dma_start3A_106 = tpu.memref_slice %arg7[%add3A_98, %dma_start3A_105] : memref<320000x128xi32, #tpu.memory_space<hbm>> -> memref<40x128xi32, #tpu.memory_space<hbm>>
      tpu.enqueue_dma source(%arg11 : memref<40x128xi32, #tpu.memory_space<vmem>>) target(%dma_start3A_106 : memref<40x128xi32, #tpu.memory_space<hbm>>) target_semaphore(%arg19 : memref<!tpu.dma_semaphore, #tpu.memory_space<semaphore_mem>>)
      %gt3A = arith.constant 0 : i32
      %gt3A_107 = arith.cmpi sgt, %add3A_77, %gt3A : i32
      %convert_element_type3A = arith.extui %gt3A_107 : i1 to i32
      %cond3A = arith.constant 0 : i32
      %cond3A_108 = arith.cmpi ne, %convert_element_type3A, %cond3A : i32
      scf.if %cond3A_108 {
        %dma_wait3A_200 = arith.constant 0 : i32
        %dma_wait3A_201 = tpu.memref_slice %arg6[%mul3A_2, %dma_wait3A_200] : memref<320000x128xi32, #tpu.memory_space<hbm>> -> memref<40x128xi32, #tpu.memory_space<hbm>>
        %dma_wait3A_202 = arith.constant 0 : i32
        %dma_wait3A_203 = tpu.memref_slice %arg6[%mul3A_2, %dma_wait3A_202] : memref<320000x128xi32, #tpu.memory_space<hbm>> -> memref<40x128xi32, #tpu.memory_space<hbm>>
        tpu.wait_dma2 semaphore(%arg21 : memref<!tpu.dma_semaphore, #tpu.memory_space<semaphore_mem>>) src(%arg14 : memref<40x128xi32, #tpu.memory_space<vmem>>) dst(%dma_wait3A_203 : memref<40x128xi32, #tpu.memory_space<hbm>>)
        %dma_wait3A_204 = arith.constant 0 : i32
        %dma_wait3A_205 = tpu.memref_slice %arg7[%mul3A_2, %dma_wait3A_204] : memref<320000x128xi32, #tpu.memory_space<hbm>> -> memref<40x128xi32, #tpu.memory_space<hbm>>
        %dma_wait3A_206 = arith.constant 0 : i32
        %dma_wait3A_207 = tpu.memref_slice %arg7[%mul3A_2, %dma_wait3A_206] : memref<320000x128xi32, #tpu.memory_space<hbm>> -> memref<40x128xi32, #tpu.memory_space<hbm>>
        tpu.wait_dma2 semaphore(%arg21 : memref<!tpu.dma_semaphore, #tpu.memory_space<semaphore_mem>>) src(%arg15 : memref<40x128xi32, #tpu.memory_space<vmem>>) dst(%dma_wait3A_207 : memref<40x128xi32, #tpu.memory_space<hbm>>)
        %add3A_208 = arith.constant 2 : i32
        %add3A_209 = arith.addi %add3A_81, %add3A_208 : i32
        %dma_start3A_210 = arith.constant 0 : i32
        %dma_start3A_211 = tpu.memref_slice %arg8[%add3A_209, %dma_start3A_210] : memref<250x40xi32, #tpu.memory_space<vmem>> -> memref<1x40xi32, #tpu.memory_space<vmem>>
        %dma_start3A_212 = tpu.memref_squeeze %dma_start3A_211 : memref<1x40xi32, #tpu.memory_space<vmem>> -> memref<40xi32, #tpu.memory_space<vmem>>
        %dma_start3A_213 = arith.constant 0 : i32
        %dma_start3A_214 = arith.constant 0 : i32
        %dma_start3A_215 = tpu.memref_slice %arg2[%dma_start3A_213, %dma_start3A_214] : memref<10000x128xi32, #tpu.memory_space<hbm>> -> memref<10000x128xi32, #tpu.memory_space<hbm>>
        tpu.enqueue_indirect_dma source(%dma_start3A_215 : memref<10000x128xi32, #tpu.memory_space<hbm>>) target(%arg14 : memref<40x128xi32, #tpu.memory_space<vmem>>) offsets(%dma_start3A_212 : memref<40xi32, #tpu.memory_space<vmem>>) semaphore(%arg18 : memref<!tpu.dma_semaphore, #tpu.memory_space<semaphore_mem>>)
        %dma_start3A_216 = arith.constant 0 : i32
        %dma_start3A_217 = tpu.memref_slice %arg9[%add3A_209, %dma_start3A_216] : memref<250x40xi32, #tpu.memory_space<vmem>> -> memref<1x40xi32, #tpu.memory_space<vmem>>
        %dma_start3A_218 = tpu.memref_squeeze %dma_start3A_217 : memref<1x40xi32, #tpu.memory_space<vmem>> -> memref<40xi32, #tpu.memory_space<vmem>>
        %dma_start3A_219 = arith.constant 0 : i32
        %dma_start3A_220 = arith.constant 0 : i32
        %dma_start3A_221 = tpu.memref_slice %arg3[%dma_start3A_219, %dma_start3A_220] : memref<10000x128xi32, #tpu.memory_space<hbm>> -> memref<10000x128xi32, #tpu.memory_space<hbm>>
        tpu.enqueue_indirect_dma source(%dma_start3A_221 : memref<10000x128xi32, #tpu.memory_space<hbm>>) target(%arg15 : memref<40x128xi32, #tpu.memory_space<vmem>>) offsets(%dma_start3A_218 : memref<40xi32, #tpu.memory_space<vmem>>) semaphore(%arg18 : memref<!tpu.dma_semaphore, #tpu.memory_space<semaphore_mem>>)
      } else {
      }
      %eq3A = arith.constant 0 : i32
      %eq3A_109 = arith.cmpi eq, %add3A_77, %eq3A : i32
      %convert_element_type3A_110 = arith.extui %eq3A_109 : i1 to i32
      %cond3A_111 = arith.constant 0 : i32
      %cond3A_112 = arith.cmpi ne, %convert_element_type3A_110, %cond3A_111 : i32
      scf.if %cond3A_112 {
        %add3A_200 = arith.constant 2 : i32
        %add3A_201 = arith.addi %add3A_81, %add3A_200 : i32
        %dma_start3A_202 = arith.constant 0 : i32
        %dma_start3A_203 = tpu.memref_slice %arg8[%add3A_201, %dma_start3A_202] : memref<250x40xi32, #tpu.memory_space<vmem>> -> memref<1x40xi32, #tpu.memory_space<vmem>>
        %dma_start3A_204 = tpu.memref_squeeze %dma_start3A_203 : memref<1x40xi32, #tpu.memory_space<vmem>> -> memref<40xi32, #tpu.memory_space<vmem>>
        %dma_start3A_205 = arith.constant 0 : i32
        %dma_start3A_206 = arith.constant 0 : i32
        %dma_start3A_207 = tpu.memref_slice %arg2[%dma_start3A_205, %dma_start3A_206] : memref<10000x128xi32, #tpu.memory_space<hbm>> -> memref<10000x128xi32, #tpu.memory_space<hbm>>
        tpu.enqueue_indirect_dma source(%dma_start3A_207 : memref<10000x128xi32, #tpu.memory_space<hbm>>) target(%arg14 : memref<40x128xi32, #tpu.memory_space<vmem>>) offsets(%dma_start3A_204 : memref<40xi32, #tpu.memory_space<vmem>>) semaphore(%arg18 : memref<!tpu.dma_semaphore, #tpu.memory_space<semaphore_mem>>)
        %dma_start3A_208 = arith.constant 0 : i32
        %dma_start3A_209 = tpu.memref_slice %arg9[%add3A_201, %dma_start3A_208] : memref<250x40xi32, #tpu.memory_space<vmem>> -> memref<1x40xi32, #tpu.memory_space<vmem>>
        %dma_start3A_210 = tpu.memref_squeeze %dma_start3A_209 : memref<1x40xi32, #tpu.memory_space<vmem>> -> memref<40xi32, #tpu.memory_space<vmem>>
        %dma_start3A_211 = arith.constant 0 : i32
        %dma_start3A_212 = arith.constant 0 : i32
        %dma_start3A_213 = tpu.memref_slice %arg3[%dma_start3A_211, %dma_start3A_212] : memref<10000x128xi32, #tpu.memory_space<hbm>> -> memref<10000x128xi32, #tpu.memory_space<hbm>>
        tpu.enqueue_indirect_dma source(%dma_start3A_213 : memref<10000x128xi32, #tpu.memory_space<hbm>>) target(%arg15 : memref<40x128xi32, #tpu.memory_space<vmem>>) offsets(%dma_start3A_210 : memref<40xi32, #tpu.memory_space<vmem>>) semaphore(%arg18 : memref<!tpu.dma_semaphore, #tpu.memory_space<semaphore_mem>>)
      } else {
      }
      %mul3A_113 = arith.constant 3 : i32
      %mul3A_114 = arith.muli %mul3A_113, %add3A_77 : i32
      %add3A_115 = arith.constant 1 : i32
      %add3A_116 = arith.addi %mul3A_114, %add3A_115 : i32
      %dma_wait3A_117 = arith.constant 0 : i32
      %dma_wait3A_118 = arith.constant 0 : i32
      %dma_wait3A_119 = tpu.memref_slice %arg8[%dma_wait3A_117, %dma_wait3A_118] : memref<250x40xi32, #tpu.memory_space<vmem>> -> memref<1x40xi32, #tpu.memory_space<vmem>>
      %dma_wait3A_120 = tpu.memref_squeeze %dma_wait3A_119 : memref<1x40xi32, #tpu.memory_space<vmem>> -> memref<40xi32, #tpu.memory_space<vmem>>
      %dma_wait3A_121 = arith.constant 0 : i32
      %dma_wait3A_122 = arith.constant 0 : i32
      %dma_wait3A_123 = tpu.memref_slice %arg2[%dma_wait3A_121, %dma_wait3A_122] : memref<10000x128xi32, #tpu.memory_space<hbm>> -> memref<10000x128xi32, #tpu.memory_space<hbm>>
      tpu.wait_indirect_dma semaphore(%arg17 : memref<!tpu.dma_semaphore, #tpu.memory_space<semaphore_mem>>) src(%dma_wait3A_123 : memref<10000x128xi32, #tpu.memory_space<hbm>>) dst(%arg12 : memref<40x128xi32, #tpu.memory_space<vmem>>)
      %dma_wait3A_124 = arith.constant 0 : i32
      %dma_wait3A_125 = arith.constant 0 : i32
      %dma_wait3A_126 = tpu.memref_slice %arg9[%dma_wait3A_124, %dma_wait3A_125] : memref<250x40xi32, #tpu.memory_space<vmem>> -> memref<1x40xi32, #tpu.memory_space<vmem>>
      %dma_wait3A_127 = tpu.memref_squeeze %dma_wait3A_126 : memref<1x40xi32, #tpu.memory_space<vmem>> -> memref<40xi32, #tpu.memory_space<vmem>>
      %dma_wait3A_128 = arith.constant 0 : i32
      %dma_wait3A_129 = arith.constant 0 : i32
      %dma_wait3A_130 = tpu.memref_slice %arg3[%dma_wait3A_128, %dma_wait3A_129] : memref<10000x128xi32, #tpu.memory_space<hbm>> -> memref<10000x128xi32, #tpu.memory_space<hbm>>
      tpu.wait_indirect_dma semaphore(%arg17 : memref<!tpu.dma_semaphore, #tpu.memory_space<semaphore_mem>>) src(%dma_wait3A_130 : memref<10000x128xi32, #tpu.memory_space<hbm>>) dst(%arg13 : memref<40x128xi32, #tpu.memory_space<vmem>>)
      %mul3A_131 = arith.constant 40 : i32
      %mul3A_132 = arith.muli %add3A_116, %mul3A_131 : i32
      %add3A_133 = arith.addi %mul3A_2, %mul3A_132 : i32
      %dma_start3A_134 = arith.constant 0 : i32
      %dma_start3A_135 = tpu.memref_slice %arg6[%add3A_133, %dma_start3A_134] : memref<320000x128xi32, #tpu.memory_space<hbm>> -> memref<40x128xi32, #tpu.memory_space<hbm>>
      %dma_start3A_136 = arith.constant 0 : i32
      %dma_start3A_137 = tpu.memref_slice %arg6[%add3A_133, %dma_start3A_136] : memref<320000x128xi32, #tpu.memory_space<hbm>> -> memref<40x128xi32, #tpu.memory_space<hbm>>
      tpu.enqueue_dma source(%arg12 : memref<40x128xi32, #tpu.memory_space<vmem>>) target(%dma_start3A_137 : memref<40x128xi32, #tpu.memory_space<hbm>>) target_semaphore(%arg20 : memref<!tpu.dma_semaphore, #tpu.memory_space<semaphore_mem>>)
      %dma_start3A_138 = arith.constant 0 : i32
      %dma_start3A_139 = tpu.memref_slice %arg7[%add3A_133, %dma_start3A_138] : memref<320000x128xi32, #tpu.memory_space<hbm>> -> memref<40x128xi32, #tpu.memory_space<hbm>>
      %dma_start3A_140 = arith.constant 0 : i32
      %dma_start3A_141 = tpu.memref_slice %arg7[%add3A_133, %dma_start3A_140] : memref<320000x128xi32, #tpu.memory_space<hbm>> -> memref<40x128xi32, #tpu.memory_space<hbm>>
      tpu.enqueue_dma source(%arg13 : memref<40x128xi32, #tpu.memory_space<vmem>>) target(%dma_start3A_141 : memref<40x128xi32, #tpu.memory_space<hbm>>) target_semaphore(%arg20 : memref<!tpu.dma_semaphore, #tpu.memory_space<semaphore_mem>>)
      %dma_wait3A_142 = arith.constant 0 : i32
      %dma_wait3A_143 = tpu.memref_slice %arg6[%mul3A_2, %dma_wait3A_142] : memref<320000x128xi32, #tpu.memory_space<hbm>> -> memref<40x128xi32, #tpu.memory_space<hbm>>
      %dma_wait3A_144 = arith.constant 0 : i32
      %dma_wait3A_145 = tpu.memref_slice %arg6[%mul3A_2, %dma_wait3A_144] : memref<320000x128xi32, #tpu.memory_space<hbm>> -> memref<40x128xi32, #tpu.memory_space<hbm>>
      tpu.wait_dma2 semaphore(%arg19 : memref<!tpu.dma_semaphore, #tpu.memory_space<semaphore_mem>>) src(%arg10 : memref<40x128xi32, #tpu.memory_space<vmem>>) dst(%dma_wait3A_145 : memref<40x128xi32, #tpu.memory_space<hbm>>)
      %dma_wait3A_146 = arith.constant 0 : i32
      %dma_wait3A_147 = tpu.memref_slice %arg7[%mul3A_2, %dma_wait3A_146] : memref<320000x128xi32, #tpu.memory_space<hbm>> -> memref<40x128xi32, #tpu.memory_space<hbm>>
      %dma_wait3A_148 = arith.constant 0 : i32
      %dma_wait3A_149 = tpu.memref_slice %arg7[%mul3A_2, %dma_wait3A_148] : memref<320000x128xi32, #tpu.memory_space<hbm>> -> memref<40x128xi32, #tpu.memory_space<hbm>>
      tpu.wait_dma2 semaphore(%arg19 : memref<!tpu.dma_semaphore, #tpu.memory_space<semaphore_mem>>) src(%arg11 : memref<40x128xi32, #tpu.memory_space<vmem>>) dst(%dma_wait3A_149 : memref<40x128xi32, #tpu.memory_space<hbm>>)
      %add3A_150 = arith.constant 2 : i32
      %add3A_151 = arith.addi %add3A_116, %add3A_150 : i32
      %lt3A = arith.constant 250 : i32
      %lt3A_152 = arith.cmpi slt, %add3A_151, %lt3A : i32
      %convert_element_type3A_153 = arith.extui %lt3A_152 : i1 to i32
      %cond3A_154 = arith.constant 0 : i32
      %cond3A_155 = arith.cmpi ne, %convert_element_type3A_153, %cond3A_154 : i32
      scf.if %cond3A_155 {
        %add3A_200 = arith.constant 2 : i32
        %add3A_201 = arith.addi %add3A_116, %add3A_200 : i32
        %dma_start3A_202 = arith.constant 0 : i32
        %dma_start3A_203 = tpu.memref_slice %arg8[%add3A_201, %dma_start3A_202] : memref<250x40xi32, #tpu.memory_space<vmem>> -> memref<1x40xi32, #tpu.memory_space<vmem>>
        %dma_start3A_204 = tpu.memref_squeeze %dma_start3A_203 : memref<1x40xi32, #tpu.memory_space<vmem>> -> memref<40xi32, #tpu.memory_space<vmem>>
        %dma_start3A_205 = arith.constant 0 : i32
        %dma_start3A_206 = arith.constant 0 : i32
        %dma_start3A_207 = tpu.memref_slice %arg2[%dma_start3A_205, %dma_start3A_206] : memref<10000x128xi32, #tpu.memory_space<hbm>> -> memref<10000x128xi32, #tpu.memory_space<hbm>>
        tpu.enqueue_indirect_dma source(%dma_start3A_207 : memref<10000x128xi32, #tpu.memory_space<hbm>>) target(%arg10 : memref<40x128xi32, #tpu.memory_space<vmem>>) offsets(%dma_start3A_204 : memref<40xi32, #tpu.memory_space<vmem>>) semaphore(%arg16 : memref<!tpu.dma_semaphore, #tpu.memory_space<semaphore_mem>>)
        %dma_start3A_208 = arith.constant 0 : i32
        %dma_start3A_209 = tpu.memref_slice %arg9[%add3A_201, %dma_start3A_208] : memref<250x40xi32, #tpu.memory_space<vmem>> -> memref<1x40xi32, #tpu.memory_space<vmem>>
        %dma_start3A_210 = tpu.memref_squeeze %dma_start3A_209 : memref<1x40xi32, #tpu.memory_space<vmem>> -> memref<40xi32, #tpu.memory_space<vmem>>
        %dma_start3A_211 = arith.constant 0 : i32
        %dma_start3A_212 = arith.constant 0 : i32
        %dma_start3A_213 = tpu.memref_slice %arg3[%dma_start3A_211, %dma_start3A_212] : memref<10000x128xi32, #tpu.memory_space<hbm>> -> memref<10000x128xi32, #tpu.memory_space<hbm>>
        tpu.enqueue_indirect_dma source(%dma_start3A_213 : memref<10000x128xi32, #tpu.memory_space<hbm>>) target(%arg11 : memref<40x128xi32, #tpu.memory_space<vmem>>) offsets(%dma_start3A_210 : memref<40xi32, #tpu.memory_space<vmem>>) semaphore(%arg16 : memref<!tpu.dma_semaphore, #tpu.memory_space<semaphore_mem>>)
      } else {
      }
      %mul3A_156 = arith.constant 3 : i32
      %mul3A_157 = arith.muli %mul3A_156, %add3A_77 : i32
      %add3A_158 = arith.constant 2 : i32
      %add3A_159 = arith.addi %mul3A_157, %add3A_158 : i32
      %dma_wait3A_160 = arith.constant 0 : i32
      %dma_wait3A_161 = arith.constant 0 : i32
      %dma_wait3A_162 = tpu.memref_slice %arg8[%dma_wait3A_160, %dma_wait3A_161] : memref<250x40xi32, #tpu.memory_space<vmem>> -> memref<1x40xi32, #tpu.memory_space<vmem>>
      %dma_wait3A_163 = tpu.memref_squeeze %dma_wait3A_162 : memref<1x40xi32, #tpu.memory_space<vmem>> -> memref<40xi32, #tpu.memory_space<vmem>>
      %dma_wait3A_164 = arith.constant 0 : i32
      %dma_wait3A_165 = arith.constant 0 : i32
      %dma_wait3A_166 = tpu.memref_slice %arg2[%dma_wait3A_164, %dma_wait3A_165] : memref<10000x128xi32, #tpu.memory_space<hbm>> -> memref<10000x128xi32, #tpu.memory_space<hbm>>
      tpu.wait_indirect_dma semaphore(%arg18 : memref<!tpu.dma_semaphore, #tpu.memory_space<semaphore_mem>>) src(%dma_wait3A_166 : memref<10000x128xi32, #tpu.memory_space<hbm>>) dst(%arg14 : memref<40x128xi32, #tpu.memory_space<vmem>>)
      %dma_wait3A_167 = arith.constant 0 : i32
      %dma_wait3A_168 = arith.constant 0 : i32
      %dma_wait3A_169 = tpu.memref_slice %arg9[%dma_wait3A_167, %dma_wait3A_168] : memref<250x40xi32, #tpu.memory_space<vmem>> -> memref<1x40xi32, #tpu.memory_space<vmem>>
      %dma_wait3A_170 = tpu.memref_squeeze %dma_wait3A_169 : memref<1x40xi32, #tpu.memory_space<vmem>> -> memref<40xi32, #tpu.memory_space<vmem>>
      %dma_wait3A_171 = arith.constant 0 : i32
      %dma_wait3A_172 = arith.constant 0 : i32
      %dma_wait3A_173 = tpu.memref_slice %arg3[%dma_wait3A_171, %dma_wait3A_172] : memref<10000x128xi32, #tpu.memory_space<hbm>> -> memref<10000x128xi32, #tpu.memory_space<hbm>>
      tpu.wait_indirect_dma semaphore(%arg18 : memref<!tpu.dma_semaphore, #tpu.memory_space<semaphore_mem>>) src(%dma_wait3A_173 : memref<10000x128xi32, #tpu.memory_space<hbm>>) dst(%arg15 : memref<40x128xi32, #tpu.memory_space<vmem>>)
      %mul3A_174 = arith.constant 40 : i32
      %mul3A_175 = arith.muli %add3A_159, %mul3A_174 : i32
      %add3A_176 = arith.addi %mul3A_2, %mul3A_175 : i32
      %dma_start3A_177 = arith.constant 0 : i32
      %dma_start3A_178 = tpu.memref_slice %arg6[%add3A_176, %dma_start3A_177] : memref<320000x128xi32, #tpu.memory_space<hbm>> -> memref<40x128xi32, #tpu.memory_space<hbm>>
      %dma_start3A_179 = arith.constant 0 : i32
      %dma_start3A_180 = tpu.memref_slice %arg6[%add3A_176, %dma_start3A_179] : memref<320000x128xi32, #tpu.memory_space<hbm>> -> memref<40x128xi32, #tpu.memory_space<hbm>>
      tpu.enqueue_dma source(%arg14 : memref<40x128xi32, #tpu.memory_space<vmem>>) target(%dma_start3A_180 : memref<40x128xi32, #tpu.memory_space<hbm>>) target_semaphore(%arg21 : memref<!tpu.dma_semaphore, #tpu.memory_space<semaphore_mem>>)
      %dma_start3A_181 = arith.constant 0 : i32
      %dma_start3A_182 = tpu.memref_slice %arg7[%add3A_176, %dma_start3A_181] : memref<320000x128xi32, #tpu.memory_space<hbm>> -> memref<40x128xi32, #tpu.memory_space<hbm>>
      %dma_start3A_183 = arith.constant 0 : i32
      %dma_start3A_184 = tpu.memref_slice %arg7[%add3A_176, %dma_start3A_183] : memref<320000x128xi32, #tpu.memory_space<hbm>> -> memref<40x128xi32, #tpu.memory_space<hbm>>
      tpu.enqueue_dma source(%arg15 : memref<40x128xi32, #tpu.memory_space<vmem>>) target(%dma_start3A_184 : memref<40x128xi32, #tpu.memory_space<hbm>>) target_semaphore(%arg21 : memref<!tpu.dma_semaphore, #tpu.memory_space<semaphore_mem>>)
      %dma_wait3A_185 = arith.constant 0 : i32
      %dma_wait3A_186 = tpu.memref_slice %arg6[%mul3A_2, %dma_wait3A_185] : memref<320000x128xi32, #tpu.memory_space<hbm>> -> memref<40x128xi32, #tpu.memory_space<hbm>>
      %dma_wait3A_187 = arith.constant 0 : i32
      %dma_wait3A_188 = tpu.memref_slice %arg6[%mul3A_2, %dma_wait3A_187] : memref<320000x128xi32, #tpu.memory_space<hbm>> -> memref<40x128xi32, #tpu.memory_space<hbm>>
      tpu.wait_dma2 semaphore(%arg20 : memref<!tpu.dma_semaphore, #tpu.memory_space<semaphore_mem>>) src(%arg12 : memref<40x128xi32, #tpu.memory_space<vmem>>) dst(%dma_wait3A_188 : memref<40x128xi32, #tpu.memory_space<hbm>>)
      %dma_wait3A_189 = arith.constant 0 : i32
      %dma_wait3A_190 = tpu.memref_slice %arg7[%mul3A_2, %dma_wait3A_189] : memref<320000x128xi32, #tpu.memory_space<hbm>> -> memref<40x128xi32, #tpu.memory_space<hbm>>
      %dma_wait3A_191 = arith.constant 0 : i32
      %dma_wait3A_192 = tpu.memref_slice %arg7[%mul3A_2, %dma_wait3A_191] : memref<320000x128xi32, #tpu.memory_space<hbm>> -> memref<40x128xi32, #tpu.memory_space<hbm>>
      tpu.wait_dma2 semaphore(%arg20 : memref<!tpu.dma_semaphore, #tpu.memory_space<semaphore_mem>>) src(%arg13 : memref<40x128xi32, #tpu.memory_space<vmem>>) dst(%dma_wait3A_192 : memref<40x128xi32, #tpu.memory_space<hbm>>)
      %add3A_193 = arith.constant 2 : i32
      %add3A_194 = arith.addi %add3A_159, %add3A_193 : i32
      %lt3A_195 = arith.constant 250 : i32
      %lt3A_196 = arith.cmpi slt, %add3A_194, %lt3A_195 : i32
      %convert_element_type3A_197 = arith.extui %lt3A_196 : i1 to i32
      %cond3A_198 = arith.constant 0 : i32
      %cond3A_199 = arith.cmpi ne, %convert_element_type3A_197, %cond3A_198 : i32
      scf.if %cond3A_199 {
        %add3A_200 = arith.constant 2 : i32
        %add3A_201 = arith.addi %add3A_159, %add3A_200 : i32
        %dma_start3A_202 = arith.constant 0 : i32
        %dma_start3A_203 = tpu.memref_slice %arg8[%add3A_201, %dma_start3A_202] : memref<250x40xi32, #tpu.memory_space<vmem>> -> memref<1x40xi32, #tpu.memory_space<vmem>>
        %dma_start3A_204 = tpu.memref_squeeze %dma_start3A_203 : memref<1x40xi32, #tpu.memory_space<vmem>> -> memref<40xi32, #tpu.memory_space<vmem>>
        %dma_start3A_205 = arith.constant 0 : i32
        %dma_start3A_206 = arith.constant 0 : i32
        %dma_start3A_207 = tpu.memref_slice %arg2[%dma_start3A_205, %dma_start3A_206] : memref<10000x128xi32, #tpu.memory_space<hbm>> -> memref<10000x128xi32, #tpu.memory_space<hbm>>
        tpu.enqueue_indirect_dma source(%dma_start3A_207 : memref<10000x128xi32, #tpu.memory_space<hbm>>) target(%arg12 : memref<40x128xi32, #tpu.memory_space<vmem>>) offsets(%dma_start3A_204 : memref<40xi32, #tpu.memory_space<vmem>>) semaphore(%arg17 : memref<!tpu.dma_semaphore, #tpu.memory_space<semaphore_mem>>)
        %dma_start3A_208 = arith.constant 0 : i32
        %dma_start3A_209 = tpu.memref_slice %arg9[%add3A_201, %dma_start3A_208] : memref<250x40xi32, #tpu.memory_space<vmem>> -> memref<1x40xi32, #tpu.memory_space<vmem>>
        %dma_start3A_210 = tpu.memref_squeeze %dma_start3A_209 : memref<1x40xi32, #tpu.memory_space<vmem>> -> memref<40xi32, #tpu.memory_space<vmem>>
        %dma_start3A_211 = arith.constant 0 : i32
        %dma_start3A_212 = arith.constant 0 : i32
        %dma_start3A_213 = tpu.memref_slice %arg3[%dma_start3A_211, %dma_start3A_212] : memref<10000x128xi32, #tpu.memory_space<hbm>> -> memref<10000x128xi32, #tpu.memory_space<hbm>>
        tpu.enqueue_indirect_dma source(%dma_start3A_213 : memref<10000x128xi32, #tpu.memory_space<hbm>>) target(%arg13 : memref<40x128xi32, #tpu.memory_space<vmem>>) offsets(%dma_start3A_210 : memref<40xi32, #tpu.memory_space<vmem>>) semaphore(%arg17 : memref<!tpu.dma_semaphore, #tpu.memory_space<semaphore_mem>>)
      } else {
      }
    }
    %scan3A_33 = arith.constant 83 : i32
    %dma_wait3A = arith.constant 0 : i32
    %dma_wait3A_34 = arith.constant 0 : i32
    %dma_wait3A_35 = tpu.memref_slice %arg8[%dma_wait3A, %dma_wait3A_34] : memref<250x40xi32, #tpu.memory_space<vmem>> -> memref<1x40xi32, #tpu.memory_space<vmem>>
    %dma_wait3A_36 = tpu.memref_squeeze %dma_wait3A_35 : memref<1x40xi32, #tpu.memory_space<vmem>> -> memref<40xi32, #tpu.memory_space<vmem>>
    %dma_wait3A_37 = arith.constant 0 : i32
    %dma_wait3A_38 = arith.constant 0 : i32
    %dma_wait3A_39 = tpu.memref_slice %arg2[%dma_wait3A_37, %dma_wait3A_38] : memref<10000x128xi32, #tpu.memory_space<hbm>> -> memref<10000x128xi32, #tpu.memory_space<hbm>>
    tpu.wait_indirect_dma semaphore(%arg16 : memref<!tpu.dma_semaphore, #tpu.memory_space<semaphore_mem>>) src(%dma_wait3A_39 : memref<10000x128xi32, #tpu.memory_space<hbm>>) dst(%arg10 : memref<40x128xi32, #tpu.memory_space<vmem>>)
    %dma_wait3A_40 = arith.constant 0 : i32
    %dma_wait3A_41 = arith.constant 0 : i32
    %dma_wait3A_42 = tpu.memref_slice %arg9[%dma_wait3A_40, %dma_wait3A_41] : memref<250x40xi32, #tpu.memory_space<vmem>> -> memref<1x40xi32, #tpu.memory_space<vmem>>
    %dma_wait3A_43 = tpu.memref_squeeze %dma_wait3A_42 : memref<1x40xi32, #tpu.memory_space<vmem>> -> memref<40xi32, #tpu.memory_space<vmem>>
    %dma_wait3A_44 = arith.constant 0 : i32
    %dma_wait3A_45 = arith.constant 0 : i32
    %dma_wait3A_46 = tpu.memref_slice %arg3[%dma_wait3A_44, %dma_wait3A_45] : memref<10000x128xi32, #tpu.memory_space<hbm>> -> memref<10000x128xi32, #tpu.memory_space<hbm>>
    tpu.wait_indirect_dma semaphore(%arg16 : memref<!tpu.dma_semaphore, #tpu.memory_space<semaphore_mem>>) src(%dma_wait3A_46 : memref<10000x128xi32, #tpu.memory_space<hbm>>) dst(%arg11 : memref<40x128xi32, #tpu.memory_space<vmem>>)
    %add3A_47 = arith.constant 9960 : i32
    %add3A_48 = arith.addi %mul3A_2, %add3A_47 : i32
    %dma_start3A_49 = arith.constant 0 : i32
    %dma_start3A_50 = tpu.memref_slice %arg6[%add3A_48, %dma_start3A_49] : memref<320000x128xi32, #tpu.memory_space<hbm>> -> memref<40x128xi32, #tpu.memory_space<hbm>>
    %dma_start3A_51 = arith.constant 0 : i32
    %dma_start3A_52 = tpu.memref_slice %arg6[%add3A_48, %dma_start3A_51] : memref<320000x128xi32, #tpu.memory_space<hbm>> -> memref<40x128xi32, #tpu.memory_space<hbm>>
    tpu.enqueue_dma source(%arg10 : memref<40x128xi32, #tpu.memory_space<vmem>>) target(%dma_start3A_52 : memref<40x128xi32, #tpu.memory_space<hbm>>) target_semaphore(%arg19 : memref<!tpu.dma_semaphore, #tpu.memory_space<semaphore_mem>>)
    %dma_start3A_53 = arith.constant 0 : i32
    %dma_start3A_54 = tpu.memref_slice %arg7[%add3A_48, %dma_start3A_53] : memref<320000x128xi32, #tpu.memory_space<hbm>> -> memref<40x128xi32, #tpu.memory_space<hbm>>
    %dma_start3A_55 = arith.constant 0 : i32
    %dma_start3A_56 = tpu.memref_slice %arg7[%add3A_48, %dma_start3A_55] : memref<320000x128xi32, #tpu.memory_space<hbm>> -> memref<40x128xi32, #tpu.memory_space<hbm>>
    tpu.enqueue_dma source(%arg11 : memref<40x128xi32, #tpu.memory_space<vmem>>) target(%dma_start3A_56 : memref<40x128xi32, #tpu.memory_space<hbm>>) target_semaphore(%arg19 : memref<!tpu.dma_semaphore, #tpu.memory_space<semaphore_mem>>)
    %dma_wait3A_57 = arith.constant 0 : i32
    %dma_wait3A_58 = tpu.memref_slice %arg6[%mul3A_2, %dma_wait3A_57] : memref<320000x128xi32, #tpu.memory_space<hbm>> -> memref<40x128xi32, #tpu.memory_space<hbm>>
    %dma_wait3A_59 = arith.constant 0 : i32
    %dma_wait3A_60 = tpu.memref_slice %arg6[%mul3A_2, %dma_wait3A_59] : memref<320000x128xi32, #tpu.memory_space<hbm>> -> memref<40x128xi32, #tpu.memory_space<hbm>>
    tpu.wait_dma2 semaphore(%arg21 : memref<!tpu.dma_semaphore, #tpu.memory_space<semaphore_mem>>) src(%arg14 : memref<40x128xi32, #tpu.memory_space<vmem>>) dst(%dma_wait3A_60 : memref<40x128xi32, #tpu.memory_space<hbm>>)
    %dma_wait3A_61 = arith.constant 0 : i32
    %dma_wait3A_62 = tpu.memref_slice %arg7[%mul3A_2, %dma_wait3A_61] : memref<320000x128xi32, #tpu.memory_space<hbm>> -> memref<40x128xi32, #tpu.memory_space<hbm>>
    %dma_wait3A_63 = arith.constant 0 : i32
    %dma_wait3A_64 = tpu.memref_slice %arg7[%mul3A_2, %dma_wait3A_63] : memref<320000x128xi32, #tpu.memory_space<hbm>> -> memref<40x128xi32, #tpu.memory_space<hbm>>
    tpu.wait_dma2 semaphore(%arg21 : memref<!tpu.dma_semaphore, #tpu.memory_space<semaphore_mem>>) src(%arg15 : memref<40x128xi32, #tpu.memory_space<vmem>>) dst(%dma_wait3A_64 : memref<40x128xi32, #tpu.memory_space<hbm>>)
    %dma_wait3A_65 = arith.constant 0 : i32
    %dma_wait3A_66 = tpu.memref_slice %arg6[%mul3A_2, %dma_wait3A_65] : memref<320000x128xi32, #tpu.memory_space<hbm>> -> memref<40x128xi32, #tpu.memory_space<hbm>>
    %dma_wait3A_67 = arith.constant 0 : i32
    %dma_wait3A_68 = tpu.memref_slice %arg6[%mul3A_2, %dma_wait3A_67] : memref<320000x128xi32, #tpu.memory_space<hbm>> -> memref<40x128xi32, #tpu.memory_space<hbm>>
    tpu.wait_dma2 semaphore(%arg19 : memref<!tpu.dma_semaphore, #tpu.memory_space<semaphore_mem>>) src(%arg10 : memref<40x128xi32, #tpu.memory_space<vmem>>) dst(%dma_wait3A_68 : memref<40x128xi32, #tpu.memory_space<hbm>>)
    %dma_wait3A_69 = arith.constant 0 : i32
    %dma_wait3A_70 = tpu.memref_slice %arg7[%mul3A_2, %dma_wait3A_69] : memref<320000x128xi32, #tpu.memory_space<hbm>> -> memref<40x128xi32, #tpu.memory_space<hbm>>
    %dma_wait3A_71 = arith.constant 0 : i32
    %dma_wait3A_72 = tpu.memref_slice %arg7[%mul3A_2, %dma_wait3A_71] : memref<320000x128xi32, #tpu.memory_space<hbm>> -> memref<40x128xi32, #tpu.memory_space<hbm>>
    tpu.wait_dma2 semaphore(%arg19 : memref<!tpu.dma_semaphore, #tpu.memory_space<semaphore_mem>>) src(%arg11 : memref<40x128xi32, #tpu.memory_space<vmem>>) dst(%dma_wait3A_72 : memref<40x128xi32, #tpu.memory_space<hbm>>)
    return
  }
}

#map = affine_map<(d0, d1) -> (0, 0)>
#map1 = affine_map<(d0, d1) -> (0, 0, 0)>
module attributes {stable_mosaic.version = 14 : i64} {
  func.func @_sc_scatter(%arg0: i32, %arg1: i32, %arg2: memref<320000x128xf32, #tpu.memory_space<hbm>>, %arg3: memref<32x250x40xi32, #tpu.memory_space<hbm>>, %arg4: memref<10000x128xf32, #tpu.memory_space<hbm>>, %arg5: memref<2x10000x128xf32, #tpu.memory_space<hbm>>, %arg6: memref<250x40xi32, #tpu.memory_space<vmem>>, %arg7: memref<40x128xf32, #tpu.memory_space<vmem>>, %arg8: memref<40x128xf32, #tpu.memory_space<vmem>>, %arg9: memref<10000x128xf32, #tpu.memory_space<vmem_shared>>, %arg10: memref<!tpu.dma_semaphore, #tpu.memory_space<semaphore_mem>>, %arg11: memref<!tpu.dma_semaphore, #tpu.memory_space<semaphore_mem>>, %arg12: memref<!tpu.dma_semaphore, #tpu.memory_space<semaphore_mem>>, %arg13: memref<!tpu.dma_semaphore, #tpu.memory_space<semaphore_mem>>) attributes {dimension_semantics = [#tpu.dimension_semantics<core_parallel>, #tpu.dimension_semantics<subcore_parallel>], iteration_bounds = array<i64: 2, 16>, scalar_prefetch = 0 : i64, scratch_operands = 8 : i64, tpu.core_type = #tpu.core_type<sc_vector_subcore>, window_params = [{transform_indices = #map}, {transform_indices = #map1}, {transform_indices = #map}, {transform_indices = #map1}]} {
    %mul3A = arith.constant 2 : i32
    %mul3A_0 = arith.muli %arg1, %mul3A : i32
    %add3A = arith.addi %mul3A_0, %arg0 : i32
    %mul3A_1 = arith.constant 10000 : i32
    %mul3A_2 = arith.muli %add3A, %mul3A_1 : i32
    "tpu.region"() ({
      %run_scoped3A = tpu.sem_alloc : memref<!tpu.dma_semaphore, #tpu.memory_space<semaphore_mem>>
      %dma_start3A_28 = arith.constant 0 : i32
      %dma_start3A_29 = arith.constant 0 : i32
      %dma_start3A_30 = tpu.memref_slice %arg3[%add3A, %dma_start3A_28, %dma_start3A_29] : memref<32x250x40xi32, #tpu.memory_space<hbm>> -> memref<1x250x40xi32, #tpu.memory_space<hbm>>
      %dma_start3A_31 = tpu.memref_squeeze %dma_start3A_30 : memref<1x250x40xi32, #tpu.memory_space<hbm>> -> memref<250x40xi32, #tpu.memory_space<hbm>>
      %dma_start3A_32 = arith.constant 0 : i32
      %dma_start3A_33 = arith.constant 0 : i32
      %dma_start3A_34 = tpu.memref_slice %arg3[%add3A, %dma_start3A_32, %dma_start3A_33] : memref<32x250x40xi32, #tpu.memory_space<hbm>> -> memref<1x250x40xi32, #tpu.memory_space<hbm>>
      %dma_start3A_35 = tpu.memref_squeeze %dma_start3A_34 : memref<1x250x40xi32, #tpu.memory_space<hbm>> -> memref<250x40xi32, #tpu.memory_space<hbm>>
      tpu.enqueue_dma source(%dma_start3A_35 : memref<250x40xi32, #tpu.memory_space<hbm>>) target(%arg6 : memref<250x40xi32, #tpu.memory_space<vmem>>) target_semaphore(%run_scoped3A : memref<!tpu.dma_semaphore, #tpu.memory_space<semaphore_mem>>)
      %dma_wait3A = arith.constant 0 : i32
      %dma_wait3A_36 = arith.constant 0 : i32
      %dma_wait3A_37 = tpu.memref_slice %arg3[%add3A, %dma_wait3A, %dma_wait3A_36] : memref<32x250x40xi32, #tpu.memory_space<hbm>> -> memref<1x250x40xi32, #tpu.memory_space<hbm>>
      %dma_wait3A_38 = tpu.memref_squeeze %dma_wait3A_37 : memref<1x250x40xi32, #tpu.memory_space<hbm>> -> memref<250x40xi32, #tpu.memory_space<hbm>>
      %dma_wait3A_39 = arith.constant 0 : i32
      %dma_wait3A_40 = arith.constant 0 : i32
      %dma_wait3A_41 = tpu.memref_slice %arg3[%add3A, %dma_wait3A_39, %dma_wait3A_40] : memref<32x250x40xi32, #tpu.memory_space<hbm>> -> memref<1x250x40xi32, #tpu.memory_space<hbm>>
      %dma_wait3A_42 = tpu.memref_squeeze %dma_wait3A_41 : memref<1x250x40xi32, #tpu.memory_space<hbm>> -> memref<250x40xi32, #tpu.memory_space<hbm>>
      tpu.wait_dma2 semaphore(%run_scoped3A : memref<!tpu.dma_semaphore, #tpu.memory_space<semaphore_mem>>) src(%dma_wait3A_42 : memref<250x40xi32, #tpu.memory_space<hbm>>) dst(%arg6 : memref<250x40xi32, #tpu.memory_space<vmem>>)
      tpu.yield
    }) : () -> ()
    %mul3A_3 = arith.constant 624 : i32
    %mul3A_4 = arith.muli %arg1, %mul3A_3 : i32
    "tpu.region"() ({
      %run_scoped3A = tpu.sem_alloc : memref<!tpu.dma_semaphore, #tpu.memory_space<semaphore_mem>>
      %dma_start3A_28 = arith.constant 0 : i32
      %dma_start3A_29 = tpu.memref_slice %arg9[%mul3A_4, %dma_start3A_28] : memref<10000x128xf32, #tpu.memory_space<vmem_shared>> -> memref<624x128xf32, #tpu.memory_space<vmem_shared>>
      %dma_start3A_30 = arith.constant 0 : i32
      %dma_start3A_31 = tpu.memref_slice %arg4[%mul3A_4, %dma_start3A_30] : memref<10000x128xf32, #tpu.memory_space<hbm>> -> memref<624x128xf32, #tpu.memory_space<hbm>>
      tpu.enqueue_dma source(%dma_start3A_31 : memref<624x128xf32, #tpu.memory_space<hbm>>) target(%dma_start3A_29 : memref<624x128xf32, #tpu.memory_space<vmem_shared>>) target_semaphore(%run_scoped3A : memref<!tpu.dma_semaphore, #tpu.memory_space<semaphore_mem>>)
      %dma_wait3A = arith.constant 0 : i32
      %dma_wait3A_32 = tpu.memref_slice %arg9[%mul3A_4, %dma_wait3A] : memref<10000x128xf32, #tpu.memory_space<vmem_shared>> -> memref<624x128xf32, #tpu.memory_space<vmem_shared>>
      %dma_wait3A_33 = arith.constant 0 : i32
      %dma_wait3A_34 = tpu.memref_slice %arg4[%mul3A_4, %dma_wait3A_33] : memref<10000x128xf32, #tpu.memory_space<hbm>> -> memref<624x128xf32, #tpu.memory_space<hbm>>
      tpu.wait_dma2 semaphore(%run_scoped3A : memref<!tpu.dma_semaphore, #tpu.memory_space<semaphore_mem>>) src(%dma_wait3A_34 : memref<624x128xf32, #tpu.memory_space<hbm>>) dst(%dma_wait3A_32 : memref<624x128xf32, #tpu.memory_space<vmem_shared>>)
      tpu.yield
    }) : () -> ()
    %eq3A = arith.constant 15 : i32
    %eq3A_5 = arith.cmpi eq, %arg1, %eq3A : i32
    %convert_element_type3A = arith.extui %eq3A_5 : i1 to i32
    %cond3A = arith.constant 0 : i32
    %cond3A_6 = arith.cmpi ne, %convert_element_type3A, %cond3A : i32
    scf.if %cond3A_6 {
      "tpu.region"() ({
        %run_scoped3A = tpu.sem_alloc : memref<!tpu.dma_semaphore, #tpu.memory_space<semaphore_mem>>
        %dma_start3A_28 = arith.constant 9984 : i32
        %dma_start3A_29 = arith.constant 0 : i32
        %dma_start3A_30 = tpu.memref_slice %arg9[%dma_start3A_28, %dma_start3A_29] : memref<10000x128xf32, #tpu.memory_space<vmem_shared>> -> memref<16x128xf32, #tpu.memory_space<vmem_shared>>
        %dma_start3A_31 = arith.constant 9984 : i32
        %dma_start3A_32 = arith.constant 0 : i32
        %dma_start3A_33 = tpu.memref_slice %arg4[%dma_start3A_31, %dma_start3A_32] : memref<10000x128xf32, #tpu.memory_space<hbm>> -> memref<16x128xf32, #tpu.memory_space<hbm>>
        tpu.enqueue_dma source(%dma_start3A_33 : memref<16x128xf32, #tpu.memory_space<hbm>>) target(%dma_start3A_30 : memref<16x128xf32, #tpu.memory_space<vmem_shared>>) target_semaphore(%run_scoped3A : memref<!tpu.dma_semaphore, #tpu.memory_space<semaphore_mem>>)
        %dma_wait3A = arith.constant 9984 : i32
        %dma_wait3A_34 = arith.constant 0 : i32
        %dma_wait3A_35 = tpu.memref_slice %arg9[%dma_wait3A, %dma_wait3A_34] : memref<10000x128xf32, #tpu.memory_space<vmem_shared>> -> memref<16x128xf32, #tpu.memory_space<vmem_shared>>
        %dma_wait3A_36 = arith.constant 9984 : i32
        %dma_wait3A_37 = arith.constant 0 : i32
        %dma_wait3A_38 = tpu.memref_slice %arg4[%dma_wait3A_36, %dma_wait3A_37] : memref<10000x128xf32, #tpu.memory_space<hbm>> -> memref<16x128xf32, #tpu.memory_space<hbm>>
        tpu.wait_dma2 semaphore(%run_scoped3A : memref<!tpu.dma_semaphore, #tpu.memory_space<semaphore_mem>>) src(%dma_wait3A_38 : memref<16x128xf32, #tpu.memory_space<hbm>>) dst(%dma_wait3A_35 : memref<16x128xf32, #tpu.memory_space<vmem_shared>>)
        tpu.yield
      }) : () -> ()
    } else {
    }
    %barrier3A = arith.constant 0 : index
    tpu.barrier barrier_id(%barrier3A)
    %add3A_7 = arith.constant 0 : i32
    %add3A_8 = arith.addi %mul3A_2, %add3A_7 : i32
    %dma_start3A = arith.constant 0 : i32
    %dma_start3A_9 = tpu.memref_slice %arg2[%add3A_8, %dma_start3A] : memref<320000x128xf32, #tpu.memory_space<hbm>> -> memref<40x128xf32, #tpu.memory_space<hbm>>
    %dma_start3A_10 = arith.constant 0 : i32
    %dma_start3A_11 = tpu.memref_slice %arg2[%add3A_8, %dma_start3A_10] : memref<320000x128xf32, #tpu.memory_space<hbm>> -> memref<40x128xf32, #tpu.memory_space<hbm>>
    tpu.enqueue_dma source(%dma_start3A_11 : memref<40x128xf32, #tpu.memory_space<hbm>>) target(%arg7 : memref<40x128xf32, #tpu.memory_space<vmem>>) target_semaphore(%arg10 : memref<!tpu.dma_semaphore, #tpu.memory_space<semaphore_mem>>)
    %add3A_12 = arith.constant 40 : i32
    %add3A_13 = arith.addi %mul3A_2, %add3A_12 : i32
    %dma_start3A_14 = arith.constant 0 : i32
    %dma_start3A_15 = tpu.memref_slice %arg2[%add3A_13, %dma_start3A_14] : memref<320000x128xf32, #tpu.memory_space<hbm>> -> memref<40x128xf32, #tpu.memory_space<hbm>>
    %dma_start3A_16 = arith.constant 0 : i32
    %dma_start3A_17 = tpu.memref_slice %arg2[%add3A_13, %dma_start3A_16] : memref<320000x128xf32, #tpu.memory_space<hbm>> -> memref<40x128xf32, #tpu.memory_space<hbm>>
    tpu.enqueue_dma source(%dma_start3A_17 : memref<40x128xf32, #tpu.memory_space<hbm>>) target(%arg8 : memref<40x128xf32, #tpu.memory_space<vmem>>) target_semaphore(%arg11 : memref<!tpu.dma_semaphore, #tpu.memory_space<semaphore_mem>>)
    %scan3A = arith.constant 0 : i32
    %scan3A_18 = arith.constant 125 : i32
    %scan3A_19 = arith.addi %scan3A, %scan3A_18 : i32
    %scan3A_20 = arith.constant 1 : i32
    scf.for %scan3A_28 = %scan3A to %scan3A_19 step %scan3A_20  : i32 {
      %mul3A_29 = arith.constant 1 : i32
      %mul3A_30 = arith.muli %scan3A_28, %mul3A_29 : i32
      %add3A_31 = arith.constant 0 : i32
      %add3A_32 = arith.addi %add3A_31, %mul3A_30 : i32
      %dma_wait3A = arith.constant 0 : i32
      %dma_wait3A_33 = tpu.memref_slice %arg2[%mul3A_2, %dma_wait3A] : memref<320000x128xf32, #tpu.memory_space<hbm>> -> memref<40x128xf32, #tpu.memory_space<hbm>>
      %dma_wait3A_34 = arith.constant 0 : i32
      %dma_wait3A_35 = tpu.memref_slice %arg2[%mul3A_2, %dma_wait3A_34] : memref<320000x128xf32, #tpu.memory_space<hbm>> -> memref<40x128xf32, #tpu.memory_space<hbm>>
      tpu.wait_dma2 semaphore(%arg10 : memref<!tpu.dma_semaphore, #tpu.memory_space<semaphore_mem>>) src(%dma_wait3A_35 : memref<40x128xf32, #tpu.memory_space<hbm>>) dst(%arg7 : memref<40x128xf32, #tpu.memory_space<vmem>>)
      %mul3A_36 = arith.constant 2 : i32
      %mul3A_37 = arith.muli %mul3A_36, %add3A_32 : i32
      %add3A_38 = arith.constant 0 : i32
      %add3A_39 = arith.addi %mul3A_37, %add3A_38 : i32
      %dma_start3A_40 = arith.constant 0 : i32
      %dma_start3A_41 = tpu.memref_slice %arg6[%add3A_39, %dma_start3A_40] : memref<250x40xi32, #tpu.memory_space<vmem>> -> memref<1x40xi32, #tpu.memory_space<vmem>>
      %dma_start3A_42 = tpu.memref_squeeze %dma_start3A_41 : memref<1x40xi32, #tpu.memory_space<vmem>> -> memref<40xi32, #tpu.memory_space<vmem>>
      %dma_start3A_43 = arith.constant 0 : i32
      %dma_start3A_44 = arith.constant 0 : i32
      %dma_start3A_45 = tpu.memref_slice %arg9[%dma_start3A_43, %dma_start3A_44] : memref<10000x128xf32, #tpu.memory_space<vmem_shared>> -> memref<10000x128xf32, #tpu.memory_space<vmem_shared>>
      tpu.enqueue_indirect_dma source(%arg7 : memref<40x128xf32, #tpu.memory_space<vmem>>) target(%dma_start3A_45 : memref<10000x128xf32, #tpu.memory_space<vmem_shared>>) offsets(%dma_start3A_42 : memref<40xi32, #tpu.memory_space<vmem>>) semaphore(%arg12 : memref<!tpu.dma_semaphore, #tpu.memory_space<semaphore_mem>>) {add = true}
      %dma_wait3A_46 = arith.constant 0 : i32
      %dma_wait3A_47 = tpu.memref_slice %arg2[%mul3A_2, %dma_wait3A_46] : memref<320000x128xf32, #tpu.memory_space<hbm>> -> memref<40x128xf32, #tpu.memory_space<hbm>>
      %dma_wait3A_48 = arith.constant 0 : i32
      %dma_wait3A_49 = tpu.memref_slice %arg2[%mul3A_2, %dma_wait3A_48] : memref<320000x128xf32, #tpu.memory_space<hbm>> -> memref<40x128xf32, #tpu.memory_space<hbm>>
      tpu.wait_dma2 semaphore(%arg11 : memref<!tpu.dma_semaphore, #tpu.memory_space<semaphore_mem>>) src(%dma_wait3A_49 : memref<40x128xf32, #tpu.memory_space<hbm>>) dst(%arg8 : memref<40x128xf32, #tpu.memory_space<vmem>>)
      %mul3A_50 = arith.constant 2 : i32
      %mul3A_51 = arith.muli %mul3A_50, %add3A_32 : i32
      %add3A_52 = arith.constant 1 : i32
      %add3A_53 = arith.addi %mul3A_51, %add3A_52 : i32
      %dma_start3A_54 = arith.constant 0 : i32
      %dma_start3A_55 = tpu.memref_slice %arg6[%add3A_53, %dma_start3A_54] : memref<250x40xi32, #tpu.memory_space<vmem>> -> memref<1x40xi32, #tpu.memory_space<vmem>>
      %dma_start3A_56 = tpu.memref_squeeze %dma_start3A_55 : memref<1x40xi32, #tpu.memory_space<vmem>> -> memref<40xi32, #tpu.memory_space<vmem>>
      %dma_start3A_57 = arith.constant 0 : i32
      %dma_start3A_58 = arith.constant 0 : i32
      %dma_start3A_59 = tpu.memref_slice %arg9[%dma_start3A_57, %dma_start3A_58] : memref<10000x128xf32, #tpu.memory_space<vmem_shared>> -> memref<10000x128xf32, #tpu.memory_space<vmem_shared>>
      tpu.enqueue_indirect_dma source(%arg8 : memref<40x128xf32, #tpu.memory_space<vmem>>) target(%dma_start3A_59 : memref<10000x128xf32, #tpu.memory_space<vmem_shared>>) offsets(%dma_start3A_56 : memref<40xi32, #tpu.memory_space<vmem>>) semaphore(%arg13 : memref<!tpu.dma_semaphore, #tpu.memory_space<semaphore_mem>>) {add = true}
      %mul3A_60 = arith.constant 2 : i32
      %mul3A_61 = arith.muli %mul3A_60, %add3A_32 : i32
      %add3A_62 = arith.constant 0 : i32
      %add3A_63 = arith.addi %mul3A_61, %add3A_62 : i32
      %dma_wait3A_64 = arith.constant 0 : i32
      %dma_wait3A_65 = arith.constant 0 : i32
      %dma_wait3A_66 = tpu.memref_slice %arg6[%dma_wait3A_64, %dma_wait3A_65] : memref<250x40xi32, #tpu.memory_space<vmem>> -> memref<1x40xi32, #tpu.memory_space<vmem>>
      %dma_wait3A_67 = tpu.memref_squeeze %dma_wait3A_66 : memref<1x40xi32, #tpu.memory_space<vmem>> -> memref<40xi32, #tpu.memory_space<vmem>>
      %dma_wait3A_68 = arith.constant 0 : i32
      %dma_wait3A_69 = arith.constant 0 : i32
      %dma_wait3A_70 = tpu.memref_slice %arg9[%dma_wait3A_68, %dma_wait3A_69] : memref<10000x128xf32, #tpu.memory_space<vmem_shared>> -> memref<10000x128xf32, #tpu.memory_space<vmem_shared>>
      tpu.wait_indirect_dma semaphore(%arg12 : memref<!tpu.dma_semaphore, #tpu.memory_space<semaphore_mem>>) src(%arg7 : memref<40x128xf32, #tpu.memory_space<vmem>>) dst(%dma_wait3A_70 : memref<10000x128xf32, #tpu.memory_space<vmem_shared>>)
      %add3A_71 = arith.constant 2 : i32
      %add3A_72 = arith.addi %add3A_63, %add3A_71 : i32
      %lt3A = arith.constant 250 : i32
      %lt3A_73 = arith.cmpi slt, %add3A_72, %lt3A : i32
      %convert_element_type3A_74 = arith.extui %lt3A_73 : i1 to i32
      %cond3A_75 = arith.constant 0 : i32
      %cond3A_76 = arith.cmpi ne, %convert_element_type3A_74, %cond3A_75 : i32
      scf.if %cond3A_76 {
        %add3A_95 = arith.constant 2 : i32
        %add3A_96 = arith.addi %add3A_63, %add3A_95 : i32
        %mul3A_97 = arith.constant 40 : i32
        %mul3A_98 = arith.muli %add3A_96, %mul3A_97 : i32
        %add3A_99 = arith.addi %mul3A_2, %mul3A_98 : i32
        %dma_start3A_100 = arith.constant 0 : i32
        %dma_start3A_101 = tpu.memref_slice %arg2[%add3A_99, %dma_start3A_100] : memref<320000x128xf32, #tpu.memory_space<hbm>> -> memref<40x128xf32, #tpu.memory_space<hbm>>
        %dma_start3A_102 = arith.constant 0 : i32
        %dma_start3A_103 = tpu.memref_slice %arg2[%add3A_99, %dma_start3A_102] : memref<320000x128xf32, #tpu.memory_space<hbm>> -> memref<40x128xf32, #tpu.memory_space<hbm>>
        tpu.enqueue_dma source(%dma_start3A_103 : memref<40x128xf32, #tpu.memory_space<hbm>>) target(%arg7 : memref<40x128xf32, #tpu.memory_space<vmem>>) target_semaphore(%arg10 : memref<!tpu.dma_semaphore, #tpu.memory_space<semaphore_mem>>)
      } else {
      }
      %mul3A_77 = arith.constant 2 : i32
      %mul3A_78 = arith.muli %mul3A_77, %add3A_32 : i32
      %add3A_79 = arith.constant 1 : i32
      %add3A_80 = arith.addi %mul3A_78, %add3A_79 : i32
      %dma_wait3A_81 = arith.constant 0 : i32
      %dma_wait3A_82 = arith.constant 0 : i32
      %dma_wait3A_83 = tpu.memref_slice %arg6[%dma_wait3A_81, %dma_wait3A_82] : memref<250x40xi32, #tpu.memory_space<vmem>> -> memref<1x40xi32, #tpu.memory_space<vmem>>
      %dma_wait3A_84 = tpu.memref_squeeze %dma_wait3A_83 : memref<1x40xi32, #tpu.memory_space<vmem>> -> memref<40xi32, #tpu.memory_space<vmem>>
      %dma_wait3A_85 = arith.constant 0 : i32
      %dma_wait3A_86 = arith.constant 0 : i32
      %dma_wait3A_87 = tpu.memref_slice %arg9[%dma_wait3A_85, %dma_wait3A_86] : memref<10000x128xf32, #tpu.memory_space<vmem_shared>> -> memref<10000x128xf32, #tpu.memory_space<vmem_shared>>
      tpu.wait_indirect_dma semaphore(%arg13 : memref<!tpu.dma_semaphore, #tpu.memory_space<semaphore_mem>>) src(%arg8 : memref<40x128xf32, #tpu.memory_space<vmem>>) dst(%dma_wait3A_87 : memref<10000x128xf32, #tpu.memory_space<vmem_shared>>)
      %add3A_88 = arith.constant 2 : i32
      %add3A_89 = arith.addi %add3A_80, %add3A_88 : i32
      %lt3A_90 = arith.constant 250 : i32
      %lt3A_91 = arith.cmpi slt, %add3A_89, %lt3A_90 : i32
      %convert_element_type3A_92 = arith.extui %lt3A_91 : i1 to i32
      %cond3A_93 = arith.constant 0 : i32
      %cond3A_94 = arith.cmpi ne, %convert_element_type3A_92, %cond3A_93 : i32
      scf.if %cond3A_94 {
        %add3A_95 = arith.constant 2 : i32
        %add3A_96 = arith.addi %add3A_80, %add3A_95 : i32
        %mul3A_97 = arith.constant 40 : i32
        %mul3A_98 = arith.muli %add3A_96, %mul3A_97 : i32
        %add3A_99 = arith.addi %mul3A_2, %mul3A_98 : i32
        %dma_start3A_100 = arith.constant 0 : i32
        %dma_start3A_101 = tpu.memref_slice %arg2[%add3A_99, %dma_start3A_100] : memref<320000x128xf32, #tpu.memory_space<hbm>> -> memref<40x128xf32, #tpu.memory_space<hbm>>
        %dma_start3A_102 = arith.constant 0 : i32
        %dma_start3A_103 = tpu.memref_slice %arg2[%add3A_99, %dma_start3A_102] : memref<320000x128xf32, #tpu.memory_space<hbm>> -> memref<40x128xf32, #tpu.memory_space<hbm>>
        tpu.enqueue_dma source(%dma_start3A_103 : memref<40x128xf32, #tpu.memory_space<hbm>>) target(%arg8 : memref<40x128xf32, #tpu.memory_space<vmem>>) target_semaphore(%arg11 : memref<!tpu.dma_semaphore, #tpu.memory_space<semaphore_mem>>)
      } else {
      }
    }
    %scan3A_21 = arith.constant 125 : i32
    %barrier3A_22 = arith.constant 0 : index
    tpu.barrier barrier_id(%barrier3A_22)
    "tpu.region"() ({
      %run_scoped3A = tpu.sem_alloc : memref<!tpu.dma_semaphore, #tpu.memory_space<semaphore_mem>>
      %dma_start3A_28 = arith.constant 0 : i32
      %dma_start3A_29 = tpu.memref_slice %arg5[%arg0, %mul3A_4, %dma_start3A_28] : memref<2x10000x128xf32, #tpu.memory_space<hbm>> -> memref<1x624x128xf32, #tpu.memory_space<hbm>>
      %dma_start3A_30 = tpu.memref_squeeze %dma_start3A_29 : memref<1x624x128xf32, #tpu.memory_space<hbm>> -> memref<624x128xf32, #tpu.memory_space<hbm>>
      %dma_start3A_31 = arith.constant 0 : i32
      %dma_start3A_32 = tpu.memref_slice %arg9[%mul3A_4, %dma_start3A_31] : memref<10000x128xf32, #tpu.memory_space<vmem_shared>> -> memref<624x128xf32, #tpu.memory_space<vmem_shared>>
      tpu.enqueue_dma source(%dma_start3A_32 : memref<624x128xf32, #tpu.memory_space<vmem_shared>>) target(%dma_start3A_30 : memref<624x128xf32, #tpu.memory_space<hbm>>) target_semaphore(%run_scoped3A : memref<!tpu.dma_semaphore, #tpu.memory_space<semaphore_mem>>)
      %dma_wait3A = arith.constant 0 : i32
      %dma_wait3A_33 = tpu.memref_slice %arg5[%arg0, %mul3A_4, %dma_wait3A] : memref<2x10000x128xf32, #tpu.memory_space<hbm>> -> memref<1x624x128xf32, #tpu.memory_space<hbm>>
      %dma_wait3A_34 = tpu.memref_squeeze %dma_wait3A_33 : memref<1x624x128xf32, #tpu.memory_space<hbm>> -> memref<624x128xf32, #tpu.memory_space<hbm>>
      %dma_wait3A_35 = arith.constant 0 : i32
      %dma_wait3A_36 = tpu.memref_slice %arg9[%mul3A_4, %dma_wait3A_35] : memref<10000x128xf32, #tpu.memory_space<vmem_shared>> -> memref<624x128xf32, #tpu.memory_space<vmem_shared>>
      tpu.wait_dma2 semaphore(%run_scoped3A : memref<!tpu.dma_semaphore, #tpu.memory_space<semaphore_mem>>) src(%dma_wait3A_36 : memref<624x128xf32, #tpu.memory_space<vmem_shared>>) dst(%dma_wait3A_34 : memref<624x128xf32, #tpu.memory_space<hbm>>)
      tpu.yield
    }) : () -> ()
    %eq3A_23 = arith.constant 15 : i32
    %eq3A_24 = arith.cmpi eq, %arg1, %eq3A_23 : i32
    %convert_element_type3A_25 = arith.extui %eq3A_24 : i1 to i32
    %cond3A_26 = arith.constant 0 : i32
    %cond3A_27 = arith.cmpi ne, %convert_element_type3A_25, %cond3A_26 : i32
    scf.if %cond3A_27 {
      "tpu.region"() ({
        %run_scoped3A = tpu.sem_alloc : memref<!tpu.dma_semaphore, #tpu.memory_space<semaphore_mem>>
        %dma_start3A_28 = arith.constant 9984 : i32
        %dma_start3A_29 = arith.constant 0 : i32
        %dma_start3A_30 = tpu.memref_slice %arg5[%arg0, %dma_start3A_28, %dma_start3A_29] : memref<2x10000x128xf32, #tpu.memory_space<hbm>> -> memref<1x16x128xf32, #tpu.memory_space<hbm>>
        %dma_start3A_31 = tpu.memref_squeeze %dma_start3A_30 : memref<1x16x128xf32, #tpu.memory_space<hbm>> -> memref<16x128xf32, #tpu.memory_space<hbm>>
        %dma_start3A_32 = arith.constant 9984 : i32
        %dma_start3A_33 = arith.constant 0 : i32
        %dma_start3A_34 = tpu.memref_slice %arg9[%dma_start3A_32, %dma_start3A_33] : memref<10000x128xf32, #tpu.memory_space<vmem_shared>> -> memref<16x128xf32, #tpu.memory_space<vmem_shared>>
        tpu.enqueue_dma source(%dma_start3A_34 : memref<16x128xf32, #tpu.memory_space<vmem_shared>>) target(%dma_start3A_31 : memref<16x128xf32, #tpu.memory_space<hbm>>) target_semaphore(%run_scoped3A : memref<!tpu.dma_semaphore, #tpu.memory_space<semaphore_mem>>)
        %dma_wait3A = arith.constant 9984 : i32
        %dma_wait3A_35 = arith.constant 0 : i32
        %dma_wait3A_36 = tpu.memref_slice %arg5[%arg0, %dma_wait3A, %dma_wait3A_35] : memref<2x10000x128xf32, #tpu.memory_space<hbm>> -> memref<1x16x128xf32, #tpu.memory_space<hbm>>
        %dma_wait3A_37 = tpu.memref_squeeze %dma_wait3A_36 : memref<1x16x128xf32, #tpu.memory_space<hbm>> -> memref<16x128xf32, #tpu.memory_space<hbm>>
        %dma_wait3A_38 = arith.constant 9984 : i32
        %dma_wait3A_39 = arith.constant 0 : i32
        %dma_wait3A_40 = tpu.memref_slice %arg9[%dma_wait3A_38, %dma_wait3A_39] : memref<10000x128xf32, #tpu.memory_space<vmem_shared>> -> memref<16x128xf32, #tpu.memory_space<vmem_shared>>
        tpu.wait_dma2 semaphore(%run_scoped3A : memref<!tpu.dma_semaphore, #tpu.memory_space<semaphore_mem>>) src(%dma_wait3A_40 : memref<16x128xf32, #tpu.memory_space<vmem_shared>>) dst(%dma_wait3A_37 : memref<16x128xf32, #tpu.memory_space<hbm>>)
        tpu.yield
      }) : () -> ()
    } else {
    }
    return
  }
}

module attributes {stable_mosaic.version = 14 : i64} {
  func.func @_proj_body(%arg0: i32, %arg1: memref<2000x128xf32, #tpu.memory_space<vmem>>, %arg2: memref<128x128xf32, #tpu.memory_space<vmem>>, %arg3: memref<128x128xf32, #tpu.memory_space<vmem>>, %arg4: memref<128x128xf32, #tpu.memory_space<vmem>>, %arg5: memref<128x128xf32, #tpu.memory_space<vmem>>, %arg6: memref<2000x128xi32, #tpu.memory_space<vmem>>, %arg7: memref<2000x128xi32, #tpu.memory_space<vmem>>) attributes {dimension_semantics = [#tpu.dimension_semantics<arbitrary>], iteration_bounds = array<i64: 5>, scalar_prefetch = 0 : i64, scratch_operands = 0 : i64, tpu.core_type = #tpu.core_type<tc>, window_params = [{transform_indices = @transform_0, window_bounds = array<i64: 2000, 128>}, {pipeline_mode = #tpu.pipeline_mode<synchronous>, transform_indices = @transform_1, window_bounds = array<i64: 128, 128>}, {pipeline_mode = #tpu.pipeline_mode<synchronous>, transform_indices = @transform_2, window_bounds = array<i64: 128, 128>}, {pipeline_mode = #tpu.pipeline_mode<synchronous>, transform_indices = @transform_3, window_bounds = array<i64: 128, 128>}, {pipeline_mode = #tpu.pipeline_mode<synchronous>, transform_indices = @transform_4, window_bounds = array<i64: 128, 128>}, {transform_indices = @transform_5, window_bounds = array<i64: 2000, 128>}, {transform_indices = @transform_6, window_bounds = array<i64: 2000, 128>}]} {
    %get3A = arith.constant 0 : index
    %get3A_0 = arith.constant 0 : index
    %get3A_1 = vector.load %arg1[%get3A, %get3A_0] : memref<2000x128xf32, #tpu.memory_space<vmem>>, vector<2000x128xf32>
    %get3A_2 = arith.constant 0 : index
    %get3A_3 = arith.constant 0 : index
    %get3A_4 = vector.load %arg2[%get3A_2, %get3A_3] : memref<128x128xf32, #tpu.memory_space<vmem>>, vector<128x128xf32>
    %dot_general3A = arith.constant dense<0.000000e+00> : vector<2000x128xf32>
    %dot_general3A_5 = tpu.matmul %get3A_1, %get3A_4, %dot_general3A {dimension_numbers = #tpu.dot_dimension_numbers<[1], [0], [0], [1], [0, 0, 1, 1], [], []>, transpose_lhs_hint = false} : vector<2000x128xf32>, vector<128x128xf32>, vector<2000x128xf32> -> vector<2000x128xf32>
    %get3A_6 = arith.constant 0 : index
    %get3A_7 = arith.constant 0 : index
    %get3A_8 = vector.load %arg3[%get3A_6, %get3A_7] : memref<128x128xf32, #tpu.memory_space<vmem>>, vector<128x128xf32>
    %dot_general3A_9 = arith.constant dense<0.000000e+00> : vector<2000x128xf32>
    %dot_general3A_10 = tpu.matmul %get3A_1, %get3A_8, %dot_general3A_9 {dimension_numbers = #tpu.dot_dimension_numbers<[1], [0], [0], [1], [0, 0, 1, 1], [], []>, transpose_lhs_hint = false} : vector<2000x128xf32>, vector<128x128xf32>, vector<2000x128xf32> -> vector<2000x128xf32>
    %bitcast_convert_type3A = tpu.bitcast %dot_general3A_5 : vector<2000x128xf32> -> vector<2000x128xi32>
    %bitcast_convert_type3A_11 = tpu.bitcast %dot_general3A_10 : vector<2000x128xf32> -> vector<2000x128xi32>
    %add3A = arith.constant 32767 : i32
    %add3A_12 = vector.broadcast %add3A : i32 to vector<2000x128xi32>
    %add3A_13 = arith.addi %bitcast_convert_type3A, %add3A_12 : vector<2000x128xi32>
    %shift_right_logical3A = arith.constant 16 : i32
    %shift_right_logical3A_14 = vector.broadcast %shift_right_logical3A : i32 to vector<2000x128xi32>
    %shift_right_logical3A_15 = arith.shrui %bitcast_convert_type3A, %shift_right_logical3A_14 : vector<2000x128xi32>
    %and3A = arith.constant 1 : i32
    %and3A_16 = vector.broadcast %and3A : i32 to vector<2000x128xi32>
    %and3A_17 = arith.andi %shift_right_logical3A_15, %and3A_16 : vector<2000x128xi32>
    %add3A_18 = arith.addi %add3A_13, %and3A_17 : vector<2000x128xi32>
    %shift_right_logical3A_19 = arith.constant 16 : i32
    %shift_right_logical3A_20 = vector.broadcast %shift_right_logical3A_19 : i32 to vector<2000x128xi32>
    %shift_right_logical3A_21 = arith.shrui %add3A_18, %shift_right_logical3A_20 : vector<2000x128xi32>
    %add3A_22 = arith.constant 32767 : i32
    %add3A_23 = vector.broadcast %add3A_22 : i32 to vector<2000x128xi32>
    %add3A_24 = arith.addi %bitcast_convert_type3A_11, %add3A_23 : vector<2000x128xi32>
    %shift_right_logical3A_25 = arith.constant 16 : i32
    %shift_right_logical3A_26 = vector.broadcast %shift_right_logical3A_25 : i32 to vector<2000x128xi32>
    %shift_right_logical3A_27 = arith.shrui %bitcast_convert_type3A_11, %shift_right_logical3A_26 : vector<2000x128xi32>
    %and3A_28 = arith.constant 1 : i32
    %and3A_29 = vector.broadcast %and3A_28 : i32 to vector<2000x128xi32>
    %and3A_30 = arith.andi %shift_right_logical3A_27, %and3A_29 : vector<2000x128xi32>
    %add3A_31 = arith.addi %add3A_24, %and3A_30 : vector<2000x128xi32>
    %shift_right_logical3A_32 = arith.constant 16 : i32
    %shift_right_logical3A_33 = vector.broadcast %shift_right_logical3A_32 : i32 to vector<2000x128xi32>
    %shift_right_logical3A_34 = arith.shrui %add3A_31, %shift_right_logical3A_33 : vector<2000x128xi32>
    %shift_left3A = arith.constant 16 : i32
    %shift_left3A_35 = vector.broadcast %shift_left3A : i32 to vector<2000x128xi32>
    %shift_left3A_36 = arith.shli %shift_right_logical3A_34, %shift_left3A_35 : vector<2000x128xi32>
    %or3A = arith.ori %shift_left3A_36, %shift_right_logical3A_21 : vector<2000x128xi32>
    %swap3A = arith.constant 0 : index
    %swap3A_37 = arith.constant 0 : index
    %swap3A_38 = vector.load %arg6[%swap3A, %swap3A_37] : memref<2000x128xi32, #tpu.memory_space<vmem>>, vector<2000x128xi32>
    tpu.vector_store %arg6[%swap3A, %swap3A_37], %or3A {strides = array<i32>} : memref<2000x128xi32, #tpu.memory_space<vmem>>, vector<2000x128xi32>,
    %get3A_39 = arith.constant 0 : index
    %get3A_40 = arith.constant 0 : index
    %get3A_41 = vector.load %arg4[%get3A_39, %get3A_40] : memref<128x128xf32, #tpu.memory_space<vmem>>, vector<128x128xf32>
    %dot_general3A_42 = arith.constant dense<0.000000e+00> : vector<2000x128xf32>
    %dot_general3A_43 = tpu.matmul %get3A_1, %get3A_41, %dot_general3A_42 {dimension_numbers = #tpu.dot_dimension_numbers<[1], [0], [0], [1], [0, 0, 1, 1], [], []>, transpose_lhs_hint = false} : vector<2000x128xf32>, vector<128x128xf32>, vector<2000x128xf32> -> vector<2000x128xf32>
    %get3A_44 = arith.constant 0 : index
    %get3A_45 = arith.constant 0 : index
    %get3A_46 = vector.load %arg5[%get3A_44, %get3A_45] : memref<128x128xf32, #tpu.memory_space<vmem>>, vector<128x128xf32>
    %dot_general3A_47 = arith.constant dense<0.000000e+00> : vector<2000x128xf32>
    %dot_general3A_48 = tpu.matmul %get3A_1, %get3A_46, %dot_general3A_47 {dimension_numbers = #tpu.dot_dimension_numbers<[1], [0], [0], [1], [0, 0, 1, 1], [], []>, transpose_lhs_hint = false} : vector<2000x128xf32>, vector<128x128xf32>, vector<2000x128xf32> -> vector<2000x128xf32>
    %bitcast_convert_type3A_49 = tpu.bitcast %dot_general3A_43 : vector<2000x128xf32> -> vector<2000x128xi32>
    %bitcast_convert_type3A_50 = tpu.bitcast %dot_general3A_48 : vector<2000x128xf32> -> vector<2000x128xi32>
    %add3A_51 = arith.constant 32767 : i32
    %add3A_52 = vector.broadcast %add3A_51 : i32 to vector<2000x128xi32>
    %add3A_53 = arith.addi %bitcast_convert_type3A_49, %add3A_52 : vector<2000x128xi32>
    %shift_right_logical3A_54 = arith.constant 16 : i32
    %shift_right_logical3A_55 = vector.broadcast %shift_right_logical3A_54 : i32 to vector<2000x128xi32>
    %shift_right_logical3A_56 = arith.shrui %bitcast_convert_type3A_49, %shift_right_logical3A_55 : vector<2000x128xi32>
    %and3A_57 = arith.constant 1 : i32
    %and3A_58 = vector.broadcast %and3A_57 : i32 to vector<2000x128xi32>
    %and3A_59 = arith.andi %shift_right_logical3A_56, %and3A_58 : vector<2000x128xi32>
    %add3A_60 = arith.addi %add3A_53, %and3A_59 : vector<2000x128xi32>
    %shift_right_logical3A_61 = arith.constant 16 : i32
    %shift_right_logical3A_62 = vector.broadcast %shift_right_logical3A_61 : i32 to vector<2000x128xi32>
    %shift_right_logical3A_63 = arith.shrui %add3A_60, %shift_right_logical3A_62 : vector<2000x128xi32>
    %add3A_64 = arith.constant 32767 : i32
    %add3A_65 = vector.broadcast %add3A_64 : i32 to vector<2000x128xi32>
    %add3A_66 = arith.addi %bitcast_convert_type3A_50, %add3A_65 : vector<2000x128xi32>
    %shift_right_logical3A_67 = arith.constant 16 : i32
    %shift_right_logical3A_68 = vector.broadcast %shift_right_logical3A_67 : i32 to vector<2000x128xi32>
    %shift_right_logical3A_69 = arith.shrui %bitcast_convert_type3A_50, %shift_right_logical3A_68 : vector<2000x128xi32>
    %and3A_70 = arith.constant 1 : i32
    %and3A_71 = vector.broadcast %and3A_70 : i32 to vector<2000x128xi32>
    %and3A_72 = arith.andi %shift_right_logical3A_69, %and3A_71 : vector<2000x128xi32>
    %add3A_73 = arith.addi %add3A_66, %and3A_72 : vector<2000x128xi32>
    %shift_right_logical3A_74 = arith.constant 16 : i32
    %shift_right_logical3A_75 = vector.broadcast %shift_right_logical3A_74 : i32 to vector<2000x128xi32>
    %shift_right_logical3A_76 = arith.shrui %add3A_73, %shift_right_logical3A_75 : vector<2000x128xi32>
    %shift_left3A_77 = arith.constant 16 : i32
    %shift_left3A_78 = vector.broadcast %shift_left3A_77 : i32 to vector<2000x128xi32>
    %shift_left3A_79 = arith.shli %shift_right_logical3A_76, %shift_left3A_78 : vector<2000x128xi32>
    %or3A_80 = arith.ori %shift_left3A_79, %shift_right_logical3A_63 : vector<2000x128xi32>
    %swap3A_81 = arith.constant 0 : index
    %swap3A_82 = arith.constant 0 : index
    %swap3A_83 = vector.load %arg7[%swap3A_81, %swap3A_82] : memref<2000x128xi32, #tpu.memory_space<vmem>>, vector<2000x128xi32>
    tpu.vector_store %arg7[%swap3A_81, %swap3A_82], %or3A_80 {strides = array<i32>} : memref<2000x128xi32, #tpu.memory_space<vmem>>, vector<2000x128xi32>,
    return
  }
  func.func @transform_0(%arg0: i32) -> (i32, i32) {
    %c0_i32 = arith.constant 0 : i32
    %c0_i32_0 = arith.constant 0 : i32
    return %arg0, %c0_i32 : i32, i32
  }
  func.func @transform_1(%arg0: i32) -> (i32, i32) {
    %c0_i32 = arith.constant 0 : i32
    %c0_i32_0 = arith.constant 0 : i32
    %c0_i32_1 = arith.constant 0 : i32
    return %c0_i32, %c0_i32_0 : i32, i32
  }
  func.func @transform_2(%arg0: i32) -> (i32, i32) {
    %c0_i32 = arith.constant 0 : i32
    %c0_i32_0 = arith.constant 0 : i32
    %c0_i32_1 = arith.constant 0 : i32
    return %c0_i32, %c0_i32_0 : i32, i32
  }
  func.func @transform_3(%arg0: i32) -> (i32, i32) {
    %c0_i32 = arith.constant 0 : i32
    %c0_i32_0 = arith.constant 0 : i32
    %c0_i32_1 = arith.constant 0 : i32
    return %c0_i32, %c0_i32_0 : i32, i32
  }
  func.func @transform_4(%arg0: i32) -> (i32, i32) {
    %c0_i32 = arith.constant 0 : i32
    %c0_i32_0 = arith.constant 0 : i32
    %c0_i32_1 = arith.constant 0 : i32
    return %c0_i32, %c0_i32_0 : i32, i32
  }
  func.func @transform_5(%arg0: i32) -> (i32, i32) {
    %c0_i32 = arith.constant 0 : i32
    %c0_i32_0 = arith.constant 0 : i32
    return %arg0, %c0_i32 : i32, i32
  }
  func.func @transform_6(%arg0: i32) -> (i32, i32) {
    %c0_i32 = arith.constant 0 : i32
    %c0_i32_0 = arith.constant 0 : i32
    return %arg0, %c0_i32 : i32, i32
  }
}

module attributes {stable_mosaic.version = 14 : i64} {
  func.func @_gate_body(%arg0: i32, %arg1: memref<2000x128xi32, #tpu.memory_space<vmem>>, %arg2: memref<2000x128xi32, #tpu.memory_space<vmem>>, %arg3: memref<2000x16xf32, #tpu.memory_space<vmem>>, %arg4: memref<16x128xf32, #tpu.memory_space<vmem>>, %arg5: memref<16x128xf32, #tpu.memory_space<vmem>>, %arg6: memref<1x128xf32, #tpu.memory_space<vmem>>, %arg7: memref<1x128xf32, #tpu.memory_space<vmem>>, %arg8: memref<2000x128xf32, #tpu.memory_space<vmem>>) attributes {dimension_semantics = [#tpu.dimension_semantics<arbitrary>], iteration_bounds = array<i64: 160>, scalar_prefetch = 0 : i64, scratch_operands = 0 : i64, tpu.core_type = #tpu.core_type<tc>, window_params = [{transform_indices = @transform_0, window_bounds = array<i64: 2000, 128>}, {transform_indices = @transform_1, window_bounds = array<i64: 2000, 128>}, {transform_indices = @transform_2, window_bounds = array<i64: 2000, 16>}, {pipeline_mode = #tpu.pipeline_mode<synchronous>, transform_indices = @transform_3, window_bounds = array<i64: 16, 128>}, {pipeline_mode = #tpu.pipeline_mode<synchronous>, transform_indices = @transform_4, window_bounds = array<i64: 16, 128>}, {pipeline_mode = #tpu.pipeline_mode<synchronous>, transform_indices = @transform_5, window_bounds = array<i64: 1, 128>}, {pipeline_mode = #tpu.pipeline_mode<synchronous>, transform_indices = @transform_6, window_bounds = array<i64: 1, 128>}, {transform_indices = @transform_7, window_bounds = array<i64: 2000, 128>}]} {
    %get3A = arith.constant 0 : index
    %get3A_0 = arith.constant 0 : index
    %get3A_1 = vector.load %arg1[%get3A, %get3A_0] : memref<2000x128xi32, #tpu.memory_space<vmem>>, vector<2000x128xi32>
    %get3A_2 = arith.constant 0 : index
    %get3A_3 = arith.constant 0 : index
    %get3A_4 = vector.load %arg2[%get3A_2, %get3A_3] : memref<2000x128xi32, #tpu.memory_space<vmem>>, vector<2000x128xi32>
    %get3A_5 = arith.constant 0 : index
    %get3A_6 = arith.constant 0 : index
    %get3A_7 = vector.load %arg3[%get3A_5, %get3A_6] : memref<2000x16xf32, #tpu.memory_space<vmem>>, vector<2000x16xf32>
    %shift_left3A = arith.constant 16 : i32
    %shift_left3A_8 = vector.broadcast %shift_left3A : i32 to vector<2000x128xi32>
    %shift_left3A_9 = arith.shli %get3A_1, %shift_left3A_8 : vector<2000x128xi32>
    %bitcast_convert_type3A = tpu.bitcast %shift_left3A_9 : vector<2000x128xi32> -> vector<2000x128xf32>
    %shift_left3A_10 = arith.constant 16 : i32
    %shift_left3A_11 = vector.broadcast %shift_left3A_10 : i32 to vector<2000x128xi32>
    %shift_left3A_12 = arith.shli %get3A_4, %shift_left3A_11 : vector<2000x128xi32>
    %bitcast_convert_type3A_13 = tpu.bitcast %shift_left3A_12 : vector<2000x128xi32> -> vector<2000x128xf32>
    %add3A = arith.addf %bitcast_convert_type3A, %bitcast_convert_type3A_13 : vector<2000x128xf32>
    %get3A_14 = arith.constant 0 : index
    %get3A_15 = arith.constant 0 : index
    %get3A_16 = vector.load %arg4[%get3A_14, %get3A_15] : memref<16x128xf32, #tpu.memory_space<vmem>>, vector<16x128xf32>
    %dot_general3A = arith.constant dense<0.000000e+00> : vector<2000x128xf32>
    %dot_general3A_17 = tpu.matmul %get3A_7, %get3A_16, %dot_general3A {dimension_numbers = #tpu.dot_dimension_numbers<[1], [0], [0], [1], [0, 0, 1, 1], [], []>, transpose_lhs_hint = false} : vector<2000x16xf32>, vector<16x128xf32>, vector<2000x128xf32> -> vector<2000x128xf32>
    %add3A_18 = arith.addf %add3A, %dot_general3A_17 : vector<2000x128xf32>
    %get3A_19 = arith.constant 0 : index
    %get3A_20 = arith.constant 0 : index
    %get3A_21 = vector.load %arg6[%get3A_19, %get3A_20] : memref<1x128xf32, #tpu.memory_space<vmem>>, vector<1x128xf32>
    %add3A_22 = vector.broadcast %get3A_21 : vector<1x128xf32> to vector<2000x128xf32>
    %add3A_23 = arith.addf %add3A_18, %add3A_22 : vector<2000x128xf32>
    %and3A = arith.constant -65536 : i32
    %and3A_24 = vector.broadcast %and3A : i32 to vector<2000x128xi32>
    %and3A_25 = arith.andi %get3A_1, %and3A_24 : vector<2000x128xi32>
    %bitcast_convert_type3A_26 = tpu.bitcast %and3A_25 : vector<2000x128xi32> -> vector<2000x128xf32>
    %and3A_27 = arith.constant -65536 : i32
    %and3A_28 = vector.broadcast %and3A_27 : i32 to vector<2000x128xi32>
    %and3A_29 = arith.andi %get3A_4, %and3A_28 : vector<2000x128xi32>
    %bitcast_convert_type3A_30 = tpu.bitcast %and3A_29 : vector<2000x128xi32> -> vector<2000x128xf32>
    %add3A_31 = arith.addf %bitcast_convert_type3A_26, %bitcast_convert_type3A_30 : vector<2000x128xf32>
    %get3A_32 = arith.constant 0 : index
    %get3A_33 = arith.constant 0 : index
    %get3A_34 = vector.load %arg5[%get3A_32, %get3A_33] : memref<16x128xf32, #tpu.memory_space<vmem>>, vector<16x128xf32>
    %dot_general3A_35 = arith.constant dense<0.000000e+00> : vector<2000x128xf32>
    %dot_general3A_36 = tpu.matmul %get3A_7, %get3A_34, %dot_general3A_35 {dimension_numbers = #tpu.dot_dimension_numbers<[1], [0], [0], [1], [0, 0, 1, 1], [], []>, transpose_lhs_hint = false} : vector<2000x16xf32>, vector<16x128xf32>, vector<2000x128xf32> -> vector<2000x128xf32>
    %add3A_37 = arith.addf %add3A_31, %dot_general3A_36 : vector<2000x128xf32>
    %get3A_38 = arith.constant 0 : index
    %get3A_39 = arith.constant 0 : index
    %get3A_40 = vector.load %arg7[%get3A_38, %get3A_39] : memref<1x128xf32, #tpu.memory_space<vmem>>, vector<1x128xf32>
    %add3A_41 = vector.broadcast %get3A_40 : vector<1x128xf32> to vector<2000x128xf32>
    %add3A_42 = arith.addf %add3A_37, %add3A_41 : vector<2000x128xf32>
    %logistic3A = arith.negf %add3A_23 : vector<2000x128xf32>
    %logistic3A_43 = math.exp %logistic3A : vector<2000x128xf32>
    %logistic3A_44 = arith.constant 1.000000e+00 : f32
    %logistic3A_45 = vector.broadcast %logistic3A_44 : f32 to vector<2000x128xf32>
    %logistic3A_46 = arith.addf %logistic3A_45, %logistic3A_43 : vector<2000x128xf32>
    %logistic3A_47 = arith.divf %logistic3A_45, %logistic3A_46 : vector<2000x128xf32>
    %custom_jvp_call3A = arith.constant 0.000000e+00 : f32
    %max3A = vector.broadcast %custom_jvp_call3A : f32 to vector<2000x128xf32>
    %max3A_48 = arith.maximumf %add3A_42, %max3A : vector<2000x128xf32>
    %sub3A = vector.broadcast %custom_jvp_call3A : f32 to vector<2000x128xf32>
    %sub3A_49 = arith.subf %add3A_42, %sub3A : vector<2000x128xf32>
    %ne3A = arith.cmpf one, %sub3A_49, %sub3A_49 : vector<2000x128xf32>
    %add3A_50 = vector.broadcast %custom_jvp_call3A : f32 to vector<2000x128xf32>
    %add3A_51 = arith.addf %add3A_42, %add3A_50 : vector<2000x128xf32>
    %abs3A = math.absf %sub3A_49 : vector<2000x128xf32>
    %neg3A = arith.constant 0.000000e+00 : f32
    %neg3A_52 = vector.broadcast %neg3A : f32 to vector<2000x128xf32>
    %neg3A_53 = arith.subf %neg3A_52, %abs3A : vector<2000x128xf32>
    %exp3A = math.exp %neg3A_53 : vector<2000x128xf32>
    %log1p3A = math.log1p %exp3A : vector<2000x128xf32>
    %add3A_54 = arith.addf %max3A_48, %log1p3A : vector<2000x128xf32>
    %select_n3A = arith.select %ne3A, %add3A_51, %add3A_54 : vector<2000x128xi1>, vector<2000x128xf32>
    %mul3A = arith.mulf %logistic3A_47, %select_n3A : vector<2000x128xf32>
    %swap3A = arith.constant 0 : index
    %swap3A_55 = arith.constant 0 : index
    %swap3A_56 = vector.load %arg8[%swap3A, %swap3A_55] : memref<2000x128xf32, #tpu.memory_space<vmem>>, vector<2000x128xf32>
    tpu.vector_store %arg8[%swap3A, %swap3A_55], %mul3A {strides = array<i32>} : memref<2000x128xf32, #tpu.memory_space<vmem>>, vector<2000x128xf32>,
    return
  }
  func.func @transform_0(%arg0: i32) -> (i32, i32) {
    %c0_i32 = arith.constant 0 : i32
    %c0_i32_0 = arith.constant 0 : i32
    return %arg0, %c0_i32 : i32, i32
  }
  func.func @transform_1(%arg0: i32) -> (i32, i32) {
    %c0_i32 = arith.constant 0 : i32
    %c0_i32_0 = arith.constant 0 : i32
    return %arg0, %c0_i32 : i32, i32
  }
  func.func @transform_2(%arg0: i32) -> (i32, i32) {
    %c0_i32 = arith.constant 0 : i32
    %c0_i32_0 = arith.constant 0 : i32
    return %arg0, %c0_i32 : i32, i32
  }
  func.func @transform_3(%arg0: i32) -> (i32, i32) {
    %c0_i32 = arith.constant 0 : i32
    %c0_i32_0 = arith.constant 0 : i32
    %c0_i32_1 = arith.constant 0 : i32
    return %c0_i32, %c0_i32_0 : i32, i32
  }
  func.func @transform_4(%arg0: i32) -> (i32, i32) {
    %c0_i32 = arith.constant 0 : i32
    %c0_i32_0 = arith.constant 0 : i32
    %c0_i32_1 = arith.constant 0 : i32
    return %c0_i32, %c0_i32_0 : i32, i32
  }
  func.func @transform_5(%arg0: i32) -> (i32, i32) {
    %c0_i32 = arith.constant 0 : i32
    %c0_i32_0 = arith.constant 0 : i32
    %c0_i32_1 = arith.constant 0 : i32
    return %c0_i32, %c0_i32_0 : i32, i32
  }
  func.func @transform_6(%arg0: i32) -> (i32, i32) {
    %c0_i32 = arith.constant 0 : i32
    %c0_i32_0 = arith.constant 0 : i32
    %c0_i32_1 = arith.constant 0 : i32
    return %c0_i32, %c0_i32_0 : i32, i32
  }
  func.func @transform_7(%arg0: i32) -> (i32, i32) {
    %c0_i32 = arith.constant 0 : i32
    %c0_i32_0 = arith.constant 0 : i32
    return %arg0, %c0_i32 : i32, i32
  }
}

module attributes {stable_mosaic.version = 14 : i64} {
  func.func @_bnproj_body(%arg0: memref<2x10000x128xf32, #tpu.memory_space<vmem>>, %arg1: memref<10000x128xf32, #tpu.memory_space<vmem>>, %arg2: memref<1x128xf32, #tpu.memory_space<vmem>>, %arg3: memref<1x128xf32, #tpu.memory_space<vmem>>, %arg4: memref<128x128xf32, #tpu.memory_space<vmem>>, %arg5: memref<128x128xf32, #tpu.memory_space<vmem>>, %arg6: memref<128x128xf32, #tpu.memory_space<vmem>>, %arg7: memref<128x128xf32, #tpu.memory_space<vmem>>, %arg8: memref<10000x128xf32, #tpu.memory_space<vmem>>, %arg9: memref<10000x128xi32, #tpu.memory_space<vmem>>, %arg10: memref<10000x128xi32, #tpu.memory_space<vmem>>) attributes {dimension_semantics = [], scalar_prefetch = 0 : i64, scratch_operands = 0 : i64, tpu.core_type = #tpu.core_type<tc>} {
    %get3A = arith.constant 0 : index
    %get3A_0 = arith.constant 0 : index
    %get3A_1 = arith.constant 0 : index
    %get3A_2 = vector.load %arg0[%get3A, %get3A_0, %get3A_1] : memref<2x10000x128xf32, #tpu.memory_space<vmem>>, vector<1x10000x128xf32>
    %get3A_3 = vector.shape_cast %get3A_2 : vector<1x10000x128xf32> to vector<10000x128xf32>
    %get3A_4 = arith.constant 1 : index
    %get3A_5 = arith.constant 0 : index
    %get3A_6 = arith.constant 0 : index
    %get3A_7 = vector.load %arg0[%get3A_4, %get3A_5, %get3A_6] : memref<2x10000x128xf32, #tpu.memory_space<vmem>>, vector<1x10000x128xf32>
    %get3A_8 = vector.shape_cast %get3A_7 : vector<1x10000x128xf32> to vector<10000x128xf32>
    %add3A = arith.addf %get3A_3, %get3A_8 : vector<10000x128xf32>
    %get3A_9 = arith.constant 0 : index
    %get3A_10 = arith.constant 0 : index
    %get3A_11 = vector.load %arg2[%get3A_9, %get3A_10] : memref<1x128xf32, #tpu.memory_space<vmem>>, vector<1x128xf32>
    %get3A_12 = arith.constant 0 : index
    %get3A_13 = arith.constant 0 : index
    %get3A_14 = vector.load %arg3[%get3A_12, %get3A_13] : memref<1x128xf32, #tpu.memory_space<vmem>>, vector<1x128xf32>
    %reduce_sum3A = arith.constant dense<0.000000e+00> : vector<128xf32>
    %reduce_sum3A_15 = vector.multi_reduction <add>, %add3A, %reduce_sum3A [0] : vector<10000x128xf32> to vector<128xf32>
    %div3A = arith.constant 1.000000e+04 : f32
    %div3A_16 = vector.broadcast %div3A : f32 to vector<128xf32>
    %div3A_17 = arith.divf %reduce_sum3A_15, %div3A_16 : vector<128xf32>
    %jit3A = arith.constant 0 : i32
    %reduce_sum3A_18 = arith.constant dense<0.000000e+00> : vector<128xf32>
    %reduce_sum3A_19 = vector.multi_reduction <add>, %add3A, %reduce_sum3A_18 [0] : vector<10000x128xf32> to vector<128xf32>
    %broadcast_in_dim3A = vector.shape_cast %reduce_sum3A_19 : vector<128xf32> to vector<1x128xf32>
    %div3A_20 = arith.constant 1.000000e+04 : f32
    %div3A_21 = vector.broadcast %div3A_20 : f32 to vector<1x128xf32>
    %div3A_22 = arith.divf %broadcast_in_dim3A, %div3A_21 : vector<1x128xf32>
    %sub3A = vector.broadcast %div3A_22 : vector<1x128xf32> to vector<10000x128xf32>
    %sub3A_23 = arith.subf %add3A, %sub3A : vector<10000x128xf32>
    %square3A = arith.mulf %sub3A_23, %sub3A_23 : vector<10000x128xf32>
    %convert_element_type3A = arith.sitofp %jit3A : i32 to f32
    %sub3A_24 = arith.constant 1.000000e+04 : f32
    %sub3A_25 = arith.subf %sub3A_24, %convert_element_type3A : f32
    %reduce_sum3A_26 = arith.constant dense<0.000000e+00> : vector<128xf32>
    %reduce_sum3A_27 = vector.multi_reduction <add>, %square3A, %reduce_sum3A_26 [0] : vector<10000x128xf32> to vector<128xf32>
    %div3A_28 = vector.broadcast %sub3A_25 : f32 to vector<128xf32>
    %div3A_29 = arith.divf %reduce_sum3A_27, %div3A_28 : vector<128xf32>
    %gt3A = arith.constant 0.000000e+00 : f32
    %gt3A_30 = arith.cmpf ogt, %sub3A_25, %gt3A : f32
    %jit3A_31 = arith.constant 0x7FC00000 : f32
    %broadcast_in_dim3A_32 = vector.broadcast %jit3A_31 : f32 to vector<128xf32>
    %select_n3A = arith.select %gt3A_30, %div3A_29, %broadcast_in_dim3A_32 : vector<128xf32>
    %broadcast_in_dim3A_33 = vector.shape_cast %div3A_17 : vector<128xf32> to vector<1x128xf32>
    %sub3A_34 = vector.broadcast %broadcast_in_dim3A_33 : vector<1x128xf32> to vector<10000x128xf32>
    %sub3A_35 = arith.subf %add3A, %sub3A_34 : vector<10000x128xf32>
    %add3A_36 = arith.constant 9.99999974E-6 : f32
    %add3A_37 = vector.broadcast %add3A_36 : f32 to vector<128xf32>
    %add3A_38 = arith.addf %select_n3A, %add3A_37 : vector<128xf32>
    %sqrt3A = math.sqrt %add3A_38 : vector<128xf32>
    %broadcast_in_dim3A_39 = vector.shape_cast %sqrt3A : vector<128xf32> to vector<1x128xf32>
    %div3A_40 = vector.broadcast %broadcast_in_dim3A_39 : vector<1x128xf32> to vector<10000x128xf32>
    %div3A_41 = arith.divf %sub3A_35, %div3A_40 : vector<10000x128xf32>
    %mul3A = vector.broadcast %get3A_11 : vector<1x128xf32> to vector<10000x128xf32>
    %mul3A_42 = arith.mulf %div3A_41, %mul3A : vector<10000x128xf32>
    %add3A_43 = vector.broadcast %get3A_14 : vector<1x128xf32> to vector<10000x128xf32>
    %add3A_44 = arith.addf %mul3A_42, %add3A_43 : vector<10000x128xf32>
    %get3A_45 = arith.constant 0 : index
    %get3A_46 = arith.constant 0 : index
    %get3A_47 = vector.load %arg1[%get3A_45, %get3A_46] : memref<10000x128xf32, #tpu.memory_space<vmem>>, vector<10000x128xf32>
    %add3A_48 = arith.addf %add3A_44, %get3A_47 : vector<10000x128xf32>
    %swap3A = arith.constant 0 : index
    %swap3A_49 = arith.constant 0 : index
    %swap3A_50 = vector.load %arg8[%swap3A, %swap3A_49] : memref<10000x128xf32, #tpu.memory_space<vmem>>, vector<10000x128xf32>
    tpu.vector_store %arg8[%swap3A, %swap3A_49], %add3A_48 {strides = array<i32>} : memref<10000x128xf32, #tpu.memory_space<vmem>>, vector<10000x128xf32>,
    %get3A_51 = arith.constant 0 : index
    %get3A_52 = arith.constant 0 : index
    %get3A_53 = vector.load %arg4[%get3A_51, %get3A_52] : memref<128x128xf32, #tpu.memory_space<vmem>>, vector<128x128xf32>
    %dot_general3A = arith.constant dense<0.000000e+00> : vector<10000x128xf32>
    %dot_general3A_54 = tpu.matmul %add3A_48, %get3A_53, %dot_general3A {dimension_numbers = #tpu.dot_dimension_numbers<[1], [0], [0], [1], [0, 0, 1, 1], [], []>, transpose_lhs_hint = false} : vector<10000x128xf32>, vector<128x128xf32>, vector<10000x128xf32> -> vector<10000x128xf32>
    %get3A_55 = arith.constant 0 : index
    %get3A_56 = arith.constant 0 : index
    %get3A_57 = vector.load %arg5[%get3A_55, %get3A_56] : memref<128x128xf32, #tpu.memory_space<vmem>>, vector<128x128xf32>
    %dot_general3A_58 = arith.constant dense<0.000000e+00> : vector<10000x128xf32>
    %dot_general3A_59 = tpu.matmul %add3A_48, %get3A_57, %dot_general3A_58 {dimension_numbers = #tpu.dot_dimension_numbers<[1], [0], [0], [1], [0, 0, 1, 1], [], []>, transpose_lhs_hint = false} : vector<10000x128xf32>, vector<128x128xf32>, vector<10000x128xf32> -> vector<10000x128xf32>
    %bitcast_convert_type3A = tpu.bitcast %dot_general3A_54 : vector<10000x128xf32> -> vector<10000x128xi32>
    %bitcast_convert_type3A_60 = tpu.bitcast %dot_general3A_59 : vector<10000x128xf32> -> vector<10000x128xi32>
    %add3A_61 = arith.constant 32767 : i32
    %add3A_62 = vector.broadcast %add3A_61 : i32 to vector<10000x128xi32>
    %add3A_63 = arith.addi %bitcast_convert_type3A, %add3A_62 : vector<10000x128xi32>
    %shift_right_logical3A = arith.constant 16 : i32
    %shift_right_logical3A_64 = vector.broadcast %shift_right_logical3A : i32 to vector<10000x128xi32>
    %shift_right_logical3A_65 = arith.shrui %bitcast_convert_type3A, %shift_right_logical3A_64 : vector<10000x128xi32>
    %and3A = arith.constant 1 : i32
    %and3A_66 = vector.broadcast %and3A : i32 to vector<10000x128xi32>
    %and3A_67 = arith.andi %shift_right_logical3A_65, %and3A_66 : vector<10000x128xi32>
    %add3A_68 = arith.addi %add3A_63, %and3A_67 : vector<10000x128xi32>
    %shift_right_logical3A_69 = arith.constant 16 : i32
    %shift_right_logical3A_70 = vector.broadcast %shift_right_logical3A_69 : i32 to vector<10000x128xi32>
    %shift_right_logical3A_71 = arith.shrui %add3A_68, %shift_right_logical3A_70 : vector<10000x128xi32>
    %add3A_72 = arith.constant 32767 : i32
    %add3A_73 = vector.broadcast %add3A_72 : i32 to vector<10000x128xi32>
    %add3A_74 = arith.addi %bitcast_convert_type3A_60, %add3A_73 : vector<10000x128xi32>
    %shift_right_logical3A_75 = arith.constant 16 : i32
    %shift_right_logical3A_76 = vector.broadcast %shift_right_logical3A_75 : i32 to vector<10000x128xi32>
    %shift_right_logical3A_77 = arith.shrui %bitcast_convert_type3A_60, %shift_right_logical3A_76 : vector<10000x128xi32>
    %and3A_78 = arith.constant 1 : i32
    %and3A_79 = vector.broadcast %and3A_78 : i32 to vector<10000x128xi32>
    %and3A_80 = arith.andi %shift_right_logical3A_77, %and3A_79 : vector<10000x128xi32>
    %add3A_81 = arith.addi %add3A_74, %and3A_80 : vector<10000x128xi32>
    %shift_right_logical3A_82 = arith.constant 16 : i32
    %shift_right_logical3A_83 = vector.broadcast %shift_right_logical3A_82 : i32 to vector<10000x128xi32>
    %shift_right_logical3A_84 = arith.shrui %add3A_81, %shift_right_logical3A_83 : vector<10000x128xi32>
    %shift_left3A = arith.constant 16 : i32
    %shift_left3A_85 = vector.broadcast %shift_left3A : i32 to vector<10000x128xi32>
    %shift_left3A_86 = arith.shli %shift_right_logical3A_84, %shift_left3A_85 : vector<10000x128xi32>
    %or3A = arith.ori %shift_left3A_86, %shift_right_logical3A_71 : vector<10000x128xi32>
    %swap3A_87 = arith.constant 0 : index
    %swap3A_88 = arith.constant 0 : index
    %swap3A_89 = vector.load %arg9[%swap3A_87, %swap3A_88] : memref<10000x128xi32, #tpu.memory_space<vmem>>, vector<10000x128xi32>
    tpu.vector_store %arg9[%swap3A_87, %swap3A_88], %or3A {strides = array<i32>} : memref<10000x128xi32, #tpu.memory_space<vmem>>, vector<10000x128xi32>,
    %get3A_90 = arith.constant 0 : index
    %get3A_91 = arith.constant 0 : index
    %get3A_92 = vector.load %arg6[%get3A_90, %get3A_91] : memref<128x128xf32, #tpu.memory_space<vmem>>, vector<128x128xf32>
    %dot_general3A_93 = arith.constant dense<0.000000e+00> : vector<10000x128xf32>
    %dot_general3A_94 = tpu.matmul %add3A_48, %get3A_92, %dot_general3A_93 {dimension_numbers = #tpu.dot_dimension_numbers<[1], [0], [0], [1], [0, 0, 1, 1], [], []>, transpose_lhs_hint = false} : vector<10000x128xf32>, vector<128x128xf32>, vector<10000x128xf32> -> vector<10000x128xf32>
    %get3A_95 = arith.constant 0 : index
    %get3A_96 = arith.constant 0 : index
    %get3A_97 = vector.load %arg7[%get3A_95, %get3A_96] : memref<128x128xf32, #tpu.memory_space<vmem>>, vector<128x128xf32>
    %dot_general3A_98 = arith.constant dense<0.000000e+00> : vector<10000x128xf32>
    %dot_general3A_99 = tpu.matmul %add3A_48, %get3A_97, %dot_general3A_98 {dimension_numbers = #tpu.dot_dimension_numbers<[1], [0], [0], [1], [0, 0, 1, 1], [], []>, transpose_lhs_hint = false} : vector<10000x128xf32>, vector<128x128xf32>, vector<10000x128xf32> -> vector<10000x128xf32>
    %bitcast_convert_type3A_100 = tpu.bitcast %dot_general3A_94 : vector<10000x128xf32> -> vector<10000x128xi32>
    %bitcast_convert_type3A_101 = tpu.bitcast %dot_general3A_99 : vector<10000x128xf32> -> vector<10000x128xi32>
    %add3A_102 = arith.constant 32767 : i32
    %add3A_103 = vector.broadcast %add3A_102 : i32 to vector<10000x128xi32>
    %add3A_104 = arith.addi %bitcast_convert_type3A_100, %add3A_103 : vector<10000x128xi32>
    %shift_right_logical3A_105 = arith.constant 16 : i32
    %shift_right_logical3A_106 = vector.broadcast %shift_right_logical3A_105 : i32 to vector<10000x128xi32>
    %shift_right_logical3A_107 = arith.shrui %bitcast_convert_type3A_100, %shift_right_logical3A_106 : vector<10000x128xi32>
    %and3A_108 = arith.constant 1 : i32
    %and3A_109 = vector.broadcast %and3A_108 : i32 to vector<10000x128xi32>
    %and3A_110 = arith.andi %shift_right_logical3A_107, %and3A_109 : vector<10000x128xi32>
    %add3A_111 = arith.addi %add3A_104, %and3A_110 : vector<10000x128xi32>
    %shift_right_logical3A_112 = arith.constant 16 : i32
    %shift_right_logical3A_113 = vector.broadcast %shift_right_logical3A_112 : i32 to vector<10000x128xi32>
    %shift_right_logical3A_114 = arith.shrui %add3A_111, %shift_right_logical3A_113 : vector<10000x128xi32>
    %add3A_115 = arith.constant 32767 : i32
    %add3A_116 = vector.broadcast %add3A_115 : i32 to vector<10000x128xi32>
    %add3A_117 = arith.addi %bitcast_convert_type3A_101, %add3A_116 : vector<10000x128xi32>
    %shift_right_logical3A_118 = arith.constant 16 : i32
    %shift_right_logical3A_119 = vector.broadcast %shift_right_logical3A_118 : i32 to vector<10000x128xi32>
    %shift_right_logical3A_120 = arith.shrui %bitcast_convert_type3A_101, %shift_right_logical3A_119 : vector<10000x128xi32>
    %and3A_121 = arith.constant 1 : i32
    %and3A_122 = vector.broadcast %and3A_121 : i32 to vector<10000x128xi32>
    %and3A_123 = arith.andi %shift_right_logical3A_120, %and3A_122 : vector<10000x128xi32>
    %add3A_124 = arith.addi %add3A_117, %and3A_123 : vector<10000x128xi32>
    %shift_right_logical3A_125 = arith.constant 16 : i32
    %shift_right_logical3A_126 = vector.broadcast %shift_right_logical3A_125 : i32 to vector<10000x128xi32>
    %shift_right_logical3A_127 = arith.shrui %add3A_124, %shift_right_logical3A_126 : vector<10000x128xi32>
    %shift_left3A_128 = arith.constant 16 : i32
    %shift_left3A_129 = vector.broadcast %shift_left3A_128 : i32 to vector<10000x128xi32>
    %shift_left3A_130 = arith.shli %shift_right_logical3A_127, %shift_left3A_129 : vector<10000x128xi32>
    %or3A_131 = arith.ori %shift_left3A_130, %shift_right_logical3A_114 : vector<10000x128xi32>
    %swap3A_132 = arith.constant 0 : index
    %swap3A_133 = arith.constant 0 : index
    %swap3A_134 = vector.load %arg10[%swap3A_132, %swap3A_133] : memref<10000x128xi32, #tpu.memory_space<vmem>>, vector<10000x128xi32>
    tpu.vector_store %arg10[%swap3A_132, %swap3A_133], %or3A_131 {strides = array<i32>} : memref<10000x128xi32, #tpu.memory_space<vmem>>, vector<10000x128xi32>,
    return
  }
}

module attributes {stable_mosaic.version = 14 : i64} {
  func.func @_head_body(%arg0: memref<2x10000x128xf32, #tpu.memory_space<vmem>>, %arg1: memref<10000x128xf32, #tpu.memory_space<vmem>>, %arg2: memref<1x128xf32, #tpu.memory_space<vmem>>, %arg3: memref<1x128xf32, #tpu.memory_space<vmem>>, %arg4: memref<1x10000xi32, #tpu.memory_space<vmem>>, %arg5: memref<128x256xf32, #tpu.memory_space<vmem>>, %arg6: memref<1x256xf32, #tpu.memory_space<vmem>>, %arg7: memref<1x256xf32, #tpu.memory_space<vmem>>, %arg8: memref<1x256xf32, #tpu.memory_space<vmem>>, %arg9: memref<256x128xf32, #tpu.memory_space<vmem>>, %arg10: memref<1x128xf32, #tpu.memory_space<vmem>>, %arg11: memref<1x128xf32, #tpu.memory_space<vmem>>, %arg12: memref<1x128xf32, #tpu.memory_space<vmem>>, %arg13: memref<128x1xf32, #tpu.memory_space<vmem>>, %arg14: memref<1x1xf32, #tpu.memory_space<vmem>>, %arg15: memref<64x1xf32, #tpu.memory_space<vmem>>) attributes {dimension_semantics = [], scalar_prefetch = 0 : i64, scratch_operands = 0 : i64, tpu.core_type = #tpu.core_type<tc>} {
    %get3A = arith.constant 0 : index
    %get3A_0 = arith.constant 0 : index
    %get3A_1 = arith.constant 0 : index
    %get3A_2 = vector.load %arg0[%get3A, %get3A_0, %get3A_1] : memref<2x10000x128xf32, #tpu.memory_space<vmem>>, vector<1x10000x128xf32>
    %get3A_3 = vector.shape_cast %get3A_2 : vector<1x10000x128xf32> to vector<10000x128xf32>
    %get3A_4 = arith.constant 1 : index
    %get3A_5 = arith.constant 0 : index
    %get3A_6 = arith.constant 0 : index
    %get3A_7 = vector.load %arg0[%get3A_4, %get3A_5, %get3A_6] : memref<2x10000x128xf32, #tpu.memory_space<vmem>>, vector<1x10000x128xf32>
    %get3A_8 = vector.shape_cast %get3A_7 : vector<1x10000x128xf32> to vector<10000x128xf32>
    %add3A = arith.addf %get3A_3, %get3A_8 : vector<10000x128xf32>
    %get3A_9 = arith.constant 0 : index
    %get3A_10 = arith.constant 0 : index
    %get3A_11 = vector.load %arg2[%get3A_9, %get3A_10] : memref<1x128xf32, #tpu.memory_space<vmem>>, vector<1x128xf32>
    %get3A_12 = arith.constant 0 : index
    %get3A_13 = arith.constant 0 : index
    %get3A_14 = vector.load %arg3[%get3A_12, %get3A_13] : memref<1x128xf32, #tpu.memory_space<vmem>>, vector<1x128xf32>
    %reduce_sum3A = arith.constant dense<0.000000e+00> : vector<128xf32>
    %reduce_sum3A_15 = vector.multi_reduction <add>, %add3A, %reduce_sum3A [0] : vector<10000x128xf32> to vector<128xf32>
    %div3A = arith.constant 1.000000e+04 : f32
    %div3A_16 = vector.broadcast %div3A : f32 to vector<128xf32>
    %div3A_17 = arith.divf %reduce_sum3A_15, %div3A_16 : vector<128xf32>
    %jit3A = arith.constant 0 : i32
    %reduce_sum3A_18 = arith.constant dense<0.000000e+00> : vector<128xf32>
    %reduce_sum3A_19 = vector.multi_reduction <add>, %add3A, %reduce_sum3A_18 [0] : vector<10000x128xf32> to vector<128xf32>
    %broadcast_in_dim3A = vector.shape_cast %reduce_sum3A_19 : vector<128xf32> to vector<1x128xf32>
    %div3A_20 = arith.constant 1.000000e+04 : f32
    %div3A_21 = vector.broadcast %div3A_20 : f32 to vector<1x128xf32>
    %div3A_22 = arith.divf %broadcast_in_dim3A, %div3A_21 : vector<1x128xf32>
    %sub3A = vector.broadcast %div3A_22 : vector<1x128xf32> to vector<10000x128xf32>
    %sub3A_23 = arith.subf %add3A, %sub3A : vector<10000x128xf32>
    %square3A = arith.mulf %sub3A_23, %sub3A_23 : vector<10000x128xf32>
    %convert_element_type3A = arith.sitofp %jit3A : i32 to f32
    %sub3A_24 = arith.constant 1.000000e+04 : f32
    %sub3A_25 = arith.subf %sub3A_24, %convert_element_type3A : f32
    %reduce_sum3A_26 = arith.constant dense<0.000000e+00> : vector<128xf32>
    %reduce_sum3A_27 = vector.multi_reduction <add>, %square3A, %reduce_sum3A_26 [0] : vector<10000x128xf32> to vector<128xf32>
    %div3A_28 = vector.broadcast %sub3A_25 : f32 to vector<128xf32>
    %div3A_29 = arith.divf %reduce_sum3A_27, %div3A_28 : vector<128xf32>
    %gt3A = arith.constant 0.000000e+00 : f32
    %gt3A_30 = arith.cmpf ogt, %sub3A_25, %gt3A : f32
    %jit3A_31 = arith.constant 0x7FC00000 : f32
    %broadcast_in_dim3A_32 = vector.broadcast %jit3A_31 : f32 to vector<128xf32>
    %select_n3A = arith.select %gt3A_30, %div3A_29, %broadcast_in_dim3A_32 : vector<128xf32>
    %broadcast_in_dim3A_33 = vector.shape_cast %div3A_17 : vector<128xf32> to vector<1x128xf32>
    %sub3A_34 = vector.broadcast %broadcast_in_dim3A_33 : vector<1x128xf32> to vector<10000x128xf32>
    %sub3A_35 = arith.subf %add3A, %sub3A_34 : vector<10000x128xf32>
    %add3A_36 = arith.constant 9.99999974E-6 : f32
    %add3A_37 = vector.broadcast %add3A_36 : f32 to vector<128xf32>
    %add3A_38 = arith.addf %select_n3A, %add3A_37 : vector<128xf32>
    %sqrt3A = math.sqrt %add3A_38 : vector<128xf32>
    %broadcast_in_dim3A_39 = vector.shape_cast %sqrt3A : vector<128xf32> to vector<1x128xf32>
    %div3A_40 = vector.broadcast %broadcast_in_dim3A_39 : vector<1x128xf32> to vector<10000x128xf32>
    %div3A_41 = arith.divf %sub3A_35, %div3A_40 : vector<10000x128xf32>
    %mul3A = vector.broadcast %get3A_11 : vector<1x128xf32> to vector<10000x128xf32>
    %mul3A_42 = arith.mulf %div3A_41, %mul3A : vector<10000x128xf32>
    %add3A_43 = vector.broadcast %get3A_14 : vector<1x128xf32> to vector<10000x128xf32>
    %add3A_44 = arith.addf %mul3A_42, %add3A_43 : vector<10000x128xf32>
    %get3A_45 = arith.constant 0 : index
    %get3A_46 = arith.constant 0 : index
    %get3A_47 = vector.load %arg1[%get3A_45, %get3A_46] : memref<10000x128xf32, #tpu.memory_space<vmem>>, vector<10000x128xf32>
    %add3A_48 = arith.addf %add3A_44, %get3A_47 : vector<10000x128xf32>
    %get3A_49 = arith.constant 0 : index
    %get3A_50 = arith.constant 0 : index
    %get3A_51 = vector.load %arg4[%get3A_49, %get3A_50] : memref<1x10000xi32, #tpu.memory_space<vmem>>, vector<1x10000xi32>
    %iota3A = tpu.iota {dimensions = array<i32: 0>} : vector<64x1xi32>
    %eq3A = vector.broadcast %get3A_51 : vector<1x10000xi32> to vector<64x10000xi32>
    %eq3A_52 = vector.broadcast %iota3A : vector<64x1xi32> to vector<64x10000xi32>
    %eq3A_53 = arith.cmpi eq, %eq3A, %eq3A_52 : vector<64x10000xi32>
    %convert_element_type3A_54 = arith.extui %eq3A_53 : vector<64x10000xi1> to vector<64x10000xi32>
    %convert_element_type3A_55 = arith.sitofp %convert_element_type3A_54 : vector<64x10000xi32> to vector<64x10000xf32>
    %dot_general3A = arith.constant dense<0.000000e+00> : vector<64x128xf32>
    %dot_general3A_56 = tpu.matmul %convert_element_type3A_55, %add3A_48, %dot_general3A {dimension_numbers = #tpu.dot_dimension_numbers<[1], [0], [0], [1], [0, 0, 1, 1], [], []>, precision = #tpu.contract_precision<fp32>, transpose_lhs_hint = false} : vector<64x10000xf32>, vector<10000x128xf32>, vector<64x128xf32> -> vector<64x128xf32>
    %reduce_sum3A_57 = arith.constant dense<0.000000e+00> : vector<64xf32>
    %reduce_sum3A_58 = vector.multi_reduction <add>, %convert_element_type3A_55, %reduce_sum3A_57 [1] : vector<64x10000xf32> to vector<64xf32>
    %broadcast_in_dim3A_59 = vector.shape_cast %reduce_sum3A_58 : vector<64xf32> to vector<64x1xf32>
    %max3A = arith.constant 1.000000e+00 : f32
    %max3A_60 = vector.broadcast %max3A : f32 to vector<64x1xf32>
    %max3A_61 = arith.maximumf %broadcast_in_dim3A_59, %max3A_60 : vector<64x1xf32>
    %div3A_62 = vector.broadcast %max3A_61 : vector<64x1xf32> to vector<64x128xf32>
    %div3A_63 = arith.divf %dot_general3A_56, %div3A_62 : vector<64x128xf32>
    %get3A_64 = arith.constant 0 : index
    %get3A_65 = arith.constant 0 : index
    %get3A_66 = vector.load %arg5[%get3A_64, %get3A_65] : memref<128x256xf32, #tpu.memory_space<vmem>>, vector<128x256xf32>
    %dot_general3A_67 = arith.constant dense<0.000000e+00> : vector<64x256xf32>
    %dot_general3A_68 = tpu.matmul %div3A_63, %get3A_66, %dot_general3A_67 {dimension_numbers = #tpu.dot_dimension_numbers<[1], [0], [0], [1], [0, 0, 1, 1], [], []>, precision = #tpu.contract_precision<fp32>, transpose_lhs_hint = false} : vector<64x128xf32>, vector<128x256xf32>, vector<64x256xf32> -> vector<64x256xf32>
    %get3A_69 = arith.constant 0 : index
    %get3A_70 = arith.constant 0 : index
    %get3A_71 = vector.load %arg6[%get3A_69, %get3A_70] : memref<1x256xf32, #tpu.memory_space<vmem>>, vector<1x256xf32>
    %add3A_72 = vector.broadcast %get3A_71 : vector<1x256xf32> to vector<64x256xf32>
    %add3A_73 = arith.addf %dot_general3A_68, %add3A_72 : vector<64x256xf32>
    %get3A_74 = arith.constant 0 : index
    %get3A_75 = arith.constant 0 : index
    %get3A_76 = vector.load %arg7[%get3A_74, %get3A_75] : memref<1x256xf32, #tpu.memory_space<vmem>>, vector<1x256xf32>
    %get3A_77 = arith.constant 0 : index
    %get3A_78 = arith.constant 0 : index
    %get3A_79 = vector.load %arg8[%get3A_77, %get3A_78] : memref<1x256xf32, #tpu.memory_space<vmem>>, vector<1x256xf32>
    %reduce_sum3A_80 = arith.constant dense<0.000000e+00> : vector<256xf32>
    %reduce_sum3A_81 = vector.multi_reduction <add>, %add3A_73, %reduce_sum3A_80 [0] : vector<64x256xf32> to vector<256xf32>
    %div3A_82 = arith.constant 6.400000e+01 : f32
    %div3A_83 = vector.broadcast %div3A_82 : f32 to vector<256xf32>
    %div3A_84 = arith.divf %reduce_sum3A_81, %div3A_83 : vector<256xf32>
    %jit3A_85 = arith.constant 0 : i32
    %reduce_sum3A_86 = arith.constant dense<0.000000e+00> : vector<256xf32>
    %reduce_sum3A_87 = vector.multi_reduction <add>, %add3A_73, %reduce_sum3A_86 [0] : vector<64x256xf32> to vector<256xf32>
    %broadcast_in_dim3A_88 = vector.shape_cast %reduce_sum3A_87 : vector<256xf32> to vector<1x256xf32>
    %div3A_89 = arith.constant 6.400000e+01 : f32
    %div3A_90 = vector.broadcast %div3A_89 : f32 to vector<1x256xf32>
    %div3A_91 = arith.divf %broadcast_in_dim3A_88, %div3A_90 : vector<1x256xf32>
    %sub3A_92 = vector.broadcast %div3A_91 : vector<1x256xf32> to vector<64x256xf32>
    %sub3A_93 = arith.subf %add3A_73, %sub3A_92 : vector<64x256xf32>
    %square3A_94 = arith.mulf %sub3A_93, %sub3A_93 : vector<64x256xf32>
    %convert_element_type3A_95 = arith.sitofp %jit3A_85 : i32 to f32
    %sub3A_96 = arith.constant 6.400000e+01 : f32
    %sub3A_97 = arith.subf %sub3A_96, %convert_element_type3A_95 : f32
    %reduce_sum3A_98 = arith.constant dense<0.000000e+00> : vector<256xf32>
    %reduce_sum3A_99 = vector.multi_reduction <add>, %square3A_94, %reduce_sum3A_98 [0] : vector<64x256xf32> to vector<256xf32>
    %div3A_100 = vector.broadcast %sub3A_97 : f32 to vector<256xf32>
    %div3A_101 = arith.divf %reduce_sum3A_99, %div3A_100 : vector<256xf32>
    %gt3A_102 = arith.constant 0.000000e+00 : f32
    %gt3A_103 = arith.cmpf ogt, %sub3A_97, %gt3A_102 : f32
    %jit3A_104 = arith.constant 0x7FC00000 : f32
    %broadcast_in_dim3A_105 = vector.broadcast %jit3A_104 : f32 to vector<256xf32>
    %select_n3A_106 = arith.select %gt3A_103, %div3A_101, %broadcast_in_dim3A_105 : vector<256xf32>
    %broadcast_in_dim3A_107 = vector.shape_cast %div3A_84 : vector<256xf32> to vector<1x256xf32>
    %sub3A_108 = vector.broadcast %broadcast_in_dim3A_107 : vector<1x256xf32> to vector<64x256xf32>
    %sub3A_109 = arith.subf %add3A_73, %sub3A_108 : vector<64x256xf32>
    %add3A_110 = arith.constant 9.99999974E-6 : f32
    %add3A_111 = vector.broadcast %add3A_110 : f32 to vector<256xf32>
    %add3A_112 = arith.addf %select_n3A_106, %add3A_111 : vector<256xf32>
    %sqrt3A_113 = math.sqrt %add3A_112 : vector<256xf32>
    %broadcast_in_dim3A_114 = vector.shape_cast %sqrt3A_113 : vector<256xf32> to vector<1x256xf32>
    %div3A_115 = vector.broadcast %broadcast_in_dim3A_114 : vector<1x256xf32> to vector<64x256xf32>
    %div3A_116 = arith.divf %sub3A_109, %div3A_115 : vector<64x256xf32>
    %mul3A_117 = vector.broadcast %get3A_76 : vector<1x256xf32> to vector<64x256xf32>
    %mul3A_118 = arith.mulf %div3A_116, %mul3A_117 : vector<64x256xf32>
    %add3A_119 = vector.broadcast %get3A_79 : vector<1x256xf32> to vector<64x256xf32>
    %add3A_120 = arith.addf %mul3A_118, %add3A_119 : vector<64x256xf32>
    %max3A_121 = arith.constant 0.000000e+00 : f32
    %max3A_122 = vector.broadcast %max3A_121 : f32 to vector<64x256xf32>
    %max3A_123 = arith.maximumf %add3A_120, %max3A_122 : vector<64x256xf32>
    %get3A_124 = arith.constant 0 : index
    %get3A_125 = arith.constant 0 : index
    %get3A_126 = vector.load %arg9[%get3A_124, %get3A_125] : memref<256x128xf32, #tpu.memory_space<vmem>>, vector<256x128xf32>
    %dot_general3A_127 = arith.constant dense<0.000000e+00> : vector<64x128xf32>
    %dot_general3A_128 = tpu.matmul %max3A_123, %get3A_126, %dot_general3A_127 {dimension_numbers = #tpu.dot_dimension_numbers<[1], [0], [0], [1], [0, 0, 1, 1], [], []>, precision = #tpu.contract_precision<fp32>, transpose_lhs_hint = false} : vector<64x256xf32>, vector<256x128xf32>, vector<64x128xf32> -> vector<64x128xf32>
    %get3A_129 = arith.constant 0 : index
    %get3A_130 = arith.constant 0 : index
    %get3A_131 = vector.load %arg10[%get3A_129, %get3A_130] : memref<1x128xf32, #tpu.memory_space<vmem>>, vector<1x128xf32>
    %add3A_132 = vector.broadcast %get3A_131 : vector<1x128xf32> to vector<64x128xf32>
    %add3A_133 = arith.addf %dot_general3A_128, %add3A_132 : vector<64x128xf32>
    %get3A_134 = arith.constant 0 : index
    %get3A_135 = arith.constant 0 : index
    %get3A_136 = vector.load %arg11[%get3A_134, %get3A_135] : memref<1x128xf32, #tpu.memory_space<vmem>>, vector<1x128xf32>
    %get3A_137 = arith.constant 0 : index
    %get3A_138 = arith.constant 0 : index
    %get3A_139 = vector.load %arg12[%get3A_137, %get3A_138] : memref<1x128xf32, #tpu.memory_space<vmem>>, vector<1x128xf32>
    %reduce_sum3A_140 = arith.constant dense<0.000000e+00> : vector<128xf32>
    %reduce_sum3A_141 = vector.multi_reduction <add>, %add3A_133, %reduce_sum3A_140 [0] : vector<64x128xf32> to vector<128xf32>
    %div3A_142 = arith.constant 6.400000e+01 : f32
    %div3A_143 = vector.broadcast %div3A_142 : f32 to vector<128xf32>
    %div3A_144 = arith.divf %reduce_sum3A_141, %div3A_143 : vector<128xf32>
    %jit3A_145 = arith.constant 0 : i32
    %reduce_sum3A_146 = arith.constant dense<0.000000e+00> : vector<128xf32>
    %reduce_sum3A_147 = vector.multi_reduction <add>, %add3A_133, %reduce_sum3A_146 [0] : vector<64x128xf32> to vector<128xf32>
    %broadcast_in_dim3A_148 = vector.shape_cast %reduce_sum3A_147 : vector<128xf32> to vector<1x128xf32>
    %div3A_149 = arith.constant 6.400000e+01 : f32
    %div3A_150 = vector.broadcast %div3A_149 : f32 to vector<1x128xf32>
    %div3A_151 = arith.divf %broadcast_in_dim3A_148, %div3A_150 : vector<1x128xf32>
    %sub3A_152 = vector.broadcast %div3A_151 : vector<1x128xf32> to vector<64x128xf32>
    %sub3A_153 = arith.subf %add3A_133, %sub3A_152 : vector<64x128xf32>
    %square3A_154 = arith.mulf %sub3A_153, %sub3A_153 : vector<64x128xf32>
    %convert_element_type3A_155 = arith.sitofp %jit3A_145 : i32 to f32
    %sub3A_156 = arith.constant 6.400000e+01 : f32
    %sub3A_157 = arith.subf %sub3A_156, %convert_element_type3A_155 : f32
    %reduce_sum3A_158 = arith.constant dense<0.000000e+00> : vector<128xf32>
    %reduce_sum3A_159 = vector.multi_reduction <add>, %square3A_154, %reduce_sum3A_158 [0] : vector<64x128xf32> to vector<128xf32>
    %div3A_160 = vector.broadcast %sub3A_157 : f32 to vector<128xf32>
    %div3A_161 = arith.divf %reduce_sum3A_159, %div3A_160 : vector<128xf32>
    %gt3A_162 = arith.constant 0.000000e+00 : f32
    %gt3A_163 = arith.cmpf ogt, %sub3A_157, %gt3A_162 : f32
    %jit3A_164 = arith.constant 0x7FC00000 : f32
    %broadcast_in_dim3A_165 = vector.broadcast %jit3A_164 : f32 to vector<128xf32>
    %select_n3A_166 = arith.select %gt3A_163, %div3A_161, %broadcast_in_dim3A_165 : vector<128xf32>
    %broadcast_in_dim3A_167 = vector.shape_cast %div3A_144 : vector<128xf32> to vector<1x128xf32>
    %sub3A_168 = vector.broadcast %broadcast_in_dim3A_167 : vector<1x128xf32> to vector<64x128xf32>
    %sub3A_169 = arith.subf %add3A_133, %sub3A_168 : vector<64x128xf32>
    %add3A_170 = arith.constant 9.99999974E-6 : f32
    %add3A_171 = vector.broadcast %add3A_170 : f32 to vector<128xf32>
    %add3A_172 = arith.addf %select_n3A_166, %add3A_171 : vector<128xf32>
    %sqrt3A_173 = math.sqrt %add3A_172 : vector<128xf32>
    %broadcast_in_dim3A_174 = vector.shape_cast %sqrt3A_173 : vector<128xf32> to vector<1x128xf32>
    %div3A_175 = vector.broadcast %broadcast_in_dim3A_174 : vector<1x128xf32> to vector<64x128xf32>
    %div3A_176 = arith.divf %sub3A_169, %div3A_175 : vector<64x128xf32>
    %mul3A_177 = vector.broadcast %get3A_136 : vector<1x128xf32> to vector<64x128xf32>
    %mul3A_178 = arith.mulf %div3A_176, %mul3A_177 : vector<64x128xf32>
    %add3A_179 = vector.broadcast %get3A_139 : vector<1x128xf32> to vector<64x128xf32>
    %add3A_180 = arith.addf %mul3A_178, %add3A_179 : vector<64x128xf32>
    %max3A_181 = arith.constant 0.000000e+00 : f32
    %max3A_182 = vector.broadcast %max3A_181 : f32 to vector<64x128xf32>
    %max3A_183 = arith.maximumf %add3A_180, %max3A_182 : vector<64x128xf32>
    %get3A_184 = arith.constant 0 : index
    %get3A_185 = arith.constant 0 : index
    %get3A_186 = vector.load %arg13[%get3A_184, %get3A_185] : memref<128x1xf32, #tpu.memory_space<vmem>>, vector<128x1xf32>
    %dot_general3A_187 = arith.constant dense<0.000000e+00> : vector<64x1xf32>
    %dot_general3A_188 = tpu.matmul %max3A_183, %get3A_186, %dot_general3A_187 {dimension_numbers = #tpu.dot_dimension_numbers<[1], [0], [0], [1], [0, 0, 1, 1], [], []>, precision = #tpu.contract_precision<fp32>, transpose_lhs_hint = false} : vector<64x128xf32>, vector<128x1xf32>, vector<64x1xf32> -> vector<64x1xf32>
    %get3A_189 = arith.constant 0 : index
    %get3A_190 = arith.constant 0 : index
    %get3A_191 = vector.load %arg14[%get3A_189, %get3A_190] : memref<1x1xf32, #tpu.memory_space<vmem>>, vector<1x1xf32>
    %add3A_192 = vector.broadcast %get3A_191 : vector<1x1xf32> to vector<64x1xf32>
    %add3A_193 = arith.addf %dot_general3A_188, %add3A_192 : vector<64x1xf32>
    %swap3A = arith.constant 0 : index
    %swap3A_194 = arith.constant 0 : index
    %swap3A_195 = vector.load %arg15[%swap3A, %swap3A_194] : memref<64x1xf32, #tpu.memory_space<vmem>>, vector<64x1xf32>
    tpu.vector_store %arg15[%swap3A, %swap3A_194], %add3A_193 {strides = array<i32>} : memref<64x1xf32, #tpu.memory_space<vmem>>, vector<64x1xf32>,
    return
  }
}

</mosaic_0001>

<sc_bundles>
// kernel: kernel.19.cloned.1.call-start
scs
__scs_entry_jumppad:
0x0: {  	(pc) =	sbr.rel $0x88, $3  }
0x1: {  	(tag) =	ssettag $0x0;
	lr =	simm.s32 $0x1  }
0x2: {  	[smem:$0x3F8D] =	sst lr;
	_ =	strace $0xD0000000  }
0x3: {  	_ = 	snop  }
0x4: {  	_ = 	snop  }
0x5: {  	_ = 	snop  }
0x6: {  	_ = 	snop  }
0x7: {  	_ = 	snop  }
__scs_overlays_trampoline_lowered:
0x8: {  	[smem:$0x3F9C] =	sst s0  }
0x9: {  	[smem:$0x3F9D] =	sst s1  }
0xa: {  	[smem:$0x3F9E] =	sst s2  }
0xb: {  	[smem:$0x3F9F] =	sst s3  }
0xc: {  	[smem:$0x3FA0] =	sst s4  }
0xd: {  	[smem:$0x3FA1] =	sst s5  }
0xe: {  	[smem:$0x3FA2] =	sst s6  }
0xf: {  	[smem:$0x3FA3] =	sst s7  }
0x10: {  	[smem:$0x3FA4] =	sst s8  }
0x11: {  	[smem:$0x3FA5] =	sst s9;
	s0 =	simm.s32 @!p0 $0x0  }
0x12: {  	s1 =	sld [smem:$0x3F8B];
	s0 =	simm.s32 @p0 $0x1  }
0x13: {  	[smem:$0x3FA6] =	sst s0;
	s0 =	simm.s32 @!p1 $0x0  }
0x14: {  	s2 =	sld [smem:$0x3F8A];
	s0 =	simm.s32 @p1 $0x1  }
0x15: {  	[smem:$0x3FA7] =	sst s0;
	s0 =	simm.s32 @!p2 $0x0  }
0x16: {  	s3 =	sld [smem:$0x3FDB];
	s0 =	simm.s32 @p2 $0x1  }
0x17: {  	s4 =	simm.s32 $0x1BF5;
	[smem:$0x3FA9] =	sst s0  }
0x18: {  	s0 =	sld [smem:$0x3F8C];
	_ =	swait.ge [sflag:s4], $0x0  }
0x19: {  	s7 =	sld [smem:$0x3F8D]  }
0x1a: {  	s8 =	sadd.s32 $0xFFFFE003, lr  }
0x1b: {  	s9 =	sadd.s32 $0xFFFFFEF7, lr;
	s5 =	simm.s32 $0xFFFFFFFF;
	p2 =	slt.u32 s8, $0xFFFFF086  }
0x1c: {  	p1 =	slt.u32 s9, $0xF7A;
	s5 =	simm.s32 @!p2 $0x0  }
0x1d: {  	s5 =	simm.s32 @p1 $0x1;
	p0 =	seq.s32 s7, s2  }
0x1e: {  	s7 =	smul.u32 @!p0 $0xF7A, s2;
	p2 =	seq.s32 @!p0 s5, $0x0  }
0x1f: {  	s9 =	smul.u32 $0xF7A, s1;
	s8 =	simm.s32 @!p0 $0x1BF5;
	p2 =	por !p2, p0  }
0x20: {  	[sflag:s8] =	ssyncset.s32 @!p0 $0xFFFFF086;
	s6 =	sadd.s32 @!p0 s3, s7;
	s7 =	simm.s32 @!p0 $0x108  }
0x21: {  	s3 =	sadd.s32 s3, s9;
	s6 =	sadd.s32 @!p0 $0x88, s6;
	s7 =	simm.s32 @p2 $0x1082  }
0x22: {  	[simem:s7], [sflag:s8] =	dma.local @!p0 [hbm:s6], $0xF7A  }
0x23: {  	s9 =	sor.u32 $0xD0000000, s2;
	s6 =	simm.s32 $0x108;
	_ =	swait.ge @!p0 [sflag:s8], $0x0  }
0x24: {  	s3 =	sadd.s32 $0x88, s3;
	s6 =	simm.s32 @!p1 $0x1082;
	[sflag:s4] =	ssyncset.s32 $0xFFFFF086  }
0x25: {  	[simem:s6], [sflag:s4] =	dma.local [hbm:s3], $0xF7A  }
0x26: {  	[smem:$0x3F8D] =	sst s1;
	(tag) =	ssettag s2;
	_ =	strace s9  }
0x27: {  	s1 =	sld [smem:$0x3F9D]  }
0x28: {  	s2 =	sld [smem:$0x3F9E]  }
0x29: {  	s4 =	sld [smem:$0x3FA0]  }
0x2a: {  	p0 =	seq.s32 s5, $0x0;
	s5 =	sld [smem:$0x3FA1]  }
0x2b: {  	s6 =	sld [smem:$0x3FA2]  }
0x2c: {  	s7 =	sld [smem:$0x3FA3]  }
0x2d: {  	s3 =	simm.s32 $0x108;
	s8 =	sld [smem:$0x3FA4]  }
0x2e: {  	s3 =	simm.s32 @!p0 $0x1082;
	s9 =	sld [smem:$0x3FA5]  }
0x2f: {  	lr =	sadd.s32 s0, s3;
	s0 =	sld [smem:$0x3F9C]  }
0x30: {  	s3 =	sld [smem:$0x3F9F]  }
0x31: {  	[smem:$0x3FA8] =	sst s10  }
0x32: {  	s10 =	sld [smem:$0x3FA6];
	_ =	sdelay $0x3  }
0x33: {  	p0 =	seq.s32 s10, $0x1;
	s10 =	sld [smem:$0x3FA8];
	_ =	sdelay $0x3  }
0x34: {  	[smem:$0x3FA8] =	sst s10  }
0x35: {  	s10 =	sld [smem:$0x3FA7];
	_ =	sdelay $0x3  }
0x36: {  	p1 =	seq.s32 s10, $0x1;
	s10 =	sld [smem:$0x3FA8];
	_ =	sdelay $0x3  }
0x37: {  	[smem:$0x3FA8] =	sst s10  }
0x38: {  	s10 =	sld [smem:$0x3FA9]  }
0x39: {  	_ = 	snop;
	(pc) =	sbr.ind lr, $3  }
0x3a: {  	_ = 	snop  }
0x3b: {  	_ = 	snop  }
0x3c: {  	p2 =	seq.s32 s10, $0x1;
	s10 =	sld [smem:$0x3FA8]  }
0x3d: {  	_ =	shalt  }
0x3e: {  	_ =	shalt  }
0x3f: {  	_ =	shalt  }
0x40: {  	_ =	shalt  }
0x41: {  	_ =	shalt  }
0x42: {  	_ =	shalt  }
0x43: {  	_ =	shalt  }
0x44: {  	_ =	shalt  }
0x45: {  	_ =	shalt  }
0x46: {  	_ =	shalt  }
0x47: {  	_ =	shalt  }
0x48: {  	_ =	shalt  }
0x49: {  	_ =	shalt  }
0x4a: {  	_ =	shalt  }
0x4b: {  	_ =	shalt  }
0x4c: {  	_ =	shalt  }
0x4d: {  	_ =	shalt  }
0x4e: {  	_ =	shalt  }
0x4f: {  	_ =	shalt  }
0x50: {  	_ =	shalt  }
0x51: {  	_ =	shalt  }
0x52: {  	_ =	shalt  }
0x53: {  	_ =	shalt  }
0x54: {  	_ =	shalt  }
0x55: {  	_ =	shalt  }
0x56: {  	_ =	shalt  }
0x57: {  	_ =	shalt  }
0x58: {  	_ =	shalt  }
0x59: {  	_ =	shalt  }
0x5a: {  	_ =	shalt  }
0x5b: {  	_ =	shalt  }
0x5c: {  	_ =	shalt  }
0x5d: {  	_ =	shalt  }
0x5e: {  	_ =	shalt  }
0x5f: {  	_ =	shalt  }
0x60: {  	_ =	shalt  }
0x61: {  	_ =	shalt  }
0x62: {  	_ =	shalt  }
0x63: {  	_ =	shalt  }
0x64: {  	_ =	shalt  }
0x65: {  	_ =	shalt  }
0x66: {  	_ =	shalt  }
0x67: {  	_ =	shalt  }
0x68: {  	_ =	shalt  }
0x69: {  	_ =	shalt  }
0x6a: {  	_ =	shalt  }
0x6b: {  	_ =	shalt  }
0x6c: {  	_ =	shalt  }
0x6d: {  	_ =	shalt  }
0x6e: {  	_ =	shalt  }
0x6f: {  	_ =	shalt  }
0x70: {  	_ =	shalt  }
0x71: {  	_ =	shalt  }
0x72: {  	_ =	shalt  }
0x73: {  	_ =	shalt  }
0x74: {  	_ =	shalt  }
0x75: {  	_ =	shalt  }
0x76: {  	_ =	shalt  }
0x77: {  	_ =	shalt  }
0x78: {  	_ =	shalt  }
0x79: {  	_ =	shalt  }
0x7a: {  	_ =	shalt  }
0x7b: {  	_ =	shalt  }
0x7c: {  	_ =	shalt  }
0x7d: {  	_ =	shalt  }
0x7e: {  	_ =	shalt  }
0x7f: {  	_ =	shalt  }
0x80: {  	_ =	shalt  }
0x81: {  	_ =	shalt  }
0x82: {  	_ =	shalt  }
0x83: {  	_ =	shalt  }
0x84: {  	_ =	shalt  }
0x85: {  	_ =	shalt  }
0x86: {  	_ =	shalt  }
0x87: {  	_ =	shalt  }
.Lfunc_end0:
.L_simem_size_0:
called_computation_lowered:
.L_overlay_start_0:
0x88: {  	s2 =	sld [smem:$0x3FD9]  }
0x89: {  	s3 =	sld [smem:$0x3FFE];
	_ =	sdelay $0x1  }
0x8a: {  	s1 =	srdreg.scid  }
0x8b: {  	s0 =	sand.u32 $0x1, s1  }
0x8c: {  	s16 =	sshll.u32 s0, $0xA;
	s2 =	sadd.s32 s3, s2  }
0x8d: {  	s2 =	sadd.s32 s2, s16  }
0x8e: {  	[smem:$0x3FB4] =	sst s2  }
0x8f: {  	_ = 	snop  }
0x90: {  	(tm) =	ssettm $0x1  }
0x91: {  	s17 =	sld [smem:$0x3FFB];
	_ =	sdelay $0x3  }
0x92: {  	_ =	strace s17  }
0x93: {  	s2 =	sld [smem:$0x3FFC];
	_ =	sdelay $0x3  }
0x94: {  	_ =	strace s2  }
0x95: {  	s2 =	sld [smem:$0x3FFD];
	_ =	sdelay $0x3  }
0x96: {  	_ =	strace s2  }
0x97: {  	_ =	strace $0x8FFFFFFF  }
0x98: {  	s18 =	sld [smem:$0x3FDB];
	_ =	sdelay $0x1  }
0x99: {  	s19 =	simm.s32 $_scs_section_size  }
0x9a: {  	s4 =	simm.s32 $_size__tile_overlayer_lowered;
	s5 =	simm.s32 $_tile_overlayer_lowered  }
0x9b: {  	s22 =	simm.s32 $0x1BFF;
	s21 =	sshll.u32 s5, $0x1;
	s2 =	sadd.s32 s19, s18  }
0x9c: {  	s6 =	simm.s32 $0x0;
	s20 =	sshll.u32 s4, $0x1;
	s4 =	sadd.s32 s21, s2  }
0x9d: {  	[timem:s6], [sflag:s22] =	dma.local [hbm:s4], s20  }
0x9e: {  	_ =	swait.ge [sflag:s22], s20  }
0x9f: {  	s3 =	ssub.s32 $0x0, s20;
	[sflag:s22] =	ssyncset.done $0x0  }
0xa0: {  	[sflag:s22] =	ssyncadd.s32 s3;
	_ =	sdelay $0x1  }
0xa1: {  	s23 =	simm.s32 $0x1B8B  }
0xa2: {  	_ =	swait.ge [sflag:s23], $0x1  }
0xa3: {  	[sflag:s23] =	ssyncset.done $0x0  }
0xa4: {  	s25 =	simm.s32 $0x1B8E;
	s24 =	sld [smem:$0x3FFE];
	[sflag:s23] =	ssyncadd.s32 $0xFFFFFFFF  }
0xa5: {  	s26 =	simm.s32 $execute0_lowered;
	[smem:$0x3FD2] =	sst s25  }
0xa6: {  	s4 =	sshll.u32 s26, $0x1;
	_ =	strace $0x80000046;
	[dreg:$0x1] =	wrdreg $0xFFFFFFFF  }
0xa7: {  	s28 =	simm.s32 $_size_execute0_lowered;
	s2 =	sadd.s32 s2, s4;
	[dreg:$0x0] =	wrdreg $0x0  }
0xa8: {  	s4 =	sshll.u32 s28, $0x1;
	[dreg:$0x2] =	wrdreg s2  }
0xa9: {  	[dreg:$0x3] =	wrdreg s4  }
0xaa: {  	[dreg:$0x4] =	wrdreg $0xC0  }
0xab: {  	_ =	task [dreg:s6], $0x5FFFF  }
0xac: {  	[dreg:$0x1] =	wrdreg $0xFFFFFFFF  }
0xad: {  	[dreg:$0x0] =	wrdreg $0x60  }
0xae: {  	[dreg:$0x2] =	wrdreg s24  }
0xaf: {  	[dreg:$0x3] =	wrdreg $0x9  }
0xb0: {  	_ =	task.clear_ibuf [dreg:s6], $0x4FFFF;
	_ =	strace $0x90000046  }
0xb1: {  	s29 =	simm.s32 $0x9;
	_ =	strace $0x80000048  }
0xb2: {  	_ =	swait.ge [sflag:s29], $0x1  }
0xb3: {  	[sflag:s29] =	ssyncadd.s32 $0xFFFFFFFF  }
0xb4: {  	_ =	strace $0x90000048  }
0xb5: {  	_ =	sfence  }
0xb6: {  	s30 =	sld [smem:$0x0];
	_ =	sdelay $0x2  }
0xb7: {  	s31 =	sshll.u32 s1, $0xD;
	s1 =	sshrl.u32 s1, $0x2  }
0xb8: {  	s3 =	sand.u32 $0x4000, s31;
	s1 =	sadd.s32 s1, s30  }
0xb9: {  	s0 =	sor.u32 s3, s0;
	s1 =	sshll.u32 s1, $0x11  }
0xba: {  	s0 =	sor.u32 s1, s0  }
0xbb: {  	s0 =	sadd.s32 $0x8F2B, s0  }
0xbc: {  	[sflag:s0] =	ssyncadd.remote.s32 $0x1  }
0xbd: {  	_ =	sfence.sel $0xFFFF  }
0xbe: {  	[dreg:$0x0] =	wrdreg $0xFFFFFFFF;
	(pc) =	sbr.abs _section_cstart, $3  }
0xbf: {  	[dreg:$0x1] =	wrdreg $0xFFFFFFFF  }
0xc0: {  	_ =	task.clear_ibuf [dreg:s6], $0x2FFFF;
	_ =	strace $0x9FFFFFFF  }
0xc1: {  	(tm) =	ssettm $0x7FFFFFFF  }
tec
execute0_lowered:
.L_overlay_start_1:
0x0: {  	(tag) =	ssettag $0x1  }
0x1: {  	s0 =	rddreg [dreg:$0x0];
	s2 =	simm.s32 $0x0  }
0x2: {  	s1 =	srdreg.scid;
	s11 =	stileid.u32;
	s13 =	simm.s32 $0x8000  }
0x3: {  	s14 =	simm.s32 $0x28;
	s15 =	simm.s32 $0x10000;
	s16 =	simm.s32 $0x11400  }
0x4: {  	s18 =	simm.s32 $0x12800;
	s20 =	simm.s32 $0x13C00;
	s21 =	simm.s32 $0x1  }
0x5: {  	s28 =	simm.s32 $0x5;
	s29 =	simm.s32 $0x6;
	s30 =	simm.s32 $0x0  }
0x6: {  	[smem:$0x7FF] =	sst s2;
	s1 =	sand.u32 $0x1, s1;
	s5 =	sshll.u32 s11, $0x1  }
0x7: {  	s3 =	sadd.s32 $0x53000, s0;
	s4 =	sadd.s32 $0x7A200, s0;
	s9 =	sadd.s32 $0xA1400, s0  }
0x8: {  	s11 =	smul.u32 $0x4E200, s11;
	_ =	strace $0x80000047;
	s5 =	sor.u32 s1, s5  }
0x9: {  	s7 =	ssub.s32 $0x2, s1;
	s1 =	smul.u32 $0x27100, s1;
	s6 =	sshll.u32 s5, $0xC  }
0xa: {  	s5 =	smul.u32 $0x138800, s5;
	s8 =	sshrl.u32 s7, $0x1;
	s6 =	sadd.s32 s6, s0  }
0xb: {  	s12 =	sadd.s32 s11, s9;
	s0 =	sadd.s32 $0x583400, s0;
	s23 =	sadd.s32 $0xD000, s6  }
0xc: {  	s22 =	sshrl.u32 s5, $0x3;
	s25 =	sadd.s32 $0x2D000, s6;
	[dreg:$0x2] =	wrdreg s23  }
0xd: {  	s10 =	ssub.s32 s7, s8;
	s24 =	sadd.s32 $0x26E80, s22;
	[dreg:$0x3] =	wrdreg s25  }
.Ltmp0:
0xe: {  	s22 =	simm.s32 $0x16400;
	s23 =	simm.s32 $0x2;
	(pc) =	sbr.rel .LBB2_1-.Ltmp0, $4  }
0xf: {  	s25 =	simm.s32 $0x3;
	s26 =	sadd.s32 s9, s24;
	s31 =	sadd.s32 s0, s24  }
0x10: {  	s0 =	sadd.s32 s11, s0;
	s9 =	smax.u32 s10, $0x1;
	s10 =	sadd.s32 s1, s12  }
0x11: {  	s12 =	simm.s32 $0x7;
	s24 =	simm.s32 $0x4;
	[dreg:$0x4] =	wrdreg s26  }
0x12: {  	[dreg:$0x5] =	wrdreg s31;
	s11 =	sadd.s32 s1, s0;
	s26 =	simm.s32 $0x15000  }
.LBB2_4:
0x13: {  	_ =	swait.ge [sflag:s21], $0x1400  }
0x14: {  	[sflag:s21] =	ssyncset.done $0x0  }
0x15: {  	[sflag:s21] =	ssyncadd.s32 $0xFFFFEC00  }
0x16: {  	_ =	swait.ge [sflag:s21], $0x1400  }
0x17: {  	[sflag:s21] =	ssyncset.done $0x0  }
0x18: {  	s0 =	rddreg [dreg:$0x4];
	[sflag:s21] =	ssyncadd.s32 $0xFFFFEC00  }
0x19: {  	[hbm4b:s0+s2] =	stream.linear.scatter [tilespmem:s15], [sflag:$0x4], $0x1400, $0x38;
	[tilespmem:$0x17800] =	vst v63  }
0x1a: {  	s31 =	rddreg [dreg:$0x5]  }
0x1b: {  	[hbm4b:s31+s2] =	stream.linear.scatter [tilespmem:s16], [sflag:$0x4], $0x1400, $0x38;
	[tilespmem:$0x17800] =	vst v63  }
0x1c: {  	_ =	swait.ge [sflag:s29], $0x1400  }
0x1d: {  	[sflag:s29] =	ssyncset.done $0x0  }
0x1e: {  	[sflag:s29] =	ssyncadd.s32 $0xFFFFEC00  }
0x1f: {  	_ =	swait.ge [sflag:s29], $0x1400  }
0x20: {  	[sflag:s29] =	ssyncset.done $0x0  }
0x21: {  	s30 =	sadd.s32 $0x1, s30;
	[sflag:s29] =	ssyncadd.s32 $0xFFFFEC00  }
0x22: {  	p0 =	sne.s32 s30, s9;
	_ =	swait.ge [sflag:s24], $0x1400  }
.Ltmp1:
0x23: {  	[sflag:s24] =	ssyncset.done $0x0;
	(pc) =	sbr.rel @!p0 .LBB2_5-.Ltmp1, $4  }
0x24: {  	[sflag:s24] =	ssyncadd.s32 $0xFFFFEC00  }
0x25: {  	_ =	swait.ge [sflag:s24], $0x1400  }
0x26: {  	[sflag:s24] =	ssyncset.done $0x0  }
0x27: {  	[sflag:s24] =	ssyncadd.s32 $0xFFFFEC00  }
.LBB2_1:
0x28: {  	s0 =	rddreg [dreg:$0x2]  }
0x29: {  	[tilespmem:s2], [sflag:$0x7] =	stream.linear.gather [hbm4b:s0+s2], $0x7D00, $0x38;
	[tilespmem:$0x17800] =	vst v63  }
0x2a: {  	_ =	swait.ge [sflag:s12], $0x7D00  }
0x2b: {  	[sflag:s12] =	ssyncset.done $0x0  }
0x2c: {  	s8 =	rddreg [dreg:$0x3];
	[sflag:s12] =	ssyncadd.s32 $0xFFFF8300  }
0x2d: {  	[tilespmem:s13], [sflag:$0x7] =	stream.linear.gather [hbm4b:s8+s2], $0x7D00, $0x38;
	[tilespmem:$0x17800] =	vst v63  }
0x2e: {  	_ =	swait.ge [sflag:s12], $0x7D00  }
0x2f: {  	[sflag:s12] =	ssyncset.done $0x0  }
0x30: {  	[sflag:s12] =	ssyncadd.s32 $0xFFFF8300  }
0x31: {  	[tilespmem:s15], [sflag:$0x1] =	stream.indirect.gather [hbm4b:s3+s14], $0x80, s2, s14, $0xb8;
	[tilespmem:$0x17800] =	vst v63  }
0x32: {  	_ = 	snop  }
0x33: {  	[tilespmem:s16], [sflag:$0x1] =	stream.indirect.gather [hbm4b:s4+s14], $0x80, s13, s14, $0xb8;
	[tilespmem:$0x17800] =	vst v63  }
0x34: {  	s17 =	simm.s32 $0x80  }
0x35: {  	[tilespmem:s18], [sflag:$0x2] =	stream.indirect.gather [hbm4b:s3+s14], $0x80, s17, s14, $0xb8;
	[tilespmem:$0x17800] =	vst v63  }
0x36: {  	s19 =	simm.s32 $0x8080;
	s31 =	simm.s32 $0x8100  }
0x37: {  	[tilespmem:s20], [sflag:$0x2] =	stream.indirect.gather [hbm4b:s4+s14], $0x80, s19, s14, $0xb8;
	[tilespmem:$0x17800] =	vst v63  }
0x38: {  	s1 =	simm.s32 $0x0;
	s0 =	simm.s32 $0x100;
	s19 =	simm.s32 $0x0  }
.LBB2_2:
0x39: {  	_ =	swait.ge [sflag:s21], $0x1400  }
0x3a: {  	[sflag:s21] =	ssyncset.done $0x0  }
0x3b: {  	[sflag:s21] =	ssyncadd.s32 $0xFFFFEC00  }
0x3c: {  	_ =	swait.ge [sflag:s21], $0x1400  }
0x3d: {  	[sflag:s21] =	ssyncset.done $0x0  }
0x3e: {  	s5 =	sadd.s32 s1, s10;
	[sflag:s21] =	ssyncadd.s32 $0xFFFFEC00  }
0x3f: {  	[hbm4b:s5+s2] =	stream.linear.scatter [tilespmem:s15], [sflag:$0x4], $0x1400, $0x38;
	[tilespmem:$0x17800] =	vst v63  }
0x40: {  	s6 =	sadd.s32 s1, s11;
	p0 =	seq.s32 s1, $0x0  }
0x41: {  	[hbm4b:s6+s2] =	stream.linear.scatter [tilespmem:s16], [sflag:$0x4], $0x1400, $0x38;
	[tilespmem:$0x17800] =	vst v63  }
0x42: {  	s17 =	simm.s32 @p0 $0x28;
	s7 =	simm.s32 @p0 $0x100;
	s8 =	simm.s32 @p0 $0x15000  }
0x43: {  	[tilespmem:s8], [sflag:$0x3] =	stream.indirect.gather @p0 [hbm4b:s3+s17], $0x80, s7, s17, $0xb8;
	[tilespmem:$0x17800] =	vst v63  }
0x44: {  	s7 =	simm.s32 @!p0 $0x6  }
0x45: {  	_ =	swait.ge @!p0 [sflag:s7], $0x1400  }
0x46: {  	[sflag:s7] =	ssyncset.done @!p0 $0x0  }
0x47: {  	[sflag:s7] =	ssyncadd.s32 @!p0 $0xFFFFEC00  }
0x48: {  	_ =	swait.ge @!p0 [sflag:s7], $0x1400  }
0x49: {  	[sflag:s7] =	ssyncset.done @!p0 $0x0  }
0x4a: {  	s8 =	simm.s32 @!p0 $0x15000;
	[sflag:s7] =	ssyncadd.s32 @!p0 $0xFFFFEC00;
	s7 =	simm.s32 @!p0 $0x28  }
0x4b: {  	[tilespmem:s8], [sflag:$0x3] =	stream.indirect.gather @!p0 [hbm4b:s3+s7], $0x80, s0, s7, $0xb8;
	[tilespmem:$0x17800] =	vst v63  }
0x4c: {  	s7 =	smov.u32 s31  }
0x4d: {  	s7 =	simm.s32 @p0 $0x8100  }
0x4e: {  	[tilespmem:s22], [sflag:$0x3] =	stream.indirect.gather [hbm4b:s4+s14], $0x80, s7, s14, $0xb8;
	[tilespmem:$0x17800] =	vst v63  }
0x4f: {  	_ =	swait.ge [sflag:s23], $0x1400  }
0x50: {  	[sflag:s23] =	ssyncset.done $0x0  }
0x51: {  	[sflag:s23] =	ssyncadd.s32 $0xFFFFEC00  }
0x52: {  	_ =	swait.ge [sflag:s23], $0x1400  }
0x53: {  	[sflag:s23] =	ssyncset.done $0x0  }
0x54: {  	s8 =	sadd.s32 $0x280, s5;
	[sflag:s23] =	ssyncadd.s32 $0xFFFFEC00  }
0x55: {  	[hbm4b:s8+s2] =	stream.linear.scatter [tilespmem:s18], [sflag:$0x5], $0x1400, $0x38;
	[tilespmem:$0x17800] =	vst v63  }
0x56: {  	s17 =	sadd.s32 $0x280, s6  }
0x57: {  	[hbm4b:s17+s2] =	stream.linear.scatter [tilespmem:s20], [sflag:$0x5], $0x1400, $0x38;
	[tilespmem:$0x17800] =	vst v63  }
0x58: {  	_ =	swait.ge [sflag:s24], $0x1400  }
0x59: {  	[sflag:s24] =	ssyncset.done $0x0  }
0x5a: {  	[sflag:s24] =	ssyncadd.s32 $0xFFFFEC00  }
0x5b: {  	s17 =	smov.u32 s19;
	_ =	swait.ge [sflag:s24], $0x1400  }
0x5c: {  	s17 =	simm.s32 @p0 $0x0;
	[sflag:s24] =	ssyncset.done $0x0  }
0x5d: {  	s8 =	sadd.s32 $0x180, s17;
	[sflag:s24] =	ssyncadd.s32 $0xFFFFEC00  }
0x5e: {  	[tilespmem:s15], [sflag:$0x1] =	stream.indirect.gather [hbm4b:s3+s14], $0x80, s8, s14, $0xb8;
	[tilespmem:$0x17800] =	vst v63  }
0x5f: {  	s8 =	sadd.s32 $0x8180, s17  }
0x60: {  	[tilespmem:s16], [sflag:$0x1] =	stream.indirect.gather [hbm4b:s4+s14], $0x80, s8, s14, $0xb8;
	[tilespmem:$0x17800] =	vst v63  }
0x61: {  	_ =	swait.ge [sflag:s25], $0x1400  }
0x62: {  	[sflag:s25] =	ssyncset.done $0x0  }
0x63: {  	[sflag:s25] =	ssyncadd.s32 $0xFFFFEC00  }
0x64: {  	_ =	swait.ge [sflag:s25], $0x1400  }
0x65: {  	[sflag:s25] =	ssyncset.done $0x0  }
0x66: {  	s5 =	sadd.s32 $0x500, s5;
	[sflag:s25] =	ssyncadd.s32 $0xFFFFEC00  }
0x67: {  	[hbm4b:s5+s2] =	stream.linear.scatter [tilespmem:s26], [sflag:$0x6], $0x1400, $0x38;
	[tilespmem:$0x17800] =	vst v63  }
0x68: {  	s8 =	sadd.s32 $0x500, s6  }
0x69: {  	[hbm4b:s8+s2] =	stream.linear.scatter [tilespmem:s22], [sflag:$0x6], $0x1400, $0x38;
	[tilespmem:$0x17800] =	vst v63  }
0x6a: {  	p0 =	seq.s32 s1, $0x26700;
	_ =	swait.ge [sflag:s28], $0x1400  }
.Ltmp2:
0x6b: {  	[sflag:s28] =	ssyncset.done $0x0;
	(pc) =	sbr.rel @p0 .LBB2_4-.Ltmp2, $4  }
0x6c: {  	[sflag:s28] =	ssyncadd.s32 $0xFFFFEC00  }
0x6d: {  	_ =	swait.ge [sflag:s28], $0x1400  }
0x6e: {  	[sflag:s28] =	ssyncset.done $0x0  }
0x6f: {  	[sflag:s28] =	ssyncadd.s32 $0xFFFFEC00  }
.Ltmp3:
0x70: {  	(pc) =	sbr.rel .LBB2_2-.Ltmp3, $4  }
0x71: {  	s5 =	sadd.s32 $0x200, s17;
	s17 =	sadd.s32 $0x8200, s17;
	s19 =	sadd.s32 $0x180, s19  }
0x72: {  	[tilespmem:s18], [sflag:$0x2] =	stream.indirect.gather [hbm4b:s3+s14], $0x80, s5, s14, $0xb8;
	[tilespmem:$0x17800] =	vst v63  }
0x73: {  	s31 =	sadd.s32 $0x180, s31;
	s0 =	sadd.s32 $0x180, s0;
	s1 =	sadd.s32 $0x780, s1  }
0x74: {  	[tilespmem:s20], [sflag:$0x2] =	stream.indirect.gather [hbm4b:s4+s14], $0x80, s17, s14, $0xb8;
	[tilespmem:$0x17800] =	vst v63  }
.LBB2_5:
0x75: {  	_ =	sfence.sel $0x180000  }
0x76: {  	[bflag:$0x0] =	sbarrier.arrive $0xFFFF  }
0x77: {  	_ =	strace $0x90000047  }
0x78: {  	s0 =	stileid.u32;
	[bflag:$0x2] =	sbarrier.arrive $0xFFFF  }
0x79: {  	p0 =	sne.s32 s0, $0x0;
	s0 =	rddreg [dreg:$0x1]  }
0x7a: {  	s0 =	sadd.s32 @!p0 $0x100000, s0  }
0x7b: {  	[sflag:s0] =	ssyncadd.tile.s32 @!p0 $0x1;
	_ =	shalt  }
.Lfunc_end2:
_tile_overlayer_lowered:
.L_overlay_start_2:
0x7c: {  	(tag) =	ssettag $0x2  }
0x7d: {  	s0 =	rddreg [dreg:$0x0];
	s2 =	stileid.u32  }
0x7e: {  	s1 =	rddreg [dreg:$0x1];
	p0 =	sne.s32 s2, $0x0  }
0x7f: {  	s3 =	rddreg [dreg:$0x2];
	[bflag:$0x3] =	sbarrier.arrive $0xFFFF;
	s2 =	simm.s32 @!p0 $0x1C07  }
0x80: {  	[timem:s3], [sflag:s2] =	dma.local @!p0 [hbm:s0], s1  }
0x81: {  	s0 =	simm.s32 @!p0 $0x7  }
0x82: {  	_ =	swait.ge @!p0 [sflag:s0], s1  }
0x83: {  	s1 =	ssub.s32 @!p0 $0x0, s1;
	[sflag:s0] =	ssyncset.done @!p0 $0x0  }
0x84: {  	[sflag:s0] =	ssyncadd.s32 @!p0 s1  }
0x85: {  	[bflag:$0x3] =	sbarrier.arrive $0xFFFF  }
0x86: {  	_ =	shalt  }

// kernel: kernel.22.cloned.1.call-start
scs
__scs_entry_jumppad:
0x0: {  	(pc) =	sbr.rel $0x88, $3  }
0x1: {  	(tag) =	ssettag $0x0;
	lr =	simm.s32 $0x1  }
0x2: {  	[smem:$0x3F8D] =	sst lr;
	_ =	strace $0xD0000000  }
0x3: {  	_ = 	snop  }
0x4: {  	_ = 	snop  }
0x5: {  	_ = 	snop  }
0x6: {  	_ = 	snop  }
0x7: {  	_ = 	snop  }
__scs_overlays_trampoline_lowered:
0x8: {  	[smem:$0x3F9C] =	sst s0  }
0x9: {  	[smem:$0x3F9D] =	sst s1  }
0xa: {  	[smem:$0x3F9E] =	sst s2  }
0xb: {  	[smem:$0x3F9F] =	sst s3  }
0xc: {  	[smem:$0x3FA0] =	sst s4  }
0xd: {  	[smem:$0x3FA1] =	sst s5  }
0xe: {  	[smem:$0x3FA2] =	sst s6  }
0xf: {  	[smem:$0x3FA3] =	sst s7  }
0x10: {  	[smem:$0x3FA4] =	sst s8  }
0x11: {  	[smem:$0x3FA5] =	sst s9;
	s0 =	simm.s32 @!p0 $0x0  }
0x12: {  	s1 =	sld [smem:$0x3F8B];
	s0 =	simm.s32 @p0 $0x1  }
0x13: {  	[smem:$0x3FA6] =	sst s0;
	s0 =	simm.s32 @!p1 $0x0  }
0x14: {  	s2 =	sld [smem:$0x3F8A];
	s0 =	simm.s32 @p1 $0x1  }
0x15: {  	[smem:$0x3FA7] =	sst s0;
	s0 =	simm.s32 @!p2 $0x0  }
0x16: {  	s3 =	sld [smem:$0x3FDB];
	s0 =	simm.s32 @p2 $0x1  }
0x17: {  	s4 =	simm.s32 $0x1BF5;
	[smem:$0x3FA9] =	sst s0  }
0x18: {  	s0 =	sld [smem:$0x3F8C];
	_ =	swait.ge [sflag:s4], $0x0  }
0x19: {  	s7 =	sld [smem:$0x3F8D]  }
0x1a: {  	s8 =	sadd.s32 $0xFFFFE003, lr  }
0x1b: {  	s9 =	sadd.s32 $0xFFFFFEF7, lr;
	s5 =	simm.s32 $0xFFFFFFFF;
	p2 =	slt.u32 s8, $0xFFFFF086  }
0x1c: {  	p1 =	slt.u32 s9, $0xF7A;
	s5 =	simm.s32 @!p2 $0x0  }
0x1d: {  	s5 =	simm.s32 @p1 $0x1;
	p0 =	seq.s32 s7, s2  }
0x1e: {  	s7 =	smul.u32 @!p0 $0xF7A, s2;
	p2 =	seq.s32 @!p0 s5, $0x0  }
0x1f: {  	s9 =	smul.u32 $0xF7A, s1;
	s8 =	simm.s32 @!p0 $0x1BF5;
	p2 =	por !p2, p0  }
0x20: {  	[sflag:s8] =	ssyncset.s32 @!p0 $0xFFFFF086;
	s6 =	sadd.s32 @!p0 s3, s7;
	s7 =	simm.s32 @!p0 $0x108  }
0x21: {  	s3 =	sadd.s32 s3, s9;
	s6 =	sadd.s32 @!p0 $0x88, s6;
	s7 =	simm.s32 @p2 $0x1082  }
0x22: {  	[simem:s7], [sflag:s8] =	dma.local @!p0 [hbm:s6], $0xF7A  }
0x23: {  	s9 =	sor.u32 $0xD0000000, s2;
	s6 =	simm.s32 $0x108;
	_ =	swait.ge @!p0 [sflag:s8], $0x0  }
0x24: {  	s3 =	sadd.s32 $0x88, s3;
	s6 =	simm.s32 @!p1 $0x1082;
	[sflag:s4] =	ssyncset.s32 $0xFFFFF086  }
0x25: {  	[simem:s6], [sflag:s4] =	dma.local [hbm:s3], $0xF7A  }
0x26: {  	[smem:$0x3F8D] =	sst s1;
	(tag) =	ssettag s2;
	_ =	strace s9  }
0x27: {  	s1 =	sld [smem:$0x3F9D]  }
0x28: {  	s2 =	sld [smem:$0x3F9E]  }
0x29: {  	s4 =	sld [smem:$0x3FA0]  }
0x2a: {  	p0 =	seq.s32 s5, $0x0;
	s5 =	sld [smem:$0x3FA1]  }
0x2b: {  	s6 =	sld [smem:$0x3FA2]  }
0x2c: {  	s7 =	sld [smem:$0x3FA3]  }
0x2d: {  	s3 =	simm.s32 $0x108;
	s8 =	sld [smem:$0x3FA4]  }
0x2e: {  	s3 =	simm.s32 @!p0 $0x1082;
	s9 =	sld [smem:$0x3FA5]  }
0x2f: {  	lr =	sadd.s32 s0, s3;
	s0 =	sld [smem:$0x3F9C]  }
0x30: {  	s3 =	sld [smem:$0x3F9F]  }
0x31: {  	[smem:$0x3FA8] =	sst s10  }
0x32: {  	s10 =	sld [smem:$0x3FA6];
	_ =	sdelay $0x3  }
0x33: {  	p0 =	seq.s32 s10, $0x1;
	s10 =	sld [smem:$0x3FA8];
	_ =	sdelay $0x3  }
0x34: {  	[smem:$0x3FA8] =	sst s10  }
0x35: {  	s10 =	sld [smem:$0x3FA7];
	_ =	sdelay $0x3  }
0x36: {  	p1 =	seq.s32 s10, $0x1;
	s10 =	sld [smem:$0x3FA8];
	_ =	sdelay $0x3  }
0x37: {  	[smem:$0x3FA8] =	sst s10  }
0x38: {  	s10 =	sld [smem:$0x3FA9]  }
0x39: {  	_ = 	snop;
	(pc) =	sbr.ind lr, $3  }
0x3a: {  	_ = 	snop  }
0x3b: {  	_ = 	snop  }
0x3c: {  	p2 =	seq.s32 s10, $0x1;
	s10 =	sld [smem:$0x3FA8]  }
0x3d: {  	_ =	shalt  }
0x3e: {  	_ =	shalt  }
0x3f: {  	_ =	shalt  }
0x40: {  	_ =	shalt  }
0x41: {  	_ =	shalt  }
0x42: {  	_ =	shalt  }
0x43: {  	_ =	shalt  }
0x44: {  	_ =	shalt  }
0x45: {  	_ =	shalt  }
0x46: {  	_ =	shalt  }
0x47: {  	_ =	shalt  }
0x48: {  	_ =	shalt  }
0x49: {  	_ =	shalt  }
0x4a: {  	_ =	shalt  }
0x4b: {  	_ =	shalt  }
0x4c: {  	_ =	shalt  }
0x4d: {  	_ =	shalt  }
0x4e: {  	_ =	shalt  }
0x4f: {  	_ =	shalt  }
0x50: {  	_ =	shalt  }
0x51: {  	_ =	shalt  }
0x52: {  	_ =	shalt  }
0x53: {  	_ =	shalt  }
0x54: {  	_ =	shalt  }
0x55: {  	_ =	shalt  }
0x56: {  	_ =	shalt  }
0x57: {  	_ =	shalt  }
0x58: {  	_ =	shalt  }
0x59: {  	_ =	shalt  }
0x5a: {  	_ =	shalt  }
0x5b: {  	_ =	shalt  }
0x5c: {  	_ =	shalt  }
0x5d: {  	_ =	shalt  }
0x5e: {  	_ =	shalt  }
0x5f: {  	_ =	shalt  }
0x60: {  	_ =	shalt  }
0x61: {  	_ =	shalt  }
0x62: {  	_ =	shalt  }
0x63: {  	_ =	shalt  }
0x64: {  	_ =	shalt  }
0x65: {  	_ =	shalt  }
0x66: {  	_ =	shalt  }
0x67: {  	_ =	shalt  }
0x68: {  	_ =	shalt  }
0x69: {  	_ =	shalt  }
0x6a: {  	_ =	shalt  }
0x6b: {  	_ =	shalt  }
0x6c: {  	_ =	shalt  }
0x6d: {  	_ =	shalt  }
0x6e: {  	_ =	shalt  }
0x6f: {  	_ =	shalt  }
0x70: {  	_ =	shalt  }
0x71: {  	_ =	shalt  }
0x72: {  	_ =	shalt  }
0x73: {  	_ =	shalt  }
0x74: {  	_ =	shalt  }
0x75: {  	_ =	shalt  }
0x76: {  	_ =	shalt  }
0x77: {  	_ =	shalt  }
0x78: {  	_ =	shalt  }
0x79: {  	_ =	shalt  }
0x7a: {  	_ =	shalt  }
0x7b: {  	_ =	shalt  }
0x7c: {  	_ =	shalt  }
0x7d: {  	_ =	shalt  }
0x7e: {  	_ =	shalt  }
0x7f: {  	_ =	shalt  }
0x80: {  	_ =	shalt  }
0x81: {  	_ =	shalt  }
0x82: {  	_ =	shalt  }
0x83: {  	_ =	shalt  }
0x84: {  	_ =	shalt  }
0x85: {  	_ =	shalt  }
0x86: {  	_ =	shalt  }
0x87: {  	_ =	shalt  }
.Lfunc_end0:
.L_simem_size_0:
called_computation.1_lowered:
.L_overlay_start_0:
0x88: {  	s2 =	sld [smem:$0x3FD9]  }
0x89: {  	s3 =	sld [smem:$0x3FFE];
	_ =	sdelay $0x1  }
0x8a: {  	s1 =	srdreg.scid  }
0x8b: {  	s0 =	sand.u32 $0x1, s1  }
0x8c: {  	s16 =	sshll.u32 s0, $0xA;
	s2 =	sadd.s32 s3, s2  }
0x8d: {  	s2 =	sadd.s32 s2, s16  }
0x8e: {  	[smem:$0x3FB4] =	sst s2  }
0x8f: {  	_ = 	snop  }
0x90: {  	(tm) =	ssettm $0x1  }
0x91: {  	s17 =	sld [smem:$0x3FFB];
	_ =	sdelay $0x3  }
0x92: {  	_ =	strace s17  }
0x93: {  	s2 =	sld [smem:$0x3FFC];
	_ =	sdelay $0x3  }
0x94: {  	_ =	strace s2  }
0x95: {  	s2 =	sld [smem:$0x3FFD];
	_ =	sdelay $0x3  }
0x96: {  	_ =	strace s2  }
0x97: {  	_ =	strace $0x8FFFFFFF  }
0x98: {  	s18 =	sld [smem:$0x3FDB];
	_ =	sdelay $0x1  }
0x99: {  	s19 =	simm.s32 $_scs_section_size  }
0x9a: {  	s4 =	simm.s32 $_size__tile_overlayer_lowered;
	s5 =	simm.s32 $_tile_overlayer_lowered  }
0x9b: {  	s22 =	simm.s32 $0x1BFF;
	s21 =	sshll.u32 s5, $0x1;
	s2 =	sadd.s32 s19, s18  }
0x9c: {  	s6 =	simm.s32 $0x0;
	s20 =	sshll.u32 s4, $0x1;
	s4 =	sadd.s32 s21, s2  }
0x9d: {  	[timem:s6], [sflag:s22] =	dma.local [hbm:s4], s20  }
0x9e: {  	_ =	swait.ge [sflag:s22], s20  }
0x9f: {  	s3 =	ssub.s32 $0x0, s20;
	[sflag:s22] =	ssyncset.done $0x0  }
0xa0: {  	[sflag:s22] =	ssyncadd.s32 s3;
	_ =	sdelay $0x1  }
0xa1: {  	s23 =	simm.s32 $0x1B8B  }
0xa2: {  	_ =	swait.ge [sflag:s23], $0x1  }
0xa3: {  	[sflag:s23] =	ssyncset.done $0x0  }
0xa4: {  	s25 =	simm.s32 $0x1B8E;
	s24 =	sld [smem:$0x3FFE];
	[sflag:s23] =	ssyncadd.s32 $0xFFFFFFFF  }
0xa5: {  	s26 =	simm.s32 $execute0_lowered;
	[smem:$0x3FD2] =	sst s25  }
0xa6: {  	s4 =	sshll.u32 s26, $0x1;
	_ =	strace $0x80000049;
	[dreg:$0x1] =	wrdreg $0xFFFFFFFF  }
0xa7: {  	s28 =	simm.s32 $_size_execute0_lowered;
	s2 =	sadd.s32 s2, s4;
	[dreg:$0x0] =	wrdreg $0x0  }
0xa8: {  	s4 =	sshll.u32 s28, $0x1;
	[dreg:$0x2] =	wrdreg s2  }
0xa9: {  	[dreg:$0x3] =	wrdreg s4  }
0xaa: {  	[dreg:$0x4] =	wrdreg $0xC0  }
0xab: {  	_ =	task [dreg:s6], $0x5FFFF  }
0xac: {  	[dreg:$0x1] =	wrdreg $0xFFFFFFFF  }
0xad: {  	[dreg:$0x0] =	wrdreg $0x60  }
0xae: {  	[dreg:$0x2] =	wrdreg s24  }
0xaf: {  	[dreg:$0x3] =	wrdreg $0xA8000  }
0xb0: {  	[dreg:$0x4] =	wrdreg $0x9  }
0xb1: {  	_ =	task.clear_ibuf [dreg:s6], $0x5FFFF;
	_ =	strace $0x90000049  }
0xb2: {  	s29 =	simm.s32 $0x9;
	_ =	strace $0x8000004B  }
0xb3: {  	_ =	swait.ge [sflag:s29], $0x1  }
0xb4: {  	[sflag:s29] =	ssyncadd.s32 $0xFFFFFFFF  }
0xb5: {  	_ =	strace $0x9000004B  }
0xb6: {  	_ =	sfence  }
0xb7: {  	s30 =	sld [smem:$0x0];
	_ =	sdelay $0x2  }
0xb8: {  	s31 =	sshll.u32 s1, $0xD;
	s1 =	sshrl.u32 s1, $0x2  }
0xb9: {  	s3 =	sand.u32 $0x4000, s31;
	s1 =	sadd.s32 s1, s30  }
0xba: {  	s0 =	sor.u32 s3, s0;
	s1 =	sshll.u32 s1, $0x11  }
0xbb: {  	s0 =	sor.u32 s1, s0  }
0xbc: {  	s0 =	sadd.s32 $0x8F2B, s0  }
0xbd: {  	[sflag:s0] =	ssyncadd.remote.s32 $0x1  }
0xbe: {  	_ =	sfence.sel $0xFFFF  }
0xbf: {  	[dreg:$0x0] =	wrdreg $0xFFFFFFFF;
	(pc) =	sbr.abs _section_cstart, $3  }
0xc0: {  	[dreg:$0x1] =	wrdreg $0xFFFFFFFF  }
0xc1: {  	_ =	task.clear_ibuf [dreg:s6], $0x2FFFF;
	_ =	strace $0x9FFFFFFF  }
0xc2: {  	(tm) =	ssettm $0x7FFFFFFF  }
0xc3: {  	_ =	shalt  }
tec
execute0_lowered:
.L_overlay_start_1:
0x0: {  	(tag) =	ssettag $0x1  }
0x1: {  	s6 =	rddreg [dreg:$0x0]  }
0x2: {  	s1 =	srdreg.scid;
	s0 =	stileid.u32  }
0x3: {  	s2 =	rddreg [dreg:$0x1];
	s3 =	simm.s32 $0x0;
	s19 =	simm.s32 $0x1  }
0x4: {  	s20 =	simm.s32 $0x28;
	s21 =	simm.s32 $0x2;
	s22 =	simm.s32 $0x3  }
0x5: {  	s9 =	sand.u32 $0x1, s1;
	s4 =	sshll.u32 s0, $0x1;
	s1 =	rddreg [dreg:$0x2]  }
0x6: {  	[smem:$0x7FF] =	sst s3;
	s10 =	smul.u32 $0x13800, s0;
	s11 =	sadd.s32 $0xF48A00, s6  }
0x7: {  	s12 =	smul.u32 $0x4E000, s0;
	s13 =	sadd.s32 $0x7A200, s6;
	s16 =	sadd.s32 $0x138000, s2  }
0x8: {  	s17 =	smul.u32 $0x4E200, s0;
	s31 =	sshll.u32 s0, $0x6;
	p0 =	sne.s32 s0, $0xF  }
0x9: {  	s7 =	sor.u32 s9, s4;
	_ =	strace $0x8000004A;
	s26 =	smul.u32 $0x138800, s9  }
0xa: {  	s8 =	ssub.s32 $0x2, s9;
	s18 =	smul.u32 $0x27100, s9;
	s16 =	sshrl.u32 @!p0 s16, $0x3  }
0xb: {  	s4 =	sshll.u32 s7, $0xC;
	s5 =	sshrl.u32 s10, $0x3;
	s24 =	smul.u32 $0x138800, s7  }
0xc: {  	s14 =	sshrl.u32 s8, $0x1;
	s23 =	sshrl.u32 s12, $0x2;
	s7 =	smul.u32 $0x27100, s7  }
0xd: {  	s4 =	sadd.s32 s4, s6;
	s5 =	sadd.s32 s5, s6;
	s14 =	ssub.s32 s8, s14  }
0xe: {  	s15 =	sadd.s32 s23, s2;
	s6 =	sadd.s32 $0x7A000, s6;
	s10 =	sadd.s32 s10, s26  }
0xf: {  	s12 =	sshrl.u32 s26, $0x3;
	s23 =	simm.s32 $0x4;
	s26 =	simm.s32 $0x0  }
0x10: {  	s4 =	sadd.s32 $0xD000, s4;
	s5 =	sadd.s32 $0x53000, s5;
	s25 =	sshrl.u32 s24, $0x3  }
0x11: {  	s7 =	sadd.s32 s11, s7;
	s28 =	sshrl.u32 s10, $0x3;
	s29 =	sadd.s32 s13, s12  }
0x12: {  	s15 =	sshrl.u32 s15, $0x3;
	s24 =	simm.s32 $0x7C00;
	s8 =	sadd.s32 s11, s25  }
0x13: {  	s11 =	sadd.s32 s17, s11;
	s9 =	sadd.s32 s13, s28;
	s10 =	sadd.s32 $0x27000, s29  }
0x14: {  	s13 =	simm.s32 $0x5;
	s17 =	simm.s32 $0x8000;
	s25 =	simm.s32 $0x7C80  }
0x15: {  	s8 =	sadd.s32 $0x280, s8;
	s30 =	sadd.s32 s18, s11;
	s11 =	smax.u32 s14, $0x1  }
0x16: {  	s14 =	sor.u32 $0x1C05, s31;
	s18 =	simm.s32 $0x9400;
	s12 =	sadd.s32 $0x780, s30  }
.LBB2_1:
0x17: {  	[tilespmem:s3], [sflag:$0x5] =	stream.linear.gather [hbm4b:s4+s3], $0x7D00, $0x38;
	[tilespmem:$0x1E080] =	vst v63  }
0x18: {  	_ =	swait.ge [sflag:s13], $0x7D00  }
0x19: {  	[sflag:s13] =	ssyncset.done $0x0  }
0x1a: {  	[sflag:s13] =	ssyncadd.s32 $0xFFFF8300  }
0x1b: {  	[spmem:s15], [sflag:s14] =	dma.local [hbm:s5], $0x2700  }
0x1c: {  	_ =	swait.ge [sflag:s13], $0x2700  }
0x1d: {  	[sflag:s13] =	ssyncset.done $0x0  }
0x1e: {  	s28 =	simm.s32 @!p0 $0x5;
	[sflag:s13] =	ssyncadd.s32 $0xFFFFD900  }
0x1f: {  	[spmem:s16], [sflag:s14] =	dma.local @!p0 [hbm:s6], $0x100  }
0x20: {  	_ =	swait.ge @!p0 [sflag:s28], $0x100  }
0x21: {  	[sflag:s28] =	ssyncset.done @!p0 $0x0  }
0x22: {  	[sflag:s28] =	ssyncadd.s32 @!p0 $0xFFFFFF00  }
0x23: {  	[bflag:$0x0] =	sbarrier.arrive $0xFFFF  }
0x24: {  	[tilespmem:s17], [sflag:$0x1] =	stream.linear.gather [hbm4b:s7+s3], $0x1400, $0x38;
	[tilespmem:$0x1E080] =	vst v63  }
0x25: {  	_ = 	snop  }
0x26: {  	[tilespmem:s18], [sflag:$0x2] =	stream.linear.gather [hbm4b:s8+s3], $0x1400, $0x38;
	[tilespmem:$0x1E080] =	vst v63  }
0x27: {  	_ =	swait.ge [sflag:s19], $0x1400  }
0x28: {  	[sflag:s19] =	ssyncset.done $0x0  }
0x29: {  	s28 =	simm.s32 $0x0;
	[sflag:s19] =	ssyncadd.s32 $0xFFFFEC00  }
0x2a: {  	[spmem:s2] =	stream.indirect.scatter.add.f32 [tilespmem:s17], [sflag:$0x3], $0x80, s28, s20, $0xb8;
	[tilespmem:$0x1E080] =	vst v63  }
0x2b: {  	_ =	swait.ge [sflag:s21], $0x1400  }
0x2c: {  	[sflag:s21] =	ssyncset.done $0x0  }
0x2d: {  	s28 =	simm.s32 $0x80;
	[sflag:s21] =	ssyncadd.s32 $0xFFFFEC00  }
0x2e: {  	[spmem:s2] =	stream.indirect.scatter.add.f32 [tilespmem:s18], [sflag:$0x4], $0x80, s28, s20, $0xb8;
	[tilespmem:$0x1E080] =	vst v63  }
0x2f: {  	_ =	swait.ge [sflag:s22], $0x1400  }
0x30: {  	[sflag:s22] =	ssyncset.done $0x0  }
0x31: {  	s28 =	sadd.s32 $0xFFFFFD80, s12;
	[sflag:s22] =	ssyncadd.s32 $0xFFFFEC00  }
0x32: {  	[tilespmem:s17], [sflag:$0x1] =	stream.linear.gather [hbm4b:s28+s3], $0x1400, $0x38;
	[tilespmem:$0x1E080] =	vst v63  }
0x33: {  	_ =	swait.ge [sflag:s23], $0x1400  }
0x34: {  	s29 =	sadd.s32 $0x500, s12;
	[sflag:s23] =	ssyncset.done $0x0  }
0x35: {  	s30 =	smov.u32 s12;
	s28 =	simm.s32 $0x400;
	[sflag:s23] =	ssyncadd.s32 $0xFFFFEC00  }
.LBB2_2:
0x36: {  	[tilespmem:s18], [sflag:$0x2] =	stream.linear.gather [hbm4b:s30+s3], $0x1400, $0x38;
	[tilespmem:$0x1E080] =	vst v63  }
0x37: {  	s31 =	smov.u32 s28;
	s30 =	smov.u32 s29  }
0x38: {  	p1 =	sne.s32 s28, $0x1EC00;
	s28 =	sadd.s32 $0x400, s28;
	_ =	swait.ge [sflag:s19], $0x1400  }
0x39: {  	[sflag:s19] =	ssyncset.done $0x0  }
0x3a: {  	s31 =	sshra.s32 s31, $0x2;
	[sflag:s19] =	ssyncadd.s32 $0xFFFFEC00  }
0x3b: {  	[spmem:s2] =	stream.indirect.scatter.add.f32 [tilespmem:s17], [sflag:$0x3], $0x80, s31, s20, $0xb8;
	[tilespmem:$0x1E080] =	vst v63  }
0x3c: {  	_ =	swait.ge [sflag:s21], $0x1400  }
0x3d: {  	[sflag:s21] =	ssyncset.done $0x0  }
0x3e: {  	s31 =	sadd.s32 $0x80, s31;
	[sflag:s21] =	ssyncadd.s32 $0xFFFFEC00  }
0x3f: {  	[spmem:s2] =	stream.indirect.scatter.add.f32 [tilespmem:s18], [sflag:$0x4], $0x80, s31, s20, $0xb8;
	[tilespmem:$0x1E080] =	vst v63  }
0x40: {  	_ =	swait.ge [sflag:s22], $0x1400  }
0x41: {  	[sflag:s22] =	ssyncset.done $0x0  }
.Ltmp0:
0x42: {  	s31 =	sadd.s32 $0xFFFFFD80, s29;
	[sflag:s22] =	ssyncadd.s32 $0xFFFFEC00;
	(pc) =	sbr.rel @p1 .LBB2_2-.Ltmp0, $4  }
0x43: {  	[tilespmem:s17], [sflag:$0x1] =	stream.linear.gather [hbm4b:s31+s3], $0x1400, $0x38;
	[tilespmem:$0x1E080] =	vst v63  }
0x44: {  	_ =	swait.ge [sflag:s23], $0x1400  }
0x45: {  	[sflag:s23] =	ssyncset.done $0x0  }
0x46: {  	s29 =	sadd.s32 $0x500, s29;
	[sflag:s23] =	ssyncadd.s32 $0xFFFFEC00  }
0x47: {  	[tilespmem:s18], [sflag:$0x2] =	stream.linear.gather [hbm4b:s30+s3], $0x1400, $0x38;
	[tilespmem:$0x1E080] =	vst v63  }
0x48: {  	_ =	swait.ge [sflag:s19], $0x1400  }
0x49: {  	[sflag:s19] =	ssyncset.done $0x0  }
0x4a: {  	[sflag:s19] =	ssyncadd.s32 $0xFFFFEC00  }
0x4b: {  	[spmem:s2] =	stream.indirect.scatter.add.f32 [tilespmem:s17], [sflag:$0x3], $0x80, s24, s20, $0xb8;
	[tilespmem:$0x1E080] =	vst v63  }
0x4c: {  	_ =	swait.ge [sflag:s21], $0x1400  }
0x4d: {  	[sflag:s21] =	ssyncset.done $0x0  }
0x4e: {  	[sflag:s21] =	ssyncadd.s32 $0xFFFFEC00  }
0x4f: {  	[spmem:s2] =	stream.indirect.scatter.add.f32 [tilespmem:s18], [sflag:$0x4], $0x80, s25, s20, $0xb8;
	[tilespmem:$0x1E080] =	vst v63  }
0x50: {  	_ =	swait.ge [sflag:s22], $0x1400  }
0x51: {  	[sflag:s22] =	ssyncset.done $0x0  }
0x52: {  	[sflag:s22] =	ssyncadd.s32 $0xFFFFEC00  }
0x53: {  	_ =	swait.ge [sflag:s23], $0x1400  }
0x54: {  	[sflag:s23] =	ssyncset.done $0x0  }
0x55: {  	[sflag:s23] =	ssyncadd.s32 $0xFFFFEC00  }
0x56: {  	[bflag:$0x0] =	sbarrier.arrive $0xFFFF  }
0x57: {  	[hbm:s9], [sflag:s14] =	dma.local [spmem:s15], $0x2700  }
0x58: {  	s26 =	sadd.s32 $0x1, s26;
	_ =	swait.ge [sflag:s13], $0x2700  }
0x59: {  	p1 =	sne.s32 s26, s11;
	[sflag:s13] =	ssyncset.done $0x0  }
.Ltmp1:
0x5a: {  	s28 =	simm.s32 @!p0 $0x5;
	[sflag:s13] =	ssyncadd.s32 $0xFFFFD900;
	(pc) =	sbr.rel @p1 .LBB2_1-.Ltmp1, $4  }
0x5b: {  	[hbm:s10], [sflag:s14] =	dma.local @!p0 [spmem:s16], $0x100  }
0x5c: {  	_ =	swait.ge @!p0 [sflag:s28], $0x100  }
0x5d: {  	[sflag:s28] =	ssyncset.done @!p0 $0x0  }
0x5e: {  	[sflag:s28] =	ssyncadd.s32 @!p0 $0xFFFFFF00  }
0x5f: {  	_ =	sfence.sel $0x180000  }
0x60: {  	[bflag:$0x0] =	sbarrier.arrive $0xFFFF  }
0x61: {  	p0 =	sne.s32 s0, $0x0;
	_ =	strace $0x9000004A  }
0x62: {  	s0 =	sadd.s32 @!p0 $0x100000, s1;
	[bflag:$0x2] =	sbarrier.arrive $0xFFFF  }
0x63: {  	[sflag:s0] =	ssyncadd.tile.s32 @!p0 $0x1;
	_ =	shalt  }
.Lfunc_end2:
_tile_overlayer_lowered:
.L_overlay_start_2:
0x64: {  	(tag) =	ssettag $0x2  }
0x65: {  	s0 =	rddreg [dreg:$0x0];
	s2 =	stileid.u32  }
0x66: {  	s1 =	rddreg [dreg:$0x1];
	p0 =	sne.s32 s2, $0x0  }
0x67: {  	s3 =	rddreg [dreg:$0x2];
	[bflag:$0x3] =	sbarrier.arrive $0xFFFF;
	s2 =	simm.s32 @!p0 $0x1C05  }
0x68: {  	[timem:s3], [sflag:s2] =	dma.local @!p0 [hbm:s0], s1  }
0x69: {  	s0 =	simm.s32 @!p0 $0x5  }
0x6a: {  	_ =	swait.ge @!p0 [sflag:s0], s1  }
0x6b: {  	s1 =	ssub.s32 @!p0 $0x0, s1;
	[sflag:s0] =	ssyncset.done @!p0 $0x0  }
0x6c: {  	[sflag:s0] =	ssyncadd.s32 @!p0 s1  }
0x6d: {  	[bflag:$0x3] =	sbarrier.arrive $0xFFFF  }
0x6e: {  	_ =	shalt  }

// kernel: kernel.25.cloned.1.call-start
scs
__scs_entry_jumppad:
0x0: {  	(pc) =	sbr.rel $0x88, $3  }
0x1: {  	(tag) =	ssettag $0x0;
	lr =	simm.s32 $0x1  }
0x2: {  	[smem:$0x3F8D] =	sst lr;
	_ =	strace $0xD0000000  }
0x3: {  	_ = 	snop  }
0x4: {  	_ = 	snop  }
0x5: {  	_ = 	snop  }
0x6: {  	_ = 	snop  }
0x7: {  	_ = 	snop  }
__scs_overlays_trampoline_lowered:
0x8: {  	[smem:$0x3F9C] =	sst s0  }
0x9: {  	[smem:$0x3F9D] =	sst s1  }
0xa: {  	[smem:$0x3F9E] =	sst s2  }
0xb: {  	[smem:$0x3F9F] =	sst s3  }
0xc: {  	[smem:$0x3FA0] =	sst s4  }
0xd: {  	[smem:$0x3FA1] =	sst s5  }
0xe: {  	[smem:$0x3FA2] =	sst s6  }
0xf: {  	[smem:$0x3FA3] =	sst s7  }
0x10: {  	[smem:$0x3FA4] =	sst s8  }
0x11: {  	[smem:$0x3FA5] =	sst s9;
	s0 =	simm.s32 @!p0 $0x0  }
0x12: {  	s1 =	sld [smem:$0x3F8B];
	s0 =	simm.s32 @p0 $0x1  }
0x13: {  	[smem:$0x3FA6] =	sst s0;
	s0 =	simm.s32 @!p1 $0x0  }
0x14: {  	s2 =	sld [smem:$0x3F8A];
	s0 =	simm.s32 @p1 $0x1  }
0x15: {  	[smem:$0x3FA7] =	sst s0;
	s0 =	simm.s32 @!p2 $0x0  }
0x16: {  	s3 =	sld [smem:$0x3FDB];
	s0 =	simm.s32 @p2 $0x1  }
0x17: {  	s4 =	simm.s32 $0x1BF5;
	[smem:$0x3FA9] =	sst s0  }
0x18: {  	s0 =	sld [smem:$0x3F8C];
	_ =	swait.ge [sflag:s4], $0x0  }
0x19: {  	s7 =	sld [smem:$0x3F8D]  }
0x1a: {  	s8 =	sadd.s32 $0xFFFFE003, lr  }
0x1b: {  	s9 =	sadd.s32 $0xFFFFFEF7, lr;
	s5 =	simm.s32 $0xFFFFFFFF;
	p2 =	slt.u32 s8, $0xFFFFF086  }
0x1c: {  	p1 =	slt.u32 s9, $0xF7A;
	s5 =	simm.s32 @!p2 $0x0  }
0x1d: {  	s5 =	simm.s32 @p1 $0x1;
	p0 =	seq.s32 s7, s2  }
0x1e: {  	s7 =	smul.u32 @!p0 $0xF7A, s2;
	p2 =	seq.s32 @!p0 s5, $0x0  }
0x1f: {  	s9 =	smul.u32 $0xF7A, s1;
	s8 =	simm.s32 @!p0 $0x1BF5;
	p2 =	por !p2, p0  }
0x20: {  	[sflag:s8] =	ssyncset.s32 @!p0 $0xFFFFF086;
	s6 =	sadd.s32 @!p0 s3, s7;
	s7 =	simm.s32 @!p0 $0x108  }
0x21: {  	s3 =	sadd.s32 s3, s9;
	s6 =	sadd.s32 @!p0 $0x88, s6;
	s7 =	simm.s32 @p2 $0x1082  }
0x22: {  	[simem:s7], [sflag:s8] =	dma.local @!p0 [hbm:s6], $0xF7A  }
0x23: {  	s9 =	sor.u32 $0xD0000000, s2;
	s6 =	simm.s32 $0x108;
	_ =	swait.ge @!p0 [sflag:s8], $0x0  }
0x24: {  	s3 =	sadd.s32 $0x88, s3;
	s6 =	simm.s32 @!p1 $0x1082;
	[sflag:s4] =	ssyncset.s32 $0xFFFFF086  }
0x25: {  	[simem:s6], [sflag:s4] =	dma.local [hbm:s3], $0xF7A  }
0x26: {  	[smem:$0x3F8D] =	sst s1;
	(tag) =	ssettag s2;
	_ =	strace s9  }
0x27: {  	s1 =	sld [smem:$0x3F9D]  }
0x28: {  	s2 =	sld [smem:$0x3F9E]  }
0x29: {  	s4 =	sld [smem:$0x3FA0]  }
0x2a: {  	p0 =	seq.s32 s5, $0x0;
	s5 =	sld [smem:$0x3FA1]  }
0x2b: {  	s6 =	sld [smem:$0x3FA2]  }
0x2c: {  	s7 =	sld [smem:$0x3FA3]  }
0x2d: {  	s3 =	simm.s32 $0x108;
	s8 =	sld [smem:$0x3FA4]  }
0x2e: {  	s3 =	simm.s32 @!p0 $0x1082;
	s9 =	sld [smem:$0x3FA5]  }
0x2f: {  	lr =	sadd.s32 s0, s3;
	s0 =	sld [smem:$0x3F9C]  }
0x30: {  	s3 =	sld [smem:$0x3F9F]  }
0x31: {  	[smem:$0x3FA8] =	sst s10  }
0x32: {  	s10 =	sld [smem:$0x3FA6];
	_ =	sdelay $0x3  }
0x33: {  	p0 =	seq.s32 s10, $0x1;
	s10 =	sld [smem:$0x3FA8];
	_ =	sdelay $0x3  }
0x34: {  	[smem:$0x3FA8] =	sst s10  }
0x35: {  	s10 =	sld [smem:$0x3FA7];
	_ =	sdelay $0x3  }
0x36: {  	p1 =	seq.s32 s10, $0x1;
	s10 =	sld [smem:$0x3FA8];
	_ =	sdelay $0x3  }
0x37: {  	[smem:$0x3FA8] =	sst s10  }
0x38: {  	s10 =	sld [smem:$0x3FA9]  }
0x39: {  	_ = 	snop;
	(pc) =	sbr.ind lr, $3  }
0x3a: {  	_ = 	snop  }
0x3b: {  	_ = 	snop  }
0x3c: {  	p2 =	seq.s32 s10, $0x1;
	s10 =	sld [smem:$0x3FA8]  }
0x3d: {  	_ =	shalt  }
0x3e: {  	_ =	shalt  }
0x3f: {  	_ =	shalt  }
0x40: {  	_ =	shalt  }
0x41: {  	_ =	shalt  }
0x42: {  	_ =	shalt  }
0x43: {  	_ =	shalt  }
0x44: {  	_ =	shalt  }
0x45: {  	_ =	shalt  }
0x46: {  	_ =	shalt  }
0x47: {  	_ =	shalt  }
0x48: {  	_ =	shalt  }
0x49: {  	_ =	shalt  }
0x4a: {  	_ =	shalt  }
0x4b: {  	_ =	shalt  }
0x4c: {  	_ =	shalt  }
0x4d: {  	_ =	shalt  }
0x4e: {  	_ =	shalt  }
0x4f: {  	_ =	shalt  }
0x50: {  	_ =	shalt  }
0x51: {  	_ =	shalt  }
0x52: {  	_ =	shalt  }
0x53: {  	_ =	shalt  }
0x54: {  	_ =	shalt  }
0x55: {  	_ =	shalt  }
0x56: {  	_ =	shalt  }
0x57: {  	_ =	shalt  }
0x58: {  	_ =	shalt  }
0x59: {  	_ =	shalt  }
0x5a: {  	_ =	shalt  }
0x5b: {  	_ =	shalt  }
0x5c: {  	_ =	shalt  }
0x5d: {  	_ =	shalt  }
0x5e: {  	_ =	shalt  }
0x5f: {  	_ =	shalt  }
0x60: {  	_ =	shalt  }
0x61: {  	_ =	shalt  }
0x62: {  	_ =	shalt  }
0x63: {  	_ =	shalt  }
0x64: {  	_ =	shalt  }
0x65: {  	_ =	shalt  }
0x66: {  	_ =	shalt  }
0x67: {  	_ =	shalt  }
0x68: {  	_ =	shalt  }
0x69: {  	_ =	shalt  }
0x6a: {  	_ =	shalt  }
0x6b: {  	_ =	shalt  }
0x6c: {  	_ =	shalt  }
0x6d: {  	_ =	shalt  }
0x6e: {  	_ =	shalt  }
0x6f: {  	_ =	shalt  }
0x70: {  	_ =	shalt  }
0x71: {  	_ =	shalt  }
0x72: {  	_ =	shalt  }
0x73: {  	_ =	shalt  }
0x74: {  	_ =	shalt  }
0x75: {  	_ =	shalt  }
0x76: {  	_ =	shalt  }
0x77: {  	_ =	shalt  }
0x78: {  	_ =	shalt  }
0x79: {  	_ =	shalt  }
0x7a: {  	_ =	shalt  }
0x7b: {  	_ =	shalt  }
0x7c: {  	_ =	shalt  }
0x7d: {  	_ =	shalt  }
0x7e: {  	_ =	shalt  }
0x7f: {  	_ =	shalt  }
0x80: {  	_ =	shalt  }
0x81: {  	_ =	shalt  }
0x82: {  	_ =	shalt  }
0x83: {  	_ =	shalt  }
0x84: {  	_ =	shalt  }
0x85: {  	_ =	shalt  }
0x86: {  	_ =	shalt  }
0x87: {  	_ =	shalt  }
.Lfunc_end0:
.L_simem_size_0:
called_computation.2_lowered:
.L_overlay_start_0:
0x88: {  	s2 =	sld [smem:$0x3FD9]  }
0x89: {  	s3 =	sld [smem:$0x3FFE];
	_ =	sdelay $0x1  }
0x8a: {  	s1 =	srdreg.scid  }
0x8b: {  	s0 =	sand.u32 $0x1, s1  }
0x8c: {  	s16 =	sshll.u32 s0, $0xA;
	s2 =	sadd.s32 s3, s2  }
0x8d: {  	s2 =	sadd.s32 s2, s16  }
0x8e: {  	[smem:$0x3FB4] =	sst s2  }
0x8f: {  	_ = 	snop  }
0x90: {  	(tm) =	ssettm $0x1  }
0x91: {  	s17 =	sld [smem:$0x3FFB];
	_ =	sdelay $0x3  }
0x92: {  	_ =	strace s17  }
0x93: {  	s2 =	sld [smem:$0x3FFC];
	_ =	sdelay $0x3  }
0x94: {  	_ =	strace s2  }
0x95: {  	s2 =	sld [smem:$0x3FFD];
	_ =	sdelay $0x3  }
0x96: {  	_ =	strace s2  }
0x97: {  	_ =	strace $0x8FFFFFFF  }
0x98: {  	s18 =	sld [smem:$0x3FDB];
	_ =	sdelay $0x1  }
0x99: {  	s19 =	simm.s32 $_scs_section_size  }
0x9a: {  	s4 =	simm.s32 $_size__tile_overlayer_lowered;
	s5 =	simm.s32 $_tile_overlayer_lowered  }
0x9b: {  	s22 =	simm.s32 $0x1BFF;
	s21 =	sshll.u32 s5, $0x1;
	s2 =	sadd.s32 s19, s18  }
0x9c: {  	s6 =	simm.s32 $0x0;
	s20 =	sshll.u32 s4, $0x1;
	s4 =	sadd.s32 s21, s2  }
0x9d: {  	[timem:s6], [sflag:s22] =	dma.local [hbm:s4], s20  }
0x9e: {  	_ =	swait.ge [sflag:s22], s20  }
0x9f: {  	s3 =	ssub.s32 $0x0, s20;
	[sflag:s22] =	ssyncset.done $0x0  }
0xa0: {  	[sflag:s22] =	ssyncadd.s32 s3;
	_ =	sdelay $0x1  }
0xa1: {  	s23 =	simm.s32 $0x1B8B  }
0xa2: {  	_ =	swait.ge [sflag:s23], $0x1  }
0xa3: {  	[sflag:s23] =	ssyncset.done $0x0  }
0xa4: {  	s25 =	simm.s32 $0x1B8E;
	s24 =	sld [smem:$0x3FFE];
	[sflag:s23] =	ssyncadd.s32 $0xFFFFFFFF  }
0xa5: {  	s26 =	simm.s32 $execute0_lowered;
	[smem:$0x3FD2] =	sst s25  }
0xa6: {  	s4 =	sshll.u32 s26, $0x1;
	_ =	strace $0x8000004C;
	[dreg:$0x1] =	wrdreg $0xFFFFFFFF  }
0xa7: {  	s28 =	simm.s32 $_size_execute0_lowered;
	s2 =	sadd.s32 s2, s4;
	[dreg:$0x0] =	wrdreg $0x0  }
0xa8: {  	s4 =	sshll.u32 s28, $0x1;
	[dreg:$0x2] =	wrdreg s2  }
0xa9: {  	[dreg:$0x3] =	wrdreg s4  }
0xaa: {  	[dreg:$0x4] =	wrdreg $0xC0  }
0xab: {  	_ =	task [dreg:s6], $0x5FFFF  }
0xac: {  	[dreg:$0x1] =	wrdreg $0xFFFFFFFF  }
0xad: {  	[dreg:$0x0] =	wrdreg $0x60  }
0xae: {  	[dreg:$0x2] =	wrdreg s24  }
0xaf: {  	[dreg:$0x3] =	wrdreg $0x9  }
0xb0: {  	_ =	task.clear_ibuf [dreg:s6], $0x4FFFF;
	_ =	strace $0x9000004C  }
0xb1: {  	s29 =	simm.s32 $0x9;
	_ =	strace $0x8000004E  }
0xb2: {  	_ =	swait.ge [sflag:s29], $0x1  }
0xb3: {  	[sflag:s29] =	ssyncadd.s32 $0xFFFFFFFF  }
0xb4: {  	_ =	strace $0x9000004E  }
0xb5: {  	_ =	sfence  }
0xb6: {  	s30 =	sld [smem:$0x0];
	_ =	sdelay $0x2  }
0xb7: {  	s31 =	sshll.u32 s1, $0xD;
	s1 =	sshrl.u32 s1, $0x2  }
0xb8: {  	s3 =	sand.u32 $0x4000, s31;
	s1 =	sadd.s32 s1, s30  }
0xb9: {  	s0 =	sor.u32 s3, s0;
	s1 =	sshll.u32 s1, $0x11  }
0xba: {  	s0 =	sor.u32 s1, s0  }
0xbb: {  	s0 =	sadd.s32 $0x8F2B, s0  }
0xbc: {  	[sflag:s0] =	ssyncadd.remote.s32 $0x1  }
0xbd: {  	_ =	sfence.sel $0xFFFF  }
0xbe: {  	[dreg:$0x0] =	wrdreg $0xFFFFFFFF;
	(pc) =	sbr.abs _section_cstart, $3  }
0xbf: {  	[dreg:$0x1] =	wrdreg $0xFFFFFFFF  }
0xc0: {  	_ =	task.clear_ibuf [dreg:s6], $0x2FFFF;
	_ =	strace $0x9FFFFFFF  }
0xc1: {  	(tm) =	ssettm $0x7FFFFFFF  }
tec
execute0_lowered:
.L_overlay_start_1:
0x0: {  	(tag) =	ssettag $0x1  }
0x1: {  	s0 =	rddreg [dreg:$0x0];
	s2 =	simm.s32 $0x0  }
0x2: {  	s1 =	srdreg.scid;
	s11 =	stileid.u32;
	s13 =	simm.s32 $0x8000  }
0x3: {  	s14 =	simm.s32 $0x28;
	s15 =	simm.s32 $0x10000;
	s16 =	simm.s32 $0x11400  }
0x4: {  	s18 =	simm.s32 $0x12800;
	s20 =	simm.s32 $0x13C00;
	s21 =	simm.s32 $0x1  }
0x5: {  	s28 =	simm.s32 $0x5;
	s29 =	simm.s32 $0x6;
	s30 =	simm.s32 $0x0  }
0x6: {  	[smem:$0x7FF] =	sst s2;
	s1 =	sand.u32 $0x1, s1;
	s5 =	sshll.u32 s11, $0x1  }
0x7: {  	s3 =	sadd.s32 $0x7A200, s0;
	s4 =	sadd.s32 $0xC9000, s0;
	s9 =	sadd.s32 $0x117400, s0  }
0x8: {  	s11 =	smul.u32 $0x4E200, s11;
	_ =	strace $0x8000004D;
	s5 =	sor.u32 s1, s5  }
0x9: {  	s7 =	ssub.s32 $0x2, s1;
	s1 =	smul.u32 $0x27100, s1;
	s6 =	sshll.u32 s5, $0xC  }
0xa: {  	s5 =	smul.u32 $0x138800, s5;
	s8 =	sshrl.u32 s7, $0x1;
	s6 =	sadd.s32 s6, s0  }
0xb: {  	s12 =	sadd.s32 s11, s9;
	s0 =	sadd.s32 $0xF48A00, s0;
	s23 =	sadd.s32 $0xD000, s6  }
0xc: {  	s22 =	sshrl.u32 s5, $0x3;
	s25 =	sadd.s32 $0x2D000, s6;
	[dreg:$0x2] =	wrdreg s23  }
0xd: {  	s10 =	ssub.s32 s7, s8;
	s24 =	sadd.s32 $0x26E80, s22;
	[dreg:$0x3] =	wrdreg s25  }
.Ltmp0:
0xe: {  	s22 =	simm.s32 $0x16400;
	s23 =	simm.s32 $0x2;
	(pc) =	sbr.rel .LBB2_1-.Ltmp0, $4  }
0xf: {  	s25 =	simm.s32 $0x3;
	s26 =	sadd.s32 s9, s24;
	s31 =	sadd.s32 s0, s24  }
0x10: {  	s0 =	sadd.s32 s11, s0;
	s9 =	smax.u32 s10, $0x1;
	s10 =	sadd.s32 s1, s12  }
0x11: {  	s12 =	simm.s32 $0x7;
	s24 =	simm.s32 $0x4;
	[dreg:$0x4] =	wrdreg s26  }
0x12: {  	[dreg:$0x5] =	wrdreg s31;
	s11 =	sadd.s32 s1, s0;
	s26 =	simm.s32 $0x15000  }
.LBB2_4:
0x13: {  	_ =	swait.ge [sflag:s21], $0x1400  }
0x14: {  	[sflag:s21] =	ssyncset.done $0x0  }
0x15: {  	[sflag:s21] =	ssyncadd.s32 $0xFFFFEC00  }
0x16: {  	_ =	swait.ge [sflag:s21], $0x1400  }
0x17: {  	[sflag:s21] =	ssyncset.done $0x0  }
0x18: {  	s0 =	rddreg [dreg:$0x4];
	[sflag:s21] =	ssyncadd.s32 $0xFFFFEC00  }
0x19: {  	[hbm4b:s0+s2] =	stream.linear.scatter [tilespmem:s15], [sflag:$0x4], $0x1400, $0x38;
	[tilespmem:$0x17800] =	vst v63  }
0x1a: {  	s31 =	rddreg [dreg:$0x5]  }
0x1b: {  	[hbm4b:s31+s2] =	stream.linear.scatter [tilespmem:s16], [sflag:$0x4], $0x1400, $0x38;
	[tilespmem:$0x17800] =	vst v63  }
0x1c: {  	_ =	swait.ge [sflag:s29], $0x1400  }
0x1d: {  	[sflag:s29] =	ssyncset.done $0x0  }
0x1e: {  	[sflag:s29] =	ssyncadd.s32 $0xFFFFEC00  }
0x1f: {  	_ =	swait.ge [sflag:s29], $0x1400  }
0x20: {  	[sflag:s29] =	ssyncset.done $0x0  }
0x21: {  	s30 =	sadd.s32 $0x1, s30;
	[sflag:s29] =	ssyncadd.s32 $0xFFFFEC00  }
0x22: {  	p0 =	sne.s32 s30, s9;
	_ =	swait.ge [sflag:s24], $0x1400  }
.Ltmp1:
0x23: {  	[sflag:s24] =	ssyncset.done $0x0;
	(pc) =	sbr.rel @!p0 .LBB2_5-.Ltmp1, $4  }
0x24: {  	[sflag:s24] =	ssyncadd.s32 $0xFFFFEC00  }
0x25: {  	_ =	swait.ge [sflag:s24], $0x1400  }
0x26: {  	[sflag:s24] =	ssyncset.done $0x0  }
0x27: {  	[sflag:s24] =	ssyncadd.s32 $0xFFFFEC00  }
.LBB2_1:
0x28: {  	s0 =	rddreg [dreg:$0x2]  }
0x29: {  	[tilespmem:s2], [sflag:$0x7] =	stream.linear.gather [hbm4b:s0+s2], $0x7D00, $0x38;
	[tilespmem:$0x17800] =	vst v63  }
0x2a: {  	_ =	swait.ge [sflag:s12], $0x7D00  }
0x2b: {  	[sflag:s12] =	ssyncset.done $0x0  }
0x2c: {  	s8 =	rddreg [dreg:$0x3];
	[sflag:s12] =	ssyncadd.s32 $0xFFFF8300  }
0x2d: {  	[tilespmem:s13], [sflag:$0x7] =	stream.linear.gather [hbm4b:s8+s2], $0x7D00, $0x38;
	[tilespmem:$0x17800] =	vst v63  }
0x2e: {  	_ =	swait.ge [sflag:s12], $0x7D00  }
0x2f: {  	[sflag:s12] =	ssyncset.done $0x0  }
0x30: {  	[sflag:s12] =	ssyncadd.s32 $0xFFFF8300  }
0x31: {  	[tilespmem:s15], [sflag:$0x1] =	stream.indirect.gather [hbm4b:s3+s14], $0x80, s2, s14, $0xb8;
	[tilespmem:$0x17800] =	vst v63  }
0x32: {  	_ = 	snop  }
0x33: {  	[tilespmem:s16], [sflag:$0x1] =	stream.indirect.gather [hbm4b:s4+s14], $0x80, s13, s14, $0xb8;
	[tilespmem:$0x17800] =	vst v63  }
0x34: {  	s17 =	simm.s32 $0x80  }
0x35: {  	[tilespmem:s18], [sflag:$0x2] =	stream.indirect.gather [hbm4b:s3+s14], $0x80, s17, s14, $0xb8;
	[tilespmem:$0x17800] =	vst v63  }
0x36: {  	s19 =	simm.s32 $0x8080;
	s31 =	simm.s32 $0x8100  }
0x37: {  	[tilespmem:s20], [sflag:$0x2] =	stream.indirect.gather [hbm4b:s4+s14], $0x80, s19, s14, $0xb8;
	[tilespmem:$0x17800] =	vst v63  }
0x38: {  	s1 =	simm.s32 $0x0;
	s0 =	simm.s32 $0x100;
	s19 =	simm.s32 $0x0  }
.LBB2_2:
0x39: {  	_ =	swait.ge [sflag:s21], $0x1400  }
0x3a: {  	[sflag:s21] =	ssyncset.done $0x0  }
0x3b: {  	[sflag:s21] =	ssyncadd.s32 $0xFFFFEC00  }
0x3c: {  	_ =	swait.ge [sflag:s21], $0x1400  }
0x3d: {  	[sflag:s21] =	ssyncset.done $0x0  }
0x3e: {  	s5 =	sadd.s32 s1, s10;
	[sflag:s21] =	ssyncadd.s32 $0xFFFFEC00  }
0x3f: {  	[hbm4b:s5+s2] =	stream.linear.scatter [tilespmem:s15], [sflag:$0x4], $0x1400, $0x38;
	[tilespmem:$0x17800] =	vst v63  }
0x40: {  	s6 =	sadd.s32 s1, s11;
	p0 =	seq.s32 s1, $0x0  }
0x41: {  	[hbm4b:s6+s2] =	stream.linear.scatter [tilespmem:s16], [sflag:$0x4], $0x1400, $0x38;
	[tilespmem:$0x17800] =	vst v63  }
0x42: {  	s17 =	simm.s32 @p0 $0x28;
	s7 =	simm.s32 @p0 $0x100;
	s8 =	simm.s32 @p0 $0x15000  }
0x43: {  	[tilespmem:s8], [sflag:$0x3] =	stream.indirect.gather @p0 [hbm4b:s3+s17], $0x80, s7, s17, $0xb8;
	[tilespmem:$0x17800] =	vst v63  }
0x44: {  	s7 =	simm.s32 @!p0 $0x6  }
0x45: {  	_ =	swait.ge @!p0 [sflag:s7], $0x1400  }
0x46: {  	[sflag:s7] =	ssyncset.done @!p0 $0x0  }
0x47: {  	[sflag:s7] =	ssyncadd.s32 @!p0 $0xFFFFEC00  }
0x48: {  	_ =	swait.ge @!p0 [sflag:s7], $0x1400  }
0x49: {  	[sflag:s7] =	ssyncset.done @!p0 $0x0  }
0x4a: {  	s8 =	simm.s32 @!p0 $0x15000;
	[sflag:s7] =	ssyncadd.s32 @!p0 $0xFFFFEC00;
	s7 =	simm.s32 @!p0 $0x28  }
0x4b: {  	[tilespmem:s8], [sflag:$0x3] =	stream.indirect.gather @!p0 [hbm4b:s3+s7], $0x80, s0, s7, $0xb8;
	[tilespmem:$0x17800] =	vst v63  }
0x4c: {  	s7 =	smov.u32 s31  }
0x4d: {  	s7 =	simm.s32 @p0 $0x8100  }
0x4e: {  	[tilespmem:s22], [sflag:$0x3] =	stream.indirect.gather [hbm4b:s4+s14], $0x80, s7, s14, $0xb8;
	[tilespmem:$0x17800] =	vst v63  }
0x4f: {  	_ =	swait.ge [sflag:s23], $0x1400  }
0x50: {  	[sflag:s23] =	ssyncset.done $0x0  }
0x51: {  	[sflag:s23] =	ssyncadd.s32 $0xFFFFEC00  }
0x52: {  	_ =	swait.ge [sflag:s23], $0x1400  }
0x53: {  	[sflag:s23] =	ssyncset.done $0x0  }
0x54: {  	s8 =	sadd.s32 $0x280, s5;
	[sflag:s23] =	ssyncadd.s32 $0xFFFFEC00  }
0x55: {  	[hbm4b:s8+s2] =	stream.linear.scatter [tilespmem:s18], [sflag:$0x5], $0x1400, $0x38;
	[tilespmem:$0x17800] =	vst v63  }
0x56: {  	s17 =	sadd.s32 $0x280, s6  }
0x57: {  	[hbm4b:s17+s2] =	stream.linear.scatter [tilespmem:s20], [sflag:$0x5], $0x1400, $0x38;
	[tilespmem:$0x17800] =	vst v63  }
0x58: {  	_ =	swait.ge [sflag:s24], $0x1400  }
0x59: {  	[sflag:s24] =	ssyncset.done $0x0  }
0x5a: {  	[sflag:s24] =	ssyncadd.s32 $0xFFFFEC00  }
0x5b: {  	s17 =	smov.u32 s19;
	_ =	swait.ge [sflag:s24], $0x1400  }
0x5c: {  	s17 =	simm.s32 @p0 $0x0;
	[sflag:s24] =	ssyncset.done $0x0  }
0x5d: {  	s8 =	sadd.s32 $0x180, s17;
	[sflag:s24] =	ssyncadd.s32 $0xFFFFEC00  }
0x5e: {  	[tilespmem:s15], [sflag:$0x1] =	stream.indirect.gather [hbm4b:s3+s14], $0x80, s8, s14, $0xb8;
	[tilespmem:$0x17800] =	vst v63  }
0x5f: {  	s8 =	sadd.s32 $0x8180, s17  }
0x60: {  	[tilespmem:s16], [sflag:$0x1] =	stream.indirect.gather [hbm4b:s4+s14], $0x80, s8, s14, $0xb8;
	[tilespmem:$0x17800] =	vst v63  }
0x61: {  	_ =	swait.ge [sflag:s25], $0x1400  }
0x62: {  	[sflag:s25] =	ssyncset.done $0x0  }
0x63: {  	[sflag:s25] =	ssyncadd.s32 $0xFFFFEC00  }
0x64: {  	_ =	swait.ge [sflag:s25], $0x1400  }
0x65: {  	[sflag:s25] =	ssyncset.done $0x0  }
0x66: {  	s5 =	sadd.s32 $0x500, s5;
	[sflag:s25] =	ssyncadd.s32 $0xFFFFEC00  }
0x67: {  	[hbm4b:s5+s2] =	stream.linear.scatter [tilespmem:s26], [sflag:$0x6], $0x1400, $0x38;
	[tilespmem:$0x17800] =	vst v63  }
0x68: {  	s8 =	sadd.s32 $0x500, s6  }
0x69: {  	[hbm4b:s8+s2] =	stream.linear.scatter [tilespmem:s22], [sflag:$0x6], $0x1400, $0x38;
	[tilespmem:$0x17800] =	vst v63  }
0x6a: {  	p0 =	seq.s32 s1, $0x26700;
	_ =	swait.ge [sflag:s28], $0x1400  }
.Ltmp2:
0x6b: {  	[sflag:s28] =	ssyncset.done $0x0;
	(pc) =	sbr.rel @p0 .LBB2_4-.Ltmp2, $4  }
0x6c: {  	[sflag:s28] =	ssyncadd.s32 $0xFFFFEC00  }
0x6d: {  	_ =	swait.ge [sflag:s28], $0x1400  }
0x6e: {  	[sflag:s28] =	ssyncset.done $0x0  }
0x6f: {  	[sflag:s28] =	ssyncadd.s32 $0xFFFFEC00  }
.Ltmp3:
0x70: {  	(pc) =	sbr.rel .LBB2_2-.Ltmp3, $4  }
0x71: {  	s5 =	sadd.s32 $0x200, s17;
	s17 =	sadd.s32 $0x8200, s17;
	s19 =	sadd.s32 $0x180, s19  }
0x72: {  	[tilespmem:s18], [sflag:$0x2] =	stream.indirect.gather [hbm4b:s3+s14], $0x80, s5, s14, $0xb8;
	[tilespmem:$0x17800] =	vst v63  }
0x73: {  	s31 =	sadd.s32 $0x180, s31;
	s0 =	sadd.s32 $0x180, s0;
	s1 =	sadd.s32 $0x780, s1  }
0x74: {  	[tilespmem:s20], [sflag:$0x2] =	stream.indirect.gather [hbm4b:s4+s14], $0x80, s17, s14, $0xb8;
	[tilespmem:$0x17800] =	vst v63  }
.LBB2_5:
0x75: {  	_ =	sfence.sel $0x180000  }
0x76: {  	[bflag:$0x0] =	sbarrier.arrive $0xFFFF  }
0x77: {  	_ =	strace $0x9000004D  }
0x78: {  	s0 =	stileid.u32;
	[bflag:$0x2] =	sbarrier.arrive $0xFFFF  }
0x79: {  	p0 =	sne.s32 s0, $0x0;
	s0 =	rddreg [dreg:$0x1]  }
0x7a: {  	s0 =	sadd.s32 @!p0 $0x100000, s0  }
0x7b: {  	[sflag:s0] =	ssyncadd.tile.s32 @!p0 $0x1;
	_ =	shalt  }
.Lfunc_end2:
_tile_overlayer_lowered:
.L_overlay_start_2:
0x7c: {  	(tag) =	ssettag $0x2  }
0x7d: {  	s0 =	rddreg [dreg:$0x0];
	s2 =	stileid.u32  }
0x7e: {  	s1 =	rddreg [dreg:$0x1];
	p0 =	sne.s32 s2, $0x0  }
0x7f: {  	s3 =	rddreg [dreg:$0x2];
	[bflag:$0x3] =	sbarrier.arrive $0xFFFF;
	s2 =	simm.s32 @!p0 $0x1C07  }
0x80: {  	[timem:s3], [sflag:s2] =	dma.local @!p0 [hbm:s0], s1  }
0x81: {  	s0 =	simm.s32 @!p0 $0x7  }
0x82: {  	_ =	swait.ge @!p0 [sflag:s0], s1  }
0x83: {  	s1 =	ssub.s32 @!p0 $0x0, s1;
	[sflag:s0] =	ssyncset.done @!p0 $0x0  }
0x84: {  	[sflag:s0] =	ssyncadd.s32 @!p0 s1  }
0x85: {  	[bflag:$0x3] =	sbarrier.arrive $0xFFFF  }
0x86: {  	_ =	shalt  }

// kernel: kernel.28.cloned.1.call-start
scs
__scs_entry_jumppad:
0x0: {  	(pc) =	sbr.rel $0x88, $3  }
0x1: {  	(tag) =	ssettag $0x0;
	lr =	simm.s32 $0x1  }
0x2: {  	[smem:$0x3F8D] =	sst lr;
	_ =	strace $0xD0000000  }
0x3: {  	_ = 	snop  }
0x4: {  	_ = 	snop  }
0x5: {  	_ = 	snop  }
0x6: {  	_ = 	snop  }
0x7: {  	_ = 	snop  }
__scs_overlays_trampoline_lowered:
0x8: {  	[smem:$0x3F9C] =	sst s0  }
0x9: {  	[smem:$0x3F9D] =	sst s1  }
0xa: {  	[smem:$0x3F9E] =	sst s2  }
0xb: {  	[smem:$0x3F9F] =	sst s3  }
0xc: {  	[smem:$0x3FA0] =	sst s4  }
0xd: {  	[smem:$0x3FA1] =	sst s5  }
0xe: {  	[smem:$0x3FA2] =	sst s6  }
0xf: {  	[smem:$0x3FA3] =	sst s7  }
0x10: {  	[smem:$0x3FA4] =	sst s8  }
0x11: {  	[smem:$0x3FA5] =	sst s9;
	s0 =	simm.s32 @!p0 $0x0  }
0x12: {  	s1 =	sld [smem:$0x3F8B];
	s0 =	simm.s32 @p0 $0x1  }
0x13: {  	[smem:$0x3FA6] =	sst s0;
	s0 =	simm.s32 @!p1 $0x0  }
0x14: {  	s2 =	sld [smem:$0x3F8A];
	s0 =	simm.s32 @p1 $0x1  }
0x15: {  	[smem:$0x3FA7] =	sst s0;
	s0 =	simm.s32 @!p2 $0x0  }
0x16: {  	s3 =	sld [smem:$0x3FDB];
	s0 =	simm.s32 @p2 $0x1  }
0x17: {  	s4 =	simm.s32 $0x1BF5;
	[smem:$0x3FA9] =	sst s0  }
0x18: {  	s0 =	sld [smem:$0x3F8C];
	_ =	swait.ge [sflag:s4], $0x0  }
0x19: {  	s7 =	sld [smem:$0x3F8D]  }
0x1a: {  	s8 =	sadd.s32 $0xFFFFE003, lr  }
0x1b: {  	s9 =	sadd.s32 $0xFFFFFEF7, lr;
	s5 =	simm.s32 $0xFFFFFFFF;
	p2 =	slt.u32 s8, $0xFFFFF086  }
0x1c: {  	p1 =	slt.u32 s9, $0xF7A;
	s5 =	simm.s32 @!p2 $0x0  }
0x1d: {  	s5 =	simm.s32 @p1 $0x1;
	p0 =	seq.s32 s7, s2  }
0x1e: {  	s7 =	smul.u32 @!p0 $0xF7A, s2;
	p2 =	seq.s32 @!p0 s5, $0x0  }
0x1f: {  	s9 =	smul.u32 $0xF7A, s1;
	s8 =	simm.s32 @!p0 $0x1BF5;
	p2 =	por !p2, p0  }
0x20: {  	[sflag:s8] =	ssyncset.s32 @!p0 $0xFFFFF086;
	s6 =	sadd.s32 @!p0 s3, s7;
	s7 =	simm.s32 @!p0 $0x108  }
0x21: {  	s3 =	sadd.s32 s3, s9;
	s6 =	sadd.s32 @!p0 $0x88, s6;
	s7 =	simm.s32 @p2 $0x1082  }
0x22: {  	[simem:s7], [sflag:s8] =	dma.local @!p0 [hbm:s6], $0xF7A  }
0x23: {  	s9 =	sor.u32 $0xD0000000, s2;
	s6 =	simm.s32 $0x108;
	_ =	swait.ge @!p0 [sflag:s8], $0x0  }
0x24: {  	s3 =	sadd.s32 $0x88, s3;
	s6 =	simm.s32 @!p1 $0x1082;
	[sflag:s4] =	ssyncset.s32 $0xFFFFF086  }
0x25: {  	[simem:s6], [sflag:s4] =	dma.local [hbm:s3], $0xF7A  }
0x26: {  	[smem:$0x3F8D] =	sst s1;
	(tag) =	ssettag s2;
	_ =	strace s9  }
0x27: {  	s1 =	sld [smem:$0x3F9D]  }
0x28: {  	s2 =	sld [smem:$0x3F9E]  }
0x29: {  	s4 =	sld [smem:$0x3FA0]  }
0x2a: {  	p0 =	seq.s32 s5, $0x0;
	s5 =	sld [smem:$0x3FA1]  }
0x2b: {  	s6 =	sld [smem:$0x3FA2]  }
0x2c: {  	s7 =	sld [smem:$0x3FA3]  }
0x2d: {  	s3 =	simm.s32 $0x108;
	s8 =	sld [smem:$0x3FA4]  }
0x2e: {  	s3 =	simm.s32 @!p0 $0x1082;
	s9 =	sld [smem:$0x3FA5]  }
0x2f: {  	lr =	sadd.s32 s0, s3;
	s0 =	sld [smem:$0x3F9C]  }
0x30: {  	s3 =	sld [smem:$0x3F9F]  }
0x31: {  	[smem:$0x3FA8] =	sst s10  }
0x32: {  	s10 =	sld [smem:$0x3FA6];
	_ =	sdelay $0x3  }
0x33: {  	p0 =	seq.s32 s10, $0x1;
	s10 =	sld [smem:$0x3FA8];
	_ =	sdelay $0x3  }
0x34: {  	[smem:$0x3FA8] =	sst s10  }
0x35: {  	s10 =	sld [smem:$0x3FA7];
	_ =	sdelay $0x3  }
0x36: {  	p1 =	seq.s32 s10, $0x1;
	s10 =	sld [smem:$0x3FA8];
	_ =	sdelay $0x3  }
0x37: {  	[smem:$0x3FA8] =	sst s10  }
0x38: {  	s10 =	sld [smem:$0x3FA9]  }
0x39: {  	_ = 	snop;
	(pc) =	sbr.ind lr, $3  }
0x3a: {  	_ = 	snop  }
0x3b: {  	_ = 	snop  }
0x3c: {  	p2 =	seq.s32 s10, $0x1;
	s10 =	sld [smem:$0x3FA8]  }
0x3d: {  	_ =	shalt  }
0x3e: {  	_ =	shalt  }
0x3f: {  	_ =	shalt  }
0x40: {  	_ =	shalt  }
0x41: {  	_ =	shalt  }
0x42: {  	_ =	shalt  }
0x43: {  	_ =	shalt  }
0x44: {  	_ =	shalt  }
0x45: {  	_ =	shalt  }
0x46: {  	_ =	shalt  }
0x47: {  	_ =	shalt  }
0x48: {  	_ =	shalt  }
0x49: {  	_ =	shalt  }
0x4a: {  	_ =	shalt  }
0x4b: {  	_ =	shalt  }
0x4c: {  	_ =	shalt  }
0x4d: {  	_ =	shalt  }
0x4e: {  	_ =	shalt  }
0x4f: {  	_ =	shalt  }
0x50: {  	_ =	shalt  }
0x51: {  	_ =	shalt  }
0x52: {  	_ =	shalt  }
0x53: {  	_ =	shalt  }
0x54: {  	_ =	shalt  }
0x55: {  	_ =	shalt  }
0x56: {  	_ =	shalt  }
0x57: {  	_ =	shalt  }
0x58: {  	_ =	shalt  }
0x59: {  	_ =	shalt  }
0x5a: {  	_ =	shalt  }
0x5b: {  	_ =	shalt  }
0x5c: {  	_ =	shalt  }
0x5d: {  	_ =	shalt  }
0x5e: {  	_ =	shalt  }
0x5f: {  	_ =	shalt  }
0x60: {  	_ =	shalt  }
0x61: {  	_ =	shalt  }
0x62: {  	_ =	shalt  }
0x63: {  	_ =	shalt  }
0x64: {  	_ =	shalt  }
0x65: {  	_ =	shalt  }
0x66: {  	_ =	shalt  }
0x67: {  	_ =	shalt  }
0x68: {  	_ =	shalt  }
0x69: {  	_ =	shalt  }
0x6a: {  	_ =	shalt  }
0x6b: {  	_ =	shalt  }
0x6c: {  	_ =	shalt  }
0x6d: {  	_ =	shalt  }
0x6e: {  	_ =	shalt  }
0x6f: {  	_ =	shalt  }
0x70: {  	_ =	shalt  }
0x71: {  	_ =	shalt  }
0x72: {  	_ =	shalt  }
0x73: {  	_ =	shalt  }
0x74: {  	_ =	shalt  }
0x75: {  	_ =	shalt  }
0x76: {  	_ =	shalt  }
0x77: {  	_ =	shalt  }
0x78: {  	_ =	shalt  }
0x79: {  	_ =	shalt  }
0x7a: {  	_ =	shalt  }
0x7b: {  	_ =	shalt  }
0x7c: {  	_ =	shalt  }
0x7d: {  	_ =	shalt  }
0x7e: {  	_ =	shalt  }
0x7f: {  	_ =	shalt  }
0x80: {  	_ =	shalt  }
0x81: {  	_ =	shalt  }
0x82: {  	_ =	shalt  }
0x83: {  	_ =	shalt  }
0x84: {  	_ =	shalt  }
0x85: {  	_ =	shalt  }
0x86: {  	_ =	shalt  }
0x87: {  	_ =	shalt  }
.Lfunc_end0:
.L_simem_size_0:
called_computation.3_lowered:
.L_overlay_start_0:
0x88: {  	s2 =	sld [smem:$0x3FD9]  }
0x89: {  	s3 =	sld [smem:$0x3FFE];
	_ =	sdelay $0x1  }
0x8a: {  	s1 =	srdreg.scid  }
0x8b: {  	s0 =	sand.u32 $0x1, s1  }
0x8c: {  	s16 =	sshll.u32 s0, $0xA;
	s2 =	sadd.s32 s3, s2  }
0x8d: {  	s2 =	sadd.s32 s2, s16  }
0x8e: {  	[smem:$0x3FB4] =	sst s2  }
0x8f: {  	_ = 	snop  }
0x90: {  	(tm) =	ssettm $0x1  }
0x91: {  	s17 =	sld [smem:$0x3FFB];
	_ =	sdelay $0x3  }
0x92: {  	_ =	strace s17  }
0x93: {  	s2 =	sld [smem:$0x3FFC];
	_ =	sdelay $0x3  }
0x94: {  	_ =	strace s2  }
0x95: {  	s2 =	sld [smem:$0x3FFD];
	_ =	sdelay $0x3  }
0x96: {  	_ =	strace s2  }
0x97: {  	_ =	strace $0x8FFFFFFF  }
0x98: {  	s18 =	sld [smem:$0x3FDB];
	_ =	sdelay $0x1  }
0x99: {  	s19 =	simm.s32 $_scs_section_size  }
0x9a: {  	s4 =	simm.s32 $_size__tile_overlayer_lowered;
	s5 =	simm.s32 $_tile_overlayer_lowered  }
0x9b: {  	s22 =	simm.s32 $0x1BFF;
	s21 =	sshll.u32 s5, $0x1;
	s2 =	sadd.s32 s19, s18  }
0x9c: {  	s6 =	simm.s32 $0x0;
	s20 =	sshll.u32 s4, $0x1;
	s4 =	sadd.s32 s21, s2  }
0x9d: {  	[timem:s6], [sflag:s22] =	dma.local [hbm:s4], s20  }
0x9e: {  	_ =	swait.ge [sflag:s22], s20  }
0x9f: {  	s3 =	ssub.s32 $0x0, s20;
	[sflag:s22] =	ssyncset.done $0x0  }
0xa0: {  	[sflag:s22] =	ssyncadd.s32 s3;
	_ =	sdelay $0x1  }
0xa1: {  	s23 =	simm.s32 $0x1B8B  }
0xa2: {  	_ =	swait.ge [sflag:s23], $0x1  }
0xa3: {  	[sflag:s23] =	ssyncset.done $0x0  }
0xa4: {  	s25 =	simm.s32 $0x1B8E;
	s24 =	sld [smem:$0x3FFE];
	[sflag:s23] =	ssyncadd.s32 $0xFFFFFFFF  }
0xa5: {  	s26 =	simm.s32 $execute0_lowered;
	[smem:$0x3FD2] =	sst s25  }
0xa6: {  	s4 =	sshll.u32 s26, $0x1;
	_ =	strace $0x8000004F;
	[dreg:$0x1] =	wrdreg $0xFFFFFFFF  }
0xa7: {  	s28 =	simm.s32 $_size_execute0_lowered;
	s2 =	sadd.s32 s2, s4;
	[dreg:$0x0] =	wrdreg $0x0  }
0xa8: {  	s4 =	sshll.u32 s28, $0x1;
	[dreg:$0x2] =	wrdreg s2  }
0xa9: {  	[dreg:$0x3] =	wrdreg s4  }
0xaa: {  	[dreg:$0x4] =	wrdreg $0xC0  }
0xab: {  	_ =	task [dreg:s6], $0x5FFFF  }
0xac: {  	[dreg:$0x1] =	wrdreg $0xFFFFFFFF  }
0xad: {  	[dreg:$0x0] =	wrdreg $0x60  }
0xae: {  	[dreg:$0x2] =	wrdreg s24  }
0xaf: {  	[dreg:$0x3] =	wrdreg $0xA8000  }
0xb0: {  	[dreg:$0x4] =	wrdreg $0x9  }
0xb1: {  	_ =	task.clear_ibuf [dreg:s6], $0x5FFFF;
	_ =	strace $0x9000004F  }
0xb2: {  	s29 =	simm.s32 $0x9;
	_ =	strace $0x80000051  }
0xb3: {  	_ =	swait.ge [sflag:s29], $0x1  }
0xb4: {  	[sflag:s29] =	ssyncadd.s32 $0xFFFFFFFF  }
0xb5: {  	_ =	strace $0x90000051  }
0xb6: {  	_ =	sfence  }
0xb7: {  	s30 =	sld [smem:$0x0];
	_ =	sdelay $0x2  }
0xb8: {  	s31 =	sshll.u32 s1, $0xD;
	s1 =	sshrl.u32 s1, $0x2  }
0xb9: {  	s3 =	sand.u32 $0x4000, s31;
	s1 =	sadd.s32 s1, s30  }
0xba: {  	s0 =	sor.u32 s3, s0;
	s1 =	sshll.u32 s1, $0x11  }
0xbb: {  	s0 =	sor.u32 s1, s0  }
0xbc: {  	s0 =	sadd.s32 $0x8F2B, s0  }
0xbd: {  	[sflag:s0] =	ssyncadd.remote.s32 $0x1  }
0xbe: {  	_ =	sfence.sel $0xFFFF  }
0xbf: {  	[dreg:$0x0] =	wrdreg $0xFFFFFFFF;
	(pc) =	sbr.abs _section_cstart, $3  }
0xc0: {  	[dreg:$0x1] =	wrdreg $0xFFFFFFFF  }
0xc1: {  	_ =	task.clear_ibuf [dreg:s6], $0x2FFFF;
	_ =	strace $0x9FFFFFFF  }
0xc2: {  	(tm) =	ssettm $0x7FFFFFFF  }
0xc3: {  	_ =	shalt  }
tec
execute0_lowered:
.L_overlay_start_1:
0x0: {  	(tag) =	ssettag $0x1  }
0x1: {  	s6 =	rddreg [dreg:$0x0]  }
0x2: {  	s1 =	srdreg.scid;
	s0 =	stileid.u32  }
0x3: {  	s2 =	rddreg [dreg:$0x1];
	s3 =	simm.s32 $0x0;
	s19 =	simm.s32 $0x1  }
0x4: {  	s20 =	simm.s32 $0x28;
	s21 =	simm.s32 $0x2;
	s22 =	simm.s32 $0x3  }
0x5: {  	s9 =	sand.u32 $0x1, s1;
	s4 =	sshll.u32 s0, $0x1;
	s1 =	rddreg [dreg:$0x2]  }
0x6: {  	[smem:$0x7FF] =	sst s3;
	s10 =	smul.u32 $0x13800, s0;
	s11 =	sadd.s32 $0x142AA00, s6  }
0x7: {  	s12 =	smul.u32 $0x4E000, s0;
	s13 =	sadd.s32 $0x7A200, s6;
	s16 =	sadd.s32 $0x138000, s2  }
0x8: {  	s17 =	smul.u32 $0x4E200, s0;
	s31 =	sshll.u32 s0, $0x6;
	p0 =	sne.s32 s0, $0xF  }
0x9: {  	s7 =	sor.u32 s9, s4;
	_ =	strace $0x80000050;
	s26 =	smul.u32 $0x138800, s9  }
0xa: {  	s8 =	ssub.s32 $0x2, s9;
	s18 =	smul.u32 $0x27100, s9;
	s16 =	sshrl.u32 @!p0 s16, $0x3  }
0xb: {  	s4 =	sshll.u32 s7, $0xC;
	s5 =	sshrl.u32 s10, $0x3;
	s24 =	smul.u32 $0x138800, s7  }
0xc: {  	s14 =	sshrl.u32 s8, $0x1;
	s23 =	sshrl.u32 s12, $0x2;
	s7 =	smul.u32 $0x27100, s7  }
0xd: {  	s4 =	sadd.s32 s4, s6;
	s5 =	sadd.s32 s5, s6;
	s14 =	ssub.s32 s8, s14  }
0xe: {  	s15 =	sadd.s32 s23, s2;
	s6 =	sadd.s32 $0x7A000, s6;
	s10 =	sadd.s32 s10, s26  }
0xf: {  	s12 =	sshrl.u32 s26, $0x3;
	s23 =	simm.s32 $0x4;
	s26 =	simm.s32 $0x0  }
0x10: {  	s4 =	sadd.s32 $0xD000, s4;
	s5 =	sadd.s32 $0x53000, s5;
	s25 =	sshrl.u32 s24, $0x3  }
0x11: {  	s7 =	sadd.s32 s11, s7;
	s28 =	sshrl.u32 s10, $0x3;
	s29 =	sadd.s32 s13, s12  }
0x12: {  	s15 =	sshrl.u32 s15, $0x3;
	s24 =	simm.s32 $0x7C00;
	s8 =	sadd.s32 s11, s25  }
0x13: {  	s11 =	sadd.s32 s17, s11;
	s9 =	sadd.s32 s13, s28;
	s10 =	sadd.s32 $0x27000, s29  }
0x14: {  	s13 =	simm.s32 $0x5;
	s17 =	simm.s32 $0x8000;
	s25 =	simm.s32 $0x7C80  }
0x15: {  	s8 =	sadd.s32 $0x280, s8;
	s30 =	sadd.s32 s18, s11;
	s11 =	smax.u32 s14, $0x1  }
0x16: {  	s14 =	sor.u32 $0x1C05, s31;
	s18 =	simm.s32 $0x9400;
	s12 =	sadd.s32 $0x780, s30  }
.LBB2_1:
0x17: {  	[tilespmem:s3], [sflag:$0x5] =	stream.linear.gather [hbm4b:s4+s3], $0x7D00, $0x38;
	[tilespmem:$0x1E080] =	vst v63  }
0x18: {  	_ =	swait.ge [sflag:s13], $0x7D00  }
0x19: {  	[sflag:s13] =	ssyncset.done $0x0  }
0x1a: {  	[sflag:s13] =	ssyncadd.s32 $0xFFFF8300  }
0x1b: {  	[spmem:s15], [sflag:s14] =	dma.local [hbm:s5], $0x2700  }
0x1c: {  	_ =	swait.ge [sflag:s13], $0x2700  }
0x1d: {  	[sflag:s13] =	ssyncset.done $0x0  }
0x1e: {  	s28 =	simm.s32 @!p0 $0x5;
	[sflag:s13] =	ssyncadd.s32 $0xFFFFD900  }
0x1f: {  	[spmem:s16], [sflag:s14] =	dma.local @!p0 [hbm:s6], $0x100  }
0x20: {  	_ =	swait.ge @!p0 [sflag:s28], $0x100  }
0x21: {  	[sflag:s28] =	ssyncset.done @!p0 $0x0  }
0x22: {  	[sflag:s28] =	ssyncadd.s32 @!p0 $0xFFFFFF00  }
0x23: {  	[bflag:$0x0] =	sbarrier.arrive $0xFFFF  }
0x24: {  	[tilespmem:s17], [sflag:$0x1] =	stream.linear.gather [hbm4b:s7+s3], $0x1400, $0x38;
	[tilespmem:$0x1E080] =	vst v63  }
0x25: {  	_ = 	snop  }
0x26: {  	[tilespmem:s18], [sflag:$0x2] =	stream.linear.gather [hbm4b:s8+s3], $0x1400, $0x38;
	[tilespmem:$0x1E080] =	vst v63  }
0x27: {  	_ =	swait.ge [sflag:s19], $0x1400  }
0x28: {  	[sflag:s19] =	ssyncset.done $0x0  }
0x29: {  	s28 =	simm.s32 $0x0;
	[sflag:s19] =	ssyncadd.s32 $0xFFFFEC00  }
0x2a: {  	[spmem:s2] =	stream.indirect.scatter.add.f32 [tilespmem:s17], [sflag:$0x3], $0x80, s28, s20, $0xb8;
	[tilespmem:$0x1E080] =	vst v63  }
0x2b: {  	_ =	swait.ge [sflag:s21], $0x1400  }
0x2c: {  	[sflag:s21] =	ssyncset.done $0x0  }
0x2d: {  	s28 =	simm.s32 $0x80;
	[sflag:s21] =	ssyncadd.s32 $0xFFFFEC00  }
0x2e: {  	[spmem:s2] =	stream.indirect.scatter.add.f32 [tilespmem:s18], [sflag:$0x4], $0x80, s28, s20, $0xb8;
	[tilespmem:$0x1E080] =	vst v63  }
0x2f: {  	_ =	swait.ge [sflag:s22], $0x1400  }
0x30: {  	[sflag:s22] =	ssyncset.done $0x0  }
0x31: {  	s28 =	sadd.s32 $0xFFFFFD80, s12;
	[sflag:s22] =	ssyncadd.s32 $0xFFFFEC00  }
0x32: {  	[tilespmem:s17], [sflag:$0x1] =	stream.linear.gather [hbm4b:s28+s3], $0x1400, $0x38;
	[tilespmem:$0x1E080] =	vst v63  }
0x33: {  	_ =	swait.ge [sflag:s23], $0x1400  }
0x34: {  	s29 =	sadd.s32 $0x500, s12;
	[sflag:s23] =	ssyncset.done $0x0  }
0x35: {  	s30 =	smov.u32 s12;
	s28 =	simm.s32 $0x400;
	[sflag:s23] =	ssyncadd.s32 $0xFFFFEC00  }
.LBB2_2:
0x36: {  	[tilespmem:s18], [sflag:$0x2] =	stream.linear.gather [hbm4b:s30+s3], $0x1400, $0x38;
	[tilespmem:$0x1E080] =	vst v63  }
0x37: {  	s31 =	smov.u32 s28;
	s30 =	smov.u32 s29  }
0x38: {  	p1 =	sne.s32 s28, $0x1EC00;
	s28 =	sadd.s32 $0x400, s28;
	_ =	swait.ge [sflag:s19], $0x1400  }
0x39: {  	[sflag:s19] =	ssyncset.done $0x0  }
0x3a: {  	s31 =	sshra.s32 s31, $0x2;
	[sflag:s19] =	ssyncadd.s32 $0xFFFFEC00  }
0x3b: {  	[spmem:s2] =	stream.indirect.scatter.add.f32 [tilespmem:s17], [sflag:$0x3], $0x80, s31, s20, $0xb8;
	[tilespmem:$0x1E080] =	vst v63  }
0x3c: {  	_ =	swait.ge [sflag:s21], $0x1400  }
0x3d: {  	[sflag:s21] =	ssyncset.done $0x0  }
0x3e: {  	s31 =	sadd.s32 $0x80, s31;
	[sflag:s21] =	ssyncadd.s32 $0xFFFFEC00  }
0x3f: {  	[spmem:s2] =	stream.indirect.scatter.add.f32 [tilespmem:s18], [sflag:$0x4], $0x80, s31, s20, $0xb8;
	[tilespmem:$0x1E080] =	vst v63  }
0x40: {  	_ =	swait.ge [sflag:s22], $0x1400  }
0x41: {  	[sflag:s22] =	ssyncset.done $0x0  }
.Ltmp0:
0x42: {  	s31 =	sadd.s32 $0xFFFFFD80, s29;
	[sflag:s22] =	ssyncadd.s32 $0xFFFFEC00;
	(pc) =	sbr.rel @p1 .LBB2_2-.Ltmp0, $4  }
0x43: {  	[tilespmem:s17], [sflag:$0x1] =	stream.linear.gather [hbm4b:s31+s3], $0x1400, $0x38;
	[tilespmem:$0x1E080] =	vst v63  }
0x44: {  	_ =	swait.ge [sflag:s23], $0x1400  }
0x45: {  	[sflag:s23] =	ssyncset.done $0x0  }
0x46: {  	s29 =	sadd.s32 $0x500, s29;
	[sflag:s23] =	ssyncadd.s32 $0xFFFFEC00  }
0x47: {  	[tilespmem:s18], [sflag:$0x2] =	stream.linear.gather [hbm4b:s30+s3], $0x1400, $0x38;
	[tilespmem:$0x1E080] =	vst v63  }
0x48: {  	_ =	swait.ge [sflag:s19], $0x1400  }
0x49: {  	[sflag:s19] =	ssyncset.done $0x0  }
0x4a: {  	[sflag:s19] =	ssyncadd.s32 $0xFFFFEC00  }
0x4b: {  	[spmem:s2] =	stream.indirect.scatter.add.f32 [tilespmem:s17], [sflag:$0x3], $0x80, s24, s20, $0xb8;
	[tilespmem:$0x1E080] =	vst v63  }
0x4c: {  	_ =	swait.ge [sflag:s21], $0x1400  }
0x4d: {  	[sflag:s21] =	ssyncset.done $0x0  }
0x4e: {  	[sflag:s21] =	ssyncadd.s32 $0xFFFFEC00  }
0x4f: {  	[spmem:s2] =	stream.indirect.scatter.add.f32 [tilespmem:s18], [sflag:$0x4], $0x80, s25, s20, $0xb8;
	[tilespmem:$0x1E080] =	vst v63  }
0x50: {  	_ =	swait.ge [sflag:s22], $0x1400  }
0x51: {  	[sflag:s22] =	ssyncset.done $0x0  }
0x52: {  	[sflag:s22] =	ssyncadd.s32 $0xFFFFEC00  }
0x53: {  	_ =	swait.ge [sflag:s23], $0x1400  }
0x54: {  	[sflag:s23] =	ssyncset.done $0x0  }
0x55: {  	[sflag:s23] =	ssyncadd.s32 $0xFFFFEC00  }
0x56: {  	[bflag:$0x0] =	sbarrier.arrive $0xFFFF  }
0x57: {  	[hbm:s9], [sflag:s14] =	dma.local [spmem:s15], $0x2700  }
0x58: {  	s26 =	sadd.s32 $0x1, s26;
	_ =	swait.ge [sflag:s13], $0x2700  }
0x59: {  	p1 =	sne.s32 s26, s11;
	[sflag:s13] =	ssyncset.done $0x0  }
.Ltmp1:
0x5a: {  	s28 =	simm.s32 @!p0 $0x5;
	[sflag:s13] =	ssyncadd.s32 $0xFFFFD900;
	(pc) =	sbr.rel @p1 .LBB2_1-.Ltmp1, $4  }
0x5b: {  	[hbm:s10], [sflag:s14] =	dma.local @!p0 [spmem:s16], $0x100  }
0x5c: {  	_ =	swait.ge @!p0 [sflag:s28], $0x100  }
0x5d: {  	[sflag:s28] =	ssyncset.done @!p0 $0x0  }
0x5e: {  	[sflag:s28] =	ssyncadd.s32 @!p0 $0xFFFFFF00  }
0x5f: {  	_ =	sfence.sel $0x180000  }
0x60: {  	[bflag:$0x0] =	sbarrier.arrive $0xFFFF  }
0x61: {  	p0 =	sne.s32 s0, $0x0;
	_ =	strace $0x90000050  }
0x62: {  	s0 =	sadd.s32 @!p0 $0x100000, s1;
	[bflag:$0x2] =	sbarrier.arrive $0xFFFF  }
0x63: {  	[sflag:s0] =	ssyncadd.tile.s32 @!p0 $0x1;
	_ =	shalt  }
.Lfunc_end2:
_tile_overlayer_lowered:
.L_overlay_start_2:
0x64: {  	(tag) =	ssettag $0x2  }
0x65: {  	s0 =	rddreg [dreg:$0x0];
	s2 =	stileid.u32  }
0x66: {  	s1 =	rddreg [dreg:$0x1];
	p0 =	sne.s32 s2, $0x0  }
0x67: {  	s3 =	rddreg [dreg:$0x2];
	[bflag:$0x3] =	sbarrier.arrive $0xFFFF;
	s2 =	simm.s32 @!p0 $0x1C05  }
0x68: {  	[timem:s3], [sflag:s2] =	dma.local @!p0 [hbm:s0], s1  }
0x69: {  	s0 =	simm.s32 @!p0 $0x5  }
0x6a: {  	_ =	swait.ge @!p0 [sflag:s0], s1  }
0x6b: {  	s1 =	ssub.s32 @!p0 $0x0, s1;
	[sflag:s0] =	ssyncset.done @!p0 $0x0  }
0x6c: {  	[sflag:s0] =	ssyncadd.s32 @!p0 s1  }
0x6d: {  	[bflag:$0x3] =	sbarrier.arrive $0xFFFF  }
0x6e: {  	_ =	shalt  }

// kernel: kernel.31.cloned.1.call-start
scs
__scs_entry_jumppad:
0x0: {  	(pc) =	sbr.rel $0x88, $3  }
0x1: {  	(tag) =	ssettag $0x0;
	lr =	simm.s32 $0x1  }
0x2: {  	[smem:$0x3F8D] =	sst lr;
	_ =	strace $0xD0000000  }
0x3: {  	_ = 	snop  }
0x4: {  	_ = 	snop  }
0x5: {  	_ = 	snop  }
0x6: {  	_ = 	snop  }
0x7: {  	_ = 	snop  }
__scs_overlays_trampoline_lowered:
0x8: {  	[smem:$0x3F9C] =	sst s0  }
0x9: {  	[smem:$0x3F9D] =	sst s1  }
0xa: {  	[smem:$0x3F9E] =	sst s2  }
0xb: {  	[smem:$0x3F9F] =	sst s3  }
0xc: {  	[smem:$0x3FA0] =	sst s4  }
0xd: {  	[smem:$0x3FA1] =	sst s5  }
0xe: {  	[smem:$0x3FA2] =	sst s6  }
0xf: {  	[smem:$0x3FA3] =	sst s7  }
0x10: {  	[smem:$0x3FA4] =	sst s8  }
0x11: {  	[smem:$0x3FA5] =	sst s9;
	s0 =	simm.s32 @!p0 $0x0  }
0x12: {  	s1 =	sld [smem:$0x3F8B];
	s0 =	simm.s32 @p0 $0x1  }
0x13: {  	[smem:$0x3FA6] =	sst s0;
	s0 =	simm.s32 @!p1 $0x0  }
0x14: {  	s2 =	sld [smem:$0x3F8A];
	s0 =	simm.s32 @p1 $0x1  }
0x15: {  	[smem:$0x3FA7] =	sst s0;
	s0 =	simm.s32 @!p2 $0x0  }
0x16: {  	s3 =	sld [smem:$0x3FDB];
	s0 =	simm.s32 @p2 $0x1  }
0x17: {  	s4 =	simm.s32 $0x1BF5;
	[smem:$0x3FA9] =	sst s0  }
0x18: {  	s0 =	sld [smem:$0x3F8C];
	_ =	swait.ge [sflag:s4], $0x0  }
0x19: {  	s7 =	sld [smem:$0x3F8D]  }
0x1a: {  	s8 =	sadd.s32 $0xFFFFE003, lr  }
0x1b: {  	s9 =	sadd.s32 $0xFFFFFEF7, lr;
	s5 =	simm.s32 $0xFFFFFFFF;
	p2 =	slt.u32 s8, $0xFFFFF086  }
0x1c: {  	p1 =	slt.u32 s9, $0xF7A;
	s5 =	simm.s32 @!p2 $0x0  }
0x1d: {  	s5 =	simm.s32 @p1 $0x1;
	p0 =	seq.s32 s7, s2  }
0x1e: {  	s7 =	smul.u32 @!p0 $0xF7A, s2;
	p2 =	seq.s32 @!p0 s5, $0x0  }
0x1f: {  	s9 =	smul.u32 $0xF7A, s1;
	s8 =	simm.s32 @!p0 $0x1BF5;
	p2 =	por !p2, p0  }
0x20: {  	[sflag:s8] =	ssyncset.s32 @!p0 $0xFFFFF086;
	s6 =	sadd.s32 @!p0 s3, s7;
	s7 =	simm.s32 @!p0 $0x108  }
0x21: {  	s3 =	sadd.s32 s3, s9;
	s6 =	sadd.s32 @!p0 $0x88, s6;
	s7 =	simm.s32 @p2 $0x1082  }
0x22: {  	[simem:s7], [sflag:s8] =	dma.local @!p0 [hbm:s6], $0xF7A  }
0x23: {  	s9 =	sor.u32 $0xD0000000, s2;
	s6 =	simm.s32 $0x108;
	_ =	swait.ge @!p0 [sflag:s8], $0x0  }
0x24: {  	s3 =	sadd.s32 $0x88, s3;
	s6 =	simm.s32 @!p1 $0x1082;
	[sflag:s4] =	ssyncset.s32 $0xFFFFF086  }
0x25: {  	[simem:s6], [sflag:s4] =	dma.local [hbm:s3], $0xF7A  }
0x26: {  	[smem:$0x3F8D] =	sst s1;
	(tag) =	ssettag s2;
	_ =	strace s9  }
0x27: {  	s1 =	sld [smem:$0x3F9D]  }
0x28: {  	s2 =	sld [smem:$0x3F9E]  }
0x29: {  	s4 =	sld [smem:$0x3FA0]  }
0x2a: {  	p0 =	seq.s32 s5, $0x0;
	s5 =	sld [smem:$0x3FA1]  }
0x2b: {  	s6 =	sld [smem:$0x3FA2]  }
0x2c: {  	s7 =	sld [smem:$0x3FA3]  }
0x2d: {  	s3 =	simm.s32 $0x108;
	s8 =	sld [smem:$0x3FA4]  }
0x2e: {  	s3 =	simm.s32 @!p0 $0x1082;
	s9 =	sld [smem:$0x3FA5]  }
0x2f: {  	lr =	sadd.s32 s0, s3;
	s0 =	sld [smem:$0x3F9C]  }
0x30: {  	s3 =	sld [smem:$0x3F9F]  }
0x31: {  	[smem:$0x3FA8] =	sst s10  }
0x32: {  	s10 =	sld [smem:$0x3FA6];
	_ =	sdelay $0x3  }
0x33: {  	p0 =	seq.s32 s10, $0x1;
	s10 =	sld [smem:$0x3FA8];
	_ =	sdelay $0x3  }
0x34: {  	[smem:$0x3FA8] =	sst s10  }
0x35: {  	s10 =	sld [smem:$0x3FA7];
	_ =	sdelay $0x3  }
0x36: {  	p1 =	seq.s32 s10, $0x1;
	s10 =	sld [smem:$0x3FA8];
	_ =	sdelay $0x3  }
0x37: {  	[smem:$0x3FA8] =	sst s10  }
0x38: {  	s10 =	sld [smem:$0x3FA9]  }
0x39: {  	_ = 	snop;
	(pc) =	sbr.ind lr, $3  }
0x3a: {  	_ = 	snop  }
0x3b: {  	_ = 	snop  }
0x3c: {  	p2 =	seq.s32 s10, $0x1;
	s10 =	sld [smem:$0x3FA8]  }
0x3d: {  	_ =	shalt  }
0x3e: {  	_ =	shalt  }
0x3f: {  	_ =	shalt  }
0x40: {  	_ =	shalt  }
0x41: {  	_ =	shalt  }
0x42: {  	_ =	shalt  }
0x43: {  	_ =	shalt  }
0x44: {  	_ =	shalt  }
0x45: {  	_ =	shalt  }
0x46: {  	_ =	shalt  }
0x47: {  	_ =	shalt  }
0x48: {  	_ =	shalt  }
0x49: {  	_ =	shalt  }
0x4a: {  	_ =	shalt  }
0x4b: {  	_ =	shalt  }
0x4c: {  	_ =	shalt  }
0x4d: {  	_ =	shalt  }
0x4e: {  	_ =	shalt  }
0x4f: {  	_ =	shalt  }
0x50: {  	_ =	shalt  }
0x51: {  	_ =	shalt  }
0x52: {  	_ =	shalt  }
0x53: {  	_ =	shalt  }
0x54: {  	_ =	shalt  }
0x55: {  	_ =	shalt  }
0x56: {  	_ =	shalt  }
0x57: {  	_ =	shalt  }
0x58: {  	_ =	shalt  }
0x59: {  	_ =	shalt  }
0x5a: {  	_ =	shalt  }
0x5b: {  	_ =	shalt  }
0x5c: {  	_ =	shalt  }
0x5d: {  	_ =	shalt  }
0x5e: {  	_ =	shalt  }
0x5f: {  	_ =	shalt  }
0x60: {  	_ =	shalt  }
0x61: {  	_ =	shalt  }
0x62: {  	_ =	shalt  }
0x63: {  	_ =	shalt  }
0x64: {  	_ =	shalt  }
0x65: {  	_ =	shalt  }
0x66: {  	_ =	shalt  }
0x67: {  	_ =	shalt  }
0x68: {  	_ =	shalt  }
0x69: {  	_ =	shalt  }
0x6a: {  	_ =	shalt  }
0x6b: {  	_ =	shalt  }
0x6c: {  	_ =	shalt  }
0x6d: {  	_ =	shalt  }
0x6e: {  	_ =	shalt  }
0x6f: {  	_ =	shalt  }
0x70: {  	_ =	shalt  }
0x71: {  	_ =	shalt  }
0x72: {  	_ =	shalt  }
0x73: {  	_ =	shalt  }
0x74: {  	_ =	shalt  }
0x75: {  	_ =	shalt  }
0x76: {  	_ =	shalt  }
0x77: {  	_ =	shalt  }
0x78: {  	_ =	shalt  }
0x79: {  	_ =	shalt  }
0x7a: {  	_ =	shalt  }
0x7b: {  	_ =	shalt  }
0x7c: {  	_ =	shalt  }
0x7d: {  	_ =	shalt  }
0x7e: {  	_ =	shalt  }
0x7f: {  	_ =	shalt  }
0x80: {  	_ =	shalt  }
0x81: {  	_ =	shalt  }
0x82: {  	_ =	shalt  }
0x83: {  	_ =	shalt  }
0x84: {  	_ =	shalt  }
0x85: {  	_ =	shalt  }
0x86: {  	_ =	shalt  }
0x87: {  	_ =	shalt  }
.Lfunc_end0:
.L_simem_size_0:
called_computation.4_lowered:
.L_overlay_start_0:
0x88: {  	s2 =	sld [smem:$0x3FD9]  }
0x89: {  	s3 =	sld [smem:$0x3FFE];
	_ =	sdelay $0x1  }
0x8a: {  	s1 =	srdreg.scid  }
0x8b: {  	s0 =	sand.u32 $0x1, s1  }
0x8c: {  	s16 =	sshll.u32 s0, $0xA;
	s2 =	sadd.s32 s3, s2  }
0x8d: {  	s2 =	sadd.s32 s2, s16  }
0x8e: {  	[smem:$0x3FB4] =	sst s2  }
0x8f: {  	_ = 	snop  }
0x90: {  	(tm) =	ssettm $0x1  }
0x91: {  	s17 =	sld [smem:$0x3FFB];
	_ =	sdelay $0x3  }
0x92: {  	_ =	strace s17  }
0x93: {  	s2 =	sld [smem:$0x3FFC];
	_ =	sdelay $0x3  }
0x94: {  	_ =	strace s2  }
0x95: {  	s2 =	sld [smem:$0x3FFD];
	_ =	sdelay $0x3  }
0x96: {  	_ =	strace s2  }
0x97: {  	_ =	strace $0x8FFFFFFF  }
0x98: {  	s18 =	sld [smem:$0x3FDB];
	_ =	sdelay $0x1  }
0x99: {  	s19 =	simm.s32 $_scs_section_size  }
0x9a: {  	s4 =	simm.s32 $_size__tile_overlayer_lowered;
	s5 =	simm.s32 $_tile_overlayer_lowered  }
0x9b: {  	s22 =	simm.s32 $0x1BFF;
	s21 =	sshll.u32 s5, $0x1;
	s2 =	sadd.s32 s19, s18  }
0x9c: {  	s6 =	simm.s32 $0x0;
	s20 =	sshll.u32 s4, $0x1;
	s4 =	sadd.s32 s21, s2  }
0x9d: {  	[timem:s6], [sflag:s22] =	dma.local [hbm:s4], s20  }
0x9e: {  	_ =	swait.ge [sflag:s22], s20  }
0x9f: {  	s3 =	ssub.s32 $0x0, s20;
	[sflag:s22] =	ssyncset.done $0x0  }
0xa0: {  	[sflag:s22] =	ssyncadd.s32 s3;
	_ =	sdelay $0x1  }
0xa1: {  	s23 =	simm.s32 $0x1B8B  }
0xa2: {  	_ =	swait.ge [sflag:s23], $0x1  }
0xa3: {  	[sflag:s23] =	ssyncset.done $0x0  }
0xa4: {  	s25 =	simm.s32 $0x1B8E;
	s24 =	sld [smem:$0x3FFE];
	[sflag:s23] =	ssyncadd.s32 $0xFFFFFFFF  }
0xa5: {  	s26 =	simm.s32 $execute0_lowered;
	[smem:$0x3FD2] =	sst s25  }
0xa6: {  	s4 =	sshll.u32 s26, $0x1;
	_ =	strace $0x80000052;
	[dreg:$0x1] =	wrdreg $0xFFFFFFFF  }
0xa7: {  	s28 =	simm.s32 $_size_execute0_lowered;
	s2 =	sadd.s32 s2, s4;
	[dreg:$0x0] =	wrdreg $0x0  }
0xa8: {  	s4 =	sshll.u32 s28, $0x1;
	[dreg:$0x2] =	wrdreg s2  }
0xa9: {  	[dreg:$0x3] =	wrdreg s4  }
0xaa: {  	[dreg:$0x4] =	wrdreg $0xC0  }
0xab: {  	_ =	task [dreg:s6], $0x5FFFF  }
0xac: {  	[dreg:$0x1] =	wrdreg $0xFFFFFFFF  }
0xad: {  	[dreg:$0x0] =	wrdreg $0x60  }
0xae: {  	[dreg:$0x2] =	wrdreg s24  }
0xaf: {  	[dreg:$0x3] =	wrdreg $0x9  }
0xb0: {  	_ =	task.clear_ibuf [dreg:s6], $0x4FFFF;
	_ =	strace $0x90000052  }
0xb1: {  	s29 =	simm.s32 $0x9;
	_ =	strace $0x80000054  }
0xb2: {  	_ =	swait.ge [sflag:s29], $0x1  }
0xb3: {  	[sflag:s29] =	ssyncadd.s32 $0xFFFFFFFF  }
0xb4: {  	_ =	strace $0x90000054  }
0xb5: {  	_ =	sfence  }
0xb6: {  	s30 =	sld [smem:$0x0];
	_ =	sdelay $0x2  }
0xb7: {  	s31 =	sshll.u32 s1, $0xD;
	s1 =	sshrl.u32 s1, $0x2  }
0xb8: {  	s3 =	sand.u32 $0x4000, s31;
	s1 =	sadd.s32 s1, s30  }
0xb9: {  	s0 =	sor.u32 s3, s0;
	s1 =	sshll.u32 s1, $0x11  }
0xba: {  	s0 =	sor.u32 s1, s0  }
0xbb: {  	s0 =	sadd.s32 $0x8F2B, s0  }
0xbc: {  	[sflag:s0] =	ssyncadd.remote.s32 $0x1  }
0xbd: {  	_ =	sfence.sel $0xFFFF  }
0xbe: {  	[dreg:$0x0] =	wrdreg $0xFFFFFFFF;
	(pc) =	sbr.abs _section_cstart, $3  }
0xbf: {  	[dreg:$0x1] =	wrdreg $0xFFFFFFFF  }
0xc0: {  	_ =	task.clear_ibuf [dreg:s6], $0x2FFFF;
	_ =	strace $0x9FFFFFFF  }
0xc1: {  	(tm) =	ssettm $0x7FFFFFFF  }
tec
execute0_lowered:
.L_overlay_start_1:
0x0: {  	(tag) =	ssettag $0x1  }
0x1: {  	s0 =	rddreg [dreg:$0x0];
	s2 =	simm.s32 $0x0  }
0x2: {  	s1 =	srdreg.scid;
	s11 =	stileid.u32;
	s13 =	simm.s32 $0x8000  }
0x3: {  	s14 =	simm.s32 $0x28;
	s15 =	simm.s32 $0x10000;
	s16 =	simm.s32 $0x11400  }
0x4: {  	s18 =	simm.s32 $0x12800;
	s20 =	simm.s32 $0x13C00;
	s21 =	simm.s32 $0x1  }
0x5: {  	s28 =	simm.s32 $0x5;
	s29 =	simm.s32 $0x6;
	s30 =	simm.s32 $0x0  }
0x6: {  	[smem:$0x7FF] =	sst s2;
	s1 =	sand.u32 $0x1, s1;
	s5 =	sshll.u32 s11, $0x1  }
0x7: {  	s3 =	sadd.s32 $0x7A200, s0;
	s4 =	sadd.s32 $0xA1400, s0;
	s9 =	sadd.s32 $0xF0200, s0  }
0x8: {  	s11 =	smul.u32 $0x4E200, s11;
	_ =	strace $0x80000053;
	s5 =	sor.u32 s1, s5  }
0x9: {  	s7 =	ssub.s32 $0x2, s1;
	s1 =	smul.u32 $0x27100, s1;
	s6 =	sshll.u32 s5, $0xC  }
0xa: {  	s5 =	smul.u32 $0x138800, s5;
	s8 =	sshrl.u32 s7, $0x1;
	s6 =	sadd.s32 s6, s0  }
0xb: {  	s12 =	sadd.s32 s11, s9;
	s0 =	sadd.s32 $0xF48A00, s0;
	s23 =	sadd.s32 $0xD000, s6  }
0xc: {  	s22 =	sshrl.u32 s5, $0x3;
	s25 =	sadd.s32 $0x2D000, s6;
	[dreg:$0x2] =	wrdreg s23  }
0xd: {  	s10 =	ssub.s32 s7, s8;
	s24 =	sadd.s32 $0x26E80, s22;
	[dreg:$0x3] =	wrdreg s25  }
.Ltmp0:
0xe: {  	s22 =	simm.s32 $0x16400;
	s23 =	simm.s32 $0x2;
	(pc) =	sbr.rel .LBB2_1-.Ltmp0, $4  }
0xf: {  	s25 =	simm.s32 $0x3;
	s26 =	sadd.s32 s9, s24;
	s31 =	sadd.s32 s0, s24  }
0x10: {  	s0 =	sadd.s32 s11, s0;
	s9 =	smax.u32 s10, $0x1;
	s10 =	sadd.s32 s1, s12  }
0x11: {  	s12 =	simm.s32 $0x7;
	s24 =	simm.s32 $0x4;
	[dreg:$0x4] =	wrdreg s26  }
0x12: {  	[dreg:$0x5] =	wrdreg s31;
	s11 =	sadd.s32 s1, s0;
	s26 =	simm.s32 $0x15000  }
.LBB2_4:
0x13: {  	_ =	swait.ge [sflag:s21], $0x1400  }
0x14: {  	[sflag:s21] =	ssyncset.done $0x0  }
0x15: {  	[sflag:s21] =	ssyncadd.s32 $0xFFFFEC00  }
0x16: {  	_ =	swait.ge [sflag:s21], $0x1400  }
0x17: {  	[sflag:s21] =	ssyncset.done $0x0  }
0x18: {  	s0 =	rddreg [dreg:$0x4];
	[sflag:s21] =	ssyncadd.s32 $0xFFFFEC00  }
0x19: {  	[hbm4b:s0+s2] =	stream.linear.scatter [tilespmem:s15], [sflag:$0x4], $0x1400, $0x38;
	[tilespmem:$0x17800] =	vst v63  }
0x1a: {  	s31 =	rddreg [dreg:$0x5]  }
0x1b: {  	[hbm4b:s31+s2] =	stream.linear.scatter [tilespmem:s16], [sflag:$0x4], $0x1400, $0x38;
	[tilespmem:$0x17800] =	vst v63  }
0x1c: {  	_ =	swait.ge [sflag:s29], $0x1400  }
0x1d: {  	[sflag:s29] =	ssyncset.done $0x0  }
0x1e: {  	[sflag:s29] =	ssyncadd.s32 $0xFFFFEC00  }
0x1f: {  	_ =	swait.ge [sflag:s29], $0x1400  }
0x20: {  	[sflag:s29] =	ssyncset.done $0x0  }
0x21: {  	s30 =	sadd.s32 $0x1, s30;
	[sflag:s29] =	ssyncadd.s32 $0xFFFFEC00  }
0x22: {  	p0 =	sne.s32 s30, s9;
	_ =	swait.ge [sflag:s24], $0x1400  }
.Ltmp1:
0x23: {  	[sflag:s24] =	ssyncset.done $0x0;
	(pc) =	sbr.rel @!p0 .LBB2_5-.Ltmp1, $4  }
0x24: {  	[sflag:s24] =	ssyncadd.s32 $0xFFFFEC00  }
0x25: {  	_ =	swait.ge [sflag:s24], $0x1400  }
0x26: {  	[sflag:s24] =	ssyncset.done $0x0  }
0x27: {  	[sflag:s24] =	ssyncadd.s32 $0xFFFFEC00  }
.LBB2_1:
0x28: {  	s0 =	rddreg [dreg:$0x2]  }
0x29: {  	[tilespmem:s2], [sflag:$0x7] =	stream.linear.gather [hbm4b:s0+s2], $0x7D00, $0x38;
	[tilespmem:$0x17800] =	vst v63  }
0x2a: {  	_ =	swait.ge [sflag:s12], $0x7D00  }
0x2b: {  	[sflag:s12] =	ssyncset.done $0x0  }
0x2c: {  	s8 =	rddreg [dreg:$0x3];
	[sflag:s12] =	ssyncadd.s32 $0xFFFF8300  }
0x2d: {  	[tilespmem:s13], [sflag:$0x7] =	stream.linear.gather [hbm4b:s8+s2], $0x7D00, $0x38;
	[tilespmem:$0x17800] =	vst v63  }
0x2e: {  	_ =	swait.ge [sflag:s12], $0x7D00  }
0x2f: {  	[sflag:s12] =	ssyncset.done $0x0  }
0x30: {  	[sflag:s12] =	ssyncadd.s32 $0xFFFF8300  }
0x31: {  	[tilespmem:s15], [sflag:$0x1] =	stream.indirect.gather [hbm4b:s3+s14], $0x80, s2, s14, $0xb8;
	[tilespmem:$0x17800] =	vst v63  }
0x32: {  	_ = 	snop  }
0x33: {  	[tilespmem:s16], [sflag:$0x1] =	stream.indirect.gather [hbm4b:s4+s14], $0x80, s13, s14, $0xb8;
	[tilespmem:$0x17800] =	vst v63  }
0x34: {  	s17 =	simm.s32 $0x80  }
0x35: {  	[tilespmem:s18], [sflag:$0x2] =	stream.indirect.gather [hbm4b:s3+s14], $0x80, s17, s14, $0xb8;
	[tilespmem:$0x17800] =	vst v63  }
0x36: {  	s19 =	simm.s32 $0x8080;
	s31 =	simm.s32 $0x8100  }
0x37: {  	[tilespmem:s20], [sflag:$0x2] =	stream.indirect.gather [hbm4b:s4+s14], $0x80, s19, s14, $0xb8;
	[tilespmem:$0x17800] =	vst v63  }
0x38: {  	s1 =	simm.s32 $0x0;
	s0 =	simm.s32 $0x100;
	s19 =	simm.s32 $0x0  }
.LBB2_2:
0x39: {  	_ =	swait.ge [sflag:s21], $0x1400  }
0x3a: {  	[sflag:s21] =	ssyncset.done $0x0  }
0x3b: {  	[sflag:s21] =	ssyncadd.s32 $0xFFFFEC00  }
0x3c: {  	_ =	swait.ge [sflag:s21], $0x1400  }
0x3d: {  	[sflag:s21] =	ssyncset.done $0x0  }
0x3e: {  	s5 =	sadd.s32 s1, s10;
	[sflag:s21] =	ssyncadd.s32 $0xFFFFEC00  }
0x3f: {  	[hbm4b:s5+s2] =	stream.linear.scatter [tilespmem:s15], [sflag:$0x4], $0x1400, $0x38;
	[tilespmem:$0x17800] =	vst v63  }
0x40: {  	s6 =	sadd.s32 s1, s11;
	p0 =	seq.s32 s1, $0x0  }
0x41: {  	[hbm4b:s6+s2] =	stream.linear.scatter [tilespmem:s16], [sflag:$0x4], $0x1400, $0x38;
	[tilespmem:$0x17800] =	vst v63  }
0x42: {  	s17 =	simm.s32 @p0 $0x28;
	s7 =	simm.s32 @p0 $0x100;
	s8 =	simm.s32 @p0 $0x15000  }
0x43: {  	[tilespmem:s8], [sflag:$0x3] =	stream.indirect.gather @p0 [hbm4b:s3+s17], $0x80, s7, s17, $0xb8;
	[tilespmem:$0x17800] =	vst v63  }
0x44: {  	s7 =	simm.s32 @!p0 $0x6  }
0x45: {  	_ =	swait.ge @!p0 [sflag:s7], $0x1400  }
0x46: {  	[sflag:s7] =	ssyncset.done @!p0 $0x0  }
0x47: {  	[sflag:s7] =	ssyncadd.s32 @!p0 $0xFFFFEC00  }
0x48: {  	_ =	swait.ge @!p0 [sflag:s7], $0x1400  }
0x49: {  	[sflag:s7] =	ssyncset.done @!p0 $0x0  }
0x4a: {  	s8 =	simm.s32 @!p0 $0x15000;
	[sflag:s7] =	ssyncadd.s32 @!p0 $0xFFFFEC00;
	s7 =	simm.s32 @!p0 $0x28  }
0x4b: {  	[tilespmem:s8], [sflag:$0x3] =	stream.indirect.gather @!p0 [hbm4b:s3+s7], $0x80, s0, s7, $0xb8;
	[tilespmem:$0x17800] =	vst v63  }
0x4c: {  	s7 =	smov.u32 s31  }
0x4d: {  	s7 =	simm.s32 @p0 $0x8100  }
0x4e: {  	[tilespmem:s22], [sflag:$0x3] =	stream.indirect.gather [hbm4b:s4+s14], $0x80, s7, s14, $0xb8;
	[tilespmem:$0x17800] =	vst v63  }
0x4f: {  	_ =	swait.ge [sflag:s23], $0x1400  }
0x50: {  	[sflag:s23] =	ssyncset.done $0x0  }
0x51: {  	[sflag:s23] =	ssyncadd.s32 $0xFFFFEC00  }
0x52: {  	_ =	swait.ge [sflag:s23], $0x1400  }
0x53: {  	[sflag:s23] =	ssyncset.done $0x0  }
0x54: {  	s8 =	sadd.s32 $0x280, s5;
	[sflag:s23] =	ssyncadd.s32 $0xFFFFEC00  }
0x55: {  	[hbm4b:s8+s2] =	stream.linear.scatter [tilespmem:s18], [sflag:$0x5], $0x1400, $0x38;
	[tilespmem:$0x17800] =	vst v63  }
0x56: {  	s17 =	sadd.s32 $0x280, s6  }
0x57: {  	[hbm4b:s17+s2] =	stream.linear.scatter [tilespmem:s20], [sflag:$0x5], $0x1400, $0x38;
	[tilespmem:$0x17800] =	vst v63  }
0x58: {  	_ =	swait.ge [sflag:s24], $0x1400  }
0x59: {  	[sflag:s24] =	ssyncset.done $0x0  }
0x5a: {  	[sflag:s24] =	ssyncadd.s32 $0xFFFFEC00  }
0x5b: {  	s17 =	smov.u32 s19;
	_ =	swait.ge [sflag:s24], $0x1400  }
0x5c: {  	s17 =	simm.s32 @p0 $0x0;
	[sflag:s24] =	ssyncset.done $0x0  }
0x5d: {  	s8 =	sadd.s32 $0x180, s17;
	[sflag:s24] =	ssyncadd.s32 $0xFFFFEC00  }
0x5e: {  	[tilespmem:s15], [sflag:$0x1] =	stream.indirect.gather [hbm4b:s3+s14], $0x80, s8, s14, $0xb8;
	[tilespmem:$0x17800] =	vst v63  }
0x5f: {  	s8 =	sadd.s32 $0x8180, s17  }
0x60: {  	[tilespmem:s16], [sflag:$0x1] =	stream.indirect.gather [hbm4b:s4+s14], $0x80, s8, s14, $0xb8;
	[tilespmem:$0x17800] =	vst v63  }
0x61: {  	_ =	swait.ge [sflag:s25], $0x1400  }
0x62: {  	[sflag:s25] =	ssyncset.done $0x0  }
0x63: {  	[sflag:s25] =	ssyncadd.s32 $0xFFFFEC00  }
0x64: {  	_ =	swait.ge [sflag:s25], $0x1400  }
0x65: {  	[sflag:s25] =	ssyncset.done $0x0  }
0x66: {  	s5 =	sadd.s32 $0x500, s5;
	[sflag:s25] =	ssyncadd.s32 $0xFFFFEC00  }
0x67: {  	[hbm4b:s5+s2] =	stream.linear.scatter [tilespmem:s26], [sflag:$0x6], $0x1400, $0x38;
	[tilespmem:$0x17800] =	vst v63  }
0x68: {  	s8 =	sadd.s32 $0x500, s6  }
0x69: {  	[hbm4b:s8+s2] =	stream.linear.scatter [tilespmem:s22], [sflag:$0x6], $0x1400, $0x38;
	[tilespmem:$0x17800] =	vst v63  }
0x6a: {  	p0 =	seq.s32 s1, $0x26700;
	_ =	swait.ge [sflag:s28], $0x1400  }
.Ltmp2:
0x6b: {  	[sflag:s28] =	ssyncset.done $0x0;
	(pc) =	sbr.rel @p0 .LBB2_4-.Ltmp2, $4  }
0x6c: {  	[sflag:s28] =	ssyncadd.s32 $0xFFFFEC00  }
0x6d: {  	_ =	swait.ge [sflag:s28], $0x1400  }
0x6e: {  	[sflag:s28] =	ssyncset.done $0x0  }
0x6f: {  	[sflag:s28] =	ssyncadd.s32 $0xFFFFEC00  }
.Ltmp3:
0x70: {  	(pc) =	sbr.rel .LBB2_2-.Ltmp3, $4  }
0x71: {  	s5 =	sadd.s32 $0x200, s17;
	s17 =	sadd.s32 $0x8200, s17;
	s19 =	sadd.s32 $0x180, s19  }
0x72: {  	[tilespmem:s18], [sflag:$0x2] =	stream.indirect.gather [hbm4b:s3+s14], $0x80, s5, s14, $0xb8;
	[tilespmem:$0x17800] =	vst v63  }
0x73: {  	s31 =	sadd.s32 $0x180, s31;
	s0 =	sadd.s32 $0x180, s0;
	s1 =	sadd.s32 $0x780, s1  }
0x74: {  	[tilespmem:s20], [sflag:$0x2] =	stream.indirect.gather [hbm4b:s4+s14], $0x80, s17, s14, $0xb8;
	[tilespmem:$0x17800] =	vst v63  }
.LBB2_5:
0x75: {  	_ =	sfence.sel $0x180000  }
0x76: {  	[bflag:$0x0] =	sbarrier.arrive $0xFFFF  }
0x77: {  	_ =	strace $0x90000053  }
0x78: {  	s0 =	stileid.u32;
	[bflag:$0x2] =	sbarrier.arrive $0xFFFF  }
0x79: {  	p0 =	sne.s32 s0, $0x0;
	s0 =	rddreg [dreg:$0x1]  }
0x7a: {  	s0 =	sadd.s32 @!p0 $0x100000, s0  }
0x7b: {  	[sflag:s0] =	ssyncadd.tile.s32 @!p0 $0x1;
	_ =	shalt  }
.Lfunc_end2:
_tile_overlayer_lowered:
.L_overlay_start_2:
0x7c: {  	(tag) =	ssettag $0x2  }
0x7d: {  	s0 =	rddreg [dreg:$0x0];
	s2 =	stileid.u32  }
0x7e: {  	s1 =	rddreg [dreg:$0x1];
	p0 =	sne.s32 s2, $0x0  }
0x7f: {  	s3 =	rddreg [dreg:$0x2];
	[bflag:$0x3] =	sbarrier.arrive $0xFFFF;
	s2 =	simm.s32 @!p0 $0x1C07  }
0x80: {  	[timem:s3], [sflag:s2] =	dma.local @!p0 [hbm:s0], s1  }
0x81: {  	s0 =	simm.s32 @!p0 $0x7  }
0x82: {  	_ =	swait.ge @!p0 [sflag:s0], s1  }
0x83: {  	s1 =	ssub.s32 @!p0 $0x0, s1;
	[sflag:s0] =	ssyncset.done @!p0 $0x0  }
0x84: {  	[sflag:s0] =	ssyncadd.s32 @!p0 s1  }
0x85: {  	[bflag:$0x3] =	sbarrier.arrive $0xFFFF  }
0x86: {  	_ =	shalt  }

// kernel: kernel.34.cloned.1.call-start
scs
__scs_entry_jumppad:
0x0: {  	(pc) =	sbr.rel $0x88, $3  }
0x1: {  	(tag) =	ssettag $0x0;
	lr =	simm.s32 $0x1  }
0x2: {  	[smem:$0x3F8D] =	sst lr;
	_ =	strace $0xD0000000  }
0x3: {  	_ = 	snop  }
0x4: {  	_ = 	snop  }
0x5: {  	_ = 	snop  }
0x6: {  	_ = 	snop  }
0x7: {  	_ = 	snop  }
__scs_overlays_trampoline_lowered:
0x8: {  	[smem:$0x3F9C] =	sst s0  }
0x9: {  	[smem:$0x3F9D] =	sst s1  }
0xa: {  	[smem:$0x3F9E] =	sst s2  }
0xb: {  	[smem:$0x3F9F] =	sst s3  }
0xc: {  	[smem:$0x3FA0] =	sst s4  }
0xd: {  	[smem:$0x3FA1] =	sst s5  }
0xe: {  	[smem:$0x3FA2] =	sst s6  }
0xf: {  	[smem:$0x3FA3] =	sst s7  }
0x10: {  	[smem:$0x3FA4] =	sst s8  }
0x11: {  	[smem:$0x3FA5] =	sst s9;
	s0 =	simm.s32 @!p0 $0x0  }
0x12: {  	s1 =	sld [smem:$0x3F8B];
	s0 =	simm.s32 @p0 $0x1  }
0x13: {  	[smem:$0x3FA6] =	sst s0;
	s0 =	simm.s32 @!p1 $0x0  }
0x14: {  	s2 =	sld [smem:$0x3F8A];
	s0 =	simm.s32 @p1 $0x1  }
0x15: {  	[smem:$0x3FA7] =	sst s0;
	s0 =	simm.s32 @!p2 $0x0  }
0x16: {  	s3 =	sld [smem:$0x3FDB];
	s0 =	simm.s32 @p2 $0x1  }
0x17: {  	s4 =	simm.s32 $0x1BF5;
	[smem:$0x3FA9] =	sst s0  }
0x18: {  	s0 =	sld [smem:$0x3F8C];
	_ =	swait.ge [sflag:s4], $0x0  }
0x19: {  	s7 =	sld [smem:$0x3F8D]  }
0x1a: {  	s8 =	sadd.s32 $0xFFFFE003, lr  }
0x1b: {  	s9 =	sadd.s32 $0xFFFFFEF7, lr;
	s5 =	simm.s32 $0xFFFFFFFF;
	p2 =	slt.u32 s8, $0xFFFFF086  }
0x1c: {  	p1 =	slt.u32 s9, $0xF7A;
	s5 =	simm.s32 @!p2 $0x0  }
0x1d: {  	s5 =	simm.s32 @p1 $0x1;
	p0 =	seq.s32 s7, s2  }
0x1e: {  	s7 =	smul.u32 @!p0 $0xF7A, s2;
	p2 =	seq.s32 @!p0 s5, $0x0  }
0x1f: {  	s9 =	smul.u32 $0xF7A, s1;
	s8 =	simm.s32 @!p0 $0x1BF5;
	p2 =	por !p2, p0  }
0x20: {  	[sflag:s8] =	ssyncset.s32 @!p0 $0xFFFFF086;
	s6 =	sadd.s32 @!p0 s3, s7;
	s7 =	simm.s32 @!p0 $0x108  }
0x21: {  	s3 =	sadd.s32 s3, s9;
	s6 =	sadd.s32 @!p0 $0x88, s6;
	s7 =	simm.s32 @p2 $0x1082  }
0x22: {  	[simem:s7], [sflag:s8] =	dma.local @!p0 [hbm:s6], $0xF7A  }
0x23: {  	s9 =	sor.u32 $0xD0000000, s2;
	s6 =	simm.s32 $0x108;
	_ =	swait.ge @!p0 [sflag:s8], $0x0  }
0x24: {  	s3 =	sadd.s32 $0x88, s3;
	s6 =	simm.s32 @!p1 $0x1082;
	[sflag:s4] =	ssyncset.s32 $0xFFFFF086  }
0x25: {  	[simem:s6], [sflag:s4] =	dma.local [hbm:s3], $0xF7A  }
0x26: {  	[smem:$0x3F8D] =	sst s1;
	(tag) =	ssettag s2;
	_ =	strace s9  }
0x27: {  	s1 =	sld [smem:$0x3F9D]  }
0x28: {  	s2 =	sld [smem:$0x3F9E]  }
0x29: {  	s4 =	sld [smem:$0x3FA0]  }
0x2a: {  	p0 =	seq.s32 s5, $0x0;
	s5 =	sld [smem:$0x3FA1]  }
0x2b: {  	s6 =	sld [smem:$0x3FA2]  }
0x2c: {  	s7 =	sld [smem:$0x3FA3]  }
0x2d: {  	s3 =	simm.s32 $0x108;
	s8 =	sld [smem:$0x3FA4]  }
0x2e: {  	s3 =	simm.s32 @!p0 $0x1082;
	s9 =	sld [smem:$0x3FA5]  }
0x2f: {  	lr =	sadd.s32 s0, s3;
	s0 =	sld [smem:$0x3F9C]  }
0x30: {  	s3 =	sld [smem:$0x3F9F]  }
0x31: {  	[smem:$0x3FA8] =	sst s10  }
0x32: {  	s10 =	sld [smem:$0x3FA6];
	_ =	sdelay $0x3  }
0x33: {  	p0 =	seq.s32 s10, $0x1;
	s10 =	sld [smem:$0x3FA8];
	_ =	sdelay $0x3  }
0x34: {  	[smem:$0x3FA8] =	sst s10  }
0x35: {  	s10 =	sld [smem:$0x3FA7];
	_ =	sdelay $0x3  }
0x36: {  	p1 =	seq.s32 s10, $0x1;
	s10 =	sld [smem:$0x3FA8];
	_ =	sdelay $0x3  }
0x37: {  	[smem:$0x3FA8] =	sst s10  }
0x38: {  	s10 =	sld [smem:$0x3FA9]  }
0x39: {  	_ = 	snop;
	(pc) =	sbr.ind lr, $3  }
0x3a: {  	_ = 	snop  }
0x3b: {  	_ = 	snop  }
0x3c: {  	p2 =	seq.s32 s10, $0x1;
	s10 =	sld [smem:$0x3FA8]  }
0x3d: {  	_ =	shalt  }
0x3e: {  	_ =	shalt  }
0x3f: {  	_ =	shalt  }
0x40: {  	_ =	shalt  }
0x41: {  	_ =	shalt  }
0x42: {  	_ =	shalt  }
0x43: {  	_ =	shalt  }
0x44: {  	_ =	shalt  }
0x45: {  	_ =	shalt  }
0x46: {  	_ =	shalt  }
0x47: {  	_ =	shalt  }
0x48: {  	_ =	shalt  }
0x49: {  	_ =	shalt  }
0x4a: {  	_ =	shalt  }
0x4b: {  	_ =	shalt  }
0x4c: {  	_ =	shalt  }
0x4d: {  	_ =	shalt  }
0x4e: {  	_ =	shalt  }
0x4f: {  	_ =	shalt  }
0x50: {  	_ =	shalt  }
0x51: {  	_ =	shalt  }
0x52: {  	_ =	shalt  }
0x53: {  	_ =	shalt  }
0x54: {  	_ =	shalt  }
0x55: {  	_ =	shalt  }
0x56: {  	_ =	shalt  }
0x57: {  	_ =	shalt  }
0x58: {  	_ =	shalt  }
0x59: {  	_ =	shalt  }
0x5a: {  	_ =	shalt  }
0x5b: {  	_ =	shalt  }
0x5c: {  	_ =	shalt  }
0x5d: {  	_ =	shalt  }
0x5e: {  	_ =	shalt  }
0x5f: {  	_ =	shalt  }
0x60: {  	_ =	shalt  }
0x61: {  	_ =	shalt  }
0x62: {  	_ =	shalt  }
0x63: {  	_ =	shalt  }
0x64: {  	_ =	shalt  }
0x65: {  	_ =	shalt  }
0x66: {  	_ =	shalt  }
0x67: {  	_ =	shalt  }
0x68: {  	_ =	shalt  }
0x69: {  	_ =	shalt  }
0x6a: {  	_ =	shalt  }
0x6b: {  	_ =	shalt  }
0x6c: {  	_ =	shalt  }
0x6d: {  	_ =	shalt  }
0x6e: {  	_ =	shalt  }
0x6f: {  	_ =	shalt  }
0x70: {  	_ =	shalt  }
0x71: {  	_ =	shalt  }
0x72: {  	_ =	shalt  }
0x73: {  	_ =	shalt  }
0x74: {  	_ =	shalt  }
0x75: {  	_ =	shalt  }
0x76: {  	_ =	shalt  }
0x77: {  	_ =	shalt  }
0x78: {  	_ =	shalt  }
0x79: {  	_ =	shalt  }
0x7a: {  	_ =	shalt  }
0x7b: {  	_ =	shalt  }
0x7c: {  	_ =	shalt  }
0x7d: {  	_ =	shalt  }
0x7e: {  	_ =	shalt  }
0x7f: {  	_ =	shalt  }
0x80: {  	_ =	shalt  }
0x81: {  	_ =	shalt  }
0x82: {  	_ =	shalt  }
0x83: {  	_ =	shalt  }
0x84: {  	_ =	shalt  }
0x85: {  	_ =	shalt  }
0x86: {  	_ =	shalt  }
0x87: {  	_ =	shalt  }
.Lfunc_end0:
.L_simem_size_0:
called_computation.5_lowered:
.L_overlay_start_0:
0x88: {  	s2 =	sld [smem:$0x3FD9]  }
0x89: {  	s3 =	sld [smem:$0x3FFE];
	_ =	sdelay $0x1  }
0x8a: {  	s1 =	srdreg.scid  }
0x8b: {  	s0 =	sand.u32 $0x1, s1  }
0x8c: {  	s16 =	sshll.u32 s0, $0xA;
	s2 =	sadd.s32 s3, s2  }
0x8d: {  	s2 =	sadd.s32 s2, s16  }
0x8e: {  	[smem:$0x3FB4] =	sst s2  }
0x8f: {  	_ = 	snop  }
0x90: {  	(tm) =	ssettm $0x1  }
0x91: {  	s17 =	sld [smem:$0x3FFB];
	_ =	sdelay $0x3  }
0x92: {  	_ =	strace s17  }
0x93: {  	s2 =	sld [smem:$0x3FFC];
	_ =	sdelay $0x3  }
0x94: {  	_ =	strace s2  }
0x95: {  	s2 =	sld [smem:$0x3FFD];
	_ =	sdelay $0x3  }
0x96: {  	_ =	strace s2  }
0x97: {  	_ =	strace $0x8FFFFFFF  }
0x98: {  	s18 =	sld [smem:$0x3FDB];
	_ =	sdelay $0x1  }
0x99: {  	s19 =	simm.s32 $_scs_section_size  }
0x9a: {  	s4 =	simm.s32 $_size__tile_overlayer_lowered;
	s5 =	simm.s32 $_tile_overlayer_lowered  }
0x9b: {  	s22 =	simm.s32 $0x1BFF;
	s21 =	sshll.u32 s5, $0x1;
	s2 =	sadd.s32 s19, s18  }
0x9c: {  	s6 =	simm.s32 $0x0;
	s20 =	sshll.u32 s4, $0x1;
	s4 =	sadd.s32 s21, s2  }
0x9d: {  	[timem:s6], [sflag:s22] =	dma.local [hbm:s4], s20  }
0x9e: {  	_ =	swait.ge [sflag:s22], s20  }
0x9f: {  	s3 =	ssub.s32 $0x0, s20;
	[sflag:s22] =	ssyncset.done $0x0  }
0xa0: {  	[sflag:s22] =	ssyncadd.s32 s3;
	_ =	sdelay $0x1  }
0xa1: {  	s23 =	simm.s32 $0x1B8B  }
0xa2: {  	_ =	swait.ge [sflag:s23], $0x1  }
0xa3: {  	[sflag:s23] =	ssyncset.done $0x0  }
0xa4: {  	s25 =	simm.s32 $0x1B8E;
	s24 =	sld [smem:$0x3FFE];
	[sflag:s23] =	ssyncadd.s32 $0xFFFFFFFF  }
0xa5: {  	s26 =	simm.s32 $execute0_lowered;
	[smem:$0x3FD2] =	sst s25  }
0xa6: {  	s4 =	sshll.u32 s26, $0x1;
	_ =	strace $0x80000055;
	[dreg:$0x1] =	wrdreg $0xFFFFFFFF  }
0xa7: {  	s28 =	simm.s32 $_size_execute0_lowered;
	s2 =	sadd.s32 s2, s4;
	[dreg:$0x0] =	wrdreg $0x0  }
0xa8: {  	s4 =	sshll.u32 s28, $0x1;
	[dreg:$0x2] =	wrdreg s2  }
0xa9: {  	[dreg:$0x3] =	wrdreg s4  }
0xaa: {  	[dreg:$0x4] =	wrdreg $0xC0  }
0xab: {  	_ =	task [dreg:s6], $0x5FFFF  }
0xac: {  	[dreg:$0x1] =	wrdreg $0xFFFFFFFF  }
0xad: {  	[dreg:$0x0] =	wrdreg $0x60  }
0xae: {  	[dreg:$0x2] =	wrdreg s24  }
0xaf: {  	[dreg:$0x3] =	wrdreg $0xA8000  }
0xb0: {  	[dreg:$0x4] =	wrdreg $0x9  }
0xb1: {  	_ =	task.clear_ibuf [dreg:s6], $0x5FFFF;
	_ =	strace $0x90000055  }
0xb2: {  	s29 =	simm.s32 $0x9;
	_ =	strace $0x80000057  }
0xb3: {  	_ =	swait.ge [sflag:s29], $0x1  }
0xb4: {  	[sflag:s29] =	ssyncadd.s32 $0xFFFFFFFF  }
0xb5: {  	_ =	strace $0x90000057  }
0xb6: {  	_ =	sfence  }
0xb7: {  	s30 =	sld [smem:$0x0];
	_ =	sdelay $0x2  }
0xb8: {  	s31 =	sshll.u32 s1, $0xD;
	s1 =	sshrl.u32 s1, $0x2  }
0xb9: {  	s3 =	sand.u32 $0x4000, s31;
	s1 =	sadd.s32 s1, s30  }
0xba: {  	s0 =	sor.u32 s3, s0;
	s1 =	sshll.u32 s1, $0x11  }
0xbb: {  	s0 =	sor.u32 s1, s0  }
0xbc: {  	s0 =	sadd.s32 $0x8F2B, s0  }
0xbd: {  	[sflag:s0] =	ssyncadd.remote.s32 $0x1  }
0xbe: {  	_ =	sfence.sel $0xFFFF  }
0xbf: {  	[dreg:$0x0] =	wrdreg $0xFFFFFFFF;
	(pc) =	sbr.abs _section_cstart, $3  }
0xc0: {  	[dreg:$0x1] =	wrdreg $0xFFFFFFFF  }
0xc1: {  	_ =	task.clear_ibuf [dreg:s6], $0x2FFFF;
	_ =	strace $0x9FFFFFFF  }
0xc2: {  	(tm) =	ssettm $0x7FFFFFFF  }
0xc3: {  	_ =	shalt  }
tec
execute0_lowered:
.L_overlay_start_1:
0x0: {  	(tag) =	ssettag $0x1  }
0x1: {  	s6 =	rddreg [dreg:$0x0]  }
0x2: {  	s1 =	srdreg.scid;
	s0 =	stileid.u32  }
0x3: {  	s2 =	rddreg [dreg:$0x1];
	s3 =	simm.s32 $0x0;
	s19 =	simm.s32 $0x1  }
0x4: {  	s20 =	simm.s32 $0x28;
	s21 =	simm.s32 $0x2;
	s22 =	simm.s32 $0x3  }
0x5: {  	s9 =	sand.u32 $0x1, s1;
	s4 =	sshll.u32 s0, $0x1;
	s1 =	rddreg [dreg:$0x2]  }
0x6: {  	[smem:$0x7FF] =	sst s3;
	s10 =	smul.u32 $0x13800, s0;
	s11 =	sadd.s32 $0x142AA00, s6  }
0x7: {  	s12 =	smul.u32 $0x4E000, s0;
	s13 =	sadd.s32 $0x7A200, s6;
	s16 =	sadd.s32 $0x138000, s2  }
0x8: {  	s17 =	smul.u32 $0x4E200, s0;
	s31 =	sshll.u32 s0, $0x6;
	p0 =	sne.s32 s0, $0xF  }
0x9: {  	s7 =	sor.u32 s9, s4;
	_ =	strace $0x80000056;
	s26 =	smul.u32 $0x138800, s9  }
0xa: {  	s8 =	ssub.s32 $0x2, s9;
	s18 =	smul.u32 $0x27100, s9;
	s16 =	sshrl.u32 @!p0 s16, $0x3  }
0xb: {  	s4 =	sshll.u32 s7, $0xC;
	s5 =	sshrl.u32 s10, $0x3;
	s24 =	smul.u32 $0x138800, s7  }
0xc: {  	s14 =	sshrl.u32 s8, $0x1;
	s23 =	sshrl.u32 s12, $0x2;
	s7 =	smul.u32 $0x27100, s7  }
0xd: {  	s4 =	sadd.s32 s4, s6;
	s5 =	sadd.s32 s5, s6;
	s14 =	ssub.s32 s8, s14  }
0xe: {  	s15 =	sadd.s32 s23, s2;
	s6 =	sadd.s32 $0x7A000, s6;
	s10 =	sadd.s32 s10, s26  }
0xf: {  	s12 =	sshrl.u32 s26, $0x3;
	s23 =	simm.s32 $0x4;
	s26 =	simm.s32 $0x0  }
0x10: {  	s4 =	sadd.s32 $0xD000, s4;
	s5 =	sadd.s32 $0x53000, s5;
	s25 =	sshrl.u32 s24, $0x3  }
0x11: {  	s7 =	sadd.s32 s11, s7;
	s28 =	sshrl.u32 s10, $0x3;
	s29 =	sadd.s32 s13, s12  }
0x12: {  	s15 =	sshrl.u32 s15, $0x3;
	s24 =	simm.s32 $0x7C00;
	s8 =	sadd.s32 s11, s25  }
0x13: {  	s11 =	sadd.s32 s17, s11;
	s9 =	sadd.s32 s13, s28;
	s10 =	sadd.s32 $0x27000, s29  }
0x14: {  	s13 =	simm.s32 $0x5;
	s17 =	simm.s32 $0x8000;
	s25 =	simm.s32 $0x7C80  }
0x15: {  	s8 =	sadd.s32 $0x280, s8;
	s30 =	sadd.s32 s18, s11;
	s11 =	smax.u32 s14, $0x1  }
0x16: {  	s14 =	sor.u32 $0x1C05, s31;
	s18 =	simm.s32 $0x9400;
	s12 =	sadd.s32 $0x780, s30  }
.LBB2_1:
0x17: {  	[tilespmem:s3], [sflag:$0x5] =	stream.linear.gather [hbm4b:s4+s3], $0x7D00, $0x38;
	[tilespmem:$0x1E080] =	vst v63  }
0x18: {  	_ =	swait.ge [sflag:s13], $0x7D00  }
0x19: {  	[sflag:s13] =	ssyncset.done $0x0  }
0x1a: {  	[sflag:s13] =	ssyncadd.s32 $0xFFFF8300  }
0x1b: {  	[spmem:s15], [sflag:s14] =	dma.local [hbm:s5], $0x2700  }
0x1c: {  	_ =	swait.ge [sflag:s13], $0x2700  }
0x1d: {  	[sflag:s13] =	ssyncset.done $0x0  }
0x1e: {  	s28 =	simm.s32 @!p0 $0x5;
	[sflag:s13] =	ssyncadd.s32 $0xFFFFD900  }
0x1f: {  	[spmem:s16], [sflag:s14] =	dma.local @!p0 [hbm:s6], $0x100  }
0x20: {  	_ =	swait.ge @!p0 [sflag:s28], $0x100  }
0x21: {  	[sflag:s28] =	ssyncset.done @!p0 $0x0  }
0x22: {  	[sflag:s28] =	ssyncadd.s32 @!p0 $0xFFFFFF00  }
0x23: {  	[bflag:$0x0] =	sbarrier.arrive $0xFFFF  }
0x24: {  	[tilespmem:s17], [sflag:$0x1] =	stream.linear.gather [hbm4b:s7+s3], $0x1400, $0x38;
	[tilespmem:$0x1E080] =	vst v63  }
0x25: {  	_ = 	snop  }
0x26: {  	[tilespmem:s18], [sflag:$0x2] =	stream.linear.gather [hbm4b:s8+s3], $0x1400, $0x38;
	[tilespmem:$0x1E080] =	vst v63  }
0x27: {  	_ =	swait.ge [sflag:s19], $0x1400  }
0x28: {  	[sflag:s19] =	ssyncset.done $0x0  }
0x29: {  	s28 =	simm.s32 $0x0;
	[sflag:s19] =	ssyncadd.s32 $0xFFFFEC00  }
0x2a: {  	[spmem:s2] =	stream.indirect.scatter.add.f32 [tilespmem:s17], [sflag:$0x3], $0x80, s28, s20, $0xb8;
	[tilespmem:$0x1E080] =	vst v63  }
0x2b: {  	_ =	swait.ge [sflag:s21], $0x1400  }
0x2c: {  	[sflag:s21] =	ssyncset.done $0x0  }
0x2d: {  	s28 =	simm.s32 $0x80;
	[sflag:s21] =	ssyncadd.s32 $0xFFFFEC00  }
0x2e: {  	[spmem:s2] =	stream.indirect.scatter.add.f32 [tilespmem:s18], [sflag:$0x4], $0x80, s28, s20, $0xb8;
	[tilespmem:$0x1E080] =	vst v63  }
0x2f: {  	_ =	swait.ge [sflag:s22], $0x1400  }
0x30: {  	[sflag:s22] =	ssyncset.done $0x0  }
0x31: {  	s28 =	sadd.s32 $0xFFFFFD80, s12;
	[sflag:s22] =	ssyncadd.s32 $0xFFFFEC00  }
0x32: {  	[tilespmem:s17], [sflag:$0x1] =	stream.linear.gather [hbm4b:s28+s3], $0x1400, $0x38;
	[tilespmem:$0x1E080] =	vst v63  }
0x33: {  	_ =	swait.ge [sflag:s23], $0x1400  }
0x34: {  	s29 =	sadd.s32 $0x500, s12;
	[sflag:s23] =	ssyncset.done $0x0  }
0x35: {  	s30 =	smov.u32 s12;
	s28 =	simm.s32 $0x400;
	[sflag:s23] =	ssyncadd.s32 $0xFFFFEC00  }
.LBB2_2:
0x36: {  	[tilespmem:s18], [sflag:$0x2] =	stream.linear.gather [hbm4b:s30+s3], $0x1400, $0x38;
	[tilespmem:$0x1E080] =	vst v63  }
0x37: {  	s31 =	smov.u32 s28;
	s30 =	smov.u32 s29  }
0x38: {  	p1 =	sne.s32 s28, $0x1EC00;
	s28 =	sadd.s32 $0x400, s28;
	_ =	swait.ge [sflag:s19], $0x1400  }
0x39: {  	[sflag:s19] =	ssyncset.done $0x0  }
0x3a: {  	s31 =	sshra.s32 s31, $0x2;
	[sflag:s19] =	ssyncadd.s32 $0xFFFFEC00  }
0x3b: {  	[spmem:s2] =	stream.indirect.scatter.add.f32 [tilespmem:s17], [sflag:$0x3], $0x80, s31, s20, $0xb8;
	[tilespmem:$0x1E080] =	vst v63  }
0x3c: {  	_ =	swait.ge [sflag:s21], $0x1400  }
0x3d: {  	[sflag:s21] =	ssyncset.done $0x0  }
0x3e: {  	s31 =	sadd.s32 $0x80, s31;
	[sflag:s21] =	ssyncadd.s32 $0xFFFFEC00  }
0x3f: {  	[spmem:s2] =	stream.indirect.scatter.add.f32 [tilespmem:s18], [sflag:$0x4], $0x80, s31, s20, $0xb8;
	[tilespmem:$0x1E080] =	vst v63  }
0x40: {  	_ =	swait.ge [sflag:s22], $0x1400  }
0x41: {  	[sflag:s22] =	ssyncset.done $0x0  }
.Ltmp0:
0x42: {  	s31 =	sadd.s32 $0xFFFFFD80, s29;
	[sflag:s22] =	ssyncadd.s32 $0xFFFFEC00;
	(pc) =	sbr.rel @p1 .LBB2_2-.Ltmp0, $4  }
0x43: {  	[tilespmem:s17], [sflag:$0x1] =	stream.linear.gather [hbm4b:s31+s3], $0x1400, $0x38;
	[tilespmem:$0x1E080] =	vst v63  }
0x44: {  	_ =	swait.ge [sflag:s23], $0x1400  }
0x45: {  	[sflag:s23] =	ssyncset.done $0x0  }
0x46: {  	s29 =	sadd.s32 $0x500, s29;
	[sflag:s23] =	ssyncadd.s32 $0xFFFFEC00  }
0x47: {  	[tilespmem:s18], [sflag:$0x2] =	stream.linear.gather [hbm4b:s30+s3], $0x1400, $0x38;
	[tilespmem:$0x1E080] =	vst v63  }
0x48: {  	_ =	swait.ge [sflag:s19], $0x1400  }
0x49: {  	[sflag:s19] =	ssyncset.done $0x0  }
0x4a: {  	[sflag:s19] =	ssyncadd.s32 $0xFFFFEC00  }
0x4b: {  	[spmem:s2] =	stream.indirect.scatter.add.f32 [tilespmem:s17], [sflag:$0x3], $0x80, s24, s20, $0xb8;
	[tilespmem:$0x1E080] =	vst v63  }
0x4c: {  	_ =	swait.ge [sflag:s21], $0x1400  }
0x4d: {  	[sflag:s21] =	ssyncset.done $0x0  }
0x4e: {  	[sflag:s21] =	ssyncadd.s32 $0xFFFFEC00  }
0x4f: {  	[spmem:s2] =	stream.indirect.scatter.add.f32 [tilespmem:s18], [sflag:$0x4], $0x80, s25, s20, $0xb8;
	[tilespmem:$0x1E080] =	vst v63  }
0x50: {  	_ =	swait.ge [sflag:s22], $0x1400  }
0x51: {  	[sflag:s22] =	ssyncset.done $0x0  }
0x52: {  	[sflag:s22] =	ssyncadd.s32 $0xFFFFEC00  }
0x53: {  	_ =	swait.ge [sflag:s23], $0x1400  }
0x54: {  	[sflag:s23] =	ssyncset.done $0x0  }
0x55: {  	[sflag:s23] =	ssyncadd.s32 $0xFFFFEC00  }
0x56: {  	[bflag:$0x0] =	sbarrier.arrive $0xFFFF  }
0x57: {  	[hbm:s9], [sflag:s14] =	dma.local [spmem:s15], $0x2700  }
0x58: {  	s26 =	sadd.s32 $0x1, s26;
	_ =	swait.ge [sflag:s13], $0x2700  }
0x59: {  	p1 =	sne.s32 s26, s11;
	[sflag:s13] =	ssyncset.done $0x0  }
.Ltmp1:
0x5a: {  	s28 =	simm.s32 @!p0 $0x5;
	[sflag:s13] =	ssyncadd.s32 $0xFFFFD900;
	(pc) =	sbr.rel @p1 .LBB2_1-.Ltmp1, $4  }
0x5b: {  	[hbm:s10], [sflag:s14] =	dma.local @!p0 [spmem:s16], $0x100  }
0x5c: {  	_ =	swait.ge @!p0 [sflag:s28], $0x100  }
0x5d: {  	[sflag:s28] =	ssyncset.done @!p0 $0x0  }
0x5e: {  	[sflag:s28] =	ssyncadd.s32 @!p0 $0xFFFFFF00  }
0x5f: {  	_ =	sfence.sel $0x180000  }
0x60: {  	[bflag:$0x0] =	sbarrier.arrive $0xFFFF  }
0x61: {  	p0 =	sne.s32 s0, $0x0;
	_ =	strace $0x90000056  }
0x62: {  	s0 =	sadd.s32 @!p0 $0x100000, s1;
	[bflag:$0x2] =	sbarrier.arrive $0xFFFF  }
0x63: {  	[sflag:s0] =	ssyncadd.tile.s32 @!p0 $0x1;
	_ =	shalt  }
.Lfunc_end2:
_tile_overlayer_lowered:
.L_overlay_start_2:
0x64: {  	(tag) =	ssettag $0x2  }
0x65: {  	s0 =	rddreg [dreg:$0x0];
	s2 =	stileid.u32  }
0x66: {  	s1 =	rddreg [dreg:$0x1];
	p0 =	sne.s32 s2, $0x0  }
0x67: {  	s3 =	rddreg [dreg:$0x2];
	[bflag:$0x3] =	sbarrier.arrive $0xFFFF;
	s2 =	simm.s32 @!p0 $0x1C05  }
0x68: {  	[timem:s3], [sflag:s2] =	dma.local @!p0 [hbm:s0], s1  }
0x69: {  	s0 =	simm.s32 @!p0 $0x5  }
0x6a: {  	_ =	swait.ge @!p0 [sflag:s0], s1  }
0x6b: {  	s1 =	ssub.s32 @!p0 $0x0, s1;
	[sflag:s0] =	ssyncset.done @!p0 $0x0  }
0x6c: {  	[sflag:s0] =	ssyncadd.s32 @!p0 s1  }
0x6d: {  	[bflag:$0x3] =	sbarrier.arrive $0xFFFF  }
0x6e: {  	_ =	shalt  }

// kernel: kernel.37.cloned.1.call-start
scs
__scs_entry_jumppad:
0x0: {  	(pc) =	sbr.rel $0x88, $3  }
0x1: {  	(tag) =	ssettag $0x0;
	lr =	simm.s32 $0x1  }
0x2: {  	[smem:$0x3F8D] =	sst lr;
	_ =	strace $0xD0000000  }
0x3: {  	_ = 	snop  }
0x4: {  	_ = 	snop  }
0x5: {  	_ = 	snop  }
0x6: {  	_ = 	snop  }
0x7: {  	_ = 	snop  }
__scs_overlays_trampoline_lowered:
0x8: {  	[smem:$0x3F9C] =	sst s0  }
0x9: {  	[smem:$0x3F9D] =	sst s1  }
0xa: {  	[smem:$0x3F9E] =	sst s2  }
0xb: {  	[smem:$0x3F9F] =	sst s3  }
0xc: {  	[smem:$0x3FA0] =	sst s4  }
0xd: {  	[smem:$0x3FA1] =	sst s5  }
0xe: {  	[smem:$0x3FA2] =	sst s6  }
0xf: {  	[smem:$0x3FA3] =	sst s7  }
0x10: {  	[smem:$0x3FA4] =	sst s8  }
0x11: {  	[smem:$0x3FA5] =	sst s9;
	s0 =	simm.s32 @!p0 $0x0  }
0x12: {  	s1 =	sld [smem:$0x3F8B];
	s0 =	simm.s32 @p0 $0x1  }
0x13: {  	[smem:$0x3FA6] =	sst s0;
	s0 =	simm.s32 @!p1 $0x0  }
0x14: {  	s2 =	sld [smem:$0x3F8A];
	s0 =	simm.s32 @p1 $0x1  }
0x15: {  	[smem:$0x3FA7] =	sst s0;
	s0 =	simm.s32 @!p2 $0x0  }
0x16: {  	s3 =	sld [smem:$0x3FDB];
	s0 =	simm.s32 @p2 $0x1  }
0x17: {  	s4 =	simm.s32 $0x1BF5;
	[smem:$0x3FA9] =	sst s0  }
0x18: {  	s0 =	sld [smem:$0x3F8C];
	_ =	swait.ge [sflag:s4], $0x0  }
0x19: {  	s7 =	sld [smem:$0x3F8D]  }
0x1a: {  	s8 =	sadd.s32 $0xFFFFE003, lr  }
0x1b: {  	s9 =	sadd.s32 $0xFFFFFEF7, lr;
	s5 =	simm.s32 $0xFFFFFFFF;
	p2 =	slt.u32 s8, $0xFFFFF086  }
0x1c: {  	p1 =	slt.u32 s9, $0xF7A;
	s5 =	simm.s32 @!p2 $0x0  }
0x1d: {  	s5 =	simm.s32 @p1 $0x1;
	p0 =	seq.s32 s7, s2  }
0x1e: {  	s7 =	smul.u32 @!p0 $0xF7A, s2;
	p2 =	seq.s32 @!p0 s5, $0x0  }
0x1f: {  	s9 =	smul.u32 $0xF7A, s1;
	s8 =	simm.s32 @!p0 $0x1BF5;
	p2 =	por !p2, p0  }
0x20: {  	[sflag:s8] =	ssyncset.s32 @!p0 $0xFFFFF086;
	s6 =	sadd.s32 @!p0 s3, s7;
	s7 =	simm.s32 @!p0 $0x108  }
0x21: {  	s3 =	sadd.s32 s3, s9;
	s6 =	sadd.s32 @!p0 $0x88, s6;
	s7 =	simm.s32 @p2 $0x1082  }
0x22: {  	[simem:s7], [sflag:s8] =	dma.local @!p0 [hbm:s6], $0xF7A  }
0x23: {  	s9 =	sor.u32 $0xD0000000, s2;
	s6 =	simm.s32 $0x108;
	_ =	swait.ge @!p0 [sflag:s8], $0x0  }
0x24: {  	s3 =	sadd.s32 $0x88, s3;
	s6 =	simm.s32 @!p1 $0x1082;
	[sflag:s4] =	ssyncset.s32 $0xFFFFF086  }
0x25: {  	[simem:s6], [sflag:s4] =	dma.local [hbm:s3], $0xF7A  }
0x26: {  	[smem:$0x3F8D] =	sst s1;
	(tag) =	ssettag s2;
	_ =	strace s9  }
0x27: {  	s1 =	sld [smem:$0x3F9D]  }
0x28: {  	s2 =	sld [smem:$0x3F9E]  }
0x29: {  	s4 =	sld [smem:$0x3FA0]  }
0x2a: {  	p0 =	seq.s32 s5, $0x0;
	s5 =	sld [smem:$0x3FA1]  }
0x2b: {  	s6 =	sld [smem:$0x3FA2]  }
0x2c: {  	s7 =	sld [smem:$0x3FA3]  }
0x2d: {  	s3 =	simm.s32 $0x108;
	s8 =	sld [smem:$0x3FA4]  }
0x2e: {  	s3 =	simm.s32 @!p0 $0x1082;
	s9 =	sld [smem:$0x3FA5]  }
0x2f: {  	lr =	sadd.s32 s0, s3;
	s0 =	sld [smem:$0x3F9C]  }
0x30: {  	s3 =	sld [smem:$0x3F9F]  }
0x31: {  	[smem:$0x3FA8] =	sst s10  }
0x32: {  	s10 =	sld [smem:$0x3FA6];
	_ =	sdelay $0x3  }
0x33: {  	p0 =	seq.s32 s10, $0x1;
	s10 =	sld [smem:$0x3FA8];
	_ =	sdelay $0x3  }
0x34: {  	[smem:$0x3FA8] =	sst s10  }
0x35: {  	s10 =	sld [smem:$0x3FA7];
	_ =	sdelay $0x3  }
0x36: {  	p1 =	seq.s32 s10, $0x1;
	s10 =	sld [smem:$0x3FA8];
	_ =	sdelay $0x3  }
0x37: {  	[smem:$0x3FA8] =	sst s10  }
0x38: {  	s10 =	sld [smem:$0x3FA9]  }
0x39: {  	_ = 	snop;
	(pc) =	sbr.ind lr, $3  }
0x3a: {  	_ = 	snop  }
0x3b: {  	_ = 	snop  }
0x3c: {  	p2 =	seq.s32 s10, $0x1;
	s10 =	sld [smem:$0x3FA8]  }
0x3d: {  	_ =	shalt  }
0x3e: {  	_ =	shalt  }
0x3f: {  	_ =	shalt  }
0x40: {  	_ =	shalt  }
0x41: {  	_ =	shalt  }
0x42: {  	_ =	shalt  }
0x43: {  	_ =	shalt  }
0x44: {  	_ =	shalt  }
0x45: {  	_ =	shalt  }
0x46: {  	_ =	shalt  }
0x47: {  	_ =	shalt  }
0x48: {  	_ =	shalt  }
0x49: {  	_ =	shalt  }
0x4a: {  	_ =	shalt  }
0x4b: {  	_ =	shalt  }
0x4c: {  	_ =	shalt  }
0x4d: {  	_ =	shalt  }
0x4e: {  	_ =	shalt  }
0x4f: {  	_ =	shalt  }
0x50: {  	_ =	shalt  }
0x51: {  	_ =	shalt  }
0x52: {  	_ =	shalt  }
0x53: {  	_ =	shalt  }
0x54: {  	_ =	shalt  }
0x55: {  	_ =	shalt  }
0x56: {  	_ =	shalt  }
0x57: {  	_ =	shalt  }
0x58: {  	_ =	shalt  }
0x59: {  	_ =	shalt  }
0x5a: {  	_ =	shalt  }
0x5b: {  	_ =	shalt  }
0x5c: {  	_ =	shalt  }
0x5d: {  	_ =	shalt  }
0x5e: {  	_ =	shalt  }
0x5f: {  	_ =	shalt  }
0x60: {  	_ =	shalt  }
0x61: {  	_ =	shalt  }
0x62: {  	_ =	shalt  }
0x63: {  	_ =	shalt  }
0x64: {  	_ =	shalt  }
0x65: {  	_ =	shalt  }
0x66: {  	_ =	shalt  }
0x67: {  	_ =	shalt  }
0x68: {  	_ =	shalt  }
0x69: {  	_ =	shalt  }
0x6a: {  	_ =	shalt  }
0x6b: {  	_ =	shalt  }
0x6c: {  	_ =	shalt  }
0x6d: {  	_ =	shalt  }
0x6e: {  	_ =	shalt  }
0x6f: {  	_ =	shalt  }
0x70: {  	_ =	shalt  }
0x71: {  	_ =	shalt  }
0x72: {  	_ =	shalt  }
0x73: {  	_ =	shalt  }
0x74: {  	_ =	shalt  }
0x75: {  	_ =	shalt  }
0x76: {  	_ =	shalt  }
0x77: {  	_ =	shalt  }
0x78: {  	_ =	shalt  }
0x79: {  	_ =	shalt  }
0x7a: {  	_ =	shalt  }
0x7b: {  	_ =	shalt  }
0x7c: {  	_ =	shalt  }
0x7d: {  	_ =	shalt  }
0x7e: {  	_ =	shalt  }
0x7f: {  	_ =	shalt  }
0x80: {  	_ =	shalt  }
0x81: {  	_ =	shalt  }
0x82: {  	_ =	shalt  }
0x83: {  	_ =	shalt  }
0x84: {  	_ =	shalt  }
0x85: {  	_ =	shalt  }
0x86: {  	_ =	shalt  }
0x87: {  	_ =	shalt  }
.Lfunc_end0:
.L_simem_size_0:
called_computation.6_lowered:
.L_overlay_start_0:
0x88: {  	s2 =	sld [smem:$0x3FD9]  }
0x89: {  	s3 =	sld [smem:$0x3FFE];
	_ =	sdelay $0x1  }
0x8a: {  	s1 =	srdreg.scid  }
0x8b: {  	s0 =	sand.u32 $0x1, s1  }
0x8c: {  	s16 =	sshll.u32 s0, $0xA;
	s2 =	sadd.s32 s3, s2  }
0x8d: {  	s2 =	sadd.s32 s2, s16  }
0x8e: {  	[smem:$0x3FB4] =	sst s2  }
0x8f: {  	_ = 	snop  }
0x90: {  	(tm) =	ssettm $0x1  }
0x91: {  	s17 =	sld [smem:$0x3FFB];
	_ =	sdelay $0x3  }
0x92: {  	_ =	strace s17  }
0x93: {  	s2 =	sld [smem:$0x3FFC];
	_ =	sdelay $0x3  }
0x94: {  	_ =	strace s2  }
0x95: {  	s2 =	sld [smem:$0x3FFD];
	_ =	sdelay $0x3  }
0x96: {  	_ =	strace s2  }
0x97: {  	_ =	strace $0x8FFFFFFF  }
0x98: {  	s18 =	sld [smem:$0x3FDB];
	_ =	sdelay $0x1  }
0x99: {  	s19 =	simm.s32 $_scs_section_size  }
0x9a: {  	s4 =	simm.s32 $_size__tile_overlayer_lowered;
	s5 =	simm.s32 $_tile_overlayer_lowered  }
0x9b: {  	s22 =	simm.s32 $0x1BFF;
	s21 =	sshll.u32 s5, $0x1;
	s2 =	sadd.s32 s19, s18  }
0x9c: {  	s6 =	simm.s32 $0x0;
	s20 =	sshll.u32 s4, $0x1;
	s4 =	sadd.s32 s21, s2  }
0x9d: {  	[timem:s6], [sflag:s22] =	dma.local [hbm:s4], s20  }
0x9e: {  	_ =	swait.ge [sflag:s22], s20  }
0x9f: {  	s3 =	ssub.s32 $0x0, s20;
	[sflag:s22] =	ssyncset.done $0x0  }
0xa0: {  	[sflag:s22] =	ssyncadd.s32 s3;
	_ =	sdelay $0x1  }
0xa1: {  	s23 =	simm.s32 $0x1B8B  }
0xa2: {  	_ =	swait.ge [sflag:s23], $0x1  }
0xa3: {  	[sflag:s23] =	ssyncset.done $0x0  }
0xa4: {  	s25 =	simm.s32 $0x1B8E;
	s24 =	sld [smem:$0x3FFE];
	[sflag:s23] =	ssyncadd.s32 $0xFFFFFFFF  }
0xa5: {  	s26 =	simm.s32 $execute0_lowered;
	[smem:$0x3FD2] =	sst s25  }
0xa6: {  	s4 =	sshll.u32 s26, $0x1;
	_ =	strace $0x80000058;
	[dreg:$0x1] =	wrdreg $0xFFFFFFFF  }
0xa7: {  	s28 =	simm.s32 $_size_execute0_lowered;
	s2 =	sadd.s32 s2, s4;
	[dreg:$0x0] =	wrdreg $0x0  }
0xa8: {  	s4 =	sshll.u32 s28, $0x1;
	[dreg:$0x2] =	wrdreg s2  }
0xa9: {  	[dreg:$0x3] =	wrdreg s4  }
0xaa: {  	[dreg:$0x4] =	wrdreg $0xC0  }
0xab: {  	_ =	task [dreg:s6], $0x5FFFF  }
0xac: {  	[dreg:$0x1] =	wrdreg $0xFFFFFFFF  }
0xad: {  	[dreg:$0x0] =	wrdreg $0x60  }
0xae: {  	[dreg:$0x2] =	wrdreg s24  }
0xaf: {  	[dreg:$0x3] =	wrdreg $0x9  }
0xb0: {  	_ =	task.clear_ibuf [dreg:s6], $0x4FFFF;
	_ =	strace $0x90000058  }
0xb1: {  	s29 =	simm.s32 $0x9;
	_ =	strace $0x8000005A  }
0xb2: {  	_ =	swait.ge [sflag:s29], $0x1  }
0xb3: {  	[sflag:s29] =	ssyncadd.s32 $0xFFFFFFFF  }
0xb4: {  	_ =	strace $0x9000005A  }
0xb5: {  	_ =	sfence  }
0xb6: {  	s30 =	sld [smem:$0x0];
	_ =	sdelay $0x2  }
0xb7: {  	s31 =	sshll.u32 s1, $0xD;
	s1 =	sshrl.u32 s1, $0x2  }
0xb8: {  	s3 =	sand.u32 $0x4000, s31;
	s1 =	sadd.s32 s1, s30  }
0xb9: {  	s0 =	sor.u32 s3, s0;
	s1 =	sshll.u32 s1, $0x11  }
0xba: {  	s0 =	sor.u32 s1, s0  }
0xbb: {  	s0 =	sadd.s32 $0x8F2B, s0  }
0xbc: {  	[sflag:s0] =	ssyncadd.remote.s32 $0x1  }
0xbd: {  	_ =	sfence.sel $0xFFFF  }
0xbe: {  	[dreg:$0x0] =	wrdreg $0xFFFFFFFF;
	(pc) =	sbr.abs _section_cstart, $3  }
0xbf: {  	[dreg:$0x1] =	wrdreg $0xFFFFFFFF  }
0xc0: {  	_ =	task.clear_ibuf [dreg:s6], $0x2FFFF;
	_ =	strace $0x9FFFFFFF  }
0xc1: {  	(tm) =	ssettm $0x7FFFFFFF  }
tec
execute0_lowered:
.L_overlay_start_1:
0x0: {  	(tag) =	ssettag $0x1  }
0x1: {  	s0 =	rddreg [dreg:$0x0];
	s2 =	simm.s32 $0x0  }
0x2: {  	s1 =	srdreg.scid;
	s11 =	stileid.u32;
	s13 =	simm.s32 $0x8000  }
0x3: {  	s14 =	simm.s32 $0x28;
	s15 =	simm.s32 $0x10000;
	s16 =	simm.s32 $0x11400  }
0x4: {  	s18 =	simm.s32 $0x12800;
	s20 =	simm.s32 $0x13C00;
	s21 =	simm.s32 $0x1  }
0x5: {  	s28 =	simm.s32 $0x5;
	s29 =	simm.s32 $0x6;
	s30 =	simm.s32 $0x0  }
0x6: {  	[smem:$0x7FF] =	sst s2;
	s1 =	sand.u32 $0x1, s1;
	s5 =	sshll.u32 s11, $0x1  }
0x7: {  	s3 =	sadd.s32 $0x7A200, s0;
	s4 =	sadd.s32 $0xA1400, s0;
	s9 =	sadd.s32 $0xF0200, s0  }
0x8: {  	s11 =	smul.u32 $0x4E200, s11;
	_ =	strace $0x80000059;
	s5 =	sor.u32 s1, s5  }
0x9: {  	s7 =	ssub.s32 $0x2, s1;
	s1 =	smul.u32 $0x27100, s1;
	s6 =	sshll.u32 s5, $0xC  }
0xa: {  	s5 =	smul.u32 $0x138800, s5;
	s8 =	sshrl.u32 s7, $0x1;
	s6 =	sadd.s32 s6, s0  }
0xb: {  	s12 =	sadd.s32 s11, s9;
	s0 =	sadd.s32 $0xF48A00, s0;
	s23 =	sadd.s32 $0xD000, s6  }
0xc: {  	s22 =	sshrl.u32 s5, $0x3;
	s25 =	sadd.s32 $0x2D000, s6;
	[dreg:$0x2] =	wrdreg s23  }
0xd: {  	s10 =	ssub.s32 s7, s8;
	s24 =	sadd.s32 $0x26E80, s22;
	[dreg:$0x3] =	wrdreg s25  }
.Ltmp0:
0xe: {  	s22 =	simm.s32 $0x16400;
	s23 =	simm.s32 $0x2;
	(pc) =	sbr.rel .LBB2_1-.Ltmp0, $4  }
0xf: {  	s25 =	simm.s32 $0x3;
	s26 =	sadd.s32 s9, s24;
	s31 =	sadd.s32 s0, s24  }
0x10: {  	s0 =	sadd.s32 s11, s0;
	s9 =	smax.u32 s10, $0x1;
	s10 =	sadd.s32 s1, s12  }
0x11: {  	s12 =	simm.s32 $0x7;
	s24 =	simm.s32 $0x4;
	[dreg:$0x4] =	wrdreg s26  }
0x12: {  	[dreg:$0x5] =	wrdreg s31;
	s11 =	sadd.s32 s1, s0;
	s26 =	simm.s32 $0x15000  }
.LBB2_4:
0x13: {  	_ =	swait.ge [sflag:s21], $0x1400  }
0x14: {  	[sflag:s21] =	ssyncset.done $0x0  }
0x15: {  	[sflag:s21] =	ssyncadd.s32 $0xFFFFEC00  }
0x16: {  	_ =	swait.ge [sflag:s21], $0x1400  }
0x17: {  	[sflag:s21] =	ssyncset.done $0x0  }
0x18: {  	s0 =	rddreg [dreg:$0x4];
	[sflag:s21] =	ssyncadd.s32 $0xFFFFEC00  }
0x19: {  	[hbm4b:s0+s2] =	stream.linear.scatter [tilespmem:s15], [sflag:$0x4], $0x1400, $0x38;
	[tilespmem:$0x17800] =	vst v63  }
0x1a: {  	s31 =	rddreg [dreg:$0x5]  }
0x1b: {  	[hbm4b:s31+s2] =	stream.linear.scatter [tilespmem:s16], [sflag:$0x4], $0x1400, $0x38;
	[tilespmem:$0x17800] =	vst v63  }
0x1c: {  	_ =	swait.ge [sflag:s29], $0x1400  }
0x1d: {  	[sflag:s29] =	ssyncset.done $0x0  }
0x1e: {  	[sflag:s29] =	ssyncadd.s32 $0xFFFFEC00  }
0x1f: {  	_ =	swait.ge [sflag:s29], $0x1400  }
0x20: {  	[sflag:s29] =	ssyncset.done $0x0  }
0x21: {  	s30 =	sadd.s32 $0x1, s30;
	[sflag:s29] =	ssyncadd.s32 $0xFFFFEC00  }
0x22: {  	p0 =	sne.s32 s30, s9;
	_ =	swait.ge [sflag:s24], $0x1400  }
.Ltmp1:
0x23: {  	[sflag:s24] =	ssyncset.done $0x0;
	(pc) =	sbr.rel @!p0 .LBB2_5-.Ltmp1, $4  }
0x24: {  	[sflag:s24] =	ssyncadd.s32 $0xFFFFEC00  }
0x25: {  	_ =	swait.ge [sflag:s24], $0x1400  }
0x26: {  	[sflag:s24] =	ssyncset.done $0x0  }
0x27: {  	[sflag:s24] =	ssyncadd.s32 $0xFFFFEC00  }
.LBB2_1:
0x28: {  	s0 =	rddreg [dreg:$0x2]  }
0x29: {  	[tilespmem:s2], [sflag:$0x7] =	stream.linear.gather [hbm4b:s0+s2], $0x7D00, $0x38;
	[tilespmem:$0x17800] =	vst v63  }
0x2a: {  	_ =	swait.ge [sflag:s12], $0x7D00  }
0x2b: {  	[sflag:s12] =	ssyncset.done $0x0  }
0x2c: {  	s8 =	rddreg [dreg:$0x3];
	[sflag:s12] =	ssyncadd.s32 $0xFFFF8300  }
0x2d: {  	[tilespmem:s13], [sflag:$0x7] =	stream.linear.gather [hbm4b:s8+s2], $0x7D00, $0x38;
	[tilespmem:$0x17800] =	vst v63  }
0x2e: {  	_ =	swait.ge [sflag:s12], $0x7D00  }
0x2f: {  	[sflag:s12] =	ssyncset.done $0x0  }
0x30: {  	[sflag:s12] =	ssyncadd.s32 $0xFFFF8300  }
0x31: {  	[tilespmem:s15], [sflag:$0x1] =	stream.indirect.gather [hbm4b:s3+s14], $0x80, s2, s14, $0xb8;
	[tilespmem:$0x17800] =	vst v63  }
0x32: {  	_ = 	snop  }
0x33: {  	[tilespmem:s16], [sflag:$0x1] =	stream.indirect.gather [hbm4b:s4+s14], $0x80, s13, s14, $0xb8;
	[tilespmem:$0x17800] =	vst v63  }
0x34: {  	s17 =	simm.s32 $0x80  }
0x35: {  	[tilespmem:s18], [sflag:$0x2] =	stream.indirect.gather [hbm4b:s3+s14], $0x80, s17, s14, $0xb8;
	[tilespmem:$0x17800] =	vst v63  }
0x36: {  	s19 =	simm.s32 $0x8080;
	s31 =	simm.s32 $0x8100  }
0x37: {  	[tilespmem:s20], [sflag:$0x2] =	stream.indirect.gather [hbm4b:s4+s14], $0x80, s19, s14, $0xb8;
	[tilespmem:$0x17800] =	vst v63  }
0x38: {  	s1 =	simm.s32 $0x0;
	s0 =	simm.s32 $0x100;
	s19 =	simm.s32 $0x0  }
.LBB2_2:
0x39: {  	_ =	swait.ge [sflag:s21], $0x1400  }
0x3a: {  	[sflag:s21] =	ssyncset.done $0x0  }
0x3b: {  	[sflag:s21] =	ssyncadd.s32 $0xFFFFEC00  }
0x3c: {  	_ =	swait.ge [sflag:s21], $0x1400  }
0x3d: {  	[sflag:s21] =	ssyncset.done $0x0  }
0x3e: {  	s5 =	sadd.s32 s1, s10;
	[sflag:s21] =	ssyncadd.s32 $0xFFFFEC00  }
0x3f: {  	[hbm4b:s5+s2] =	stream.linear.scatter [tilespmem:s15], [sflag:$0x4], $0x1400, $0x38;
	[tilespmem:$0x17800] =	vst v63  }
0x40: {  	s6 =	sadd.s32 s1, s11;
	p0 =	seq.s32 s1, $0x0  }
0x41: {  	[hbm4b:s6+s2] =	stream.linear.scatter [tilespmem:s16], [sflag:$0x4], $0x1400, $0x38;
	[tilespmem:$0x17800] =	vst v63  }
0x42: {  	s17 =	simm.s32 @p0 $0x28;
	s7 =	simm.s32 @p0 $0x100;
	s8 =	simm.s32 @p0 $0x15000  }
0x43: {  	[tilespmem:s8], [sflag:$0x3] =	stream.indirect.gather @p0 [hbm4b:s3+s17], $0x80, s7, s17, $0xb8;
	[tilespmem:$0x17800] =	vst v63  }
0x44: {  	s7 =	simm.s32 @!p0 $0x6  }
0x45: {  	_ =	swait.ge @!p0 [sflag:s7], $0x1400  }
0x46: {  	[sflag:s7] =	ssyncset.done @!p0 $0x0  }
0x47: {  	[sflag:s7] =	ssyncadd.s32 @!p0 $0xFFFFEC00  }
0x48: {  	_ =	swait.ge @!p0 [sflag:s7], $0x1400  }
0x49: {  	[sflag:s7] =	ssyncset.done @!p0 $0x0  }
0x4a: {  	s8 =	simm.s32 @!p0 $0x15000;
	[sflag:s7] =	ssyncadd.s32 @!p0 $0xFFFFEC00;
	s7 =	simm.s32 @!p0 $0x28  }
0x4b: {  	[tilespmem:s8], [sflag:$0x3] =	stream.indirect.gather @!p0 [hbm4b:s3+s7], $0x80, s0, s7, $0xb8;
	[tilespmem:$0x17800] =	vst v63  }
0x4c: {  	s7 =	smov.u32 s31  }
0x4d: {  	s7 =	simm.s32 @p0 $0x8100  }
0x4e: {  	[tilespmem:s22], [sflag:$0x3] =	stream.indirect.gather [hbm4b:s4+s14], $0x80, s7, s14, $0xb8;
	[tilespmem:$0x17800] =	vst v63  }
0x4f: {  	_ =	swait.ge [sflag:s23], $0x1400  }
0x50: {  	[sflag:s23] =	ssyncset.done $0x0  }
0x51: {  	[sflag:s23] =	ssyncadd.s32 $0xFFFFEC00  }
0x52: {  	_ =	swait.ge [sflag:s23], $0x1400  }
0x53: {  	[sflag:s23] =	ssyncset.done $0x0  }
0x54: {  	s8 =	sadd.s32 $0x280, s5;
	[sflag:s23] =	ssyncadd.s32 $0xFFFFEC00  }
0x55: {  	[hbm4b:s8+s2] =	stream.linear.scatter [tilespmem:s18], [sflag:$0x5], $0x1400, $0x38;
	[tilespmem:$0x17800] =	vst v63  }
0x56: {  	s17 =	sadd.s32 $0x280, s6  }
0x57: {  	[hbm4b:s17+s2] =	stream.linear.scatter [tilespmem:s20], [sflag:$0x5], $0x1400, $0x38;
	[tilespmem:$0x17800] =	vst v63  }
0x58: {  	_ =	swait.ge [sflag:s24], $0x1400  }
0x59: {  	[sflag:s24] =	ssyncset.done $0x0  }
0x5a: {  	[sflag:s24] =	ssyncadd.s32 $0xFFFFEC00  }
0x5b: {  	s17 =	smov.u32 s19;
	_ =	swait.ge [sflag:s24], $0x1400  }
0x5c: {  	s17 =	simm.s32 @p0 $0x0;
	[sflag:s24] =	ssyncset.done $0x0  }
0x5d: {  	s8 =	sadd.s32 $0x180, s17;
	[sflag:s24] =	ssyncadd.s32 $0xFFFFEC00  }
0x5e: {  	[tilespmem:s15], [sflag:$0x1] =	stream.indirect.gather [hbm4b:s3+s14], $0x80, s8, s14, $0xb8;
	[tilespmem:$0x17800] =	vst v63  }
0x5f: {  	s8 =	sadd.s32 $0x8180, s17  }
0x60: {  	[tilespmem:s16], [sflag:$0x1] =	stream.indirect.gather [hbm4b:s4+s14], $0x80, s8, s14, $0xb8;
	[tilespmem:$0x17800] =	vst v63  }
0x61: {  	_ =	swait.ge [sflag:s25], $0x1400  }
0x62: {  	[sflag:s25] =	ssyncset.done $0x0  }
0x63: {  	[sflag:s25] =	ssyncadd.s32 $0xFFFFEC00  }
0x64: {  	_ =	swait.ge [sflag:s25], $0x1400  }
0x65: {  	[sflag:s25] =	ssyncset.done $0x0  }
0x66: {  	s5 =	sadd.s32 $0x500, s5;
	[sflag:s25] =	ssyncadd.s32 $0xFFFFEC00  }
0x67: {  	[hbm4b:s5+s2] =	stream.linear.scatter [tilespmem:s26], [sflag:$0x6], $0x1400, $0x38;
	[tilespmem:$0x17800] =	vst v63  }
0x68: {  	s8 =	sadd.s32 $0x500, s6  }
0x69: {  	[hbm4b:s8+s2] =	stream.linear.scatter [tilespmem:s22], [sflag:$0x6], $0x1400, $0x38;
	[tilespmem:$0x17800] =	vst v63  }
0x6a: {  	p0 =	seq.s32 s1, $0x26700;
	_ =	swait.ge [sflag:s28], $0x1400  }
.Ltmp2:
0x6b: {  	[sflag:s28] =	ssyncset.done $0x0;
	(pc) =	sbr.rel @p0 .LBB2_4-.Ltmp2, $4  }
0x6c: {  	[sflag:s28] =	ssyncadd.s32 $0xFFFFEC00  }
0x6d: {  	_ =	swait.ge [sflag:s28], $0x1400  }
0x6e: {  	[sflag:s28] =	ssyncset.done $0x0  }
0x6f: {  	[sflag:s28] =	ssyncadd.s32 $0xFFFFEC00  }
.Ltmp3:
0x70: {  	(pc) =	sbr.rel .LBB2_2-.Ltmp3, $4  }
0x71: {  	s5 =	sadd.s32 $0x200, s17;
	s17 =	sadd.s32 $0x8200, s17;
	s19 =	sadd.s32 $0x180, s19  }
0x72: {  	[tilespmem:s18], [sflag:$0x2] =	stream.indirect.gather [hbm4b:s3+s14], $0x80, s5, s14, $0xb8;
	[tilespmem:$0x17800] =	vst v63  }
0x73: {  	s31 =	sadd.s32 $0x180, s31;
	s0 =	sadd.s32 $0x180, s0;
	s1 =	sadd.s32 $0x780, s1  }
0x74: {  	[tilespmem:s20], [sflag:$0x2] =	stream.indirect.gather [hbm4b:s4+s14], $0x80, s17, s14, $0xb8;
	[tilespmem:$0x17800] =	vst v63  }
.LBB2_5:
0x75: {  	_ =	sfence.sel $0x180000  }
0x76: {  	[bflag:$0x0] =	sbarrier.arrive $0xFFFF  }
0x77: {  	_ =	strace $0x90000059  }
0x78: {  	s0 =	stileid.u32;
	[bflag:$0x2] =	sbarrier.arrive $0xFFFF  }
0x79: {  	p0 =	sne.s32 s0, $0x0;
	s0 =	rddreg [dreg:$0x1]  }
0x7a: {  	s0 =	sadd.s32 @!p0 $0x100000, s0  }
0x7b: {  	[sflag:s0] =	ssyncadd.tile.s32 @!p0 $0x1;
	_ =	shalt  }
.Lfunc_end2:
_tile_overlayer_lowered:
.L_overlay_start_2:
0x7c: {  	(tag) =	ssettag $0x2  }
0x7d: {  	s0 =	rddreg [dreg:$0x0];
	s2 =	stileid.u32  }
0x7e: {  	s1 =	rddreg [dreg:$0x1];
	p0 =	sne.s32 s2, $0x0  }
0x7f: {  	s3 =	rddreg [dreg:$0x2];
	[bflag:$0x3] =	sbarrier.arrive $0xFFFF;
	s2 =	simm.s32 @!p0 $0x1C07  }
0x80: {  	[timem:s3], [sflag:s2] =	dma.local @!p0 [hbm:s0], s1  }
0x81: {  	s0 =	simm.s32 @!p0 $0x7  }
0x82: {  	_ =	swait.ge @!p0 [sflag:s0], s1  }
0x83: {  	s1 =	ssub.s32 @!p0 $0x0, s1;
	[sflag:s0] =	ssyncset.done @!p0 $0x0  }
0x84: {  	[sflag:s0] =	ssyncadd.s32 @!p0 s1  }
0x85: {  	[bflag:$0x3] =	sbarrier.arrive $0xFFFF  }
0x86: {  	_ =	shalt  }

// kernel: kernel.40.cloned.1.call-start
scs
__scs_entry_jumppad:
0x0: {  	(pc) =	sbr.rel $0x88, $3  }
0x1: {  	(tag) =	ssettag $0x0;
	lr =	simm.s32 $0x1  }
0x2: {  	[smem:$0x3F8D] =	sst lr;
	_ =	strace $0xD0000000  }
0x3: {  	_ = 	snop  }
0x4: {  	_ = 	snop  }
0x5: {  	_ = 	snop  }
0x6: {  	_ = 	snop  }
0x7: {  	_ = 	snop  }
__scs_overlays_trampoline_lowered:
0x8: {  	[smem:$0x3F9C] =	sst s0  }
0x9: {  	[smem:$0x3F9D] =	sst s1  }
0xa: {  	[smem:$0x3F9E] =	sst s2  }
0xb: {  	[smem:$0x3F9F] =	sst s3  }
0xc: {  	[smem:$0x3FA0] =	sst s4  }
0xd: {  	[smem:$0x3FA1] =	sst s5  }
0xe: {  	[smem:$0x3FA2] =	sst s6  }
0xf: {  	[smem:$0x3FA3] =	sst s7  }
0x10: {  	[smem:$0x3FA4] =	sst s8  }
0x11: {  	[smem:$0x3FA5] =	sst s9;
	s0 =	simm.s32 @!p0 $0x0  }
0x12: {  	s1 =	sld [smem:$0x3F8B];
	s0 =	simm.s32 @p0 $0x1  }
0x13: {  	[smem:$0x3FA6] =	sst s0;
	s0 =	simm.s32 @!p1 $0x0  }
0x14: {  	s2 =	sld [smem:$0x3F8A];
	s0 =	simm.s32 @p1 $0x1  }
0x15: {  	[smem:$0x3FA7] =	sst s0;
	s0 =	simm.s32 @!p2 $0x0  }
0x16: {  	s3 =	sld [smem:$0x3FDB];
	s0 =	simm.s32 @p2 $0x1  }
0x17: {  	s4 =	simm.s32 $0x1BF5;
	[smem:$0x3FA9] =	sst s0  }
0x18: {  	s0 =	sld [smem:$0x3F8C];
	_ =	swait.ge [sflag:s4], $0x0  }
0x19: {  	s7 =	sld [smem:$0x3F8D]  }
0x1a: {  	s8 =	sadd.s32 $0xFFFFE003, lr  }
0x1b: {  	s9 =	sadd.s32 $0xFFFFFEF7, lr;
	s5 =	simm.s32 $0xFFFFFFFF;
	p2 =	slt.u32 s8, $0xFFFFF086  }
0x1c: {  	p1 =	slt.u32 s9, $0xF7A;
	s5 =	simm.s32 @!p2 $0x0  }
0x1d: {  	s5 =	simm.s32 @p1 $0x1;
	p0 =	seq.s32 s7, s2  }
0x1e: {  	s7 =	smul.u32 @!p0 $0xF7A, s2;
	p2 =	seq.s32 @!p0 s5, $0x0  }
0x1f: {  	s9 =	smul.u32 $0xF7A, s1;
	s8 =	simm.s32 @!p0 $0x1BF5;
	p2 =	por !p2, p0  }
0x20: {  	[sflag:s8] =	ssyncset.s32 @!p0 $0xFFFFF086;
	s6 =	sadd.s32 @!p0 s3, s7;
	s7 =	simm.s32 @!p0 $0x108  }
0x21: {  	s3 =	sadd.s32 s3, s9;
	s6 =	sadd.s32 @!p0 $0x88, s6;
	s7 =	simm.s32 @p2 $0x1082  }
0x22: {  	[simem:s7], [sflag:s8] =	dma.local @!p0 [hbm:s6], $0xF7A  }
0x23: {  	s9 =	sor.u32 $0xD0000000, s2;
	s6 =	simm.s32 $0x108;
	_ =	swait.ge @!p0 [sflag:s8], $0x0  }
0x24: {  	s3 =	sadd.s32 $0x88, s3;
	s6 =	simm.s32 @!p1 $0x1082;
	[sflag:s4] =	ssyncset.s32 $0xFFFFF086  }
0x25: {  	[simem:s6], [sflag:s4] =	dma.local [hbm:s3], $0xF7A  }
0x26: {  	[smem:$0x3F8D] =	sst s1;
	(tag) =	ssettag s2;
	_ =	strace s9  }
0x27: {  	s1 =	sld [smem:$0x3F9D]  }
0x28: {  	s2 =	sld [smem:$0x3F9E]  }
0x29: {  	s4 =	sld [smem:$0x3FA0]  }
0x2a: {  	p0 =	seq.s32 s5, $0x0;
	s5 =	sld [smem:$0x3FA1]  }
0x2b: {  	s6 =	sld [smem:$0x3FA2]  }
0x2c: {  	s7 =	sld [smem:$0x3FA3]  }
0x2d: {  	s3 =	simm.s32 $0x108;
	s8 =	sld [smem:$0x3FA4]  }
0x2e: {  	s3 =	simm.s32 @!p0 $0x1082;
	s9 =	sld [smem:$0x3FA5]  }
0x2f: {  	lr =	sadd.s32 s0, s3;
	s0 =	sld [smem:$0x3F9C]  }
0x30: {  	s3 =	sld [smem:$0x3F9F]  }
0x31: {  	[smem:$0x3FA8] =	sst s10  }
0x32: {  	s10 =	sld [smem:$0x3FA6];
	_ =	sdelay $0x3  }
0x33: {  	p0 =	seq.s32 s10, $0x1;
	s10 =	sld [smem:$0x3FA8];
	_ =	sdelay $0x3  }
0x34: {  	[smem:$0x3FA8] =	sst s10  }
0x35: {  	s10 =	sld [smem:$0x3FA7];
	_ =	sdelay $0x3  }
0x36: {  	p1 =	seq.s32 s10, $0x1;
	s10 =	sld [smem:$0x3FA8];
	_ =	sdelay $0x3  }
0x37: {  	[smem:$0x3FA8] =	sst s10  }
0x38: {  	s10 =	sld [smem:$0x3FA9]  }
0x39: {  	_ = 	snop;
	(pc) =	sbr.ind lr, $3  }
0x3a: {  	_ = 	snop  }
0x3b: {  	_ = 	snop  }
0x3c: {  	p2 =	seq.s32 s10, $0x1;
	s10 =	sld [smem:$0x3FA8]  }
0x3d: {  	_ =	shalt  }
0x3e: {  	_ =	shalt  }
0x3f: {  	_ =	shalt  }
0x40: {  	_ =	shalt  }
0x41: {  	_ =	shalt  }
0x42: {  	_ =	shalt  }
0x43: {  	_ =	shalt  }
0x44: {  	_ =	shalt  }
0x45: {  	_ =	shalt  }
0x46: {  	_ =	shalt  }
0x47: {  	_ =	shalt  }
0x48: {  	_ =	shalt  }
0x49: {  	_ =	shalt  }
0x4a: {  	_ =	shalt  }
0x4b: {  	_ =	shalt  }
0x4c: {  	_ =	shalt  }
0x4d: {  	_ =	shalt  }
0x4e: {  	_ =	shalt  }
0x4f: {  	_ =	shalt  }
0x50: {  	_ =	shalt  }
0x51: {  	_ =	shalt  }
0x52: {  	_ =	shalt  }
0x53: {  	_ =	shalt  }
0x54: {  	_ =	shalt  }
0x55: {  	_ =	shalt  }
0x56: {  	_ =	shalt  }
0x57: {  	_ =	shalt  }
0x58: {  	_ =	shalt  }
0x59: {  	_ =	shalt  }
0x5a: {  	_ =	shalt  }
0x5b: {  	_ =	shalt  }
0x5c: {  	_ =	shalt  }
0x5d: {  	_ =	shalt  }
0x5e: {  	_ =	shalt  }
0x5f: {  	_ =	shalt  }
0x60: {  	_ =	shalt  }
0x61: {  	_ =	shalt  }
0x62: {  	_ =	shalt  }
0x63: {  	_ =	shalt  }
0x64: {  	_ =	shalt  }
0x65: {  	_ =	shalt  }
0x66: {  	_ =	shalt  }
0x67: {  	_ =	shalt  }
0x68: {  	_ =	shalt  }
0x69: {  	_ =	shalt  }
0x6a: {  	_ =	shalt  }
0x6b: {  	_ =	shalt  }
0x6c: {  	_ =	shalt  }
0x6d: {  	_ =	shalt  }
0x6e: {  	_ =	shalt  }
0x6f: {  	_ =	shalt  }
0x70: {  	_ =	shalt  }
0x71: {  	_ =	shalt  }
0x72: {  	_ =	shalt  }
0x73: {  	_ =	shalt  }
0x74: {  	_ =	shalt  }
0x75: {  	_ =	shalt  }
0x76: {  	_ =	shalt  }
0x77: {  	_ =	shalt  }
0x78: {  	_ =	shalt  }
0x79: {  	_ =	shalt  }
0x7a: {  	_ =	shalt  }
0x7b: {  	_ =	shalt  }
0x7c: {  	_ =	shalt  }
0x7d: {  	_ =	shalt  }
0x7e: {  	_ =	shalt  }
0x7f: {  	_ =	shalt  }
0x80: {  	_ =	shalt  }
0x81: {  	_ =	shalt  }
0x82: {  	_ =	shalt  }
0x83: {  	_ =	shalt  }
0x84: {  	_ =	shalt  }
0x85: {  	_ =	shalt  }
0x86: {  	_ =	shalt  }
0x87: {  	_ =	shalt  }
.Lfunc_end0:
.L_simem_size_0:
called_computation.7_lowered:
.L_overlay_start_0:
0x88: {  	s2 =	sld [smem:$0x3FD9]  }
0x89: {  	s3 =	sld [smem:$0x3FFE];
	_ =	sdelay $0x1  }
0x8a: {  	s1 =	srdreg.scid  }
0x8b: {  	s0 =	sand.u32 $0x1, s1  }
0x8c: {  	s16 =	sshll.u32 s0, $0xA;
	s2 =	sadd.s32 s3, s2  }
0x8d: {  	s2 =	sadd.s32 s2, s16  }
0x8e: {  	[smem:$0x3FB4] =	sst s2  }
0x8f: {  	_ = 	snop  }
0x90: {  	(tm) =	ssettm $0x1  }
0x91: {  	s17 =	sld [smem:$0x3FFB];
	_ =	sdelay $0x3  }
0x92: {  	_ =	strace s17  }
0x93: {  	s2 =	sld [smem:$0x3FFC];
	_ =	sdelay $0x3  }
0x94: {  	_ =	strace s2  }
0x95: {  	s2 =	sld [smem:$0x3FFD];
	_ =	sdelay $0x3  }
0x96: {  	_ =	strace s2  }
0x97: {  	_ =	strace $0x8FFFFFFF  }
0x98: {  	s18 =	sld [smem:$0x3FDB];
	_ =	sdelay $0x1  }
0x99: {  	s19 =	simm.s32 $_scs_section_size  }
0x9a: {  	s4 =	simm.s32 $_size__tile_overlayer_lowered;
	s5 =	simm.s32 $_tile_overlayer_lowered  }
0x9b: {  	s22 =	simm.s32 $0x1BFF;
	s21 =	sshll.u32 s5, $0x1;
	s2 =	sadd.s32 s19, s18  }
0x9c: {  	s6 =	simm.s32 $0x0;
	s20 =	sshll.u32 s4, $0x1;
	s4 =	sadd.s32 s21, s2  }
0x9d: {  	[timem:s6], [sflag:s22] =	dma.local [hbm:s4], s20  }
0x9e: {  	_ =	swait.ge [sflag:s22], s20  }
0x9f: {  	s3 =	ssub.s32 $0x0, s20;
	[sflag:s22] =	ssyncset.done $0x0  }
0xa0: {  	[sflag:s22] =	ssyncadd.s32 s3;
	_ =	sdelay $0x1  }
0xa1: {  	s23 =	simm.s32 $0x1B8B  }
0xa2: {  	_ =	swait.ge [sflag:s23], $0x1  }
0xa3: {  	[sflag:s23] =	ssyncset.done $0x0  }
0xa4: {  	s25 =	simm.s32 $0x1B8E;
	s24 =	sld [smem:$0x3FFE];
	[sflag:s23] =	ssyncadd.s32 $0xFFFFFFFF  }
0xa5: {  	s26 =	simm.s32 $execute0_lowered;
	[smem:$0x3FD2] =	sst s25  }
0xa6: {  	s4 =	sshll.u32 s26, $0x1;
	_ =	strace $0x8000005B;
	[dreg:$0x1] =	wrdreg $0xFFFFFFFF  }
0xa7: {  	s28 =	simm.s32 $_size_execute0_lowered;
	s2 =	sadd.s32 s2, s4;
	[dreg:$0x0] =	wrdreg $0x0  }
0xa8: {  	s4 =	sshll.u32 s28, $0x1;
	[dreg:$0x2] =	wrdreg s2  }
0xa9: {  	[dreg:$0x3] =	wrdreg s4  }
0xaa: {  	[dreg:$0x4] =	wrdreg $0xC0  }
0xab: {  	_ =	task [dreg:s6], $0x5FFFF  }
0xac: {  	[dreg:$0x1] =	wrdreg $0xFFFFFFFF  }
0xad: {  	[dreg:$0x0] =	wrdreg $0x60  }
0xae: {  	[dreg:$0x2] =	wrdreg s24  }
0xaf: {  	[dreg:$0x3] =	wrdreg $0xA8000  }
0xb0: {  	[dreg:$0x4] =	wrdreg $0x9  }
0xb1: {  	_ =	task.clear_ibuf [dreg:s6], $0x5FFFF;
	_ =	strace $0x9000005B  }
0xb2: {  	s29 =	simm.s32 $0x9;
	_ =	strace $0x8000005D  }
0xb3: {  	_ =	swait.ge [sflag:s29], $0x1  }
0xb4: {  	[sflag:s29] =	ssyncadd.s32 $0xFFFFFFFF  }
0xb5: {  	_ =	strace $0x9000005D  }
0xb6: {  	_ =	sfence  }
0xb7: {  	s30 =	sld [smem:$0x0];
	_ =	sdelay $0x2  }
0xb8: {  	s31 =	sshll.u32 s1, $0xD;
	s1 =	sshrl.u32 s1, $0x2  }
0xb9: {  	s3 =	sand.u32 $0x4000, s31;
	s1 =	sadd.s32 s1, s30  }
0xba: {  	s0 =	sor.u32 s3, s0;
	s1 =	sshll.u32 s1, $0x11  }
0xbb: {  	s0 =	sor.u32 s1, s0  }
0xbc: {  	s0 =	sadd.s32 $0x8F2B, s0  }
0xbd: {  	[sflag:s0] =	ssyncadd.remote.s32 $0x1  }
0xbe: {  	_ =	sfence.sel $0xFFFF  }
0xbf: {  	[dreg:$0x0] =	wrdreg $0xFFFFFFFF;
	(pc) =	sbr.abs _section_cstart, $3  }
0xc0: {  	[dreg:$0x1] =	wrdreg $0xFFFFFFFF  }
0xc1: {  	_ =	task.clear_ibuf [dreg:s6], $0x2FFFF;
	_ =	strace $0x9FFFFFFF  }
0xc2: {  	(tm) =	ssettm $0x7FFFFFFF  }
0xc3: {  	_ =	shalt  }
tec
execute0_lowered:
.L_overlay_start_1:
0x0: {  	(tag) =	ssettag $0x1  }
0x1: {  	s6 =	rddreg [dreg:$0x0]  }
0x2: {  	s1 =	srdreg.scid;
	s0 =	stileid.u32  }
0x3: {  	s2 =	rddreg [dreg:$0x1];
	s3 =	simm.s32 $0x0;
	s19 =	simm.s32 $0x1  }
0x4: {  	s20 =	simm.s32 $0x28;
	s21 =	simm.s32 $0x2;
	s22 =	simm.s32 $0x3  }
0x5: {  	s9 =	sand.u32 $0x1, s1;
	s4 =	sshll.u32 s0, $0x1;
	s1 =	rddreg [dreg:$0x2]  }
0x6: {  	[smem:$0x7FF] =	sst s3;
	s10 =	smul.u32 $0x13800, s0;
	s11 =	sadd.s32 $0x142AA00, s6  }
0x7: {  	s12 =	smul.u32 $0x4E000, s0;
	s13 =	sadd.s32 $0x7A200, s6;
	s16 =	sadd.s32 $0x138000, s2  }
0x8: {  	s17 =	smul.u32 $0x4E200, s0;
	s31 =	sshll.u32 s0, $0x6;
	p0 =	sne.s32 s0, $0xF  }
0x9: {  	s7 =	sor.u32 s9, s4;
	_ =	strace $0x8000005C;
	s26 =	smul.u32 $0x138800, s9  }
0xa: {  	s8 =	ssub.s32 $0x2, s9;
	s18 =	smul.u32 $0x27100, s9;
	s16 =	sshrl.u32 @!p0 s16, $0x3  }
0xb: {  	s4 =	sshll.u32 s7, $0xC;
	s5 =	sshrl.u32 s10, $0x3;
	s24 =	smul.u32 $0x138800, s7  }
0xc: {  	s14 =	sshrl.u32 s8, $0x1;
	s23 =	sshrl.u32 s12, $0x2;
	s7 =	smul.u32 $0x27100, s7  }
0xd: {  	s4 =	sadd.s32 s4, s6;
	s5 =	sadd.s32 s5, s6;
	s14 =	ssub.s32 s8, s14  }
0xe: {  	s15 =	sadd.s32 s23, s2;
	s6 =	sadd.s32 $0x7A000, s6;
	s10 =	sadd.s32 s10, s26  }
0xf: {  	s12 =	sshrl.u32 s26, $0x3;
	s23 =	simm.s32 $0x4;
	s26 =	simm.s32 $0x0  }
0x10: {  	s4 =	sadd.s32 $0xD000, s4;
	s5 =	sadd.s32 $0x53000, s5;
	s25 =	sshrl.u32 s24, $0x3  }
0x11: {  	s7 =	sadd.s32 s11, s7;
	s28 =	sshrl.u32 s10, $0x3;
	s29 =	sadd.s32 s13, s12  }
0x12: {  	s15 =	sshrl.u32 s15, $0x3;
	s24 =	simm.s32 $0x7C00;
	s8 =	sadd.s32 s11, s25  }
0x13: {  	s11 =	sadd.s32 s17, s11;
	s9 =	sadd.s32 s13, s28;
	s10 =	sadd.s32 $0x27000, s29  }
0x14: {  	s13 =	simm.s32 $0x5;
	s17 =	simm.s32 $0x8000;
	s25 =	simm.s32 $0x7C80  }
0x15: {  	s8 =	sadd.s32 $0x280, s8;
	s30 =	sadd.s32 s18, s11;
	s11 =	smax.u32 s14, $0x1  }
0x16: {  	s14 =	sor.u32 $0x1C05, s31;
	s18 =	simm.s32 $0x9400;
	s12 =	sadd.s32 $0x780, s30  }
.LBB2_1:
0x17: {  	[tilespmem:s3], [sflag:$0x5] =	stream.linear.gather [hbm4b:s4+s3], $0x7D00, $0x38;
	[tilespmem:$0x1E080] =	vst v63  }
0x18: {  	_ =	swait.ge [sflag:s13], $0x7D00  }
0x19: {  	[sflag:s13] =	ssyncset.done $0x0  }
0x1a: {  	[sflag:s13] =	ssyncadd.s32 $0xFFFF8300  }
0x1b: {  	[spmem:s15], [sflag:s14] =	dma.local [hbm:s5], $0x2700  }
0x1c: {  	_ =	swait.ge [sflag:s13], $0x2700  }
0x1d: {  	[sflag:s13] =	ssyncset.done $0x0  }
0x1e: {  	s28 =	simm.s32 @!p0 $0x5;
	[sflag:s13] =	ssyncadd.s32 $0xFFFFD900  }
0x1f: {  	[spmem:s16], [sflag:s14] =	dma.local @!p0 [hbm:s6], $0x100  }
0x20: {  	_ =	swait.ge @!p0 [sflag:s28], $0x100  }
0x21: {  	[sflag:s28] =	ssyncset.done @!p0 $0x0  }
0x22: {  	[sflag:s28] =	ssyncadd.s32 @!p0 $0xFFFFFF00  }
0x23: {  	[bflag:$0x0] =	sbarrier.arrive $0xFFFF  }
0x24: {  	[tilespmem:s17], [sflag:$0x1] =	stream.linear.gather [hbm4b:s7+s3], $0x1400, $0x38;
	[tilespmem:$0x1E080] =	vst v63  }
0x25: {  	_ = 	snop  }
0x26: {  	[tilespmem:s18], [sflag:$0x2] =	stream.linear.gather [hbm4b:s8+s3], $0x1400, $0x38;
	[tilespmem:$0x1E080] =	vst v63  }
0x27: {  	_ =	swait.ge [sflag:s19], $0x1400  }
0x28: {  	[sflag:s19] =	ssyncset.done $0x0  }
0x29: {  	s28 =	simm.s32 $0x0;
	[sflag:s19] =	ssyncadd.s32 $0xFFFFEC00  }
0x2a: {  	[spmem:s2] =	stream.indirect.scatter.add.f32 [tilespmem:s17], [sflag:$0x3], $0x80, s28, s20, $0xb8;
	[tilespmem:$0x1E080] =	vst v63  }
0x2b: {  	_ =	swait.ge [sflag:s21], $0x1400  }
0x2c: {  	[sflag:s21] =	ssyncset.done $0x0  }
0x2d: {  	s28 =	simm.s32 $0x80;
	[sflag:s21] =	ssyncadd.s32 $0xFFFFEC00  }
0x2e: {  	[spmem:s2] =	stream.indirect.scatter.add.f32 [tilespmem:s18], [sflag:$0x4], $0x80, s28, s20, $0xb8;
	[tilespmem:$0x1E080] =	vst v63  }
0x2f: {  	_ =	swait.ge [sflag:s22], $0x1400  }
0x30: {  	[sflag:s22] =	ssyncset.done $0x0  }
0x31: {  	s28 =	sadd.s32 $0xFFFFFD80, s12;
	[sflag:s22] =	ssyncadd.s32 $0xFFFFEC00  }
0x32: {  	[tilespmem:s17], [sflag:$0x1] =	stream.linear.gather [hbm4b:s28+s3], $0x1400, $0x38;
	[tilespmem:$0x1E080] =	vst v63  }
0x33: {  	_ =	swait.ge [sflag:s23], $0x1400  }
0x34: {  	s29 =	sadd.s32 $0x500, s12;
	[sflag:s23] =	ssyncset.done $0x0  }
0x35: {  	s30 =	smov.u32 s12;
	s28 =	simm.s32 $0x400;
	[sflag:s23] =	ssyncadd.s32 $0xFFFFEC00  }
.LBB2_2:
0x36: {  	[tilespmem:s18], [sflag:$0x2] =	stream.linear.gather [hbm4b:s30+s3], $0x1400, $0x38;
	[tilespmem:$0x1E080] =	vst v63  }
0x37: {  	s31 =	smov.u32 s28;
	s30 =	smov.u32 s29  }
0x38: {  	p1 =	sne.s32 s28, $0x1EC00;
	s28 =	sadd.s32 $0x400, s28;
	_ =	swait.ge [sflag:s19], $0x1400  }
0x39: {  	[sflag:s19] =	ssyncset.done $0x0  }
0x3a: {  	s31 =	sshra.s32 s31, $0x2;
	[sflag:s19] =	ssyncadd.s32 $0xFFFFEC00  }
0x3b: {  	[spmem:s2] =	stream.indirect.scatter.add.f32 [tilespmem:s17], [sflag:$0x3], $0x80, s31, s20, $0xb8;
	[tilespmem:$0x1E080] =	vst v63  }
0x3c: {  	_ =	swait.ge [sflag:s21], $0x1400  }
0x3d: {  	[sflag:s21] =	ssyncset.done $0x0  }
0x3e: {  	s31 =	sadd.s32 $0x80, s31;
	[sflag:s21] =	ssyncadd.s32 $0xFFFFEC00  }
0x3f: {  	[spmem:s2] =	stream.indirect.scatter.add.f32 [tilespmem:s18], [sflag:$0x4], $0x80, s31, s20, $0xb8;
	[tilespmem:$0x1E080] =	vst v63  }
0x40: {  	_ =	swait.ge [sflag:s22], $0x1400  }
0x41: {  	[sflag:s22] =	ssyncset.done $0x0  }
.Ltmp0:
0x42: {  	s31 =	sadd.s32 $0xFFFFFD80, s29;
	[sflag:s22] =	ssyncadd.s32 $0xFFFFEC00;
	(pc) =	sbr.rel @p1 .LBB2_2-.Ltmp0, $4  }
0x43: {  	[tilespmem:s17], [sflag:$0x1] =	stream.linear.gather [hbm4b:s31+s3], $0x1400, $0x38;
	[tilespmem:$0x1E080] =	vst v63  }
0x44: {  	_ =	swait.ge [sflag:s23], $0x1400  }
0x45: {  	[sflag:s23] =	ssyncset.done $0x0  }
0x46: {  	s29 =	sadd.s32 $0x500, s29;
	[sflag:s23] =	ssyncadd.s32 $0xFFFFEC00  }
0x47: {  	[tilespmem:s18], [sflag:$0x2] =	stream.linear.gather [hbm4b:s30+s3], $0x1400, $0x38;
	[tilespmem:$0x1E080] =	vst v63  }
0x48: {  	_ =	swait.ge [sflag:s19], $0x1400  }
0x49: {  	[sflag:s19] =	ssyncset.done $0x0  }
0x4a: {  	[sflag:s19] =	ssyncadd.s32 $0xFFFFEC00  }
0x4b: {  	[spmem:s2] =	stream.indirect.scatter.add.f32 [tilespmem:s17], [sflag:$0x3], $0x80, s24, s20, $0xb8;
	[tilespmem:$0x1E080] =	vst v63  }
0x4c: {  	_ =	swait.ge [sflag:s21], $0x1400  }
0x4d: {  	[sflag:s21] =	ssyncset.done $0x0  }
0x4e: {  	[sflag:s21] =	ssyncadd.s32 $0xFFFFEC00  }
0x4f: {  	[spmem:s2] =	stream.indirect.scatter.add.f32 [tilespmem:s18], [sflag:$0x4], $0x80, s25, s20, $0xb8;
	[tilespmem:$0x1E080] =	vst v63  }
0x50: {  	_ =	swait.ge [sflag:s22], $0x1400  }
0x51: {  	[sflag:s22] =	ssyncset.done $0x0  }
0x52: {  	[sflag:s22] =	ssyncadd.s32 $0xFFFFEC00  }
0x53: {  	_ =	swait.ge [sflag:s23], $0x1400  }
0x54: {  	[sflag:s23] =	ssyncset.done $0x0  }
0x55: {  	[sflag:s23] =	ssyncadd.s32 $0xFFFFEC00  }
0x56: {  	[bflag:$0x0] =	sbarrier.arrive $0xFFFF  }
0x57: {  	[hbm:s9], [sflag:s14] =	dma.local [spmem:s15], $0x2700  }
0x58: {  	s26 =	sadd.s32 $0x1, s26;
	_ =	swait.ge [sflag:s13], $0x2700  }
0x59: {  	p1 =	sne.s32 s26, s11;
	[sflag:s13] =	ssyncset.done $0x0  }
.Ltmp1:
0x5a: {  	s28 =	simm.s32 @!p0 $0x5;
	[sflag:s13] =	ssyncadd.s32 $0xFFFFD900;
	(pc) =	sbr.rel @p1 .LBB2_1-.Ltmp1, $4  }
0x5b: {  	[hbm:s10], [sflag:s14] =	dma.local @!p0 [spmem:s16], $0x100  }
0x5c: {  	_ =	swait.ge @!p0 [sflag:s28], $0x100  }
0x5d: {  	[sflag:s28] =	ssyncset.done @!p0 $0x0  }
0x5e: {  	[sflag:s28] =	ssyncadd.s32 @!p0 $0xFFFFFF00  }
0x5f: {  	_ =	sfence.sel $0x180000  }
0x60: {  	[bflag:$0x0] =	sbarrier.arrive $0xFFFF  }
0x61: {  	p0 =	sne.s32 s0, $0x0;
	_ =	strace $0x9000005C  }
0x62: {  	s0 =	sadd.s32 @!p0 $0x100000, s1;
	[bflag:$0x2] =	sbarrier.arrive $0xFFFF  }
0x63: {  	[sflag:s0] =	ssyncadd.tile.s32 @!p0 $0x1;
	_ =	shalt  }
.Lfunc_end2:
_tile_overlayer_lowered:
.L_overlay_start_2:
0x64: {  	(tag) =	ssettag $0x2  }
0x65: {  	s0 =	rddreg [dreg:$0x0];
	s2 =	stileid.u32  }
0x66: {  	s1 =	rddreg [dreg:$0x1];
	p0 =	sne.s32 s2, $0x0  }
0x67: {  	s3 =	rddreg [dreg:$0x2];
	[bflag:$0x3] =	sbarrier.arrive $0xFFFF;
	s2 =	simm.s32 @!p0 $0x1C05  }
0x68: {  	[timem:s3], [sflag:s2] =	dma.local @!p0 [hbm:s0], s1  }
0x69: {  	s0 =	simm.s32 @!p0 $0x5  }
0x6a: {  	_ =	swait.ge @!p0 [sflag:s0], s1  }
0x6b: {  	s1 =	ssub.s32 @!p0 $0x0, s1;
	[sflag:s0] =	ssyncset.done @!p0 $0x0  }
0x6c: {  	[sflag:s0] =	ssyncadd.s32 @!p0 s1  }
0x6d: {  	[bflag:$0x3] =	sbarrier.arrive $0xFFFF  }
0x6e: {  	_ =	shalt  }

</sc_bundles>
